<compile_context>
chip_gen: v7x
topology: tpu7x:2x2x1
jax: 0.10.2.dev20260603
libtpu: 0.0.44.dev20260713+nightly
codegen_flags: <defaults>
</compile_context>

<pallas_src>
import functools

import jax
import jax.numpy as jnp
from jax import lax
from jax.experimental import pallas as pl
from jax.experimental.pallas import tpu as pltpu
from jax.experimental.pallas import tpu_sc as plsc

N_NODES = 10000
FDIM = 128
CHUNK = 128
NC = 2
NS = 16
NW = NC * NS
ROWS_MAIN = (N_NODES // NS) // 8 * 8
ROWS_TAIL = N_NODES - NS * ROWS_MAIN
GRP = 8
SUP = 1


def _sc_aggregate(row2d, col2d, val2d, features):
    cpw = row2d.shape[0] // NW

    mesh = plsc.VectorSubcoreMesh(core_axis_name="c", subcore_axis_name="s")

    @functools.partial(
        pl.kernel,
        mesh=mesh,
        out_type=jax.ShapeDtypeStruct((NC, N_NODES, FDIM), jnp.float32),
        scratch_types=[
            pltpu.VMEM_SHARED((N_NODES, FDIM), jnp.float32),
            pltpu.VMEM((GRP, CHUNK), jnp.int32),
            pltpu.VMEM((GRP, CHUNK), jnp.int32),
            pltpu.VMEM((GRP, CHUNK), jnp.float32),
            pltpu.VMEM((2, CHUNK, FDIM), jnp.float32),
            pltpu.SemaphoreType.DMA,
            pltpu.SemaphoreType.DMA,
            pltpu.SemaphoreType.DMA,
            pltpu.SemaphoreType.DMA,
        ],
    )
    def agg(row_hbm, col_hbm, val_hbm, feat_hbm, out_hbm, acc, colv, rowv,
            valv, grows, gsem0, gsem1, ssem0, ssem1):
        cc = lax.axis_index("c")
        sid = lax.axis_index("s")
        wid = sid * NC + cc
        chunk_base = wid * cpw

        def zrow(r, _):
            def zcol(i, _):
                grows[0, r, pl.ds(i * 16, 16)] = jnp.zeros((16,), jnp.float32)
                return 0
            return lax.fori_loop(0, FDIM // 16, zcol, 0)
        lax.fori_loop(0, CHUNK, zrow, 0)

        base_row = sid * ROWS_MAIN
        for j in range(ROWS_MAIN // CHUNK):
            pltpu.sync_copy(grows.at[0],
                            acc.at[pl.ds(base_row + j * CHUNK, CHUNK)])
        tail = ROWS_MAIN - (ROWS_MAIN // CHUNK) * CHUNK
        pltpu.sync_copy(
            grows.at[0, pl.ds(0, tail)],
            acc.at[pl.ds(base_row + (ROWS_MAIN // CHUNK) * CHUNK, tail)])

        @pl.when(sid == 0)
        def _():
            pltpu.sync_copy(grows.at[0, pl.ds(0, ROWS_TAIL)],
                            acc.at[pl.ds(NS * ROWS_MAIN, ROWS_TAIL)])
        plsc.subcore_barrier()

        def group_body(g, _):
            gbase = chunk_base + g * GRP

            @pl.when(g >= 1)
            def _():
                pltpu.make_async_copy(grows.at[1], acc.at[rowv.at[0]],
                                      ssem1).wait()
            pltpu.sync_copy(col_hbm.at[pl.ds(gbase, GRP)], colv)
            pltpu.sync_copy(row_hbm.at[pl.ds(gbase, GRP)], rowv)
            pltpu.sync_copy(val_hbm.at[pl.ds(gbase, GRP)], valv)
            def scale(s, b):
                def grp_body(grp, _):
                    vv = valv[s, pl.ds(grp * 16, 16)]
                    for lane in range(16):
                        v = vv[lane]
                        e = grp * 16 + lane
                        for kk in range(FDIM // 16):
                            grows[b, e, pl.ds(kk * 16, 16)] = (
                                grows[b, e, pl.ds(kk * 16, 16)] * v)
                    return 0
                lax.fori_loop(0, CHUNK // 16, grp_body, 0)

            def pair_body(p, _):
                s0 = p * 2
                s1 = s0 + 1

                @pl.when(p >= 1)
                def _():
                    pltpu.make_async_copy(grows.at[1], acc.at[rowv.at[s0]],
                                          ssem1).wait()
                g0 = pltpu.async_copy(feat_hbm.at[colv.at[s0]], grows.at[0],
                                      gsem0)
                g1 = pltpu.async_copy(feat_hbm.at[colv.at[s1]], grows.at[1],
                                      gsem1)
                g0.wait()
                scale(s0, 0)
                c0 = pltpu.async_copy(grows.at[0], acc.at[rowv.at[s0]], ssem0,
                                      add=True)
                g1.wait()
                scale(s1, 1)
                pltpu.async_copy(grows.at[1], acc.at[rowv.at[s1]], ssem1,
                                 add=True)
                c0.wait()
                return 0

            lax.fori_loop(0, GRP // 2, pair_body, 0)
            return 0

        lax.fori_loop(0, cpw // GRP, group_body, 0)
        pltpu.make_async_copy(grows.at[1], acc.at[rowv.at[1]], ssem1).wait()
        plsc.subcore_barrier()

        pltpu.sync_copy(acc.at[pl.ds(base_row, ROWS_MAIN)],
                        out_hbm.at[cc, pl.ds(base_row, ROWS_MAIN)])

        @pl.when(sid == 0)
        def _():
            pltpu.sync_copy(acc.at[pl.ds(NS * ROWS_MAIN, ROWS_TAIL)],
                            out_hbm.at[cc, pl.ds(NS * ROWS_MAIN, ROWS_TAIL)])

    return agg(row2d, col2d, val2d, features)


def _tc_combine_matmul(partials, weight):
    bn = 1000

    def body(p_ref, w_ref, o_ref):
        s = p_ref[0] + p_ref[1]
        o_ref[...] = jnp.maximum(
            jnp.dot(s, w_ref[...], preferred_element_type=jnp.float32), 0.0)

    return pl.pallas_call(
        body,
        grid=(N_NODES // bn,),
        in_specs=[
            pl.BlockSpec((NC, bn, FDIM), lambda i: (0, i, 0)),
            pl.BlockSpec((FDIM, FDIM), lambda i: (0, 0)),
        ],
        out_specs=pl.BlockSpec((bn, FDIM), lambda i: (i, 0)),
        out_shape=jax.ShapeDtypeStruct((N_NODES, FDIM), jnp.float32),
    )(partials, weight)


def kernel(features, adj_indices, adj_values, weight):
    idx = adj_indices.astype(jnp.int32)
    n_edges = idx.shape[1]
    gran = NW * GRP * CHUNK
    n_pad = (n_edges + gran - 1) // gran * gran
    pad = n_pad - n_edges
    n_chunks = n_pad // CHUNK
    spread = (jnp.arange(pad, dtype=jnp.int32) * 8) % N_NODES
    row = jnp.concatenate([idx[0], spread]).reshape(n_chunks, CHUNK)
    col = jnp.concatenate([idx[1], spread]).reshape(n_chunks, CHUNK)
    val = jnp.pad(adj_values, (0, pad)).reshape(n_chunks, CHUNK)
    partials = _sc_aggregate(row, col, val, features)
    return _tc_combine_matmul(partials, weight)

# --- scband reference (transcript-rebuilt; emitter-appended) ---
"""Pipeline reference for scband-gnnlayer-54099408060613 (READ-ONLY COPY).

The authoritative reference and input builder live on the scoring server;
editing this copy changes nothing except your own understanding.
"""

import jax, jax.numpy as jnp
import numpy as np

N_NODES = 10000
N_EDGES = 320000
IN_FEATURES = 128
OUT_FEATURES = 128


def _xavier_uniform(key, shape, dtype=jnp.float32):
    fan_in, fan_out = shape[0], shape[1]
    limit = float(np.sqrt(6.0 / (fan_in + fan_out)))
    return jax.random.uniform(key, shape, dtype=dtype, minval=-limit, maxval=limit)


def setup_inputs(seed: int = 0) -> dict:
    key = jax.random.key(seed)
    k_feat, k_idx, k_val, k_w = jax.random.split(key, 4)
    features = jax.random.normal(k_feat, (N_NODES, IN_FEATURES), dtype=jnp.float32)
    adj_indices = jax.random.randint(k_idx, (2, N_EDGES), 0, N_NODES, dtype=jnp.int64)
    adj_values = jax.random.uniform(k_val, (N_EDGES,), dtype=jnp.float32)
    weight = _xavier_uniform(k_w, (IN_FEATURES, OUT_FEATURES))
    return {"features": features, "adj_indices": adj_indices, "adj_values": adj_values, "weight": weight}


def reference(features, adj_indices, adj_values, weight):
    # support = features @ W   (torch.mm)
    support = features @ weight
    # output = adj @ support   (torch.spmm) with adj in COO: row=adj_indices[0], col=adj_indices[1]
    row = adj_indices[0]
    col = adj_indices[1]
    gathered = jnp.take(support, col, axis=0) * adj_values[:, None]
    output = jax.ops.segment_sum(gathered, row, num_segments=features.shape[0])
    # activation=torch.nn.ReLU()
    output = jax.nn.relu(output)
    return output

if __name__ == "__main__":
    import jax
    _d = setup_inputs()
    print(jax.jit(kernel)(*tuple(_d.values())))

</pallas_src>

<mosaic_0001>
#map = affine_map<(d0, d1) -> (0, 0)>
#map1 = affine_map<(d0, d1) -> (0, 0, 0)>
module attributes {stable_mosaic.version = 14 : i64} {
  func.func @agg(%arg0: i32, %arg1: i32, %arg2: memref<2560x128xi32, #tpu.memory_space<hbm>>, %arg3: memref<2560x128xi32, #tpu.memory_space<hbm>>, %arg4: memref<2560x128xf32, #tpu.memory_space<hbm>>, %arg5: memref<10000x128xf32, #tpu.memory_space<hbm>>, %arg6: memref<2x10000x128xf32, #tpu.memory_space<hbm>>, %arg7: memref<10000x128xf32, #tpu.memory_space<vmem_shared>>, %arg8: memref<8x128xi32, #tpu.memory_space<vmem>>, %arg9: memref<8x128xi32, #tpu.memory_space<vmem>>, %arg10: memref<8x128xf32, #tpu.memory_space<vmem>>, %arg11: memref<2x128x128xf32, #tpu.memory_space<vmem>>, %arg12: memref<!tpu.dma_semaphore, #tpu.memory_space<semaphore_mem>>, %arg13: memref<!tpu.dma_semaphore, #tpu.memory_space<semaphore_mem>>, %arg14: memref<!tpu.dma_semaphore, #tpu.memory_space<semaphore_mem>>, %arg15: memref<!tpu.dma_semaphore, #tpu.memory_space<semaphore_mem>>) attributes {dimension_semantics = [#tpu.dimension_semantics<core_parallel>, #tpu.dimension_semantics<subcore_parallel>], iteration_bounds = array<i64: 2, 16>, scalar_prefetch = 0 : i64, scratch_operands = 9 : i64, tpu.core_type = #tpu.core_type<sc_vector_subcore>, window_params = [{transform_indices = #map}, {transform_indices = #map}, {transform_indices = #map}, {transform_indices = #map}, {transform_indices = #map1}]} {
    %mul3A = arith.constant 2 : i32
    %mul3A_0 = arith.muli %arg1, %mul3A : i32
    %add3A = arith.addi %mul3A_0, %arg0 : i32
    %mul3A_1 = arith.constant 80 : i32
    %mul3A_2 = arith.muli %add3A, %mul3A_1 : i32
    %scan3A = arith.constant 0 : i32
    %scan3A_3 = arith.constant 0 : i32
    %scan3A_4 = arith.constant 128 : i32
    %scan3A_5 = arith.addi %scan3A_3, %scan3A_4 : i32
    %scan3A_6 = arith.constant 1 : i32
    %scan3A_7 = scf.for %scan3A_51 = %scan3A_3 to %scan3A_5 step %scan3A_6 iter_args(%scan3A_52 = %scan3A) -> (i32)  : i32 {
      %scan3A_53 = arith.constant 0 : i32
      %scan3A_54 = arith.constant 0 : i32
      %scan3A_55 = arith.constant 8 : i32
      %scan3A_56 = arith.addi %scan3A_54, %scan3A_55 : i32
      %scan3A_57 = arith.constant 1 : i32
      %scan3A_58 = scf.for %scan3A_60 = %scan3A_54 to %scan3A_56 step %scan3A_57 iter_args(%scan3A_61 = %scan3A_53) -> (i32)  : i32 {
        %broadcast_in_dim3A = arith.constant 0.000000e+00 : f32
        %broadcast_in_dim3A_62 = vector.broadcast %broadcast_in_dim3A : f32 to vector<16xf32>
        %mul3A_63 = arith.constant 16 : i32
        %mul3A_64 = arith.muli %scan3A_60, %mul3A_63 : i32
        %swap3A = arith.constant 0 : i32
        %swap3A_65 = arith.index_cast %swap3A : i32 to index
        %swap3A_66 = arith.index_cast %scan3A_51 : i32 to index
        %swap3A_67 = arith.index_cast %mul3A_64 : i32 to index
        %swap3A_68 = tpu.vector_load %arg11[%swap3A_65, %swap3A_66, %swap3A_67] {strides = array<i32>} : memref<2x128x128xf32, #tpu.memory_space<vmem>>, vector<1x1x16xf32>,
        %swap3A_69 = vector.shape_cast %swap3A_68 : vector<1x1x16xf32> to vector<16xf32>
        %swap3A_70 = vector.shape_cast %broadcast_in_dim3A_62 : vector<16xf32> to vector<1x1x16xf32>
        tpu.vector_store %arg11[%swap3A_65, %swap3A_66, %swap3A_67], %swap3A_70 {strides = array<i32>} : memref<2x128x128xf32, #tpu.memory_space<vmem>>, vector<1x1x16xf32>,
        %scan3A_71 = arith.constant 0 : i32
        scf.yield %scan3A_71 : i32
      }
      %scan3A_59 = arith.constant 8 : i32
      scf.yield %scan3A_58 : i32
    }
    %scan3A_8 = arith.constant 128 : i32
    %mul3A_9 = arith.constant 624 : i32
    %mul3A_10 = arith.muli %arg1, %mul3A_9 : i32
    %add3A_11 = arith.constant 0 : i32
    %add3A_12 = arith.addi %mul3A_10, %add3A_11 : i32
    %run_scoped3A = arith.constant 0 : i32
    "tpu.region"() ({
      %run_scoped3A_51 = tpu.sem_alloc : memref<!tpu.dma_semaphore, #tpu.memory_space<semaphore_mem>>
      %dma_start3A = arith.constant 0 : i32
      %dma_start3A_52 = arith.constant 0 : i32
      %dma_start3A_53 = tpu.memref_slice %arg11[%run_scoped3A, %dma_start3A, %dma_start3A_52] : memref<2x128x128xf32, #tpu.memory_space<vmem>> -> memref<1x128x128xf32, #tpu.memory_space<vmem>>
      %dma_start3A_54 = tpu.memref_squeeze %dma_start3A_53 : memref<1x128x128xf32, #tpu.memory_space<vmem>> -> memref<128x128xf32, #tpu.memory_space<vmem>>
      %dma_start3A_55 = arith.constant 0 : i32
      %dma_start3A_56 = tpu.memref_slice %arg7[%add3A_12, %dma_start3A_55] : memref<10000x128xf32, #tpu.memory_space<vmem_shared>> -> memref<128x128xf32, #tpu.memory_space<vmem_shared>>
      %dma_start3A_57 = arith.constant 0 : i32
      %dma_start3A_58 = tpu.memref_slice %arg7[%add3A_12, %dma_start3A_57] : memref<10000x128xf32, #tpu.memory_space<vmem_shared>> -> memref<128x128xf32, #tpu.memory_space<vmem_shared>>
      %dma_start3A_59 = arith.constant 0 : i32
      %dma_start3A_60 = arith.constant 0 : i32
      %dma_start3A_61 = tpu.memref_slice %arg11[%run_scoped3A, %dma_start3A_59, %dma_start3A_60] : memref<2x128x128xf32, #tpu.memory_space<vmem>> -> memref<1x128x128xf32, #tpu.memory_space<vmem>>
      %dma_start3A_62 = tpu.memref_squeeze %dma_start3A_61 : memref<1x128x128xf32, #tpu.memory_space<vmem>> -> memref<128x128xf32, #tpu.memory_space<vmem>>
      tpu.enqueue_dma source(%dma_start3A_62 : memref<128x128xf32, #tpu.memory_space<vmem>>) target(%dma_start3A_58 : memref<128x128xf32, #tpu.memory_space<vmem_shared>>) target_semaphore(%run_scoped3A_51 : memref<!tpu.dma_semaphore, #tpu.memory_space<semaphore_mem>>)
      %dma_wait3A_63 = arith.constant 0 : i32
      %dma_wait3A_64 = arith.constant 0 : i32
      %dma_wait3A_65 = tpu.memref_slice %arg11[%run_scoped3A, %dma_wait3A_63, %dma_wait3A_64] : memref<2x128x128xf32, #tpu.memory_space<vmem>> -> memref<1x128x128xf32, #tpu.memory_space<vmem>>
      %dma_wait3A_66 = tpu.memref_squeeze %dma_wait3A_65 : memref<1x128x128xf32, #tpu.memory_space<vmem>> -> memref<128x128xf32, #tpu.memory_space<vmem>>
      %dma_wait3A_67 = arith.constant 0 : i32
      %dma_wait3A_68 = tpu.memref_slice %arg7[%add3A_12, %dma_wait3A_67] : memref<10000x128xf32, #tpu.memory_space<vmem_shared>> -> memref<128x128xf32, #tpu.memory_space<vmem_shared>>
      %dma_wait3A_69 = arith.constant 0 : i32
      %dma_wait3A_70 = tpu.memref_slice %arg7[%add3A_12, %dma_wait3A_69] : memref<10000x128xf32, #tpu.memory_space<vmem_shared>> -> memref<128x128xf32, #tpu.memory_space<vmem_shared>>
      %dma_wait3A_71 = arith.constant 0 : i32
      %dma_wait3A_72 = arith.constant 0 : i32
      %dma_wait3A_73 = tpu.memref_slice %arg11[%run_scoped3A, %dma_wait3A_71, %dma_wait3A_72] : memref<2x128x128xf32, #tpu.memory_space<vmem>> -> memref<1x128x128xf32, #tpu.memory_space<vmem>>
      %dma_wait3A_74 = tpu.memref_squeeze %dma_wait3A_73 : memref<1x128x128xf32, #tpu.memory_space<vmem>> -> memref<128x128xf32, #tpu.memory_space<vmem>>
      tpu.wait_dma2 semaphore(%run_scoped3A_51 : memref<!tpu.dma_semaphore, #tpu.memory_space<semaphore_mem>>) src(%dma_wait3A_74 : memref<128x128xf32, #tpu.memory_space<vmem>>) dst(%dma_wait3A_70 : memref<128x128xf32, #tpu.memory_space<vmem_shared>>)
      tpu.yield
    }) : () -> ()
    %add3A_13 = arith.constant 128 : i32
    %add3A_14 = arith.addi %mul3A_10, %add3A_13 : i32
    %run_scoped3A_15 = arith.constant 0 : i32
    "tpu.region"() ({
      %run_scoped3A_51 = tpu.sem_alloc : memref<!tpu.dma_semaphore, #tpu.memory_space<semaphore_mem>>
      %dma_start3A = arith.constant 0 : i32
      %dma_start3A_52 = arith.constant 0 : i32
      %dma_start3A_53 = tpu.memref_slice %arg11[%run_scoped3A_15, %dma_start3A, %dma_start3A_52] : memref<2x128x128xf32, #tpu.memory_space<vmem>> -> memref<1x128x128xf32, #tpu.memory_space<vmem>>
      %dma_start3A_54 = tpu.memref_squeeze %dma_start3A_53 : memref<1x128x128xf32, #tpu.memory_space<vmem>> -> memref<128x128xf32, #tpu.memory_space<vmem>>
      %dma_start3A_55 = arith.constant 0 : i32
      %dma_start3A_56 = tpu.memref_slice %arg7[%add3A_14, %dma_start3A_55] : memref<10000x128xf32, #tpu.memory_space<vmem_shared>> -> memref<128x128xf32, #tpu.memory_space<vmem_shared>>
      %dma_start3A_57 = arith.constant 0 : i32
      %dma_start3A_58 = tpu.memref_slice %arg7[%add3A_14, %dma_start3A_57] : memref<10000x128xf32, #tpu.memory_space<vmem_shared>> -> memref<128x128xf32, #tpu.memory_space<vmem_shared>>
      %dma_start3A_59 = arith.constant 0 : i32
      %dma_start3A_60 = arith.constant 0 : i32
      %dma_start3A_61 = tpu.memref_slice %arg11[%run_scoped3A_15, %dma_start3A_59, %dma_start3A_60] : memref<2x128x128xf32, #tpu.memory_space<vmem>> -> memref<1x128x128xf32, #tpu.memory_space<vmem>>
      %dma_start3A_62 = tpu.memref_squeeze %dma_start3A_61 : memref<1x128x128xf32, #tpu.memory_space<vmem>> -> memref<128x128xf32, #tpu.memory_space<vmem>>
      tpu.enqueue_dma source(%dma_start3A_62 : memref<128x128xf32, #tpu.memory_space<vmem>>) target(%dma_start3A_58 : memref<128x128xf32, #tpu.memory_space<vmem_shared>>) target_semaphore(%run_scoped3A_51 : memref<!tpu.dma_semaphore, #tpu.memory_space<semaphore_mem>>)
      %dma_wait3A_63 = arith.constant 0 : i32
      %dma_wait3A_64 = arith.constant 0 : i32
      %dma_wait3A_65 = tpu.memref_slice %arg11[%run_scoped3A_15, %dma_wait3A_63, %dma_wait3A_64] : memref<2x128x128xf32, #tpu.memory_space<vmem>> -> memref<1x128x128xf32, #tpu.memory_space<vmem>>
      %dma_wait3A_66 = tpu.memref_squeeze %dma_wait3A_65 : memref<1x128x128xf32, #tpu.memory_space<vmem>> -> memref<128x128xf32, #tpu.memory_space<vmem>>
      %dma_wait3A_67 = arith.constant 0 : i32
      %dma_wait3A_68 = tpu.memref_slice %arg7[%add3A_14, %dma_wait3A_67] : memref<10000x128xf32, #tpu.memory_space<vmem_shared>> -> memref<128x128xf32, #tpu.memory_space<vmem_shared>>
      %dma_wait3A_69 = arith.constant 0 : i32
      %dma_wait3A_70 = tpu.memref_slice %arg7[%add3A_14, %dma_wait3A_69] : memref<10000x128xf32, #tpu.memory_space<vmem_shared>> -> memref<128x128xf32, #tpu.memory_space<vmem_shared>>
      %dma_wait3A_71 = arith.constant 0 : i32
      %dma_wait3A_72 = arith.constant 0 : i32
      %dma_wait3A_73 = tpu.memref_slice %arg11[%run_scoped3A_15, %dma_wait3A_71, %dma_wait3A_72] : memref<2x128x128xf32, #tpu.memory_space<vmem>> -> memref<1x128x128xf32, #tpu.memory_space<vmem>>
      %dma_wait3A_74 = tpu.memref_squeeze %dma_wait3A_73 : memref<1x128x128xf32, #tpu.memory_space<vmem>> -> memref<128x128xf32, #tpu.memory_space<vmem>>
      tpu.wait_dma2 semaphore(%run_scoped3A_51 : memref<!tpu.dma_semaphore, #tpu.memory_space<semaphore_mem>>) src(%dma_wait3A_74 : memref<128x128xf32, #tpu.memory_space<vmem>>) dst(%dma_wait3A_70 : memref<128x128xf32, #tpu.memory_space<vmem_shared>>)
      tpu.yield
    }) : () -> ()
    %add3A_16 = arith.constant 256 : i32
    %add3A_17 = arith.addi %mul3A_10, %add3A_16 : i32
    %run_scoped3A_18 = arith.constant 0 : i32
    "tpu.region"() ({
      %run_scoped3A_51 = tpu.sem_alloc : memref<!tpu.dma_semaphore, #tpu.memory_space<semaphore_mem>>
      %dma_start3A = arith.constant 0 : i32
      %dma_start3A_52 = arith.constant 0 : i32
      %dma_start3A_53 = tpu.memref_slice %arg11[%run_scoped3A_18, %dma_start3A, %dma_start3A_52] : memref<2x128x128xf32, #tpu.memory_space<vmem>> -> memref<1x128x128xf32, #tpu.memory_space<vmem>>
      %dma_start3A_54 = tpu.memref_squeeze %dma_start3A_53 : memref<1x128x128xf32, #tpu.memory_space<vmem>> -> memref<128x128xf32, #tpu.memory_space<vmem>>
      %dma_start3A_55 = arith.constant 0 : i32
      %dma_start3A_56 = tpu.memref_slice %arg7[%add3A_17, %dma_start3A_55] : memref<10000x128xf32, #tpu.memory_space<vmem_shared>> -> memref<128x128xf32, #tpu.memory_space<vmem_shared>>
      %dma_start3A_57 = arith.constant 0 : i32
      %dma_start3A_58 = tpu.memref_slice %arg7[%add3A_17, %dma_start3A_57] : memref<10000x128xf32, #tpu.memory_space<vmem_shared>> -> memref<128x128xf32, #tpu.memory_space<vmem_shared>>
      %dma_start3A_59 = arith.constant 0 : i32
      %dma_start3A_60 = arith.constant 0 : i32
      %dma_start3A_61 = tpu.memref_slice %arg11[%run_scoped3A_18, %dma_start3A_59, %dma_start3A_60] : memref<2x128x128xf32, #tpu.memory_space<vmem>> -> memref<1x128x128xf32, #tpu.memory_space<vmem>>
      %dma_start3A_62 = tpu.memref_squeeze %dma_start3A_61 : memref<1x128x128xf32, #tpu.memory_space<vmem>> -> memref<128x128xf32, #tpu.memory_space<vmem>>
      tpu.enqueue_dma source(%dma_start3A_62 : memref<128x128xf32, #tpu.memory_space<vmem>>) target(%dma_start3A_58 : memref<128x128xf32, #tpu.memory_space<vmem_shared>>) target_semaphore(%run_scoped3A_51 : memref<!tpu.dma_semaphore, #tpu.memory_space<semaphore_mem>>)
      %dma_wait3A_63 = arith.constant 0 : i32
      %dma_wait3A_64 = arith.constant 0 : i32
      %dma_wait3A_65 = tpu.memref_slice %arg11[%run_scoped3A_18, %dma_wait3A_63, %dma_wait3A_64] : memref<2x128x128xf32, #tpu.memory_space<vmem>> -> memref<1x128x128xf32, #tpu.memory_space<vmem>>
      %dma_wait3A_66 = tpu.memref_squeeze %dma_wait3A_65 : memref<1x128x128xf32, #tpu.memory_space<vmem>> -> memref<128x128xf32, #tpu.memory_space<vmem>>
      %dma_wait3A_67 = arith.constant 0 : i32
      %dma_wait3A_68 = tpu.memref_slice %arg7[%add3A_17, %dma_wait3A_67] : memref<10000x128xf32, #tpu.memory_space<vmem_shared>> -> memref<128x128xf32, #tpu.memory_space<vmem_shared>>
      %dma_wait3A_69 = arith.constant 0 : i32
      %dma_wait3A_70 = tpu.memref_slice %arg7[%add3A_17, %dma_wait3A_69] : memref<10000x128xf32, #tpu.memory_space<vmem_shared>> -> memref<128x128xf32, #tpu.memory_space<vmem_shared>>
      %dma_wait3A_71 = arith.constant 0 : i32
      %dma_wait3A_72 = arith.constant 0 : i32
      %dma_wait3A_73 = tpu.memref_slice %arg11[%run_scoped3A_18, %dma_wait3A_71, %dma_wait3A_72] : memref<2x128x128xf32, #tpu.memory_space<vmem>> -> memref<1x128x128xf32, #tpu.memory_space<vmem>>
      %dma_wait3A_74 = tpu.memref_squeeze %dma_wait3A_73 : memref<1x128x128xf32, #tpu.memory_space<vmem>> -> memref<128x128xf32, #tpu.memory_space<vmem>>
      tpu.wait_dma2 semaphore(%run_scoped3A_51 : memref<!tpu.dma_semaphore, #tpu.memory_space<semaphore_mem>>) src(%dma_wait3A_74 : memref<128x128xf32, #tpu.memory_space<vmem>>) dst(%dma_wait3A_70 : memref<128x128xf32, #tpu.memory_space<vmem_shared>>)
      tpu.yield
    }) : () -> ()
    %add3A_19 = arith.constant 384 : i32
    %add3A_20 = arith.addi %mul3A_10, %add3A_19 : i32
    %run_scoped3A_21 = arith.constant 0 : i32
    "tpu.region"() ({
      %run_scoped3A_51 = tpu.sem_alloc : memref<!tpu.dma_semaphore, #tpu.memory_space<semaphore_mem>>
      %dma_start3A = arith.constant 0 : i32
      %dma_start3A_52 = arith.constant 0 : i32
      %dma_start3A_53 = tpu.memref_slice %arg11[%run_scoped3A_21, %dma_start3A, %dma_start3A_52] : memref<2x128x128xf32, #tpu.memory_space<vmem>> -> memref<1x128x128xf32, #tpu.memory_space<vmem>>
      %dma_start3A_54 = tpu.memref_squeeze %dma_start3A_53 : memref<1x128x128xf32, #tpu.memory_space<vmem>> -> memref<128x128xf32, #tpu.memory_space<vmem>>
      %dma_start3A_55 = arith.constant 0 : i32
      %dma_start3A_56 = tpu.memref_slice %arg7[%add3A_20, %dma_start3A_55] : memref<10000x128xf32, #tpu.memory_space<vmem_shared>> -> memref<128x128xf32, #tpu.memory_space<vmem_shared>>
      %dma_start3A_57 = arith.constant 0 : i32
      %dma_start3A_58 = tpu.memref_slice %arg7[%add3A_20, %dma_start3A_57] : memref<10000x128xf32, #tpu.memory_space<vmem_shared>> -> memref<128x128xf32, #tpu.memory_space<vmem_shared>>
      %dma_start3A_59 = arith.constant 0 : i32
      %dma_start3A_60 = arith.constant 0 : i32
      %dma_start3A_61 = tpu.memref_slice %arg11[%run_scoped3A_21, %dma_start3A_59, %dma_start3A_60] : memref<2x128x128xf32, #tpu.memory_space<vmem>> -> memref<1x128x128xf32, #tpu.memory_space<vmem>>
      %dma_start3A_62 = tpu.memref_squeeze %dma_start3A_61 : memref<1x128x128xf32, #tpu.memory_space<vmem>> -> memref<128x128xf32, #tpu.memory_space<vmem>>
      tpu.enqueue_dma source(%dma_start3A_62 : memref<128x128xf32, #tpu.memory_space<vmem>>) target(%dma_start3A_58 : memref<128x128xf32, #tpu.memory_space<vmem_shared>>) target_semaphore(%run_scoped3A_51 : memref<!tpu.dma_semaphore, #tpu.memory_space<semaphore_mem>>)
      %dma_wait3A_63 = arith.constant 0 : i32
      %dma_wait3A_64 = arith.constant 0 : i32
      %dma_wait3A_65 = tpu.memref_slice %arg11[%run_scoped3A_21, %dma_wait3A_63, %dma_wait3A_64] : memref<2x128x128xf32, #tpu.memory_space<vmem>> -> memref<1x128x128xf32, #tpu.memory_space<vmem>>
      %dma_wait3A_66 = tpu.memref_squeeze %dma_wait3A_65 : memref<1x128x128xf32, #tpu.memory_space<vmem>> -> memref<128x128xf32, #tpu.memory_space<vmem>>
      %dma_wait3A_67 = arith.constant 0 : i32
      %dma_wait3A_68 = tpu.memref_slice %arg7[%add3A_20, %dma_wait3A_67] : memref<10000x128xf32, #tpu.memory_space<vmem_shared>> -> memref<128x128xf32, #tpu.memory_space<vmem_shared>>
      %dma_wait3A_69 = arith.constant 0 : i32
      %dma_wait3A_70 = tpu.memref_slice %arg7[%add3A_20, %dma_wait3A_69] : memref<10000x128xf32, #tpu.memory_space<vmem_shared>> -> memref<128x128xf32, #tpu.memory_space<vmem_shared>>
      %dma_wait3A_71 = arith.constant 0 : i32
      %dma_wait3A_72 = arith.constant 0 : i32
      %dma_wait3A_73 = tpu.memref_slice %arg11[%run_scoped3A_21, %dma_wait3A_71, %dma_wait3A_72] : memref<2x128x128xf32, #tpu.memory_space<vmem>> -> memref<1x128x128xf32, #tpu.memory_space<vmem>>
      %dma_wait3A_74 = tpu.memref_squeeze %dma_wait3A_73 : memref<1x128x128xf32, #tpu.memory_space<vmem>> -> memref<128x128xf32, #tpu.memory_space<vmem>>
      tpu.wait_dma2 semaphore(%run_scoped3A_51 : memref<!tpu.dma_semaphore, #tpu.memory_space<semaphore_mem>>) src(%dma_wait3A_74 : memref<128x128xf32, #tpu.memory_space<vmem>>) dst(%dma_wait3A_70 : memref<128x128xf32, #tpu.memory_space<vmem_shared>>)
      tpu.yield
    }) : () -> ()
    %add3A_22 = arith.constant 512 : i32
    %add3A_23 = arith.addi %mul3A_10, %add3A_22 : i32
    %run_scoped3A_24 = arith.constant 0 : i32
    "tpu.region"() ({
      %run_scoped3A_51 = tpu.sem_alloc : memref<!tpu.dma_semaphore, #tpu.memory_space<semaphore_mem>>
      %dma_start3A = arith.constant 0 : i32
      %dma_start3A_52 = arith.constant 0 : i32
      %dma_start3A_53 = tpu.memref_slice %arg11[%run_scoped3A_24, %dma_start3A, %dma_start3A_52] : memref<2x128x128xf32, #tpu.memory_space<vmem>> -> memref<1x112x128xf32, #tpu.memory_space<vmem>>
      %dma_start3A_54 = tpu.memref_squeeze %dma_start3A_53 : memref<1x112x128xf32, #tpu.memory_space<vmem>> -> memref<112x128xf32, #tpu.memory_space<vmem>>
      %dma_start3A_55 = arith.constant 0 : i32
      %dma_start3A_56 = tpu.memref_slice %arg7[%add3A_23, %dma_start3A_55] : memref<10000x128xf32, #tpu.memory_space<vmem_shared>> -> memref<112x128xf32, #tpu.memory_space<vmem_shared>>
      %dma_start3A_57 = arith.constant 0 : i32
      %dma_start3A_58 = tpu.memref_slice %arg7[%add3A_23, %dma_start3A_57] : memref<10000x128xf32, #tpu.memory_space<vmem_shared>> -> memref<112x128xf32, #tpu.memory_space<vmem_shared>>
      %dma_start3A_59 = arith.constant 0 : i32
      %dma_start3A_60 = arith.constant 0 : i32
      %dma_start3A_61 = tpu.memref_slice %arg11[%run_scoped3A_24, %dma_start3A_59, %dma_start3A_60] : memref<2x128x128xf32, #tpu.memory_space<vmem>> -> memref<1x112x128xf32, #tpu.memory_space<vmem>>
      %dma_start3A_62 = tpu.memref_squeeze %dma_start3A_61 : memref<1x112x128xf32, #tpu.memory_space<vmem>> -> memref<112x128xf32, #tpu.memory_space<vmem>>
      tpu.enqueue_dma source(%dma_start3A_62 : memref<112x128xf32, #tpu.memory_space<vmem>>) target(%dma_start3A_58 : memref<112x128xf32, #tpu.memory_space<vmem_shared>>) target_semaphore(%run_scoped3A_51 : memref<!tpu.dma_semaphore, #tpu.memory_space<semaphore_mem>>)
      %dma_wait3A_63 = arith.constant 0 : i32
      %dma_wait3A_64 = arith.constant 0 : i32
      %dma_wait3A_65 = tpu.memref_slice %arg11[%run_scoped3A_24, %dma_wait3A_63, %dma_wait3A_64] : memref<2x128x128xf32, #tpu.memory_space<vmem>> -> memref<1x112x128xf32, #tpu.memory_space<vmem>>
      %dma_wait3A_66 = tpu.memref_squeeze %dma_wait3A_65 : memref<1x112x128xf32, #tpu.memory_space<vmem>> -> memref<112x128xf32, #tpu.memory_space<vmem>>
      %dma_wait3A_67 = arith.constant 0 : i32
      %dma_wait3A_68 = tpu.memref_slice %arg7[%add3A_23, %dma_wait3A_67] : memref<10000x128xf32, #tpu.memory_space<vmem_shared>> -> memref<112x128xf32, #tpu.memory_space<vmem_shared>>
      %dma_wait3A_69 = arith.constant 0 : i32
      %dma_wait3A_70 = tpu.memref_slice %arg7[%add3A_23, %dma_wait3A_69] : memref<10000x128xf32, #tpu.memory_space<vmem_shared>> -> memref<112x128xf32, #tpu.memory_space<vmem_shared>>
      %dma_wait3A_71 = arith.constant 0 : i32
      %dma_wait3A_72 = arith.constant 0 : i32
      %dma_wait3A_73 = tpu.memref_slice %arg11[%run_scoped3A_24, %dma_wait3A_71, %dma_wait3A_72] : memref<2x128x128xf32, #tpu.memory_space<vmem>> -> memref<1x112x128xf32, #tpu.memory_space<vmem>>
      %dma_wait3A_74 = tpu.memref_squeeze %dma_wait3A_73 : memref<1x112x128xf32, #tpu.memory_space<vmem>> -> memref<112x128xf32, #tpu.memory_space<vmem>>
      tpu.wait_dma2 semaphore(%run_scoped3A_51 : memref<!tpu.dma_semaphore, #tpu.memory_space<semaphore_mem>>) src(%dma_wait3A_74 : memref<112x128xf32, #tpu.memory_space<vmem>>) dst(%dma_wait3A_70 : memref<112x128xf32, #tpu.memory_space<vmem_shared>>)
      tpu.yield
    }) : () -> ()
    %eq3A = arith.constant 0 : i32
    %eq3A_25 = arith.cmpi eq, %arg1, %eq3A : i32
    %convert_element_type3A = arith.extui %eq3A_25 : i1 to i32
    %cond3A = arith.constant 0 : i32
    %cond3A_26 = arith.cmpi ne, %convert_element_type3A, %cond3A : i32
    scf.if %cond3A_26 {
      %run_scoped3A_51 = arith.constant 0 : i32
      "tpu.region"() ({
        %run_scoped3A_52 = tpu.sem_alloc : memref<!tpu.dma_semaphore, #tpu.memory_space<semaphore_mem>>
        %dma_start3A = arith.constant 0 : i32
        %dma_start3A_53 = arith.constant 0 : i32
        %dma_start3A_54 = tpu.memref_slice %arg11[%run_scoped3A_51, %dma_start3A, %dma_start3A_53] : memref<2x128x128xf32, #tpu.memory_space<vmem>> -> memref<1x16x128xf32, #tpu.memory_space<vmem>>
        %dma_start3A_55 = tpu.memref_squeeze %dma_start3A_54 : memref<1x16x128xf32, #tpu.memory_space<vmem>> -> memref<16x128xf32, #tpu.memory_space<vmem>>
        %dma_start3A_56 = arith.constant 9984 : i32
        %dma_start3A_57 = arith.constant 0 : i32
        %dma_start3A_58 = tpu.memref_slice %arg7[%dma_start3A_56, %dma_start3A_57] : memref<10000x128xf32, #tpu.memory_space<vmem_shared>> -> memref<16x128xf32, #tpu.memory_space<vmem_shared>>
        %dma_start3A_59 = arith.constant 9984 : i32
        %dma_start3A_60 = arith.constant 0 : i32
        %dma_start3A_61 = tpu.memref_slice %arg7[%dma_start3A_59, %dma_start3A_60] : memref<10000x128xf32, #tpu.memory_space<vmem_shared>> -> memref<16x128xf32, #tpu.memory_space<vmem_shared>>
        %dma_start3A_62 = arith.constant 0 : i32
        %dma_start3A_63 = arith.constant 0 : i32
        %dma_start3A_64 = tpu.memref_slice %arg11[%run_scoped3A_51, %dma_start3A_62, %dma_start3A_63] : memref<2x128x128xf32, #tpu.memory_space<vmem>> -> memref<1x16x128xf32, #tpu.memory_space<vmem>>
        %dma_start3A_65 = tpu.memref_squeeze %dma_start3A_64 : memref<1x16x128xf32, #tpu.memory_space<vmem>> -> memref<16x128xf32, #tpu.memory_space<vmem>>
        tpu.enqueue_dma source(%dma_start3A_65 : memref<16x128xf32, #tpu.memory_space<vmem>>) target(%dma_start3A_61 : memref<16x128xf32, #tpu.memory_space<vmem_shared>>) target_semaphore(%run_scoped3A_52 : memref<!tpu.dma_semaphore, #tpu.memory_space<semaphore_mem>>)
        %dma_wait3A_66 = arith.constant 0 : i32
        %dma_wait3A_67 = arith.constant 0 : i32
        %dma_wait3A_68 = tpu.memref_slice %arg11[%run_scoped3A_51, %dma_wait3A_66, %dma_wait3A_67] : memref<2x128x128xf32, #tpu.memory_space<vmem>> -> memref<1x16x128xf32, #tpu.memory_space<vmem>>
        %dma_wait3A_69 = tpu.memref_squeeze %dma_wait3A_68 : memref<1x16x128xf32, #tpu.memory_space<vmem>> -> memref<16x128xf32, #tpu.memory_space<vmem>>
        %dma_wait3A_70 = arith.constant 9984 : i32
        %dma_wait3A_71 = arith.constant 0 : i32
        %dma_wait3A_72 = tpu.memref_slice %arg7[%dma_wait3A_70, %dma_wait3A_71] : memref<10000x128xf32, #tpu.memory_space<vmem_shared>> -> memref<16x128xf32, #tpu.memory_space<vmem_shared>>
        %dma_wait3A_73 = arith.constant 9984 : i32
        %dma_wait3A_74 = arith.constant 0 : i32
        %dma_wait3A_75 = tpu.memref_slice %arg7[%dma_wait3A_73, %dma_wait3A_74] : memref<10000x128xf32, #tpu.memory_space<vmem_shared>> -> memref<16x128xf32, #tpu.memory_space<vmem_shared>>
        %dma_wait3A_76 = arith.constant 0 : i32
        %dma_wait3A_77 = arith.constant 0 : i32
        %dma_wait3A_78 = tpu.memref_slice %arg11[%run_scoped3A_51, %dma_wait3A_76, %dma_wait3A_77] : memref<2x128x128xf32, #tpu.memory_space<vmem>> -> memref<1x16x128xf32, #tpu.memory_space<vmem>>
        %dma_wait3A_79 = tpu.memref_squeeze %dma_wait3A_78 : memref<1x16x128xf32, #tpu.memory_space<vmem>> -> memref<16x128xf32, #tpu.memory_space<vmem>>
        tpu.wait_dma2 semaphore(%run_scoped3A_52 : memref<!tpu.dma_semaphore, #tpu.memory_space<semaphore_mem>>) src(%dma_wait3A_79 : memref<16x128xf32, #tpu.memory_space<vmem>>) dst(%dma_wait3A_75 : memref<16x128xf32, #tpu.memory_space<vmem_shared>>)
        tpu.yield
      }) : () -> ()
    } else {
    }
    %barrier3A = arith.constant 0 : index
    tpu.barrier barrier_id(%barrier3A)
    %scan3A_27 = arith.constant 0 : i32
    %scan3A_28 = arith.constant 0 : i32
    %scan3A_29 = arith.constant 10 : i32
    %scan3A_30 = arith.addi %scan3A_28, %scan3A_29 : i32
    %scan3A_31 = arith.constant 1 : i32
    %scan3A_32 = scf.for %scan3A_51 = %scan3A_28 to %scan3A_30 step %scan3A_31 iter_args(%scan3A_52 = %scan3A_27) -> (i32)  : i32 {
      %mul3A_53 = arith.constant 8 : i32
      %mul3A_54 = arith.muli %scan3A_51, %mul3A_53 : i32
      %add3A_55 = arith.addi %mul3A_2, %mul3A_54 : i32
      %ge3A = arith.constant 1 : i32
      %ge3A_56 = arith.cmpi sge, %scan3A_51, %ge3A : i32
      %convert_element_type3A_57 = arith.extui %ge3A_56 : i1 to i32
      %cond3A_58 = arith.constant 0 : i32
      %cond3A_59 = arith.cmpi ne, %convert_element_type3A_57, %cond3A_58 : i32
      scf.if %cond3A_59 {
        %dma_wait3A_68 = arith.constant 1 : i32
        %dma_wait3A_69 = arith.constant 0 : i32
        %dma_wait3A_70 = arith.constant 0 : i32
        %dma_wait3A_71 = arith.constant 0 : i32
        %dma_wait3A_72 = tpu.memref_slice %arg11[%dma_wait3A_68, %dma_wait3A_70, %dma_wait3A_71] : memref<2x128x128xf32, #tpu.memory_space<vmem>> -> memref<1x128x128xf32, #tpu.memory_space<vmem>>
        %dma_wait3A_73 = tpu.memref_squeeze %dma_wait3A_72 : memref<1x128x128xf32, #tpu.memory_space<vmem>> -> memref<128x128xf32, #tpu.memory_space<vmem>>
        %dma_wait3A_74 = arith.constant 0 : i32
        %dma_wait3A_75 = tpu.memref_slice %arg9[%dma_wait3A_69, %dma_wait3A_74] : memref<8x128xi32, #tpu.memory_space<vmem>> -> memref<1x128xi32, #tpu.memory_space<vmem>>
        %dma_wait3A_76 = tpu.memref_squeeze %dma_wait3A_75 : memref<1x128xi32, #tpu.memory_space<vmem>> -> memref<128xi32, #tpu.memory_space<vmem>>
        %dma_wait3A_77 = arith.constant 0 : i32
        %dma_wait3A_78 = arith.constant 0 : i32
        %dma_wait3A_79 = tpu.memref_slice %arg7[%dma_wait3A_77, %dma_wait3A_78] : memref<10000x128xf32, #tpu.memory_space<vmem_shared>> -> memref<10000x128xf32, #tpu.memory_space<vmem_shared>>
        tpu.wait_indirect_dma semaphore(%arg15 : memref<!tpu.dma_semaphore, #tpu.memory_space<semaphore_mem>>) src(%dma_wait3A_73 : memref<128x128xf32, #tpu.memory_space<vmem>>) dst(%dma_wait3A_79 : memref<10000x128xf32, #tpu.memory_space<vmem_shared>>)
      } else {
      }
      "tpu.region"() ({
        %run_scoped3A_68 = tpu.sem_alloc : memref<!tpu.dma_semaphore, #tpu.memory_space<semaphore_mem>>
        %dma_start3A = arith.constant 0 : i32
        %dma_start3A_69 = tpu.memref_slice %arg3[%add3A_55, %dma_start3A] : memref<2560x128xi32, #tpu.memory_space<hbm>> -> memref<8x128xi32, #tpu.memory_space<hbm>>
        %dma_start3A_70 = arith.constant 0 : i32
        %dma_start3A_71 = tpu.memref_slice %arg3[%add3A_55, %dma_start3A_70] : memref<2560x128xi32, #tpu.memory_space<hbm>> -> memref<8x128xi32, #tpu.memory_space<hbm>>
        tpu.enqueue_dma source(%dma_start3A_71 : memref<8x128xi32, #tpu.memory_space<hbm>>) target(%arg8 : memref<8x128xi32, #tpu.memory_space<vmem>>) target_semaphore(%run_scoped3A_68 : memref<!tpu.dma_semaphore, #tpu.memory_space<semaphore_mem>>)
        %dma_wait3A_72 = arith.constant 0 : i32
        %dma_wait3A_73 = tpu.memref_slice %arg3[%add3A_55, %dma_wait3A_72] : memref<2560x128xi32, #tpu.memory_space<hbm>> -> memref<8x128xi32, #tpu.memory_space<hbm>>
        %dma_wait3A_74 = arith.constant 0 : i32
        %dma_wait3A_75 = tpu.memref_slice %arg3[%add3A_55, %dma_wait3A_74] : memref<2560x128xi32, #tpu.memory_space<hbm>> -> memref<8x128xi32, #tpu.memory_space<hbm>>
        tpu.wait_dma2 semaphore(%run_scoped3A_68 : memref<!tpu.dma_semaphore, #tpu.memory_space<semaphore_mem>>) src(%dma_wait3A_75 : memref<8x128xi32, #tpu.memory_space<hbm>>) dst(%arg8 : memref<8x128xi32, #tpu.memory_space<vmem>>)
        tpu.yield
      }) : () -> ()
      "tpu.region"() ({
        %run_scoped3A_68 = tpu.sem_alloc : memref<!tpu.dma_semaphore, #tpu.memory_space<semaphore_mem>>
        %dma_start3A = arith.constant 0 : i32
        %dma_start3A_69 = tpu.memref_slice %arg2[%add3A_55, %dma_start3A] : memref<2560x128xi32, #tpu.memory_space<hbm>> -> memref<8x128xi32, #tpu.memory_space<hbm>>
        %dma_start3A_70 = arith.constant 0 : i32
        %dma_start3A_71 = tpu.memref_slice %arg2[%add3A_55, %dma_start3A_70] : memref<2560x128xi32, #tpu.memory_space<hbm>> -> memref<8x128xi32, #tpu.memory_space<hbm>>
        tpu.enqueue_dma source(%dma_start3A_71 : memref<8x128xi32, #tpu.memory_space<hbm>>) target(%arg9 : memref<8x128xi32, #tpu.memory_space<vmem>>) target_semaphore(%run_scoped3A_68 : memref<!tpu.dma_semaphore, #tpu.memory_space<semaphore_mem>>)
        %dma_wait3A_72 = arith.constant 0 : i32
        %dma_wait3A_73 = tpu.memref_slice %arg2[%add3A_55, %dma_wait3A_72] : memref<2560x128xi32, #tpu.memory_space<hbm>> -> memref<8x128xi32, #tpu.memory_space<hbm>>
        %dma_wait3A_74 = arith.constant 0 : i32
        %dma_wait3A_75 = tpu.memref_slice %arg2[%add3A_55, %dma_wait3A_74] : memref<2560x128xi32, #tpu.memory_space<hbm>> -> memref<8x128xi32, #tpu.memory_space<hbm>>
        tpu.wait_dma2 semaphore(%run_scoped3A_68 : memref<!tpu.dma_semaphore, #tpu.memory_space<semaphore_mem>>) src(%dma_wait3A_75 : memref<8x128xi32, #tpu.memory_space<hbm>>) dst(%arg9 : memref<8x128xi32, #tpu.memory_space<vmem>>)
        tpu.yield
      }) : () -> ()
      "tpu.region"() ({
        %run_scoped3A_68 = tpu.sem_alloc : memref<!tpu.dma_semaphore, #tpu.memory_space<semaphore_mem>>
        %dma_start3A = arith.constant 0 : i32
        %dma_start3A_69 = tpu.memref_slice %arg4[%add3A_55, %dma_start3A] : memref<2560x128xf32, #tpu.memory_space<hbm>> -> memref<8x128xf32, #tpu.memory_space<hbm>>
        %dma_start3A_70 = arith.constant 0 : i32
        %dma_start3A_71 = tpu.memref_slice %arg4[%add3A_55, %dma_start3A_70] : memref<2560x128xf32, #tpu.memory_space<hbm>> -> memref<8x128xf32, #tpu.memory_space<hbm>>
        tpu.enqueue_dma source(%dma_start3A_71 : memref<8x128xf32, #tpu.memory_space<hbm>>) target(%arg10 : memref<8x128xf32, #tpu.memory_space<vmem>>) target_semaphore(%run_scoped3A_68 : memref<!tpu.dma_semaphore, #tpu.memory_space<semaphore_mem>>)
        %dma_wait3A_72 = arith.constant 0 : i32
        %dma_wait3A_73 = tpu.memref_slice %arg4[%add3A_55, %dma_wait3A_72] : memref<2560x128xf32, #tpu.memory_space<hbm>> -> memref<8x128xf32, #tpu.memory_space<hbm>>
        %dma_wait3A_74 = arith.constant 0 : i32
        %dma_wait3A_75 = tpu.memref_slice %arg4[%add3A_55, %dma_wait3A_74] : memref<2560x128xf32, #tpu.memory_space<hbm>> -> memref<8x128xf32, #tpu.memory_space<hbm>>
        tpu.wait_dma2 semaphore(%run_scoped3A_68 : memref<!tpu.dma_semaphore, #tpu.memory_space<semaphore_mem>>) src(%dma_wait3A_75 : memref<8x128xf32, #tpu.memory_space<hbm>>) dst(%arg10 : memref<8x128xf32, #tpu.memory_space<vmem>>)
        tpu.yield
      }) : () -> ()
      %scan3A_60 = arith.constant 0 : i32
      %scan3A_61 = arith.constant 0 : i32
      %scan3A_62 = arith.constant 4 : i32
      %scan3A_63 = arith.addi %scan3A_61, %scan3A_62 : i32
      %scan3A_64 = arith.constant 1 : i32
      %scan3A_65 = scf.for %scan3A_68 = %scan3A_61 to %scan3A_63 step %scan3A_64 iter_args(%scan3A_69 = %scan3A_60) -> (i32)  : i32 {
        %mul3A_70 = arith.constant 2 : i32
        %mul3A_71 = arith.muli %scan3A_68, %mul3A_70 : i32
        %add3A_72 = arith.constant 1 : i32
        %add3A_73 = arith.addi %mul3A_71, %add3A_72 : i32
        %ge3A_74 = arith.constant 1 : i32
        %ge3A_75 = arith.cmpi sge, %scan3A_68, %ge3A_74 : i32
        %convert_element_type3A_76 = arith.extui %ge3A_75 : i1 to i32
        %cond3A_77 = arith.constant 0 : i32
        %cond3A_78 = arith.cmpi ne, %convert_element_type3A_76, %cond3A_77 : i32
        scf.if %cond3A_78 {
          %dma_wait3A_170 = arith.constant 1 : i32
          %dma_wait3A_171 = arith.constant 0 : i32
          %dma_wait3A_172 = arith.constant 0 : i32
          %dma_wait3A_173 = tpu.memref_slice %arg11[%dma_wait3A_170, %dma_wait3A_171, %dma_wait3A_172] : memref<2x128x128xf32, #tpu.memory_space<vmem>> -> memref<1x128x128xf32, #tpu.memory_space<vmem>>
          %dma_wait3A_174 = tpu.memref_squeeze %dma_wait3A_173 : memref<1x128x128xf32, #tpu.memory_space<vmem>> -> memref<128x128xf32, #tpu.memory_space<vmem>>
          %dma_wait3A_175 = arith.constant 0 : i32
          %dma_wait3A_176 = tpu.memref_slice %arg9[%mul3A_71, %dma_wait3A_175] : memref<8x128xi32, #tpu.memory_space<vmem>> -> memref<1x128xi32, #tpu.memory_space<vmem>>
          %dma_wait3A_177 = tpu.memref_squeeze %dma_wait3A_176 : memref<1x128xi32, #tpu.memory_space<vmem>> -> memref<128xi32, #tpu.memory_space<vmem>>
          %dma_wait3A_178 = arith.constant 0 : i32
          %dma_wait3A_179 = arith.constant 0 : i32
          %dma_wait3A_180 = tpu.memref_slice %arg7[%dma_wait3A_178, %dma_wait3A_179] : memref<10000x128xf32, #tpu.memory_space<vmem_shared>> -> memref<10000x128xf32, #tpu.memory_space<vmem_shared>>
          tpu.wait_indirect_dma semaphore(%arg15 : memref<!tpu.dma_semaphore, #tpu.memory_space<semaphore_mem>>) src(%dma_wait3A_174 : memref<128x128xf32, #tpu.memory_space<vmem>>) dst(%dma_wait3A_180 : memref<10000x128xf32, #tpu.memory_space<vmem_shared>>)
        } else {
        }
        %dma_start3A = arith.constant 0 : i32
        %dma_start3A_79 = arith.constant 0 : i32
        %dma_start3A_80 = arith.constant 0 : i32
        %dma_start3A_81 = tpu.memref_slice %arg11[%dma_start3A, %dma_start3A_79, %dma_start3A_80] : memref<2x128x128xf32, #tpu.memory_space<vmem>> -> memref<1x128x128xf32, #tpu.memory_space<vmem>>
        %dma_start3A_82 = tpu.memref_squeeze %dma_start3A_81 : memref<1x128x128xf32, #tpu.memory_space<vmem>> -> memref<128x128xf32, #tpu.memory_space<vmem>>
        %dma_start3A_83 = arith.constant 0 : i32
        %dma_start3A_84 = tpu.memref_slice %arg8[%mul3A_71, %dma_start3A_83] : memref<8x128xi32, #tpu.memory_space<vmem>> -> memref<1x128xi32, #tpu.memory_space<vmem>>
        %dma_start3A_85 = tpu.memref_squeeze %dma_start3A_84 : memref<1x128xi32, #tpu.memory_space<vmem>> -> memref<128xi32, #tpu.memory_space<vmem>>
        %dma_start3A_86 = arith.constant 0 : i32
        %dma_start3A_87 = arith.constant 0 : i32
        %dma_start3A_88 = tpu.memref_slice %arg5[%dma_start3A_86, %dma_start3A_87] : memref<10000x128xf32, #tpu.memory_space<hbm>> -> memref<10000x128xf32, #tpu.memory_space<hbm>>
        tpu.enqueue_indirect_dma source(%dma_start3A_88 : memref<10000x128xf32, #tpu.memory_space<hbm>>) target(%dma_start3A_82 : memref<128x128xf32, #tpu.memory_space<vmem>>) offsets(%dma_start3A_85 : memref<128xi32, #tpu.memory_space<vmem>>) semaphore(%arg12 : memref<!tpu.dma_semaphore, #tpu.memory_space<semaphore_mem>>)
        %dma_start3A_89 = arith.constant 1 : i32
        %dma_start3A_90 = arith.constant 0 : i32
        %dma_start3A_91 = arith.constant 0 : i32
        %dma_start3A_92 = tpu.memref_slice %arg11[%dma_start3A_89, %dma_start3A_90, %dma_start3A_91] : memref<2x128x128xf32, #tpu.memory_space<vmem>> -> memref<1x128x128xf32, #tpu.memory_space<vmem>>
        %dma_start3A_93 = tpu.memref_squeeze %dma_start3A_92 : memref<1x128x128xf32, #tpu.memory_space<vmem>> -> memref<128x128xf32, #tpu.memory_space<vmem>>
        %dma_start3A_94 = arith.constant 0 : i32
        %dma_start3A_95 = tpu.memref_slice %arg8[%add3A_73, %dma_start3A_94] : memref<8x128xi32, #tpu.memory_space<vmem>> -> memref<1x128xi32, #tpu.memory_space<vmem>>
        %dma_start3A_96 = tpu.memref_squeeze %dma_start3A_95 : memref<1x128xi32, #tpu.memory_space<vmem>> -> memref<128xi32, #tpu.memory_space<vmem>>
        %dma_start3A_97 = arith.constant 0 : i32
        %dma_start3A_98 = arith.constant 0 : i32
        %dma_start3A_99 = tpu.memref_slice %arg5[%dma_start3A_97, %dma_start3A_98] : memref<10000x128xf32, #tpu.memory_space<hbm>> -> memref<10000x128xf32, #tpu.memory_space<hbm>>
        tpu.enqueue_indirect_dma source(%dma_start3A_99 : memref<10000x128xf32, #tpu.memory_space<hbm>>) target(%dma_start3A_93 : memref<128x128xf32, #tpu.memory_space<vmem>>) offsets(%dma_start3A_96 : memref<128xi32, #tpu.memory_space<vmem>>) semaphore(%arg13 : memref<!tpu.dma_semaphore, #tpu.memory_space<semaphore_mem>>)
        %dma_wait3A_100 = arith.constant 0 : i32
        %dma_wait3A_101 = arith.constant 0 : i32
        %dma_wait3A_102 = arith.constant 0 : i32
        %dma_wait3A_103 = tpu.memref_slice %arg11[%dma_wait3A_100, %dma_wait3A_101, %dma_wait3A_102] : memref<2x128x128xf32, #tpu.memory_space<vmem>> -> memref<1x128x128xf32, #tpu.memory_space<vmem>>
        %dma_wait3A_104 = tpu.memref_squeeze %dma_wait3A_103 : memref<1x128x128xf32, #tpu.memory_space<vmem>> -> memref<128x128xf32, #tpu.memory_space<vmem>>
        %dma_wait3A_105 = arith.constant 0 : i32
        %dma_wait3A_106 = tpu.memref_slice %arg8[%mul3A_71, %dma_wait3A_105] : memref<8x128xi32, #tpu.memory_space<vmem>> -> memref<1x128xi32, #tpu.memory_space<vmem>>
        %dma_wait3A_107 = tpu.memref_squeeze %dma_wait3A_106 : memref<1x128xi32, #tpu.memory_space<vmem>> -> memref<128xi32, #tpu.memory_space<vmem>>
        %dma_wait3A_108 = arith.constant 0 : i32
        %dma_wait3A_109 = arith.constant 0 : i32
        %dma_wait3A_110 = tpu.memref_slice %arg5[%dma_wait3A_108, %dma_wait3A_109] : memref<10000x128xf32, #tpu.memory_space<hbm>> -> memref<10000x128xf32, #tpu.memory_space<hbm>>
        tpu.wait_indirect_dma semaphore(%arg12 : memref<!tpu.dma_semaphore, #tpu.memory_space<semaphore_mem>>) src(%dma_wait3A_110 : memref<10000x128xf32, #tpu.memory_space<hbm>>) dst(%dma_wait3A_104 : memref<128x128xf32, #tpu.memory_space<vmem>>)
        %scan3A_111 = arith.constant 0 : i32
        %scan3A_112 = arith.constant 0 : i32
        %scan3A_113 = arith.constant 8 : i32
        %scan3A_114 = arith.addi %scan3A_112, %scan3A_113 : i32
        %scan3A_115 = arith.constant 1 : i32
        %scan3A_116 = scf.for %scan3A_170 = %scan3A_112 to %scan3A_114 step %scan3A_115 iter_args(%scan3A_171 = %scan3A_111) -> (i32)  : i32 {
          %mul3A_172 = arith.constant 16 : i32
          %mul3A_173 = arith.muli %scan3A_170, %mul3A_172 : i32
          %get3A = arith.index_cast %mul3A_71 : i32 to index
          %get3A_174 = arith.index_cast %mul3A_173 : i32 to index
          %get3A_175 = tpu.vector_load %arg10[%get3A, %get3A_174] {strides = array<i32>} : memref<8x128xf32, #tpu.memory_space<vmem>>, vector<1x16xf32>,
          %get3A_176 = vector.shape_cast %get3A_175 : vector<1x16xf32> to vector<16xf32>
          %slice3A = vector.extract_strided_slice %get3A_176 {offsets = [0], sizes = [1], strides = [1]} : vector<16xf32> to vector<1xf32>
          %squeeze3A = vector.extract %slice3A[0] : f32 from vector<1xf32>
          %mul3A_177 = arith.constant 16 : i32
          %mul3A_178 = arith.muli %scan3A_170, %mul3A_177 : i32
          %add3A_179 = arith.constant 0 : i32
          %add3A_180 = arith.addi %mul3A_178, %add3A_179 : i32
          %get3A_181 = arith.constant 0 : i32
          %get3A_182 = arith.index_cast %get3A_181 : i32 to index
          %get3A_183 = arith.index_cast %add3A_180 : i32 to index
          %get3A_184 = arith.constant 0 : index
          %get3A_185 = tpu.vector_load %arg11[%get3A_182, %get3A_183, %get3A_184] {strides = array<i32>} : memref<2x128x128xf32, #tpu.memory_space<vmem>>, vector<1x1x16xf32>,
          %get3A_186 = vector.shape_cast %get3A_185 : vector<1x1x16xf32> to vector<16xf32>
          %mul3A_187 = vector.broadcast %squeeze3A : f32 to vector<16xf32>
          %mul3A_188 = arith.mulf %get3A_186, %mul3A_187 : vector<16xf32>
          %swap3A = arith.constant 0 : i32
          %swap3A_189 = arith.index_cast %swap3A : i32 to index
          %swap3A_190 = arith.index_cast %add3A_180 : i32 to index
          %swap3A_191 = arith.constant 0 : index
          %swap3A_192 = tpu.vector_load %arg11[%swap3A_189, %swap3A_190, %swap3A_191] {strides = array<i32>} : memref<2x128x128xf32, #tpu.memory_space<vmem>>, vector<1x1x16xf32>,
          %swap3A_193 = vector.shape_cast %swap3A_192 : vector<1x1x16xf32> to vector<16xf32>
          %swap3A_194 = vector.shape_cast %mul3A_188 : vector<16xf32> to vector<1x1x16xf32>
          tpu.vector_store %arg11[%swap3A_189, %swap3A_190, %swap3A_191], %swap3A_194 {strides = array<i32>} : memref<2x128x128xf32, #tpu.memory_space<vmem>>, vector<1x1x16xf32>,
          %get3A_195 = arith.constant 0 : i32
          %get3A_196 = arith.index_cast %get3A_195 : i32 to index
          %get3A_197 = arith.index_cast %add3A_180 : i32 to index
          %get3A_198 = arith.constant 16 : index
          %get3A_199 = tpu.vector_load %arg11[%get3A_196, %get3A_197, %get3A_198] {strides = array<i32>} : memref<2x128x128xf32, #tpu.memory_space<vmem>>, vector<1x1x16xf32>,
          %get3A_200 = vector.shape_cast %get3A_199 : vector<1x1x16xf32> to vector<16xf32>
          %mul3A_201 = vector.broadcast %squeeze3A : f32 to vector<16xf32>
          %mul3A_202 = arith.mulf %get3A_200, %mul3A_201 : vector<16xf32>
          %swap3A_203 = arith.constant 0 : i32
          %swap3A_204 = arith.index_cast %swap3A_203 : i32 to index
          %swap3A_205 = arith.index_cast %add3A_180 : i32 to index
          %swap3A_206 = arith.constant 16 : index
          %swap3A_207 = tpu.vector_load %arg11[%swap3A_204, %swap3A_205, %swap3A_206] {strides = array<i32>} : memref<2x128x128xf32, #tpu.memory_space<vmem>>, vector<1x1x16xf32>,
          %swap3A_208 = vector.shape_cast %swap3A_207 : vector<1x1x16xf32> to vector<16xf32>
          %swap3A_209 = vector.shape_cast %mul3A_202 : vector<16xf32> to vector<1x1x16xf32>
          tpu.vector_store %arg11[%swap3A_204, %swap3A_205, %swap3A_206], %swap3A_209 {strides = array<i32>} : memref<2x128x128xf32, #tpu.memory_space<vmem>>, vector<1x1x16xf32>,
          %get3A_210 = arith.constant 0 : i32
          %get3A_211 = arith.index_cast %get3A_210 : i32 to index
          %get3A_212 = arith.index_cast %add3A_180 : i32 to index
          %get3A_213 = arith.constant 32 : index
          %get3A_214 = tpu.vector_load %arg11[%get3A_211, %get3A_212, %get3A_213] {strides = array<i32>} : memref<2x128x128xf32, #tpu.memory_space<vmem>>, vector<1x1x16xf32>,
          %get3A_215 = vector.shape_cast %get3A_214 : vector<1x1x16xf32> to vector<16xf32>
          %mul3A_216 = vector.broadcast %squeeze3A : f32 to vector<16xf32>
          %mul3A_217 = arith.mulf %get3A_215, %mul3A_216 : vector<16xf32>
          %swap3A_218 = arith.constant 0 : i32
          %swap3A_219 = arith.index_cast %swap3A_218 : i32 to index
          %swap3A_220 = arith.index_cast %add3A_180 : i32 to index
          %swap3A_221 = arith.constant 32 : index
          %swap3A_222 = tpu.vector_load %arg11[%swap3A_219, %swap3A_220, %swap3A_221] {strides = array<i32>} : memref<2x128x128xf32, #tpu.memory_space<vmem>>, vector<1x1x16xf32>,
          %swap3A_223 = vector.shape_cast %swap3A_222 : vector<1x1x16xf32> to vector<16xf32>
          %swap3A_224 = vector.shape_cast %mul3A_217 : vector<16xf32> to vector<1x1x16xf32>
          tpu.vector_store %arg11[%swap3A_219, %swap3A_220, %swap3A_221], %swap3A_224 {strides = array<i32>} : memref<2x128x128xf32, #tpu.memory_space<vmem>>, vector<1x1x16xf32>,
          %get3A_225 = arith.constant 0 : i32
          %get3A_226 = arith.index_cast %get3A_225 : i32 to index
          %get3A_227 = arith.index_cast %add3A_180 : i32 to index
          %get3A_228 = arith.constant 48 : index
          %get3A_229 = tpu.vector_load %arg11[%get3A_226, %get3A_227, %get3A_228] {strides = array<i32>} : memref<2x128x128xf32, #tpu.memory_space<vmem>>, vector<1x1x16xf32>,
          %get3A_230 = vector.shape_cast %get3A_229 : vector<1x1x16xf32> to vector<16xf32>
          %mul3A_231 = vector.broadcast %squeeze3A : f32 to vector<16xf32>
          %mul3A_232 = arith.mulf %get3A_230, %mul3A_231 : vector<16xf32>
          %swap3A_233 = arith.constant 0 : i32
          %swap3A_234 = arith.index_cast %swap3A_233 : i32 to index
          %swap3A_235 = arith.index_cast %add3A_180 : i32 to index
          %swap3A_236 = arith.constant 48 : index
          %swap3A_237 = tpu.vector_load %arg11[%swap3A_234, %swap3A_235, %swap3A_236] {strides = array<i32>} : memref<2x128x128xf32, #tpu.memory_space<vmem>>, vector<1x1x16xf32>,
          %swap3A_238 = vector.shape_cast %swap3A_237 : vector<1x1x16xf32> to vector<16xf32>
          %swap3A_239 = vector.shape_cast %mul3A_232 : vector<16xf32> to vector<1x1x16xf32>
          tpu.vector_store %arg11[%swap3A_234, %swap3A_235, %swap3A_236], %swap3A_239 {strides = array<i32>} : memref<2x128x128xf32, #tpu.memory_space<vmem>>, vector<1x1x16xf32>,
          %get3A_240 = arith.constant 0 : i32
          %get3A_241 = arith.index_cast %get3A_240 : i32 to index
          %get3A_242 = arith.index_cast %add3A_180 : i32 to index
          %get3A_243 = arith.constant 64 : index
          %get3A_244 = tpu.vector_load %arg11[%get3A_241, %get3A_242, %get3A_243] {strides = array<i32>} : memref<2x128x128xf32, #tpu.memory_space<vmem>>, vector<1x1x16xf32>,
          %get3A_245 = vector.shape_cast %get3A_244 : vector<1x1x16xf32> to vector<16xf32>
          %mul3A_246 = vector.broadcast %squeeze3A : f32 to vector<16xf32>
          %mul3A_247 = arith.mulf %get3A_245, %mul3A_246 : vector<16xf32>
          %swap3A_248 = arith.constant 0 : i32
          %swap3A_249 = arith.index_cast %swap3A_248 : i32 to index
          %swap3A_250 = arith.index_cast %add3A_180 : i32 to index
          %swap3A_251 = arith.constant 64 : index
          %swap3A_252 = tpu.vector_load %arg11[%swap3A_249, %swap3A_250, %swap3A_251] {strides = array<i32>} : memref<2x128x128xf32, #tpu.memory_space<vmem>>, vector<1x1x16xf32>,
          %swap3A_253 = vector.shape_cast %swap3A_252 : vector<1x1x16xf32> to vector<16xf32>
          %swap3A_254 = vector.shape_cast %mul3A_247 : vector<16xf32> to vector<1x1x16xf32>
          tpu.vector_store %arg11[%swap3A_249, %swap3A_250, %swap3A_251], %swap3A_254 {strides = array<i32>} : memref<2x128x128xf32, #tpu.memory_space<vmem>>, vector<1x1x16xf32>,
          %get3A_255 = arith.constant 0 : i32
          %get3A_256 = arith.index_cast %get3A_255 : i32 to index
          %get3A_257 = arith.index_cast %add3A_180 : i32 to index
          %get3A_258 = arith.constant 80 : index
          %get3A_259 = tpu.vector_load %arg11[%get3A_256, %get3A_257, %get3A_258] {strides = array<i32>} : memref<2x128x128xf32, #tpu.memory_space<vmem>>, vector<1x1x16xf32>,
          %get3A_260 = vector.shape_cast %get3A_259 : vector<1x1x16xf32> to vector<16xf32>
          %mul3A_261 = vector.broadcast %squeeze3A : f32 to vector<16xf32>
          %mul3A_262 = arith.mulf %get3A_260, %mul3A_261 : vector<16xf32>
          %swap3A_263 = arith.constant 0 : i32
          %swap3A_264 = arith.index_cast %swap3A_263 : i32 to index
          %swap3A_265 = arith.index_cast %add3A_180 : i32 to index
          %swap3A_266 = arith.constant 80 : index
          %swap3A_267 = tpu.vector_load %arg11[%swap3A_264, %swap3A_265, %swap3A_266] {strides = array<i32>} : memref<2x128x128xf32, #tpu.memory_space<vmem>>, vector<1x1x16xf32>,
          %swap3A_268 = vector.shape_cast %swap3A_267 : vector<1x1x16xf32> to vector<16xf32>
          %swap3A_269 = vector.shape_cast %mul3A_262 : vector<16xf32> to vector<1x1x16xf32>
          tpu.vector_store %arg11[%swap3A_264, %swap3A_265, %swap3A_266], %swap3A_269 {strides = array<i32>} : memref<2x128x128xf32, #tpu.memory_space<vmem>>, vector<1x1x16xf32>,
          %get3A_270 = arith.constant 0 : i32
          %get3A_271 = arith.index_cast %get3A_270 : i32 to index
          %get3A_272 = arith.index_cast %add3A_180 : i32 to index
          %get3A_273 = arith.constant 96 : index
          %get3A_274 = tpu.vector_load %arg11[%get3A_271, %get3A_272, %get3A_273] {strides = array<i32>} : memref<2x128x128xf32, #tpu.memory_space<vmem>>, vector<1x1x16xf32>,
          %get3A_275 = vector.shape_cast %get3A_274 : vector<1x1x16xf32> to vector<16xf32>
          %mul3A_276 = vector.broadcast %squeeze3A : f32 to vector<16xf32>
          %mul3A_277 = arith.mulf %get3A_275, %mul3A_276 : vector<16xf32>
          %swap3A_278 = arith.constant 0 : i32
          %swap3A_279 = arith.index_cast %swap3A_278 : i32 to index
          %swap3A_280 = arith.index_cast %add3A_180 : i32 to index
          %swap3A_281 = arith.constant 96 : index
          %swap3A_282 = tpu.vector_load %arg11[%swap3A_279, %swap3A_280, %swap3A_281] {strides = array<i32>} : memref<2x128x128xf32, #tpu.memory_space<vmem>>, vector<1x1x16xf32>,
          %swap3A_283 = vector.shape_cast %swap3A_282 : vector<1x1x16xf32> to vector<16xf32>
          %swap3A_284 = vector.shape_cast %mul3A_277 : vector<16xf32> to vector<1x1x16xf32>
          tpu.vector_store %arg11[%swap3A_279, %swap3A_280, %swap3A_281], %swap3A_284 {strides = array<i32>} : memref<2x128x128xf32, #tpu.memory_space<vmem>>, vector<1x1x16xf32>,
          %get3A_285 = arith.constant 0 : i32
          %get3A_286 = arith.index_cast %get3A_285 : i32 to index
          %get3A_287 = arith.index_cast %add3A_180 : i32 to index
          %get3A_288 = arith.constant 112 : index
          %get3A_289 = tpu.vector_load %arg11[%get3A_286, %get3A_287, %get3A_288] {strides = array<i32>} : memref<2x128x128xf32, #tpu.memory_space<vmem>>, vector<1x1x16xf32>,
          %get3A_290 = vector.shape_cast %get3A_289 : vector<1x1x16xf32> to vector<16xf32>
          %mul3A_291 = vector.broadcast %squeeze3A : f32 to vector<16xf32>
          %mul3A_292 = arith.mulf %get3A_290, %mul3A_291 : vector<16xf32>
          %swap3A_293 = arith.constant 0 : i32
          %swap3A_294 = arith.index_cast %swap3A_293 : i32 to index
          %swap3A_295 = arith.index_cast %add3A_180 : i32 to index
          %swap3A_296 = arith.constant 112 : index
          %swap3A_297 = tpu.vector_load %arg11[%swap3A_294, %swap3A_295, %swap3A_296] {strides = array<i32>} : memref<2x128x128xf32, #tpu.memory_space<vmem>>, vector<1x1x16xf32>,
          %swap3A_298 = vector.shape_cast %swap3A_297 : vector<1x1x16xf32> to vector<16xf32>
          %swap3A_299 = vector.shape_cast %mul3A_292 : vector<16xf32> to vector<1x1x16xf32>
          tpu.vector_store %arg11[%swap3A_294, %swap3A_295, %swap3A_296], %swap3A_299 {strides = array<i32>} : memref<2x128x128xf32, #tpu.memory_space<vmem>>, vector<1x1x16xf32>,
          %slice3A_300 = vector.extract_strided_slice %get3A_176 {offsets = [1], sizes = [1], strides = [1]} : vector<16xf32> to vector<1xf32>
          %squeeze3A_301 = vector.extract %slice3A_300[0] : f32 from vector<1xf32>
          %mul3A_302 = arith.constant 16 : i32
          %mul3A_303 = arith.muli %scan3A_170, %mul3A_302 : i32
          %add3A_304 = arith.constant 1 : i32
          %add3A_305 = arith.addi %mul3A_303, %add3A_304 : i32
          %get3A_306 = arith.constant 0 : i32
          %get3A_307 = arith.index_cast %get3A_306 : i32 to index
          %get3A_308 = arith.index_cast %add3A_305 : i32 to index
          %get3A_309 = arith.constant 0 : index
          %get3A_310 = tpu.vector_load %arg11[%get3A_307, %get3A_308, %get3A_309] {strides = array<i32>} : memref<2x128x128xf32, #tpu.memory_space<vmem>>, vector<1x1x16xf32>,
          %get3A_311 = vector.shape_cast %get3A_310 : vector<1x1x16xf32> to vector<16xf32>
          %mul3A_312 = vector.broadcast %squeeze3A_301 : f32 to vector<16xf32>
          %mul3A_313 = arith.mulf %get3A_311, %mul3A_312 : vector<16xf32>
          %swap3A_314 = arith.constant 0 : i32
          %swap3A_315 = arith.index_cast %swap3A_314 : i32 to index
          %swap3A_316 = arith.index_cast %add3A_305 : i32 to index
          %swap3A_317 = arith.constant 0 : index
          %swap3A_318 = tpu.vector_load %arg11[%swap3A_315, %swap3A_316, %swap3A_317] {strides = array<i32>} : memref<2x128x128xf32, #tpu.memory_space<vmem>>, vector<1x1x16xf32>,
          %swap3A_319 = vector.shape_cast %swap3A_318 : vector<1x1x16xf32> to vector<16xf32>
          %swap3A_320 = vector.shape_cast %mul3A_313 : vector<16xf32> to vector<1x1x16xf32>
          tpu.vector_store %arg11[%swap3A_315, %swap3A_316, %swap3A_317], %swap3A_320 {strides = array<i32>} : memref<2x128x128xf32, #tpu.memory_space<vmem>>, vector<1x1x16xf32>,
          %get3A_321 = arith.constant 0 : i32
          %get3A_322 = arith.index_cast %get3A_321 : i32 to index
          %get3A_323 = arith.index_cast %add3A_305 : i32 to index
          %get3A_324 = arith.constant 16 : index
          %get3A_325 = tpu.vector_load %arg11[%get3A_322, %get3A_323, %get3A_324] {strides = array<i32>} : memref<2x128x128xf32, #tpu.memory_space<vmem>>, vector<1x1x16xf32>,
          %get3A_326 = vector.shape_cast %get3A_325 : vector<1x1x16xf32> to vector<16xf32>
          %mul3A_327 = vector.broadcast %squeeze3A_301 : f32 to vector<16xf32>
          %mul3A_328 = arith.mulf %get3A_326, %mul3A_327 : vector<16xf32>
          %swap3A_329 = arith.constant 0 : i32
          %swap3A_330 = arith.index_cast %swap3A_329 : i32 to index
          %swap3A_331 = arith.index_cast %add3A_305 : i32 to index
          %swap3A_332 = arith.constant 16 : index
          %swap3A_333 = tpu.vector_load %arg11[%swap3A_330, %swap3A_331, %swap3A_332] {strides = array<i32>} : memref<2x128x128xf32, #tpu.memory_space<vmem>>, vector<1x1x16xf32>,
          %swap3A_334 = vector.shape_cast %swap3A_333 : vector<1x1x16xf32> to vector<16xf32>
          %swap3A_335 = vector.shape_cast %mul3A_328 : vector<16xf32> to vector<1x1x16xf32>
          tpu.vector_store %arg11[%swap3A_330, %swap3A_331, %swap3A_332], %swap3A_335 {strides = array<i32>} : memref<2x128x128xf32, #tpu.memory_space<vmem>>, vector<1x1x16xf32>,
          %get3A_336 = arith.constant 0 : i32
          %get3A_337 = arith.index_cast %get3A_336 : i32 to index
          %get3A_338 = arith.index_cast %add3A_305 : i32 to index
          %get3A_339 = arith.constant 32 : index
          %get3A_340 = tpu.vector_load %arg11[%get3A_337, %get3A_338, %get3A_339] {strides = array<i32>} : memref<2x128x128xf32, #tpu.memory_space<vmem>>, vector<1x1x16xf32>,
          %get3A_341 = vector.shape_cast %get3A_340 : vector<1x1x16xf32> to vector<16xf32>
          %mul3A_342 = vector.broadcast %squeeze3A_301 : f32 to vector<16xf32>
          %mul3A_343 = arith.mulf %get3A_341, %mul3A_342 : vector<16xf32>
          %swap3A_344 = arith.constant 0 : i32
          %swap3A_345 = arith.index_cast %swap3A_344 : i32 to index
          %swap3A_346 = arith.index_cast %add3A_305 : i32 to index
          %swap3A_347 = arith.constant 32 : index
          %swap3A_348 = tpu.vector_load %arg11[%swap3A_345, %swap3A_346, %swap3A_347] {strides = array<i32>} : memref<2x128x128xf32, #tpu.memory_space<vmem>>, vector<1x1x16xf32>,
          %swap3A_349 = vector.shape_cast %swap3A_348 : vector<1x1x16xf32> to vector<16xf32>
          %swap3A_350 = vector.shape_cast %mul3A_343 : vector<16xf32> to vector<1x1x16xf32>
          tpu.vector_store %arg11[%swap3A_345, %swap3A_346, %swap3A_347], %swap3A_350 {strides = array<i32>} : memref<2x128x128xf32, #tpu.memory_space<vmem>>, vector<1x1x16xf32>,
          %get3A_351 = arith.constant 0 : i32
          %get3A_352 = arith.index_cast %get3A_351 : i32 to index
          %get3A_353 = arith.index_cast %add3A_305 : i32 to index
          %get3A_354 = arith.constant 48 : index
          %get3A_355 = tpu.vector_load %arg11[%get3A_352, %get3A_353, %get3A_354] {strides = array<i32>} : memref<2x128x128xf32, #tpu.memory_space<vmem>>, vector<1x1x16xf32>,
          %get3A_356 = vector.shape_cast %get3A_355 : vector<1x1x16xf32> to vector<16xf32>
          %mul3A_357 = vector.broadcast %squeeze3A_301 : f32 to vector<16xf32>
          %mul3A_358 = arith.mulf %get3A_356, %mul3A_357 : vector<16xf32>
          %swap3A_359 = arith.constant 0 : i32
          %swap3A_360 = arith.index_cast %swap3A_359 : i32 to index
          %swap3A_361 = arith.index_cast %add3A_305 : i32 to index
          %swap3A_362 = arith.constant 48 : index
          %swap3A_363 = tpu.vector_load %arg11[%swap3A_360, %swap3A_361, %swap3A_362] {strides = array<i32>} : memref<2x128x128xf32, #tpu.memory_space<vmem>>, vector<1x1x16xf32>,
          %swap3A_364 = vector.shape_cast %swap3A_363 : vector<1x1x16xf32> to vector<16xf32>
          %swap3A_365 = vector.shape_cast %mul3A_358 : vector<16xf32> to vector<1x1x16xf32>
          tpu.vector_store %arg11[%swap3A_360, %swap3A_361, %swap3A_362], %swap3A_365 {strides = array<i32>} : memref<2x128x128xf32, #tpu.memory_space<vmem>>, vector<1x1x16xf32>,
          %get3A_366 = arith.constant 0 : i32
          %get3A_367 = arith.index_cast %get3A_366 : i32 to index
          %get3A_368 = arith.index_cast %add3A_305 : i32 to index
          %get3A_369 = arith.constant 64 : index
          %get3A_370 = tpu.vector_load %arg11[%get3A_367, %get3A_368, %get3A_369] {strides = array<i32>} : memref<2x128x128xf32, #tpu.memory_space<vmem>>, vector<1x1x16xf32>,
          %get3A_371 = vector.shape_cast %get3A_370 : vector<1x1x16xf32> to vector<16xf32>
          %mul3A_372 = vector.broadcast %squeeze3A_301 : f32 to vector<16xf32>
          %mul3A_373 = arith.mulf %get3A_371, %mul3A_372 : vector<16xf32>
          %swap3A_374 = arith.constant 0 : i32
          %swap3A_375 = arith.index_cast %swap3A_374 : i32 to index
          %swap3A_376 = arith.index_cast %add3A_305 : i32 to index
          %swap3A_377 = arith.constant 64 : index
          %swap3A_378 = tpu.vector_load %arg11[%swap3A_375, %swap3A_376, %swap3A_377] {strides = array<i32>} : memref<2x128x128xf32, #tpu.memory_space<vmem>>, vector<1x1x16xf32>,
          %swap3A_379 = vector.shape_cast %swap3A_378 : vector<1x1x16xf32> to vector<16xf32>
          %swap3A_380 = vector.shape_cast %mul3A_373 : vector<16xf32> to vector<1x1x16xf32>
          tpu.vector_store %arg11[%swap3A_375, %swap3A_376, %swap3A_377], %swap3A_380 {strides = array<i32>} : memref<2x128x128xf32, #tpu.memory_space<vmem>>, vector<1x1x16xf32>,
          %get3A_381 = arith.constant 0 : i32
          %get3A_382 = arith.index_cast %get3A_381 : i32 to index
          %get3A_383 = arith.index_cast %add3A_305 : i32 to index
          %get3A_384 = arith.constant 80 : index
          %get3A_385 = tpu.vector_load %arg11[%get3A_382, %get3A_383, %get3A_384] {strides = array<i32>} : memref<2x128x128xf32, #tpu.memory_space<vmem>>, vector<1x1x16xf32>,
          %get3A_386 = vector.shape_cast %get3A_385 : vector<1x1x16xf32> to vector<16xf32>
          %mul3A_387 = vector.broadcast %squeeze3A_301 : f32 to vector<16xf32>
          %mul3A_388 = arith.mulf %get3A_386, %mul3A_387 : vector<16xf32>
          %swap3A_389 = arith.constant 0 : i32
          %swap3A_390 = arith.index_cast %swap3A_389 : i32 to index
          %swap3A_391 = arith.index_cast %add3A_305 : i32 to index
          %swap3A_392 = arith.constant 80 : index
          %swap3A_393 = tpu.vector_load %arg11[%swap3A_390, %swap3A_391, %swap3A_392] {strides = array<i32>} : memref<2x128x128xf32, #tpu.memory_space<vmem>>, vector<1x1x16xf32>,
          %swap3A_394 = vector.shape_cast %swap3A_393 : vector<1x1x16xf32> to vector<16xf32>
          %swap3A_395 = vector.shape_cast %mul3A_388 : vector<16xf32> to vector<1x1x16xf32>
          tpu.vector_store %arg11[%swap3A_390, %swap3A_391, %swap3A_392], %swap3A_395 {strides = array<i32>} : memref<2x128x128xf32, #tpu.memory_space<vmem>>, vector<1x1x16xf32>,
          %get3A_396 = arith.constant 0 : i32
          %get3A_397 = arith.index_cast %get3A_396 : i32 to index
          %get3A_398 = arith.index_cast %add3A_305 : i32 to index
          %get3A_399 = arith.constant 96 : index
          %get3A_400 = tpu.vector_load %arg11[%get3A_397, %get3A_398, %get3A_399] {strides = array<i32>} : memref<2x128x128xf32, #tpu.memory_space<vmem>>, vector<1x1x16xf32>,
          %get3A_401 = vector.shape_cast %get3A_400 : vector<1x1x16xf32> to vector<16xf32>
          %mul3A_402 = vector.broadcast %squeeze3A_301 : f32 to vector<16xf32>
          %mul3A_403 = arith.mulf %get3A_401, %mul3A_402 : vector<16xf32>
          %swap3A_404 = arith.constant 0 : i32
          %swap3A_405 = arith.index_cast %swap3A_404 : i32 to index
          %swap3A_406 = arith.index_cast %add3A_305 : i32 to index
          %swap3A_407 = arith.constant 96 : index
          %swap3A_408 = tpu.vector_load %arg11[%swap3A_405, %swap3A_406, %swap3A_407] {strides = array<i32>} : memref<2x128x128xf32, #tpu.memory_space<vmem>>, vector<1x1x16xf32>,
          %swap3A_409 = vector.shape_cast %swap3A_408 : vector<1x1x16xf32> to vector<16xf32>
          %swap3A_410 = vector.shape_cast %mul3A_403 : vector<16xf32> to vector<1x1x16xf32>
          tpu.vector_store %arg11[%swap3A_405, %swap3A_406, %swap3A_407], %swap3A_410 {strides = array<i32>} : memref<2x128x128xf32, #tpu.memory_space<vmem>>, vector<1x1x16xf32>,
          %get3A_411 = arith.constant 0 : i32
          %get3A_412 = arith.index_cast %get3A_411 : i32 to index
          %get3A_413 = arith.index_cast %add3A_305 : i32 to index
          %get3A_414 = arith.constant 112 : index
          %get3A_415 = tpu.vector_load %arg11[%get3A_412, %get3A_413, %get3A_414] {strides = array<i32>} : memref<2x128x128xf32, #tpu.memory_space<vmem>>, vector<1x1x16xf32>,
          %get3A_416 = vector.shape_cast %get3A_415 : vector<1x1x16xf32> to vector<16xf32>
          %mul3A_417 = vector.broadcast %squeeze3A_301 : f32 to vector<16xf32>
          %mul3A_418 = arith.mulf %get3A_416, %mul3A_417 : vector<16xf32>
          %swap3A_419 = arith.constant 0 : i32
          %swap3A_420 = arith.index_cast %swap3A_419 : i32 to index
          %swap3A_421 = arith.index_cast %add3A_305 : i32 to index
          %swap3A_422 = arith.constant 112 : index
          %swap3A_423 = tpu.vector_load %arg11[%swap3A_420, %swap3A_421, %swap3A_422] {strides = array<i32>} : memref<2x128x128xf32, #tpu.memory_space<vmem>>, vector<1x1x16xf32>,
          %swap3A_424 = vector.shape_cast %swap3A_423 : vector<1x1x16xf32> to vector<16xf32>
          %swap3A_425 = vector.shape_cast %mul3A_418 : vector<16xf32> to vector<1x1x16xf32>
          tpu.vector_store %arg11[%swap3A_420, %swap3A_421, %swap3A_422], %swap3A_425 {strides = array<i32>} : memref<2x128x128xf32, #tpu.memory_space<vmem>>, vector<1x1x16xf32>,
          %slice3A_426 = vector.extract_strided_slice %get3A_176 {offsets = [2], sizes = [1], strides = [1]} : vector<16xf32> to vector<1xf32>
          %squeeze3A_427 = vector.extract %slice3A_426[0] : f32 from vector<1xf32>
          %mul3A_428 = arith.constant 16 : i32
          %mul3A_429 = arith.muli %scan3A_170, %mul3A_428 : i32
          %add3A_430 = arith.constant 2 : i32
          %add3A_431 = arith.addi %mul3A_429, %add3A_430 : i32
          %get3A_432 = arith.constant 0 : i32
          %get3A_433 = arith.index_cast %get3A_432 : i32 to index
          %get3A_434 = arith.index_cast %add3A_431 : i32 to index
          %get3A_435 = arith.constant 0 : index
          %get3A_436 = tpu.vector_load %arg11[%get3A_433, %get3A_434, %get3A_435] {strides = array<i32>} : memref<2x128x128xf32, #tpu.memory_space<vmem>>, vector<1x1x16xf32>,
          %get3A_437 = vector.shape_cast %get3A_436 : vector<1x1x16xf32> to vector<16xf32>
          %mul3A_438 = vector.broadcast %squeeze3A_427 : f32 to vector<16xf32>
          %mul3A_439 = arith.mulf %get3A_437, %mul3A_438 : vector<16xf32>
          %swap3A_440 = arith.constant 0 : i32
          %swap3A_441 = arith.index_cast %swap3A_440 : i32 to index
          %swap3A_442 = arith.index_cast %add3A_431 : i32 to index
          %swap3A_443 = arith.constant 0 : index
          %swap3A_444 = tpu.vector_load %arg11[%swap3A_441, %swap3A_442, %swap3A_443] {strides = array<i32>} : memref<2x128x128xf32, #tpu.memory_space<vmem>>, vector<1x1x16xf32>,
          %swap3A_445 = vector.shape_cast %swap3A_444 : vector<1x1x16xf32> to vector<16xf32>
          %swap3A_446 = vector.shape_cast %mul3A_439 : vector<16xf32> to vector<1x1x16xf32>
          tpu.vector_store %arg11[%swap3A_441, %swap3A_442, %swap3A_443], %swap3A_446 {strides = array<i32>} : memref<2x128x128xf32, #tpu.memory_space<vmem>>, vector<1x1x16xf32>,
          %get3A_447 = arith.constant 0 : i32
          %get3A_448 = arith.index_cast %get3A_447 : i32 to index
          %get3A_449 = arith.index_cast %add3A_431 : i32 to index
          %get3A_450 = arith.constant 16 : index
          %get3A_451 = tpu.vector_load %arg11[%get3A_448, %get3A_449, %get3A_450] {strides = array<i32>} : memref<2x128x128xf32, #tpu.memory_space<vmem>>, vector<1x1x16xf32>,
          %get3A_452 = vector.shape_cast %get3A_451 : vector<1x1x16xf32> to vector<16xf32>
          %mul3A_453 = vector.broadcast %squeeze3A_427 : f32 to vector<16xf32>
          %mul3A_454 = arith.mulf %get3A_452, %mul3A_453 : vector<16xf32>
          %swap3A_455 = arith.constant 0 : i32
          %swap3A_456 = arith.index_cast %swap3A_455 : i32 to index
          %swap3A_457 = arith.index_cast %add3A_431 : i32 to index
          %swap3A_458 = arith.constant 16 : index
          %swap3A_459 = tpu.vector_load %arg11[%swap3A_456, %swap3A_457, %swap3A_458] {strides = array<i32>} : memref<2x128x128xf32, #tpu.memory_space<vmem>>, vector<1x1x16xf32>,
          %swap3A_460 = vector.shape_cast %swap3A_459 : vector<1x1x16xf32> to vector<16xf32>
          %swap3A_461 = vector.shape_cast %mul3A_454 : vector<16xf32> to vector<1x1x16xf32>
          tpu.vector_store %arg11[%swap3A_456, %swap3A_457, %swap3A_458], %swap3A_461 {strides = array<i32>} : memref<2x128x128xf32, #tpu.memory_space<vmem>>, vector<1x1x16xf32>,
          %get3A_462 = arith.constant 0 : i32
          %get3A_463 = arith.index_cast %get3A_462 : i32 to index
          %get3A_464 = arith.index_cast %add3A_431 : i32 to index
          %get3A_465 = arith.constant 32 : index
          %get3A_466 = tpu.vector_load %arg11[%get3A_463, %get3A_464, %get3A_465] {strides = array<i32>} : memref<2x128x128xf32, #tpu.memory_space<vmem>>, vector<1x1x16xf32>,
          %get3A_467 = vector.shape_cast %get3A_466 : vector<1x1x16xf32> to vector<16xf32>
          %mul3A_468 = vector.broadcast %squeeze3A_427 : f32 to vector<16xf32>
          %mul3A_469 = arith.mulf %get3A_467, %mul3A_468 : vector<16xf32>
          %swap3A_470 = arith.constant 0 : i32
          %swap3A_471 = arith.index_cast %swap3A_470 : i32 to index
          %swap3A_472 = arith.index_cast %add3A_431 : i32 to index
          %swap3A_473 = arith.constant 32 : index
          %swap3A_474 = tpu.vector_load %arg11[%swap3A_471, %swap3A_472, %swap3A_473] {strides = array<i32>} : memref<2x128x128xf32, #tpu.memory_space<vmem>>, vector<1x1x16xf32>,
          %swap3A_475 = vector.shape_cast %swap3A_474 : vector<1x1x16xf32> to vector<16xf32>
          %swap3A_476 = vector.shape_cast %mul3A_469 : vector<16xf32> to vector<1x1x16xf32>
          tpu.vector_store %arg11[%swap3A_471, %swap3A_472, %swap3A_473], %swap3A_476 {strides = array<i32>} : memref<2x128x128xf32, #tpu.memory_space<vmem>>, vector<1x1x16xf32>,
          %get3A_477 = arith.constant 0 : i32
          %get3A_478 = arith.index_cast %get3A_477 : i32 to index
          %get3A_479 = arith.index_cast %add3A_431 : i32 to index
          %get3A_480 = arith.constant 48 : index
          %get3A_481 = tpu.vector_load %arg11[%get3A_478, %get3A_479, %get3A_480] {strides = array<i32>} : memref<2x128x128xf32, #tpu.memory_space<vmem>>, vector<1x1x16xf32>,
          %get3A_482 = vector.shape_cast %get3A_481 : vector<1x1x16xf32> to vector<16xf32>
          %mul3A_483 = vector.broadcast %squeeze3A_427 : f32 to vector<16xf32>
          %mul3A_484 = arith.mulf %get3A_482, %mul3A_483 : vector<16xf32>
          %swap3A_485 = arith.constant 0 : i32
          %swap3A_486 = arith.index_cast %swap3A_485 : i32 to index
          %swap3A_487 = arith.index_cast %add3A_431 : i32 to index
          %swap3A_488 = arith.constant 48 : index
          %swap3A_489 = tpu.vector_load %arg11[%swap3A_486, %swap3A_487, %swap3A_488] {strides = array<i32>} : memref<2x128x128xf32, #tpu.memory_space<vmem>>, vector<1x1x16xf32>,
          %swap3A_490 = vector.shape_cast %swap3A_489 : vector<1x1x16xf32> to vector<16xf32>
          %swap3A_491 = vector.shape_cast %mul3A_484 : vector<16xf32> to vector<1x1x16xf32>
          tpu.vector_store %arg11[%swap3A_486, %swap3A_487, %swap3A_488], %swap3A_491 {strides = array<i32>} : memref<2x128x128xf32, #tpu.memory_space<vmem>>, vector<1x1x16xf32>,
          %get3A_492 = arith.constant 0 : i32
          %get3A_493 = arith.index_cast %get3A_492 : i32 to index
          %get3A_494 = arith.index_cast %add3A_431 : i32 to index
          %get3A_495 = arith.constant 64 : index
          %get3A_496 = tpu.vector_load %arg11[%get3A_493, %get3A_494, %get3A_495] {strides = array<i32>} : memref<2x128x128xf32, #tpu.memory_space<vmem>>, vector<1x1x16xf32>,
          %get3A_497 = vector.shape_cast %get3A_496 : vector<1x1x16xf32> to vector<16xf32>
          %mul3A_498 = vector.broadcast %squeeze3A_427 : f32 to vector<16xf32>
          %mul3A_499 = arith.mulf %get3A_497, %mul3A_498 : vector<16xf32>
          %swap3A_500 = arith.constant 0 : i32
          %swap3A_501 = arith.index_cast %swap3A_500 : i32 to index
          %swap3A_502 = arith.index_cast %add3A_431 : i32 to index
          %swap3A_503 = arith.constant 64 : index
          %swap3A_504 = tpu.vector_load %arg11[%swap3A_501, %swap3A_502, %swap3A_503] {strides = array<i32>} : memref<2x128x128xf32, #tpu.memory_space<vmem>>, vector<1x1x16xf32>,
          %swap3A_505 = vector.shape_cast %swap3A_504 : vector<1x1x16xf32> to vector<16xf32>
          %swap3A_506 = vector.shape_cast %mul3A_499 : vector<16xf32> to vector<1x1x16xf32>
          tpu.vector_store %arg11[%swap3A_501, %swap3A_502, %swap3A_503], %swap3A_506 {strides = array<i32>} : memref<2x128x128xf32, #tpu.memory_space<vmem>>, vector<1x1x16xf32>,
          %get3A_507 = arith.constant 0 : i32
          %get3A_508 = arith.index_cast %get3A_507 : i32 to index
          %get3A_509 = arith.index_cast %add3A_431 : i32 to index
          %get3A_510 = arith.constant 80 : index
          %get3A_511 = tpu.vector_load %arg11[%get3A_508, %get3A_509, %get3A_510] {strides = array<i32>} : memref<2x128x128xf32, #tpu.memory_space<vmem>>, vector<1x1x16xf32>,
          %get3A_512 = vector.shape_cast %get3A_511 : vector<1x1x16xf32> to vector<16xf32>
          %mul3A_513 = vector.broadcast %squeeze3A_427 : f32 to vector<16xf32>
          %mul3A_514 = arith.mulf %get3A_512, %mul3A_513 : vector<16xf32>
          %swap3A_515 = arith.constant 0 : i32
          %swap3A_516 = arith.index_cast %swap3A_515 : i32 to index
          %swap3A_517 = arith.index_cast %add3A_431 : i32 to index
          %swap3A_518 = arith.constant 80 : index
          %swap3A_519 = tpu.vector_load %arg11[%swap3A_516, %swap3A_517, %swap3A_518] {strides = array<i32>} : memref<2x128x128xf32, #tpu.memory_space<vmem>>, vector<1x1x16xf32>,
          %swap3A_520 = vector.shape_cast %swap3A_519 : vector<1x1x16xf32> to vector<16xf32>
          %swap3A_521 = vector.shape_cast %mul3A_514 : vector<16xf32> to vector<1x1x16xf32>
          tpu.vector_store %arg11[%swap3A_516, %swap3A_517, %swap3A_518], %swap3A_521 {strides = array<i32>} : memref<2x128x128xf32, #tpu.memory_space<vmem>>, vector<1x1x16xf32>,
          %get3A_522 = arith.constant 0 : i32
          %get3A_523 = arith.index_cast %get3A_522 : i32 to index
          %get3A_524 = arith.index_cast %add3A_431 : i32 to index
          %get3A_525 = arith.constant 96 : index
          %get3A_526 = tpu.vector_load %arg11[%get3A_523, %get3A_524, %get3A_525] {strides = array<i32>} : memref<2x128x128xf32, #tpu.memory_space<vmem>>, vector<1x1x16xf32>,
          %get3A_527 = vector.shape_cast %get3A_526 : vector<1x1x16xf32> to vector<16xf32>
          %mul3A_528 = vector.broadcast %squeeze3A_427 : f32 to vector<16xf32>
          %mul3A_529 = arith.mulf %get3A_527, %mul3A_528 : vector<16xf32>
          %swap3A_530 = arith.constant 0 : i32
          %swap3A_531 = arith.index_cast %swap3A_530 : i32 to index
          %swap3A_532 = arith.index_cast %add3A_431 : i32 to index
          %swap3A_533 = arith.constant 96 : index
          %swap3A_534 = tpu.vector_load %arg11[%swap3A_531, %swap3A_532, %swap3A_533] {strides = array<i32>} : memref<2x128x128xf32, #tpu.memory_space<vmem>>, vector<1x1x16xf32>,
          %swap3A_535 = vector.shape_cast %swap3A_534 : vector<1x1x16xf32> to vector<16xf32>
          %swap3A_536 = vector.shape_cast %mul3A_529 : vector<16xf32> to vector<1x1x16xf32>
          tpu.vector_store %arg11[%swap3A_531, %swap3A_532, %swap3A_533], %swap3A_536 {strides = array<i32>} : memref<2x128x128xf32, #tpu.memory_space<vmem>>, vector<1x1x16xf32>,
          %get3A_537 = arith.constant 0 : i32
          %get3A_538 = arith.index_cast %get3A_537 : i32 to index
          %get3A_539 = arith.index_cast %add3A_431 : i32 to index
          %get3A_540 = arith.constant 112 : index
          %get3A_541 = tpu.vector_load %arg11[%get3A_538, %get3A_539, %get3A_540] {strides = array<i32>} : memref<2x128x128xf32, #tpu.memory_space<vmem>>, vector<1x1x16xf32>,
          %get3A_542 = vector.shape_cast %get3A_541 : vector<1x1x16xf32> to vector<16xf32>
          %mul3A_543 = vector.broadcast %squeeze3A_427 : f32 to vector<16xf32>
          %mul3A_544 = arith.mulf %get3A_542, %mul3A_543 : vector<16xf32>
          %swap3A_545 = arith.constant 0 : i32
          %swap3A_546 = arith.index_cast %swap3A_545 : i32 to index
          %swap3A_547 = arith.index_cast %add3A_431 : i32 to index
          %swap3A_548 = arith.constant 112 : index
          %swap3A_549 = tpu.vector_load %arg11[%swap3A_546, %swap3A_547, %swap3A_548] {strides = array<i32>} : memref<2x128x128xf32, #tpu.memory_space<vmem>>, vector<1x1x16xf32>,
          %swap3A_550 = vector.shape_cast %swap3A_549 : vector<1x1x16xf32> to vector<16xf32>
          %swap3A_551 = vector.shape_cast %mul3A_544 : vector<16xf32> to vector<1x1x16xf32>
          tpu.vector_store %arg11[%swap3A_546, %swap3A_547, %swap3A_548], %swap3A_551 {strides = array<i32>} : memref<2x128x128xf32, #tpu.memory_space<vmem>>, vector<1x1x16xf32>,
          %slice3A_552 = vector.extract_strided_slice %get3A_176 {offsets = [3], sizes = [1], strides = [1]} : vector<16xf32> to vector<1xf32>
          %squeeze3A_553 = vector.extract %slice3A_552[0] : f32 from vector<1xf32>
          %mul3A_554 = arith.constant 16 : i32
          %mul3A_555 = arith.muli %scan3A_170, %mul3A_554 : i32
          %add3A_556 = arith.constant 3 : i32
          %add3A_557 = arith.addi %mul3A_555, %add3A_556 : i32
          %get3A_558 = arith.constant 0 : i32
          %get3A_559 = arith.index_cast %get3A_558 : i32 to index
          %get3A_560 = arith.index_cast %add3A_557 : i32 to index
          %get3A_561 = arith.constant 0 : index
          %get3A_562 = tpu.vector_load %arg11[%get3A_559, %get3A_560, %get3A_561] {strides = array<i32>} : memref<2x128x128xf32, #tpu.memory_space<vmem>>, vector<1x1x16xf32>,
          %get3A_563 = vector.shape_cast %get3A_562 : vector<1x1x16xf32> to vector<16xf32>
          %mul3A_564 = vector.broadcast %squeeze3A_553 : f32 to vector<16xf32>
          %mul3A_565 = arith.mulf %get3A_563, %mul3A_564 : vector<16xf32>
          %swap3A_566 = arith.constant 0 : i32
          %swap3A_567 = arith.index_cast %swap3A_566 : i32 to index
          %swap3A_568 = arith.index_cast %add3A_557 : i32 to index
          %swap3A_569 = arith.constant 0 : index
          %swap3A_570 = tpu.vector_load %arg11[%swap3A_567, %swap3A_568, %swap3A_569] {strides = array<i32>} : memref<2x128x128xf32, #tpu.memory_space<vmem>>, vector<1x1x16xf32>,
          %swap3A_571 = vector.shape_cast %swap3A_570 : vector<1x1x16xf32> to vector<16xf32>
          %swap3A_572 = vector.shape_cast %mul3A_565 : vector<16xf32> to vector<1x1x16xf32>
          tpu.vector_store %arg11[%swap3A_567, %swap3A_568, %swap3A_569], %swap3A_572 {strides = array<i32>} : memref<2x128x128xf32, #tpu.memory_space<vmem>>, vector<1x1x16xf32>,
          %get3A_573 = arith.constant 0 : i32
          %get3A_574 = arith.index_cast %get3A_573 : i32 to index
          %get3A_575 = arith.index_cast %add3A_557 : i32 to index
          %get3A_576 = arith.constant 16 : index
          %get3A_577 = tpu.vector_load %arg11[%get3A_574, %get3A_575, %get3A_576] {strides = array<i32>} : memref<2x128x128xf32, #tpu.memory_space<vmem>>, vector<1x1x16xf32>,
          %get3A_578 = vector.shape_cast %get3A_577 : vector<1x1x16xf32> to vector<16xf32>
          %mul3A_579 = vector.broadcast %squeeze3A_553 : f32 to vector<16xf32>
          %mul3A_580 = arith.mulf %get3A_578, %mul3A_579 : vector<16xf32>
          %swap3A_581 = arith.constant 0 : i32
          %swap3A_582 = arith.index_cast %swap3A_581 : i32 to index
          %swap3A_583 = arith.index_cast %add3A_557 : i32 to index
          %swap3A_584 = arith.constant 16 : index
          %swap3A_585 = tpu.vector_load %arg11[%swap3A_582, %swap3A_583, %swap3A_584] {strides = array<i32>} : memref<2x128x128xf32, #tpu.memory_space<vmem>>, vector<1x1x16xf32>,
          %swap3A_586 = vector.shape_cast %swap3A_585 : vector<1x1x16xf32> to vector<16xf32>
          %swap3A_587 = vector.shape_cast %mul3A_580 : vector<16xf32> to vector<1x1x16xf32>
          tpu.vector_store %arg11[%swap3A_582, %swap3A_583, %swap3A_584], %swap3A_587 {strides = array<i32>} : memref<2x128x128xf32, #tpu.memory_space<vmem>>, vector<1x1x16xf32>,
          %get3A_588 = arith.constant 0 : i32
          %get3A_589 = arith.index_cast %get3A_588 : i32 to index
          %get3A_590 = arith.index_cast %add3A_557 : i32 to index
          %get3A_591 = arith.constant 32 : index
          %get3A_592 = tpu.vector_load %arg11[%get3A_589, %get3A_590, %get3A_591] {strides = array<i32>} : memref<2x128x128xf32, #tpu.memory_space<vmem>>, vector<1x1x16xf32>,
          %get3A_593 = vector.shape_cast %get3A_592 : vector<1x1x16xf32> to vector<16xf32>
          %mul3A_594 = vector.broadcast %squeeze3A_553 : f32 to vector<16xf32>
          %mul3A_595 = arith.mulf %get3A_593, %mul3A_594 : vector<16xf32>
          %swap3A_596 = arith.constant 0 : i32
          %swap3A_597 = arith.index_cast %swap3A_596 : i32 to index
          %swap3A_598 = arith.index_cast %add3A_557 : i32 to index
          %swap3A_599 = arith.constant 32 : index
          %swap3A_600 = tpu.vector_load %arg11[%swap3A_597, %swap3A_598, %swap3A_599] {strides = array<i32>} : memref<2x128x128xf32, #tpu.memory_space<vmem>>, vector<1x1x16xf32>,
          %swap3A_601 = vector.shape_cast %swap3A_600 : vector<1x1x16xf32> to vector<16xf32>
          %swap3A_602 = vector.shape_cast %mul3A_595 : vector<16xf32> to vector<1x1x16xf32>
          tpu.vector_store %arg11[%swap3A_597, %swap3A_598, %swap3A_599], %swap3A_602 {strides = array<i32>} : memref<2x128x128xf32, #tpu.memory_space<vmem>>, vector<1x1x16xf32>,
          %get3A_603 = arith.constant 0 : i32
          %get3A_604 = arith.index_cast %get3A_603 : i32 to index
          %get3A_605 = arith.index_cast %add3A_557 : i32 to index
          %get3A_606 = arith.constant 48 : index
          %get3A_607 = tpu.vector_load %arg11[%get3A_604, %get3A_605, %get3A_606] {strides = array<i32>} : memref<2x128x128xf32, #tpu.memory_space<vmem>>, vector<1x1x16xf32>,
          %get3A_608 = vector.shape_cast %get3A_607 : vector<1x1x16xf32> to vector<16xf32>
          %mul3A_609 = vector.broadcast %squeeze3A_553 : f32 to vector<16xf32>
          %mul3A_610 = arith.mulf %get3A_608, %mul3A_609 : vector<16xf32>
          %swap3A_611 = arith.constant 0 : i32
          %swap3A_612 = arith.index_cast %swap3A_611 : i32 to index
          %swap3A_613 = arith.index_cast %add3A_557 : i32 to index
          %swap3A_614 = arith.constant 48 : index
          %swap3A_615 = tpu.vector_load %arg11[%swap3A_612, %swap3A_613, %swap3A_614] {strides = array<i32>} : memref<2x128x128xf32, #tpu.memory_space<vmem>>, vector<1x1x16xf32>,
          %swap3A_616 = vector.shape_cast %swap3A_615 : vector<1x1x16xf32> to vector<16xf32>
          %swap3A_617 = vector.shape_cast %mul3A_610 : vector<16xf32> to vector<1x1x16xf32>
          tpu.vector_store %arg11[%swap3A_612, %swap3A_613, %swap3A_614], %swap3A_617 {strides = array<i32>} : memref<2x128x128xf32, #tpu.memory_space<vmem>>, vector<1x1x16xf32>,
          %get3A_618 = arith.constant 0 : i32
          %get3A_619 = arith.index_cast %get3A_618 : i32 to index
          %get3A_620 = arith.index_cast %add3A_557 : i32 to index
          %get3A_621 = arith.constant 64 : index
          %get3A_622 = tpu.vector_load %arg11[%get3A_619, %get3A_620, %get3A_621] {strides = array<i32>} : memref<2x128x128xf32, #tpu.memory_space<vmem>>, vector<1x1x16xf32>,
          %get3A_623 = vector.shape_cast %get3A_622 : vector<1x1x16xf32> to vector<16xf32>
          %mul3A_624 = vector.broadcast %squeeze3A_553 : f32 to vector<16xf32>
          %mul3A_625 = arith.mulf %get3A_623, %mul3A_624 : vector<16xf32>
          %swap3A_626 = arith.constant 0 : i32
          %swap3A_627 = arith.index_cast %swap3A_626 : i32 to index
          %swap3A_628 = arith.index_cast %add3A_557 : i32 to index
          %swap3A_629 = arith.constant 64 : index
          %swap3A_630 = tpu.vector_load %arg11[%swap3A_627, %swap3A_628, %swap3A_629] {strides = array<i32>} : memref<2x128x128xf32, #tpu.memory_space<vmem>>, vector<1x1x16xf32>,
          %swap3A_631 = vector.shape_cast %swap3A_630 : vector<1x1x16xf32> to vector<16xf32>
          %swap3A_632 = vector.shape_cast %mul3A_625 : vector<16xf32> to vector<1x1x16xf32>
          tpu.vector_store %arg11[%swap3A_627, %swap3A_628, %swap3A_629], %swap3A_632 {strides = array<i32>} : memref<2x128x128xf32, #tpu.memory_space<vmem>>, vector<1x1x16xf32>,
          %get3A_633 = arith.constant 0 : i32
          %get3A_634 = arith.index_cast %get3A_633 : i32 to index
          %get3A_635 = arith.index_cast %add3A_557 : i32 to index
          %get3A_636 = arith.constant 80 : index
          %get3A_637 = tpu.vector_load %arg11[%get3A_634, %get3A_635, %get3A_636] {strides = array<i32>} : memref<2x128x128xf32, #tpu.memory_space<vmem>>, vector<1x1x16xf32>,
          %get3A_638 = vector.shape_cast %get3A_637 : vector<1x1x16xf32> to vector<16xf32>
          %mul3A_639 = vector.broadcast %squeeze3A_553 : f32 to vector<16xf32>
          %mul3A_640 = arith.mulf %get3A_638, %mul3A_639 : vector<16xf32>
          %swap3A_641 = arith.constant 0 : i32
          %swap3A_642 = arith.index_cast %swap3A_641 : i32 to index
          %swap3A_643 = arith.index_cast %add3A_557 : i32 to index
          %swap3A_644 = arith.constant 80 : index
          %swap3A_645 = tpu.vector_load %arg11[%swap3A_642, %swap3A_643, %swap3A_644] {strides = array<i32>} : memref<2x128x128xf32, #tpu.memory_space<vmem>>, vector<1x1x16xf32>,
          %swap3A_646 = vector.shape_cast %swap3A_645 : vector<1x1x16xf32> to vector<16xf32>
          %swap3A_647 = vector.shape_cast %mul3A_640 : vector<16xf32> to vector<1x1x16xf32>
          tpu.vector_store %arg11[%swap3A_642, %swap3A_643, %swap3A_644], %swap3A_647 {strides = array<i32>} : memref<2x128x128xf32, #tpu.memory_space<vmem>>, vector<1x1x16xf32>,
          %get3A_648 = arith.constant 0 : i32
          %get3A_649 = arith.index_cast %get3A_648 : i32 to index
          %get3A_650 = arith.index_cast %add3A_557 : i32 to index
          %get3A_651 = arith.constant 96 : index
          %get3A_652 = tpu.vector_load %arg11[%get3A_649, %get3A_650, %get3A_651] {strides = array<i32>} : memref<2x128x128xf32, #tpu.memory_space<vmem>>, vector<1x1x16xf32>,
          %get3A_653 = vector.shape_cast %get3A_652 : vector<1x1x16xf32> to vector<16xf32>
          %mul3A_654 = vector.broadcast %squeeze3A_553 : f32 to vector<16xf32>
          %mul3A_655 = arith.mulf %get3A_653, %mul3A_654 : vector<16xf32>
          %swap3A_656 = arith.constant 0 : i32
          %swap3A_657 = arith.index_cast %swap3A_656 : i32 to index
          %swap3A_658 = arith.index_cast %add3A_557 : i32 to index
          %swap3A_659 = arith.constant 96 : index
          %swap3A_660 = tpu.vector_load %arg11[%swap3A_657, %swap3A_658, %swap3A_659] {strides = array<i32>} : memref<2x128x128xf32, #tpu.memory_space<vmem>>, vector<1x1x16xf32>,
          %swap3A_661 = vector.shape_cast %swap3A_660 : vector<1x1x16xf32> to vector<16xf32>
          %swap3A_662 = vector.shape_cast %mul3A_655 : vector<16xf32> to vector<1x1x16xf32>
          tpu.vector_store %arg11[%swap3A_657, %swap3A_658, %swap3A_659], %swap3A_662 {strides = array<i32>} : memref<2x128x128xf32, #tpu.memory_space<vmem>>, vector<1x1x16xf32>,
          %get3A_663 = arith.constant 0 : i32
          %get3A_664 = arith.index_cast %get3A_663 : i32 to index
          %get3A_665 = arith.index_cast %add3A_557 : i32 to index
          %get3A_666 = arith.constant 112 : index
          %get3A_667 = tpu.vector_load %arg11[%get3A_664, %get3A_665, %get3A_666] {strides = array<i32>} : memref<2x128x128xf32, #tpu.memory_space<vmem>>, vector<1x1x16xf32>,
          %get3A_668 = vector.shape_cast %get3A_667 : vector<1x1x16xf32> to vector<16xf32>
          %mul3A_669 = vector.broadcast %squeeze3A_553 : f32 to vector<16xf32>
          %mul3A_670 = arith.mulf %get3A_668, %mul3A_669 : vector<16xf32>
          %swap3A_671 = arith.constant 0 : i32
          %swap3A_672 = arith.index_cast %swap3A_671 : i32 to index
          %swap3A_673 = arith.index_cast %add3A_557 : i32 to index
          %swap3A_674 = arith.constant 112 : index
          %swap3A_675 = tpu.vector_load %arg11[%swap3A_672, %swap3A_673, %swap3A_674] {strides = array<i32>} : memref<2x128x128xf32, #tpu.memory_space<vmem>>, vector<1x1x16xf32>,
          %swap3A_676 = vector.shape_cast %swap3A_675 : vector<1x1x16xf32> to vector<16xf32>
          %swap3A_677 = vector.shape_cast %mul3A_670 : vector<16xf32> to vector<1x1x16xf32>
          tpu.vector_store %arg11[%swap3A_672, %swap3A_673, %swap3A_674], %swap3A_677 {strides = array<i32>} : memref<2x128x128xf32, #tpu.memory_space<vmem>>, vector<1x1x16xf32>,
          %slice3A_678 = vector.extract_strided_slice %get3A_176 {offsets = [4], sizes = [1], strides = [1]} : vector<16xf32> to vector<1xf32>
          %squeeze3A_679 = vector.extract %slice3A_678[0] : f32 from vector<1xf32>
          %mul3A_680 = arith.constant 16 : i32
          %mul3A_681 = arith.muli %scan3A_170, %mul3A_680 : i32
          %add3A_682 = arith.constant 4 : i32
          %add3A_683 = arith.addi %mul3A_681, %add3A_682 : i32
          %get3A_684 = arith.constant 0 : i32
          %get3A_685 = arith.index_cast %get3A_684 : i32 to index
          %get3A_686 = arith.index_cast %add3A_683 : i32 to index
          %get3A_687 = arith.constant 0 : index
          %get3A_688 = tpu.vector_load %arg11[%get3A_685, %get3A_686, %get3A_687] {strides = array<i32>} : memref<2x128x128xf32, #tpu.memory_space<vmem>>, vector<1x1x16xf32>,
          %get3A_689 = vector.shape_cast %get3A_688 : vector<1x1x16xf32> to vector<16xf32>
          %mul3A_690 = vector.broadcast %squeeze3A_679 : f32 to vector<16xf32>
          %mul3A_691 = arith.mulf %get3A_689, %mul3A_690 : vector<16xf32>
          %swap3A_692 = arith.constant 0 : i32
          %swap3A_693 = arith.index_cast %swap3A_692 : i32 to index
          %swap3A_694 = arith.index_cast %add3A_683 : i32 to index
          %swap3A_695 = arith.constant 0 : index
          %swap3A_696 = tpu.vector_load %arg11[%swap3A_693, %swap3A_694, %swap3A_695] {strides = array<i32>} : memref<2x128x128xf32, #tpu.memory_space<vmem>>, vector<1x1x16xf32>,
          %swap3A_697 = vector.shape_cast %swap3A_696 : vector<1x1x16xf32> to vector<16xf32>
          %swap3A_698 = vector.shape_cast %mul3A_691 : vector<16xf32> to vector<1x1x16xf32>
          tpu.vector_store %arg11[%swap3A_693, %swap3A_694, %swap3A_695], %swap3A_698 {strides = array<i32>} : memref<2x128x128xf32, #tpu.memory_space<vmem>>, vector<1x1x16xf32>,
          %get3A_699 = arith.constant 0 : i32
          %get3A_700 = arith.index_cast %get3A_699 : i32 to index
          %get3A_701 = arith.index_cast %add3A_683 : i32 to index
          %get3A_702 = arith.constant 16 : index
          %get3A_703 = tpu.vector_load %arg11[%get3A_700, %get3A_701, %get3A_702] {strides = array<i32>} : memref<2x128x128xf32, #tpu.memory_space<vmem>>, vector<1x1x16xf32>,
          %get3A_704 = vector.shape_cast %get3A_703 : vector<1x1x16xf32> to vector<16xf32>
          %mul3A_705 = vector.broadcast %squeeze3A_679 : f32 to vector<16xf32>
          %mul3A_706 = arith.mulf %get3A_704, %mul3A_705 : vector<16xf32>
          %swap3A_707 = arith.constant 0 : i32
          %swap3A_708 = arith.index_cast %swap3A_707 : i32 to index
          %swap3A_709 = arith.index_cast %add3A_683 : i32 to index
          %swap3A_710 = arith.constant 16 : index
          %swap3A_711 = tpu.vector_load %arg11[%swap3A_708, %swap3A_709, %swap3A_710] {strides = array<i32>} : memref<2x128x128xf32, #tpu.memory_space<vmem>>, vector<1x1x16xf32>,
          %swap3A_712 = vector.shape_cast %swap3A_711 : vector<1x1x16xf32> to vector<16xf32>
          %swap3A_713 = vector.shape_cast %mul3A_706 : vector<16xf32> to vector<1x1x16xf32>
          tpu.vector_store %arg11[%swap3A_708, %swap3A_709, %swap3A_710], %swap3A_713 {strides = array<i32>} : memref<2x128x128xf32, #tpu.memory_space<vmem>>, vector<1x1x16xf32>,
          %get3A_714 = arith.constant 0 : i32
          %get3A_715 = arith.index_cast %get3A_714 : i32 to index
          %get3A_716 = arith.index_cast %add3A_683 : i32 to index
          %get3A_717 = arith.constant 32 : index
          %get3A_718 = tpu.vector_load %arg11[%get3A_715, %get3A_716, %get3A_717] {strides = array<i32>} : memref<2x128x128xf32, #tpu.memory_space<vmem>>, vector<1x1x16xf32>,
          %get3A_719 = vector.shape_cast %get3A_718 : vector<1x1x16xf32> to vector<16xf32>
          %mul3A_720 = vector.broadcast %squeeze3A_679 : f32 to vector<16xf32>
          %mul3A_721 = arith.mulf %get3A_719, %mul3A_720 : vector<16xf32>
          %swap3A_722 = arith.constant 0 : i32
          %swap3A_723 = arith.index_cast %swap3A_722 : i32 to index
          %swap3A_724 = arith.index_cast %add3A_683 : i32 to index
          %swap3A_725 = arith.constant 32 : index
          %swap3A_726 = tpu.vector_load %arg11[%swap3A_723, %swap3A_724, %swap3A_725] {strides = array<i32>} : memref<2x128x128xf32, #tpu.memory_space<vmem>>, vector<1x1x16xf32>,
          %swap3A_727 = vector.shape_cast %swap3A_726 : vector<1x1x16xf32> to vector<16xf32>
          %swap3A_728 = vector.shape_cast %mul3A_721 : vector<16xf32> to vector<1x1x16xf32>
          tpu.vector_store %arg11[%swap3A_723, %swap3A_724, %swap3A_725], %swap3A_728 {strides = array<i32>} : memref<2x128x128xf32, #tpu.memory_space<vmem>>, vector<1x1x16xf32>,
          %get3A_729 = arith.constant 0 : i32
          %get3A_730 = arith.index_cast %get3A_729 : i32 to index
          %get3A_731 = arith.index_cast %add3A_683 : i32 to index
          %get3A_732 = arith.constant 48 : index
          %get3A_733 = tpu.vector_load %arg11[%get3A_730, %get3A_731, %get3A_732] {strides = array<i32>} : memref<2x128x128xf32, #tpu.memory_space<vmem>>, vector<1x1x16xf32>,
          %get3A_734 = vector.shape_cast %get3A_733 : vector<1x1x16xf32> to vector<16xf32>
          %mul3A_735 = vector.broadcast %squeeze3A_679 : f32 to vector<16xf32>
          %mul3A_736 = arith.mulf %get3A_734, %mul3A_735 : vector<16xf32>
          %swap3A_737 = arith.constant 0 : i32
          %swap3A_738 = arith.index_cast %swap3A_737 : i32 to index
          %swap3A_739 = arith.index_cast %add3A_683 : i32 to index
          %swap3A_740 = arith.constant 48 : index
          %swap3A_741 = tpu.vector_load %arg11[%swap3A_738, %swap3A_739, %swap3A_740] {strides = array<i32>} : memref<2x128x128xf32, #tpu.memory_space<vmem>>, vector<1x1x16xf32>,
          %swap3A_742 = vector.shape_cast %swap3A_741 : vector<1x1x16xf32> to vector<16xf32>
          %swap3A_743 = vector.shape_cast %mul3A_736 : vector<16xf32> to vector<1x1x16xf32>
          tpu.vector_store %arg11[%swap3A_738, %swap3A_739, %swap3A_740], %swap3A_743 {strides = array<i32>} : memref<2x128x128xf32, #tpu.memory_space<vmem>>, vector<1x1x16xf32>,
          %get3A_744 = arith.constant 0 : i32
          %get3A_745 = arith.index_cast %get3A_744 : i32 to index
          %get3A_746 = arith.index_cast %add3A_683 : i32 to index
          %get3A_747 = arith.constant 64 : index
          %get3A_748 = tpu.vector_load %arg11[%get3A_745, %get3A_746, %get3A_747] {strides = array<i32>} : memref<2x128x128xf32, #tpu.memory_space<vmem>>, vector<1x1x16xf32>,
          %get3A_749 = vector.shape_cast %get3A_748 : vector<1x1x16xf32> to vector<16xf32>
          %mul3A_750 = vector.broadcast %squeeze3A_679 : f32 to vector<16xf32>
          %mul3A_751 = arith.mulf %get3A_749, %mul3A_750 : vector<16xf32>
          %swap3A_752 = arith.constant 0 : i32
          %swap3A_753 = arith.index_cast %swap3A_752 : i32 to index
          %swap3A_754 = arith.index_cast %add3A_683 : i32 to index
          %swap3A_755 = arith.constant 64 : index
          %swap3A_756 = tpu.vector_load %arg11[%swap3A_753, %swap3A_754, %swap3A_755] {strides = array<i32>} : memref<2x128x128xf32, #tpu.memory_space<vmem>>, vector<1x1x16xf32>,
          %swap3A_757 = vector.shape_cast %swap3A_756 : vector<1x1x16xf32> to vector<16xf32>
          %swap3A_758 = vector.shape_cast %mul3A_751 : vector<16xf32> to vector<1x1x16xf32>
          tpu.vector_store %arg11[%swap3A_753, %swap3A_754, %swap3A_755], %swap3A_758 {strides = array<i32>} : memref<2x128x128xf32, #tpu.memory_space<vmem>>, vector<1x1x16xf32>,
          %get3A_759 = arith.constant 0 : i32
          %get3A_760 = arith.index_cast %get3A_759 : i32 to index
          %get3A_761 = arith.index_cast %add3A_683 : i32 to index
          %get3A_762 = arith.constant 80 : index
          %get3A_763 = tpu.vector_load %arg11[%get3A_760, %get3A_761, %get3A_762] {strides = array<i32>} : memref<2x128x128xf32, #tpu.memory_space<vmem>>, vector<1x1x16xf32>,
          %get3A_764 = vector.shape_cast %get3A_763 : vector<1x1x16xf32> to vector<16xf32>
          %mul3A_765 = vector.broadcast %squeeze3A_679 : f32 to vector<16xf32>
          %mul3A_766 = arith.mulf %get3A_764, %mul3A_765 : vector<16xf32>
          %swap3A_767 = arith.constant 0 : i32
          %swap3A_768 = arith.index_cast %swap3A_767 : i32 to index
          %swap3A_769 = arith.index_cast %add3A_683 : i32 to index
          %swap3A_770 = arith.constant 80 : index
          %swap3A_771 = tpu.vector_load %arg11[%swap3A_768, %swap3A_769, %swap3A_770] {strides = array<i32>} : memref<2x128x128xf32, #tpu.memory_space<vmem>>, vector<1x1x16xf32>,
          %swap3A_772 = vector.shape_cast %swap3A_771 : vector<1x1x16xf32> to vector<16xf32>
          %swap3A_773 = vector.shape_cast %mul3A_766 : vector<16xf32> to vector<1x1x16xf32>
          tpu.vector_store %arg11[%swap3A_768, %swap3A_769, %swap3A_770], %swap3A_773 {strides = array<i32>} : memref<2x128x128xf32, #tpu.memory_space<vmem>>, vector<1x1x16xf32>,
          %get3A_774 = arith.constant 0 : i32
          %get3A_775 = arith.index_cast %get3A_774 : i32 to index
          %get3A_776 = arith.index_cast %add3A_683 : i32 to index
          %get3A_777 = arith.constant 96 : index
          %get3A_778 = tpu.vector_load %arg11[%get3A_775, %get3A_776, %get3A_777] {strides = array<i32>} : memref<2x128x128xf32, #tpu.memory_space<vmem>>, vector<1x1x16xf32>,
          %get3A_779 = vector.shape_cast %get3A_778 : vector<1x1x16xf32> to vector<16xf32>
          %mul3A_780 = vector.broadcast %squeeze3A_679 : f32 to vector<16xf32>
          %mul3A_781 = arith.mulf %get3A_779, %mul3A_780 : vector<16xf32>
          %swap3A_782 = arith.constant 0 : i32
          %swap3A_783 = arith.index_cast %swap3A_782 : i32 to index
          %swap3A_784 = arith.index_cast %add3A_683 : i32 to index
          %swap3A_785 = arith.constant 96 : index
          %swap3A_786 = tpu.vector_load %arg11[%swap3A_783, %swap3A_784, %swap3A_785] {strides = array<i32>} : memref<2x128x128xf32, #tpu.memory_space<vmem>>, vector<1x1x16xf32>,
          %swap3A_787 = vector.shape_cast %swap3A_786 : vector<1x1x16xf32> to vector<16xf32>
          %swap3A_788 = vector.shape_cast %mul3A_781 : vector<16xf32> to vector<1x1x16xf32>
          tpu.vector_store %arg11[%swap3A_783, %swap3A_784, %swap3A_785], %swap3A_788 {strides = array<i32>} : memref<2x128x128xf32, #tpu.memory_space<vmem>>, vector<1x1x16xf32>,
          %get3A_789 = arith.constant 0 : i32
          %get3A_790 = arith.index_cast %get3A_789 : i32 to index
          %get3A_791 = arith.index_cast %add3A_683 : i32 to index
          %get3A_792 = arith.constant 112 : index
          %get3A_793 = tpu.vector_load %arg11[%get3A_790, %get3A_791, %get3A_792] {strides = array<i32>} : memref<2x128x128xf32, #tpu.memory_space<vmem>>, vector<1x1x16xf32>,
          %get3A_794 = vector.shape_cast %get3A_793 : vector<1x1x16xf32> to vector<16xf32>
          %mul3A_795 = vector.broadcast %squeeze3A_679 : f32 to vector<16xf32>
          %mul3A_796 = arith.mulf %get3A_794, %mul3A_795 : vector<16xf32>
          %swap3A_797 = arith.constant 0 : i32
          %swap3A_798 = arith.index_cast %swap3A_797 : i32 to index
          %swap3A_799 = arith.index_cast %add3A_683 : i32 to index
          %swap3A_800 = arith.constant 112 : index
          %swap3A_801 = tpu.vector_load %arg11[%swap3A_798, %swap3A_799, %swap3A_800] {strides = array<i32>} : memref<2x128x128xf32, #tpu.memory_space<vmem>>, vector<1x1x16xf32>,
          %swap3A_802 = vector.shape_cast %swap3A_801 : vector<1x1x16xf32> to vector<16xf32>
          %swap3A_803 = vector.shape_cast %mul3A_796 : vector<16xf32> to vector<1x1x16xf32>
          tpu.vector_store %arg11[%swap3A_798, %swap3A_799, %swap3A_800], %swap3A_803 {strides = array<i32>} : memref<2x128x128xf32, #tpu.memory_space<vmem>>, vector<1x1x16xf32>,
          %slice3A_804 = vector.extract_strided_slice %get3A_176 {offsets = [5], sizes = [1], strides = [1]} : vector<16xf32> to vector<1xf32>
          %squeeze3A_805 = vector.extract %slice3A_804[0] : f32 from vector<1xf32>
          %mul3A_806 = arith.constant 16 : i32
          %mul3A_807 = arith.muli %scan3A_170, %mul3A_806 : i32
          %add3A_808 = arith.constant 5 : i32
          %add3A_809 = arith.addi %mul3A_807, %add3A_808 : i32
          %get3A_810 = arith.constant 0 : i32
          %get3A_811 = arith.index_cast %get3A_810 : i32 to index
          %get3A_812 = arith.index_cast %add3A_809 : i32 to index
          %get3A_813 = arith.constant 0 : index
          %get3A_814 = tpu.vector_load %arg11[%get3A_811, %get3A_812, %get3A_813] {strides = array<i32>} : memref<2x128x128xf32, #tpu.memory_space<vmem>>, vector<1x1x16xf32>,
          %get3A_815 = vector.shape_cast %get3A_814 : vector<1x1x16xf32> to vector<16xf32>
          %mul3A_816 = vector.broadcast %squeeze3A_805 : f32 to vector<16xf32>
          %mul3A_817 = arith.mulf %get3A_815, %mul3A_816 : vector<16xf32>
          %swap3A_818 = arith.constant 0 : i32
          %swap3A_819 = arith.index_cast %swap3A_818 : i32 to index
          %swap3A_820 = arith.index_cast %add3A_809 : i32 to index
          %swap3A_821 = arith.constant 0 : index
          %swap3A_822 = tpu.vector_load %arg11[%swap3A_819, %swap3A_820, %swap3A_821] {strides = array<i32>} : memref<2x128x128xf32, #tpu.memory_space<vmem>>, vector<1x1x16xf32>,
          %swap3A_823 = vector.shape_cast %swap3A_822 : vector<1x1x16xf32> to vector<16xf32>
          %swap3A_824 = vector.shape_cast %mul3A_817 : vector<16xf32> to vector<1x1x16xf32>
          tpu.vector_store %arg11[%swap3A_819, %swap3A_820, %swap3A_821], %swap3A_824 {strides = array<i32>} : memref<2x128x128xf32, #tpu.memory_space<vmem>>, vector<1x1x16xf32>,
          %get3A_825 = arith.constant 0 : i32
          %get3A_826 = arith.index_cast %get3A_825 : i32 to index
          %get3A_827 = arith.index_cast %add3A_809 : i32 to index
          %get3A_828 = arith.constant 16 : index
          %get3A_829 = tpu.vector_load %arg11[%get3A_826, %get3A_827, %get3A_828] {strides = array<i32>} : memref<2x128x128xf32, #tpu.memory_space<vmem>>, vector<1x1x16xf32>,
          %get3A_830 = vector.shape_cast %get3A_829 : vector<1x1x16xf32> to vector<16xf32>
          %mul3A_831 = vector.broadcast %squeeze3A_805 : f32 to vector<16xf32>
          %mul3A_832 = arith.mulf %get3A_830, %mul3A_831 : vector<16xf32>
          %swap3A_833 = arith.constant 0 : i32
          %swap3A_834 = arith.index_cast %swap3A_833 : i32 to index
          %swap3A_835 = arith.index_cast %add3A_809 : i32 to index
          %swap3A_836 = arith.constant 16 : index
          %swap3A_837 = tpu.vector_load %arg11[%swap3A_834, %swap3A_835, %swap3A_836] {strides = array<i32>} : memref<2x128x128xf32, #tpu.memory_space<vmem>>, vector<1x1x16xf32>,
          %swap3A_838 = vector.shape_cast %swap3A_837 : vector<1x1x16xf32> to vector<16xf32>
          %swap3A_839 = vector.shape_cast %mul3A_832 : vector<16xf32> to vector<1x1x16xf32>
          tpu.vector_store %arg11[%swap3A_834, %swap3A_835, %swap3A_836], %swap3A_839 {strides = array<i32>} : memref<2x128x128xf32, #tpu.memory_space<vmem>>, vector<1x1x16xf32>,
          %get3A_840 = arith.constant 0 : i32
          %get3A_841 = arith.index_cast %get3A_840 : i32 to index
          %get3A_842 = arith.index_cast %add3A_809 : i32 to index
          %get3A_843 = arith.constant 32 : index
          %get3A_844 = tpu.vector_load %arg11[%get3A_841, %get3A_842, %get3A_843] {strides = array<i32>} : memref<2x128x128xf32, #tpu.memory_space<vmem>>, vector<1x1x16xf32>,
          %get3A_845 = vector.shape_cast %get3A_844 : vector<1x1x16xf32> to vector<16xf32>
          %mul3A_846 = vector.broadcast %squeeze3A_805 : f32 to vector<16xf32>
          %mul3A_847 = arith.mulf %get3A_845, %mul3A_846 : vector<16xf32>
          %swap3A_848 = arith.constant 0 : i32
          %swap3A_849 = arith.index_cast %swap3A_848 : i32 to index
          %swap3A_850 = arith.index_cast %add3A_809 : i32 to index
          %swap3A_851 = arith.constant 32 : index
          %swap3A_852 = tpu.vector_load %arg11[%swap3A_849, %swap3A_850, %swap3A_851] {strides = array<i32>} : memref<2x128x128xf32, #tpu.memory_space<vmem>>, vector<1x1x16xf32>,
          %swap3A_853 = vector.shape_cast %swap3A_852 : vector<1x1x16xf32> to vector<16xf32>
          %swap3A_854 = vector.shape_cast %mul3A_847 : vector<16xf32> to vector<1x1x16xf32>
          tpu.vector_store %arg11[%swap3A_849, %swap3A_850, %swap3A_851], %swap3A_854 {strides = array<i32>} : memref<2x128x128xf32, #tpu.memory_space<vmem>>, vector<1x1x16xf32>,
          %get3A_855 = arith.constant 0 : i32
          %get3A_856 = arith.index_cast %get3A_855 : i32 to index
          %get3A_857 = arith.index_cast %add3A_809 : i32 to index
          %get3A_858 = arith.constant 48 : index
          %get3A_859 = tpu.vector_load %arg11[%get3A_856, %get3A_857, %get3A_858] {strides = array<i32>} : memref<2x128x128xf32, #tpu.memory_space<vmem>>, vector<1x1x16xf32>,
          %get3A_860 = vector.shape_cast %get3A_859 : vector<1x1x16xf32> to vector<16xf32>
          %mul3A_861 = vector.broadcast %squeeze3A_805 : f32 to vector<16xf32>
          %mul3A_862 = arith.mulf %get3A_860, %mul3A_861 : vector<16xf32>
          %swap3A_863 = arith.constant 0 : i32
          %swap3A_864 = arith.index_cast %swap3A_863 : i32 to index
          %swap3A_865 = arith.index_cast %add3A_809 : i32 to index
          %swap3A_866 = arith.constant 48 : index
          %swap3A_867 = tpu.vector_load %arg11[%swap3A_864, %swap3A_865, %swap3A_866] {strides = array<i32>} : memref<2x128x128xf32, #tpu.memory_space<vmem>>, vector<1x1x16xf32>,
          %swap3A_868 = vector.shape_cast %swap3A_867 : vector<1x1x16xf32> to vector<16xf32>
          %swap3A_869 = vector.shape_cast %mul3A_862 : vector<16xf32> to vector<1x1x16xf32>
          tpu.vector_store %arg11[%swap3A_864, %swap3A_865, %swap3A_866], %swap3A_869 {strides = array<i32>} : memref<2x128x128xf32, #tpu.memory_space<vmem>>, vector<1x1x16xf32>,
          %get3A_870 = arith.constant 0 : i32
          %get3A_871 = arith.index_cast %get3A_870 : i32 to index
          %get3A_872 = arith.index_cast %add3A_809 : i32 to index
          %get3A_873 = arith.constant 64 : index
          %get3A_874 = tpu.vector_load %arg11[%get3A_871, %get3A_872, %get3A_873] {strides = array<i32>} : memref<2x128x128xf32, #tpu.memory_space<vmem>>, vector<1x1x16xf32>,
          %get3A_875 = vector.shape_cast %get3A_874 : vector<1x1x16xf32> to vector<16xf32>
          %mul3A_876 = vector.broadcast %squeeze3A_805 : f32 to vector<16xf32>
          %mul3A_877 = arith.mulf %get3A_875, %mul3A_876 : vector<16xf32>
          %swap3A_878 = arith.constant 0 : i32
          %swap3A_879 = arith.index_cast %swap3A_878 : i32 to index
          %swap3A_880 = arith.index_cast %add3A_809 : i32 to index
          %swap3A_881 = arith.constant 64 : index
          %swap3A_882 = tpu.vector_load %arg11[%swap3A_879, %swap3A_880, %swap3A_881] {strides = array<i32>} : memref<2x128x128xf32, #tpu.memory_space<vmem>>, vector<1x1x16xf32>,
          %swap3A_883 = vector.shape_cast %swap3A_882 : vector<1x1x16xf32> to vector<16xf32>
          %swap3A_884 = vector.shape_cast %mul3A_877 : vector<16xf32> to vector<1x1x16xf32>
          tpu.vector_store %arg11[%swap3A_879, %swap3A_880, %swap3A_881], %swap3A_884 {strides = array<i32>} : memref<2x128x128xf32, #tpu.memory_space<vmem>>, vector<1x1x16xf32>,
          %get3A_885 = arith.constant 0 : i32
          %get3A_886 = arith.index_cast %get3A_885 : i32 to index
          %get3A_887 = arith.index_cast %add3A_809 : i32 to index
          %get3A_888 = arith.constant 80 : index
          %get3A_889 = tpu.vector_load %arg11[%get3A_886, %get3A_887, %get3A_888] {strides = array<i32>} : memref<2x128x128xf32, #tpu.memory_space<vmem>>, vector<1x1x16xf32>,
          %get3A_890 = vector.shape_cast %get3A_889 : vector<1x1x16xf32> to vector<16xf32>
          %mul3A_891 = vector.broadcast %squeeze3A_805 : f32 to vector<16xf32>
          %mul3A_892 = arith.mulf %get3A_890, %mul3A_891 : vector<16xf32>
          %swap3A_893 = arith.constant 0 : i32
          %swap3A_894 = arith.index_cast %swap3A_893 : i32 to index
          %swap3A_895 = arith.index_cast %add3A_809 : i32 to index
          %swap3A_896 = arith.constant 80 : index
          %swap3A_897 = tpu.vector_load %arg11[%swap3A_894, %swap3A_895, %swap3A_896] {strides = array<i32>} : memref<2x128x128xf32, #tpu.memory_space<vmem>>, vector<1x1x16xf32>,
          %swap3A_898 = vector.shape_cast %swap3A_897 : vector<1x1x16xf32> to vector<16xf32>
          %swap3A_899 = vector.shape_cast %mul3A_892 : vector<16xf32> to vector<1x1x16xf32>
          tpu.vector_store %arg11[%swap3A_894, %swap3A_895, %swap3A_896], %swap3A_899 {strides = array<i32>} : memref<2x128x128xf32, #tpu.memory_space<vmem>>, vector<1x1x16xf32>,
          %get3A_900 = arith.constant 0 : i32
          %get3A_901 = arith.index_cast %get3A_900 : i32 to index
          %get3A_902 = arith.index_cast %add3A_809 : i32 to index
          %get3A_903 = arith.constant 96 : index
          %get3A_904 = tpu.vector_load %arg11[%get3A_901, %get3A_902, %get3A_903] {strides = array<i32>} : memref<2x128x128xf32, #tpu.memory_space<vmem>>, vector<1x1x16xf32>,
          %get3A_905 = vector.shape_cast %get3A_904 : vector<1x1x16xf32> to vector<16xf32>
          %mul3A_906 = vector.broadcast %squeeze3A_805 : f32 to vector<16xf32>
          %mul3A_907 = arith.mulf %get3A_905, %mul3A_906 : vector<16xf32>
          %swap3A_908 = arith.constant 0 : i32
          %swap3A_909 = arith.index_cast %swap3A_908 : i32 to index
          %swap3A_910 = arith.index_cast %add3A_809 : i32 to index
          %swap3A_911 = arith.constant 96 : index
          %swap3A_912 = tpu.vector_load %arg11[%swap3A_909, %swap3A_910, %swap3A_911] {strides = array<i32>} : memref<2x128x128xf32, #tpu.memory_space<vmem>>, vector<1x1x16xf32>,
          %swap3A_913 = vector.shape_cast %swap3A_912 : vector<1x1x16xf32> to vector<16xf32>
          %swap3A_914 = vector.shape_cast %mul3A_907 : vector<16xf32> to vector<1x1x16xf32>
          tpu.vector_store %arg11[%swap3A_909, %swap3A_910, %swap3A_911], %swap3A_914 {strides = array<i32>} : memref<2x128x128xf32, #tpu.memory_space<vmem>>, vector<1x1x16xf32>,
          %get3A_915 = arith.constant 0 : i32
          %get3A_916 = arith.index_cast %get3A_915 : i32 to index
          %get3A_917 = arith.index_cast %add3A_809 : i32 to index
          %get3A_918 = arith.constant 112 : index
          %get3A_919 = tpu.vector_load %arg11[%get3A_916, %get3A_917, %get3A_918] {strides = array<i32>} : memref<2x128x128xf32, #tpu.memory_space<vmem>>, vector<1x1x16xf32>,
          %get3A_920 = vector.shape_cast %get3A_919 : vector<1x1x16xf32> to vector<16xf32>
          %mul3A_921 = vector.broadcast %squeeze3A_805 : f32 to vector<16xf32>
          %mul3A_922 = arith.mulf %get3A_920, %mul3A_921 : vector<16xf32>
          %swap3A_923 = arith.constant 0 : i32
          %swap3A_924 = arith.index_cast %swap3A_923 : i32 to index
          %swap3A_925 = arith.index_cast %add3A_809 : i32 to index
          %swap3A_926 = arith.constant 112 : index
          %swap3A_927 = tpu.vector_load %arg11[%swap3A_924, %swap3A_925, %swap3A_926] {strides = array<i32>} : memref<2x128x128xf32, #tpu.memory_space<vmem>>, vector<1x1x16xf32>,
          %swap3A_928 = vector.shape_cast %swap3A_927 : vector<1x1x16xf32> to vector<16xf32>
          %swap3A_929 = vector.shape_cast %mul3A_922 : vector<16xf32> to vector<1x1x16xf32>
          tpu.vector_store %arg11[%swap3A_924, %swap3A_925, %swap3A_926], %swap3A_929 {strides = array<i32>} : memref<2x128x128xf32, #tpu.memory_space<vmem>>, vector<1x1x16xf32>,
          %slice3A_930 = vector.extract_strided_slice %get3A_176 {offsets = [6], sizes = [1], strides = [1]} : vector<16xf32> to vector<1xf32>
          %squeeze3A_931 = vector.extract %slice3A_930[0] : f32 from vector<1xf32>
          %mul3A_932 = arith.constant 16 : i32
          %mul3A_933 = arith.muli %scan3A_170, %mul3A_932 : i32
          %add3A_934 = arith.constant 6 : i32
          %add3A_935 = arith.addi %mul3A_933, %add3A_934 : i32
          %get3A_936 = arith.constant 0 : i32
          %get3A_937 = arith.index_cast %get3A_936 : i32 to index
          %get3A_938 = arith.index_cast %add3A_935 : i32 to index
          %get3A_939 = arith.constant 0 : index
          %get3A_940 = tpu.vector_load %arg11[%get3A_937, %get3A_938, %get3A_939] {strides = array<i32>} : memref<2x128x128xf32, #tpu.memory_space<vmem>>, vector<1x1x16xf32>,
          %get3A_941 = vector.shape_cast %get3A_940 : vector<1x1x16xf32> to vector<16xf32>
          %mul3A_942 = vector.broadcast %squeeze3A_931 : f32 to vector<16xf32>
          %mul3A_943 = arith.mulf %get3A_941, %mul3A_942 : vector<16xf32>
          %swap3A_944 = arith.constant 0 : i32
          %swap3A_945 = arith.index_cast %swap3A_944 : i32 to index
          %swap3A_946 = arith.index_cast %add3A_935 : i32 to index
          %swap3A_947 = arith.constant 0 : index
          %swap3A_948 = tpu.vector_load %arg11[%swap3A_945, %swap3A_946, %swap3A_947] {strides = array<i32>} : memref<2x128x128xf32, #tpu.memory_space<vmem>>, vector<1x1x16xf32>,
          %swap3A_949 = vector.shape_cast %swap3A_948 : vector<1x1x16xf32> to vector<16xf32>
          %swap3A_950 = vector.shape_cast %mul3A_943 : vector<16xf32> to vector<1x1x16xf32>
          tpu.vector_store %arg11[%swap3A_945, %swap3A_946, %swap3A_947], %swap3A_950 {strides = array<i32>} : memref<2x128x128xf32, #tpu.memory_space<vmem>>, vector<1x1x16xf32>,
          %get3A_951 = arith.constant 0 : i32
          %get3A_952 = arith.index_cast %get3A_951 : i32 to index
          %get3A_953 = arith.index_cast %add3A_935 : i32 to index
          %get3A_954 = arith.constant 16 : index
          %get3A_955 = tpu.vector_load %arg11[%get3A_952, %get3A_953, %get3A_954] {strides = array<i32>} : memref<2x128x128xf32, #tpu.memory_space<vmem>>, vector<1x1x16xf32>,
          %get3A_956 = vector.shape_cast %get3A_955 : vector<1x1x16xf32> to vector<16xf32>
          %mul3A_957 = vector.broadcast %squeeze3A_931 : f32 to vector<16xf32>
          %mul3A_958 = arith.mulf %get3A_956, %mul3A_957 : vector<16xf32>
          %swap3A_959 = arith.constant 0 : i32
          %swap3A_960 = arith.index_cast %swap3A_959 : i32 to index
          %swap3A_961 = arith.index_cast %add3A_935 : i32 to index
          %swap3A_962 = arith.constant 16 : index
          %swap3A_963 = tpu.vector_load %arg11[%swap3A_960, %swap3A_961, %swap3A_962] {strides = array<i32>} : memref<2x128x128xf32, #tpu.memory_space<vmem>>, vector<1x1x16xf32>,
          %swap3A_964 = vector.shape_cast %swap3A_963 : vector<1x1x16xf32> to vector<16xf32>
          %swap3A_965 = vector.shape_cast %mul3A_958 : vector<16xf32> to vector<1x1x16xf32>
          tpu.vector_store %arg11[%swap3A_960, %swap3A_961, %swap3A_962], %swap3A_965 {strides = array<i32>} : memref<2x128x128xf32, #tpu.memory_space<vmem>>, vector<1x1x16xf32>,
          %get3A_966 = arith.constant 0 : i32
          %get3A_967 = arith.index_cast %get3A_966 : i32 to index
          %get3A_968 = arith.index_cast %add3A_935 : i32 to index
          %get3A_969 = arith.constant 32 : index
          %get3A_970 = tpu.vector_load %arg11[%get3A_967, %get3A_968, %get3A_969] {strides = array<i32>} : memref<2x128x128xf32, #tpu.memory_space<vmem>>, vector<1x1x16xf32>,
          %get3A_971 = vector.shape_cast %get3A_970 : vector<1x1x16xf32> to vector<16xf32>
          %mul3A_972 = vector.broadcast %squeeze3A_931 : f32 to vector<16xf32>
          %mul3A_973 = arith.mulf %get3A_971, %mul3A_972 : vector<16xf32>
          %swap3A_974 = arith.constant 0 : i32
          %swap3A_975 = arith.index_cast %swap3A_974 : i32 to index
          %swap3A_976 = arith.index_cast %add3A_935 : i32 to index
          %swap3A_977 = arith.constant 32 : index
          %swap3A_978 = tpu.vector_load %arg11[%swap3A_975, %swap3A_976, %swap3A_977] {strides = array<i32>} : memref<2x128x128xf32, #tpu.memory_space<vmem>>, vector<1x1x16xf32>,
          %swap3A_979 = vector.shape_cast %swap3A_978 : vector<1x1x16xf32> to vector<16xf32>
          %swap3A_980 = vector.shape_cast %mul3A_973 : vector<16xf32> to vector<1x1x16xf32>
          tpu.vector_store %arg11[%swap3A_975, %swap3A_976, %swap3A_977], %swap3A_980 {strides = array<i32>} : memref<2x128x128xf32, #tpu.memory_space<vmem>>, vector<1x1x16xf32>,
          %get3A_981 = arith.constant 0 : i32
          %get3A_982 = arith.index_cast %get3A_981 : i32 to index
          %get3A_983 = arith.index_cast %add3A_935 : i32 to index
          %get3A_984 = arith.constant 48 : index
          %get3A_985 = tpu.vector_load %arg11[%get3A_982, %get3A_983, %get3A_984] {strides = array<i32>} : memref<2x128x128xf32, #tpu.memory_space<vmem>>, vector<1x1x16xf32>,
          %get3A_986 = vector.shape_cast %get3A_985 : vector<1x1x16xf32> to vector<16xf32>
          %mul3A_987 = vector.broadcast %squeeze3A_931 : f32 to vector<16xf32>
          %mul3A_988 = arith.mulf %get3A_986, %mul3A_987 : vector<16xf32>
          %swap3A_989 = arith.constant 0 : i32
          %swap3A_990 = arith.index_cast %swap3A_989 : i32 to index
          %swap3A_991 = arith.index_cast %add3A_935 : i32 to index
          %swap3A_992 = arith.constant 48 : index
          %swap3A_993 = tpu.vector_load %arg11[%swap3A_990, %swap3A_991, %swap3A_992] {strides = array<i32>} : memref<2x128x128xf32, #tpu.memory_space<vmem>>, vector<1x1x16xf32>,
          %swap3A_994 = vector.shape_cast %swap3A_993 : vector<1x1x16xf32> to vector<16xf32>
          %swap3A_995 = vector.shape_cast %mul3A_988 : vector<16xf32> to vector<1x1x16xf32>
          tpu.vector_store %arg11[%swap3A_990, %swap3A_991, %swap3A_992], %swap3A_995 {strides = array<i32>} : memref<2x128x128xf32, #tpu.memory_space<vmem>>, vector<1x1x16xf32>,
          %get3A_996 = arith.constant 0 : i32
          %get3A_997 = arith.index_cast %get3A_996 : i32 to index
          %get3A_998 = arith.index_cast %add3A_935 : i32 to index
          %get3A_999 = arith.constant 64 : index
          %get3A_1000 = tpu.vector_load %arg11[%get3A_997, %get3A_998, %get3A_999] {strides = array<i32>} : memref<2x128x128xf32, #tpu.memory_space<vmem>>, vector<1x1x16xf32>,
          %get3A_1001 = vector.shape_cast %get3A_1000 : vector<1x1x16xf32> to vector<16xf32>
          %mul3A_1002 = vector.broadcast %squeeze3A_931 : f32 to vector<16xf32>
          %mul3A_1003 = arith.mulf %get3A_1001, %mul3A_1002 : vector<16xf32>
          %swap3A_1004 = arith.constant 0 : i32
          %swap3A_1005 = arith.index_cast %swap3A_1004 : i32 to index
          %swap3A_1006 = arith.index_cast %add3A_935 : i32 to index
          %swap3A_1007 = arith.constant 64 : index
          %swap3A_1008 = tpu.vector_load %arg11[%swap3A_1005, %swap3A_1006, %swap3A_1007] {strides = array<i32>} : memref<2x128x128xf32, #tpu.memory_space<vmem>>, vector<1x1x16xf32>,
          %swap3A_1009 = vector.shape_cast %swap3A_1008 : vector<1x1x16xf32> to vector<16xf32>
          %swap3A_1010 = vector.shape_cast %mul3A_1003 : vector<16xf32> to vector<1x1x16xf32>
          tpu.vector_store %arg11[%swap3A_1005, %swap3A_1006, %swap3A_1007], %swap3A_1010 {strides = array<i32>} : memref<2x128x128xf32, #tpu.memory_space<vmem>>, vector<1x1x16xf32>,
          %get3A_1011 = arith.constant 0 : i32
          %get3A_1012 = arith.index_cast %get3A_1011 : i32 to index
          %get3A_1013 = arith.index_cast %add3A_935 : i32 to index
          %get3A_1014 = arith.constant 80 : index
          %get3A_1015 = tpu.vector_load %arg11[%get3A_1012, %get3A_1013, %get3A_1014] {strides = array<i32>} : memref<2x128x128xf32, #tpu.memory_space<vmem>>, vector<1x1x16xf32>,
          %get3A_1016 = vector.shape_cast %get3A_1015 : vector<1x1x16xf32> to vector<16xf32>
          %mul3A_1017 = vector.broadcast %squeeze3A_931 : f32 to vector<16xf32>
          %mul3A_1018 = arith.mulf %get3A_1016, %mul3A_1017 : vector<16xf32>
          %swap3A_1019 = arith.constant 0 : i32
          %swap3A_1020 = arith.index_cast %swap3A_1019 : i32 to index
          %swap3A_1021 = arith.index_cast %add3A_935 : i32 to index
          %swap3A_1022 = arith.constant 80 : index
          %swap3A_1023 = tpu.vector_load %arg11[%swap3A_1020, %swap3A_1021, %swap3A_1022] {strides = array<i32>} : memref<2x128x128xf32, #tpu.memory_space<vmem>>, vector<1x1x16xf32>,
          %swap3A_1024 = vector.shape_cast %swap3A_1023 : vector<1x1x16xf32> to vector<16xf32>
          %swap3A_1025 = vector.shape_cast %mul3A_1018 : vector<16xf32> to vector<1x1x16xf32>
          tpu.vector_store %arg11[%swap3A_1020, %swap3A_1021, %swap3A_1022], %swap3A_1025 {strides = array<i32>} : memref<2x128x128xf32, #tpu.memory_space<vmem>>, vector<1x1x16xf32>,
          %get3A_1026 = arith.constant 0 : i32
          %get3A_1027 = arith.index_cast %get3A_1026 : i32 to index
          %get3A_1028 = arith.index_cast %add3A_935 : i32 to index
          %get3A_1029 = arith.constant 96 : index
          %get3A_1030 = tpu.vector_load %arg11[%get3A_1027, %get3A_1028, %get3A_1029] {strides = array<i32>} : memref<2x128x128xf32, #tpu.memory_space<vmem>>, vector<1x1x16xf32>,
          %get3A_1031 = vector.shape_cast %get3A_1030 : vector<1x1x16xf32> to vector<16xf32>
          %mul3A_1032 = vector.broadcast %squeeze3A_931 : f32 to vector<16xf32>
          %mul3A_1033 = arith.mulf %get3A_1031, %mul3A_1032 : vector<16xf32>
          %swap3A_1034 = arith.constant 0 : i32
          %swap3A_1035 = arith.index_cast %swap3A_1034 : i32 to index
          %swap3A_1036 = arith.index_cast %add3A_935 : i32 to index
          %swap3A_1037 = arith.constant 96 : index
          %swap3A_1038 = tpu.vector_load %arg11[%swap3A_1035, %swap3A_1036, %swap3A_1037] {strides = array<i32>} : memref<2x128x128xf32, #tpu.memory_space<vmem>>, vector<1x1x16xf32>,
          %swap3A_1039 = vector.shape_cast %swap3A_1038 : vector<1x1x16xf32> to vector<16xf32>
          %swap3A_1040 = vector.shape_cast %mul3A_1033 : vector<16xf32> to vector<1x1x16xf32>
          tpu.vector_store %arg11[%swap3A_1035, %swap3A_1036, %swap3A_1037], %swap3A_1040 {strides = array<i32>} : memref<2x128x128xf32, #tpu.memory_space<vmem>>, vector<1x1x16xf32>,
          %get3A_1041 = arith.constant 0 : i32
          %get3A_1042 = arith.index_cast %get3A_1041 : i32 to index
          %get3A_1043 = arith.index_cast %add3A_935 : i32 to index
          %get3A_1044 = arith.constant 112 : index
          %get3A_1045 = tpu.vector_load %arg11[%get3A_1042, %get3A_1043, %get3A_1044] {strides = array<i32>} : memref<2x128x128xf32, #tpu.memory_space<vmem>>, vector<1x1x16xf32>,
          %get3A_1046 = vector.shape_cast %get3A_1045 : vector<1x1x16xf32> to vector<16xf32>
          %mul3A_1047 = vector.broadcast %squeeze3A_931 : f32 to vector<16xf32>
          %mul3A_1048 = arith.mulf %get3A_1046, %mul3A_1047 : vector<16xf32>
          %swap3A_1049 = arith.constant 0 : i32
          %swap3A_1050 = arith.index_cast %swap3A_1049 : i32 to index
          %swap3A_1051 = arith.index_cast %add3A_935 : i32 to index
          %swap3A_1052 = arith.constant 112 : index
          %swap3A_1053 = tpu.vector_load %arg11[%swap3A_1050, %swap3A_1051, %swap3A_1052] {strides = array<i32>} : memref<2x128x128xf32, #tpu.memory_space<vmem>>, vector<1x1x16xf32>,
          %swap3A_1054 = vector.shape_cast %swap3A_1053 : vector<1x1x16xf32> to vector<16xf32>
          %swap3A_1055 = vector.shape_cast %mul3A_1048 : vector<16xf32> to vector<1x1x16xf32>
          tpu.vector_store %arg11[%swap3A_1050, %swap3A_1051, %swap3A_1052], %swap3A_1055 {strides = array<i32>} : memref<2x128x128xf32, #tpu.memory_space<vmem>>, vector<1x1x16xf32>,
          %slice3A_1056 = vector.extract_strided_slice %get3A_176 {offsets = [7], sizes = [1], strides = [1]} : vector<16xf32> to vector<1xf32>
          %squeeze3A_1057 = vector.extract %slice3A_1056[0] : f32 from vector<1xf32>
          %mul3A_1058 = arith.constant 16 : i32
          %mul3A_1059 = arith.muli %scan3A_170, %mul3A_1058 : i32
          %add3A_1060 = arith.constant 7 : i32
          %add3A_1061 = arith.addi %mul3A_1059, %add3A_1060 : i32
          %get3A_1062 = arith.constant 0 : i32
          %get3A_1063 = arith.index_cast %get3A_1062 : i32 to index
          %get3A_1064 = arith.index_cast %add3A_1061 : i32 to index
          %get3A_1065 = arith.constant 0 : index
          %get3A_1066 = tpu.vector_load %arg11[%get3A_1063, %get3A_1064, %get3A_1065] {strides = array<i32>} : memref<2x128x128xf32, #tpu.memory_space<vmem>>, vector<1x1x16xf32>,
          %get3A_1067 = vector.shape_cast %get3A_1066 : vector<1x1x16xf32> to vector<16xf32>
          %mul3A_1068 = vector.broadcast %squeeze3A_1057 : f32 to vector<16xf32>
          %mul3A_1069 = arith.mulf %get3A_1067, %mul3A_1068 : vector<16xf32>
          %swap3A_1070 = arith.constant 0 : i32
          %swap3A_1071 = arith.index_cast %swap3A_1070 : i32 to index
          %swap3A_1072 = arith.index_cast %add3A_1061 : i32 to index
          %swap3A_1073 = arith.constant 0 : index
          %swap3A_1074 = tpu.vector_load %arg11[%swap3A_1071, %swap3A_1072, %swap3A_1073] {strides = array<i32>} : memref<2x128x128xf32, #tpu.memory_space<vmem>>, vector<1x1x16xf32>,
          %swap3A_1075 = vector.shape_cast %swap3A_1074 : vector<1x1x16xf32> to vector<16xf32>
          %swap3A_1076 = vector.shape_cast %mul3A_1069 : vector<16xf32> to vector<1x1x16xf32>
          tpu.vector_store %arg11[%swap3A_1071, %swap3A_1072, %swap3A_1073], %swap3A_1076 {strides = array<i32>} : memref<2x128x128xf32, #tpu.memory_space<vmem>>, vector<1x1x16xf32>,
          %get3A_1077 = arith.constant 0 : i32
          %get3A_1078 = arith.index_cast %get3A_1077 : i32 to index
          %get3A_1079 = arith.index_cast %add3A_1061 : i32 to index
          %get3A_1080 = arith.constant 16 : index
          %get3A_1081 = tpu.vector_load %arg11[%get3A_1078, %get3A_1079, %get3A_1080] {strides = array<i32>} : memref<2x128x128xf32, #tpu.memory_space<vmem>>, vector<1x1x16xf32>,
          %get3A_1082 = vector.shape_cast %get3A_1081 : vector<1x1x16xf32> to vector<16xf32>
          %mul3A_1083 = vector.broadcast %squeeze3A_1057 : f32 to vector<16xf32>
          %mul3A_1084 = arith.mulf %get3A_1082, %mul3A_1083 : vector<16xf32>
          %swap3A_1085 = arith.constant 0 : i32
          %swap3A_1086 = arith.index_cast %swap3A_1085 : i32 to index
          %swap3A_1087 = arith.index_cast %add3A_1061 : i32 to index
          %swap3A_1088 = arith.constant 16 : index
          %swap3A_1089 = tpu.vector_load %arg11[%swap3A_1086, %swap3A_1087, %swap3A_1088] {strides = array<i32>} : memref<2x128x128xf32, #tpu.memory_space<vmem>>, vector<1x1x16xf32>,
          %swap3A_1090 = vector.shape_cast %swap3A_1089 : vector<1x1x16xf32> to vector<16xf32>
          %swap3A_1091 = vector.shape_cast %mul3A_1084 : vector<16xf32> to vector<1x1x16xf32>
          tpu.vector_store %arg11[%swap3A_1086, %swap3A_1087, %swap3A_1088], %swap3A_1091 {strides = array<i32>} : memref<2x128x128xf32, #tpu.memory_space<vmem>>, vector<1x1x16xf32>,
          %get3A_1092 = arith.constant 0 : i32
          %get3A_1093 = arith.index_cast %get3A_1092 : i32 to index
          %get3A_1094 = arith.index_cast %add3A_1061 : i32 to index
          %get3A_1095 = arith.constant 32 : index
          %get3A_1096 = tpu.vector_load %arg11[%get3A_1093, %get3A_1094, %get3A_1095] {strides = array<i32>} : memref<2x128x128xf32, #tpu.memory_space<vmem>>, vector<1x1x16xf32>,
          %get3A_1097 = vector.shape_cast %get3A_1096 : vector<1x1x16xf32> to vector<16xf32>
          %mul3A_1098 = vector.broadcast %squeeze3A_1057 : f32 to vector<16xf32>
          %mul3A_1099 = arith.mulf %get3A_1097, %mul3A_1098 : vector<16xf32>
          %swap3A_1100 = arith.constant 0 : i32
          %swap3A_1101 = arith.index_cast %swap3A_1100 : i32 to index
          %swap3A_1102 = arith.index_cast %add3A_1061 : i32 to index
          %swap3A_1103 = arith.constant 32 : index
          %swap3A_1104 = tpu.vector_load %arg11[%swap3A_1101, %swap3A_1102, %swap3A_1103] {strides = array<i32>} : memref<2x128x128xf32, #tpu.memory_space<vmem>>, vector<1x1x16xf32>,
          %swap3A_1105 = vector.shape_cast %swap3A_1104 : vector<1x1x16xf32> to vector<16xf32>
          %swap3A_1106 = vector.shape_cast %mul3A_1099 : vector<16xf32> to vector<1x1x16xf32>
          tpu.vector_store %arg11[%swap3A_1101, %swap3A_1102, %swap3A_1103], %swap3A_1106 {strides = array<i32>} : memref<2x128x128xf32, #tpu.memory_space<vmem>>, vector<1x1x16xf32>,
          %get3A_1107 = arith.constant 0 : i32
          %get3A_1108 = arith.index_cast %get3A_1107 : i32 to index
          %get3A_1109 = arith.index_cast %add3A_1061 : i32 to index
          %get3A_1110 = arith.constant 48 : index
          %get3A_1111 = tpu.vector_load %arg11[%get3A_1108, %get3A_1109, %get3A_1110] {strides = array<i32>} : memref<2x128x128xf32, #tpu.memory_space<vmem>>, vector<1x1x16xf32>,
          %get3A_1112 = vector.shape_cast %get3A_1111 : vector<1x1x16xf32> to vector<16xf32>
          %mul3A_1113 = vector.broadcast %squeeze3A_1057 : f32 to vector<16xf32>
          %mul3A_1114 = arith.mulf %get3A_1112, %mul3A_1113 : vector<16xf32>
          %swap3A_1115 = arith.constant 0 : i32
          %swap3A_1116 = arith.index_cast %swap3A_1115 : i32 to index
          %swap3A_1117 = arith.index_cast %add3A_1061 : i32 to index
          %swap3A_1118 = arith.constant 48 : index
          %swap3A_1119 = tpu.vector_load %arg11[%swap3A_1116, %swap3A_1117, %swap3A_1118] {strides = array<i32>} : memref<2x128x128xf32, #tpu.memory_space<vmem>>, vector<1x1x16xf32>,
          %swap3A_1120 = vector.shape_cast %swap3A_1119 : vector<1x1x16xf32> to vector<16xf32>
          %swap3A_1121 = vector.shape_cast %mul3A_1114 : vector<16xf32> to vector<1x1x16xf32>
          tpu.vector_store %arg11[%swap3A_1116, %swap3A_1117, %swap3A_1118], %swap3A_1121 {strides = array<i32>} : memref<2x128x128xf32, #tpu.memory_space<vmem>>, vector<1x1x16xf32>,
          %get3A_1122 = arith.constant 0 : i32
          %get3A_1123 = arith.index_cast %get3A_1122 : i32 to index
          %get3A_1124 = arith.index_cast %add3A_1061 : i32 to index
          %get3A_1125 = arith.constant 64 : index
          %get3A_1126 = tpu.vector_load %arg11[%get3A_1123, %get3A_1124, %get3A_1125] {strides = array<i32>} : memref<2x128x128xf32, #tpu.memory_space<vmem>>, vector<1x1x16xf32>,
          %get3A_1127 = vector.shape_cast %get3A_1126 : vector<1x1x16xf32> to vector<16xf32>
          %mul3A_1128 = vector.broadcast %squeeze3A_1057 : f32 to vector<16xf32>
          %mul3A_1129 = arith.mulf %get3A_1127, %mul3A_1128 : vector<16xf32>
          %swap3A_1130 = arith.constant 0 : i32
          %swap3A_1131 = arith.index_cast %swap3A_1130 : i32 to index
          %swap3A_1132 = arith.index_cast %add3A_1061 : i32 to index
          %swap3A_1133 = arith.constant 64 : index
          %swap3A_1134 = tpu.vector_load %arg11[%swap3A_1131, %swap3A_1132, %swap3A_1133] {strides = array<i32>} : memref<2x128x128xf32, #tpu.memory_space<vmem>>, vector<1x1x16xf32>,
          %swap3A_1135 = vector.shape_cast %swap3A_1134 : vector<1x1x16xf32> to vector<16xf32>
          %swap3A_1136 = vector.shape_cast %mul3A_1129 : vector<16xf32> to vector<1x1x16xf32>
          tpu.vector_store %arg11[%swap3A_1131, %swap3A_1132, %swap3A_1133], %swap3A_1136 {strides = array<i32>} : memref<2x128x128xf32, #tpu.memory_space<vmem>>, vector<1x1x16xf32>,
          %get3A_1137 = arith.constant 0 : i32
          %get3A_1138 = arith.index_cast %get3A_1137 : i32 to index
          %get3A_1139 = arith.index_cast %add3A_1061 : i32 to index
          %get3A_1140 = arith.constant 80 : index
          %get3A_1141 = tpu.vector_load %arg11[%get3A_1138, %get3A_1139, %get3A_1140] {strides = array<i32>} : memref<2x128x128xf32, #tpu.memory_space<vmem>>, vector<1x1x16xf32>,
          %get3A_1142 = vector.shape_cast %get3A_1141 : vector<1x1x16xf32> to vector<16xf32>
          %mul3A_1143 = vector.broadcast %squeeze3A_1057 : f32 to vector<16xf32>
          %mul3A_1144 = arith.mulf %get3A_1142, %mul3A_1143 : vector<16xf32>
          %swap3A_1145 = arith.constant 0 : i32
          %swap3A_1146 = arith.index_cast %swap3A_1145 : i32 to index
          %swap3A_1147 = arith.index_cast %add3A_1061 : i32 to index
          %swap3A_1148 = arith.constant 80 : index
          %swap3A_1149 = tpu.vector_load %arg11[%swap3A_1146, %swap3A_1147, %swap3A_1148] {strides = array<i32>} : memref<2x128x128xf32, #tpu.memory_space<vmem>>, vector<1x1x16xf32>,
          %swap3A_1150 = vector.shape_cast %swap3A_1149 : vector<1x1x16xf32> to vector<16xf32>
          %swap3A_1151 = vector.shape_cast %mul3A_1144 : vector<16xf32> to vector<1x1x16xf32>
          tpu.vector_store %arg11[%swap3A_1146, %swap3A_1147, %swap3A_1148], %swap3A_1151 {strides = array<i32>} : memref<2x128x128xf32, #tpu.memory_space<vmem>>, vector<1x1x16xf32>,
          %get3A_1152 = arith.constant 0 : i32
          %get3A_1153 = arith.index_cast %get3A_1152 : i32 to index
          %get3A_1154 = arith.index_cast %add3A_1061 : i32 to index
          %get3A_1155 = arith.constant 96 : index
          %get3A_1156 = tpu.vector_load %arg11[%get3A_1153, %get3A_1154, %get3A_1155] {strides = array<i32>} : memref<2x128x128xf32, #tpu.memory_space<vmem>>, vector<1x1x16xf32>,
          %get3A_1157 = vector.shape_cast %get3A_1156 : vector<1x1x16xf32> to vector<16xf32>
          %mul3A_1158 = vector.broadcast %squeeze3A_1057 : f32 to vector<16xf32>
          %mul3A_1159 = arith.mulf %get3A_1157, %mul3A_1158 : vector<16xf32>
          %swap3A_1160 = arith.constant 0 : i32
          %swap3A_1161 = arith.index_cast %swap3A_1160 : i32 to index
          %swap3A_1162 = arith.index_cast %add3A_1061 : i32 to index
          %swap3A_1163 = arith.constant 96 : index
          %swap3A_1164 = tpu.vector_load %arg11[%swap3A_1161, %swap3A_1162, %swap3A_1163] {strides = array<i32>} : memref<2x128x128xf32, #tpu.memory_space<vmem>>, vector<1x1x16xf32>,
          %swap3A_1165 = vector.shape_cast %swap3A_1164 : vector<1x1x16xf32> to vector<16xf32>
          %swap3A_1166 = vector.shape_cast %mul3A_1159 : vector<16xf32> to vector<1x1x16xf32>
          tpu.vector_store %arg11[%swap3A_1161, %swap3A_1162, %swap3A_1163], %swap3A_1166 {strides = array<i32>} : memref<2x128x128xf32, #tpu.memory_space<vmem>>, vector<1x1x16xf32>,
          %get3A_1167 = arith.constant 0 : i32
          %get3A_1168 = arith.index_cast %get3A_1167 : i32 to index
          %get3A_1169 = arith.index_cast %add3A_1061 : i32 to index
          %get3A_1170 = arith.constant 112 : index
          %get3A_1171 = tpu.vector_load %arg11[%get3A_1168, %get3A_1169, %get3A_1170] {strides = array<i32>} : memref<2x128x128xf32, #tpu.memory_space<vmem>>, vector<1x1x16xf32>,
          %get3A_1172 = vector.shape_cast %get3A_1171 : vector<1x1x16xf32> to vector<16xf32>
          %mul3A_1173 = vector.broadcast %squeeze3A_1057 : f32 to vector<16xf32>
          %mul3A_1174 = arith.mulf %get3A_1172, %mul3A_1173 : vector<16xf32>
          %swap3A_1175 = arith.constant 0 : i32
          %swap3A_1176 = arith.index_cast %swap3A_1175 : i32 to index
          %swap3A_1177 = arith.index_cast %add3A_1061 : i32 to index
          %swap3A_1178 = arith.constant 112 : index
          %swap3A_1179 = tpu.vector_load %arg11[%swap3A_1176, %swap3A_1177, %swap3A_1178] {strides = array<i32>} : memref<2x128x128xf32, #tpu.memory_space<vmem>>, vector<1x1x16xf32>,
          %swap3A_1180 = vector.shape_cast %swap3A_1179 : vector<1x1x16xf32> to vector<16xf32>
          %swap3A_1181 = vector.shape_cast %mul3A_1174 : vector<16xf32> to vector<1x1x16xf32>
          tpu.vector_store %arg11[%swap3A_1176, %swap3A_1177, %swap3A_1178], %swap3A_1181 {strides = array<i32>} : memref<2x128x128xf32, #tpu.memory_space<vmem>>, vector<1x1x16xf32>,
          %slice3A_1182 = vector.extract_strided_slice %get3A_176 {offsets = [8], sizes = [1], strides = [1]} : vector<16xf32> to vector<1xf32>
          %squeeze3A_1183 = vector.extract %slice3A_1182[0] : f32 from vector<1xf32>
          %mul3A_1184 = arith.constant 16 : i32
          %mul3A_1185 = arith.muli %scan3A_170, %mul3A_1184 : i32
          %add3A_1186 = arith.constant 8 : i32
          %add3A_1187 = arith.addi %mul3A_1185, %add3A_1186 : i32
          %get3A_1188 = arith.constant 0 : i32
          %get3A_1189 = arith.index_cast %get3A_1188 : i32 to index
          %get3A_1190 = arith.index_cast %add3A_1187 : i32 to index
          %get3A_1191 = arith.constant 0 : index
          %get3A_1192 = tpu.vector_load %arg11[%get3A_1189, %get3A_1190, %get3A_1191] {strides = array<i32>} : memref<2x128x128xf32, #tpu.memory_space<vmem>>, vector<1x1x16xf32>,
          %get3A_1193 = vector.shape_cast %get3A_1192 : vector<1x1x16xf32> to vector<16xf32>
          %mul3A_1194 = vector.broadcast %squeeze3A_1183 : f32 to vector<16xf32>
          %mul3A_1195 = arith.mulf %get3A_1193, %mul3A_1194 : vector<16xf32>
          %swap3A_1196 = arith.constant 0 : i32
          %swap3A_1197 = arith.index_cast %swap3A_1196 : i32 to index
          %swap3A_1198 = arith.index_cast %add3A_1187 : i32 to index
          %swap3A_1199 = arith.constant 0 : index
          %swap3A_1200 = tpu.vector_load %arg11[%swap3A_1197, %swap3A_1198, %swap3A_1199] {strides = array<i32>} : memref<2x128x128xf32, #tpu.memory_space<vmem>>, vector<1x1x16xf32>,
          %swap3A_1201 = vector.shape_cast %swap3A_1200 : vector<1x1x16xf32> to vector<16xf32>
          %swap3A_1202 = vector.shape_cast %mul3A_1195 : vector<16xf32> to vector<1x1x16xf32>
          tpu.vector_store %arg11[%swap3A_1197, %swap3A_1198, %swap3A_1199], %swap3A_1202 {strides = array<i32>} : memref<2x128x128xf32, #tpu.memory_space<vmem>>, vector<1x1x16xf32>,
          %get3A_1203 = arith.constant 0 : i32
          %get3A_1204 = arith.index_cast %get3A_1203 : i32 to index
          %get3A_1205 = arith.index_cast %add3A_1187 : i32 to index
          %get3A_1206 = arith.constant 16 : index
          %get3A_1207 = tpu.vector_load %arg11[%get3A_1204, %get3A_1205, %get3A_1206] {strides = array<i32>} : memref<2x128x128xf32, #tpu.memory_space<vmem>>, vector<1x1x16xf32>,
          %get3A_1208 = vector.shape_cast %get3A_1207 : vector<1x1x16xf32> to vector<16xf32>
          %mul3A_1209 = vector.broadcast %squeeze3A_1183 : f32 to vector<16xf32>
          %mul3A_1210 = arith.mulf %get3A_1208, %mul3A_1209 : vector<16xf32>
          %swap3A_1211 = arith.constant 0 : i32
          %swap3A_1212 = arith.index_cast %swap3A_1211 : i32 to index
          %swap3A_1213 = arith.index_cast %add3A_1187 : i32 to index
          %swap3A_1214 = arith.constant 16 : index
          %swap3A_1215 = tpu.vector_load %arg11[%swap3A_1212, %swap3A_1213, %swap3A_1214] {strides = array<i32>} : memref<2x128x128xf32, #tpu.memory_space<vmem>>, vector<1x1x16xf32>,
          %swap3A_1216 = vector.shape_cast %swap3A_1215 : vector<1x1x16xf32> to vector<16xf32>
          %swap3A_1217 = vector.shape_cast %mul3A_1210 : vector<16xf32> to vector<1x1x16xf32>
          tpu.vector_store %arg11[%swap3A_1212, %swap3A_1213, %swap3A_1214], %swap3A_1217 {strides = array<i32>} : memref<2x128x128xf32, #tpu.memory_space<vmem>>, vector<1x1x16xf32>,
          %get3A_1218 = arith.constant 0 : i32
          %get3A_1219 = arith.index_cast %get3A_1218 : i32 to index
          %get3A_1220 = arith.index_cast %add3A_1187 : i32 to index
          %get3A_1221 = arith.constant 32 : index
          %get3A_1222 = tpu.vector_load %arg11[%get3A_1219, %get3A_1220, %get3A_1221] {strides = array<i32>} : memref<2x128x128xf32, #tpu.memory_space<vmem>>, vector<1x1x16xf32>,
          %get3A_1223 = vector.shape_cast %get3A_1222 : vector<1x1x16xf32> to vector<16xf32>
          %mul3A_1224 = vector.broadcast %squeeze3A_1183 : f32 to vector<16xf32>
          %mul3A_1225 = arith.mulf %get3A_1223, %mul3A_1224 : vector<16xf32>
          %swap3A_1226 = arith.constant 0 : i32
          %swap3A_1227 = arith.index_cast %swap3A_1226 : i32 to index
          %swap3A_1228 = arith.index_cast %add3A_1187 : i32 to index
          %swap3A_1229 = arith.constant 32 : index
          %swap3A_1230 = tpu.vector_load %arg11[%swap3A_1227, %swap3A_1228, %swap3A_1229] {strides = array<i32>} : memref<2x128x128xf32, #tpu.memory_space<vmem>>, vector<1x1x16xf32>,
          %swap3A_1231 = vector.shape_cast %swap3A_1230 : vector<1x1x16xf32> to vector<16xf32>
          %swap3A_1232 = vector.shape_cast %mul3A_1225 : vector<16xf32> to vector<1x1x16xf32>
          tpu.vector_store %arg11[%swap3A_1227, %swap3A_1228, %swap3A_1229], %swap3A_1232 {strides = array<i32>} : memref<2x128x128xf32, #tpu.memory_space<vmem>>, vector<1x1x16xf32>,
          %get3A_1233 = arith.constant 0 : i32
          %get3A_1234 = arith.index_cast %get3A_1233 : i32 to index
          %get3A_1235 = arith.index_cast %add3A_1187 : i32 to index
          %get3A_1236 = arith.constant 48 : index
          %get3A_1237 = tpu.vector_load %arg11[%get3A_1234, %get3A_1235, %get3A_1236] {strides = array<i32>} : memref<2x128x128xf32, #tpu.memory_space<vmem>>, vector<1x1x16xf32>,
          %get3A_1238 = vector.shape_cast %get3A_1237 : vector<1x1x16xf32> to vector<16xf32>
          %mul3A_1239 = vector.broadcast %squeeze3A_1183 : f32 to vector<16xf32>
          %mul3A_1240 = arith.mulf %get3A_1238, %mul3A_1239 : vector<16xf32>
          %swap3A_1241 = arith.constant 0 : i32
          %swap3A_1242 = arith.index_cast %swap3A_1241 : i32 to index
          %swap3A_1243 = arith.index_cast %add3A_1187 : i32 to index
          %swap3A_1244 = arith.constant 48 : index
          %swap3A_1245 = tpu.vector_load %arg11[%swap3A_1242, %swap3A_1243, %swap3A_1244] {strides = array<i32>} : memref<2x128x128xf32, #tpu.memory_space<vmem>>, vector<1x1x16xf32>,
          %swap3A_1246 = vector.shape_cast %swap3A_1245 : vector<1x1x16xf32> to vector<16xf32>
          %swap3A_1247 = vector.shape_cast %mul3A_1240 : vector<16xf32> to vector<1x1x16xf32>
          tpu.vector_store %arg11[%swap3A_1242, %swap3A_1243, %swap3A_1244], %swap3A_1247 {strides = array<i32>} : memref<2x128x128xf32, #tpu.memory_space<vmem>>, vector<1x1x16xf32>,
          %get3A_1248 = arith.constant 0 : i32
          %get3A_1249 = arith.index_cast %get3A_1248 : i32 to index
          %get3A_1250 = arith.index_cast %add3A_1187 : i32 to index
          %get3A_1251 = arith.constant 64 : index
          %get3A_1252 = tpu.vector_load %arg11[%get3A_1249, %get3A_1250, %get3A_1251] {strides = array<i32>} : memref<2x128x128xf32, #tpu.memory_space<vmem>>, vector<1x1x16xf32>,
          %get3A_1253 = vector.shape_cast %get3A_1252 : vector<1x1x16xf32> to vector<16xf32>
          %mul3A_1254 = vector.broadcast %squeeze3A_1183 : f32 to vector<16xf32>
          %mul3A_1255 = arith.mulf %get3A_1253, %mul3A_1254 : vector<16xf32>
          %swap3A_1256 = arith.constant 0 : i32
          %swap3A_1257 = arith.index_cast %swap3A_1256 : i32 to index
          %swap3A_1258 = arith.index_cast %add3A_1187 : i32 to index
          %swap3A_1259 = arith.constant 64 : index
          %swap3A_1260 = tpu.vector_load %arg11[%swap3A_1257, %swap3A_1258, %swap3A_1259] {strides = array<i32>} : memref<2x128x128xf32, #tpu.memory_space<vmem>>, vector<1x1x16xf32>,
          %swap3A_1261 = vector.shape_cast %swap3A_1260 : vector<1x1x16xf32> to vector<16xf32>
          %swap3A_1262 = vector.shape_cast %mul3A_1255 : vector<16xf32> to vector<1x1x16xf32>
          tpu.vector_store %arg11[%swap3A_1257, %swap3A_1258, %swap3A_1259], %swap3A_1262 {strides = array<i32>} : memref<2x128x128xf32, #tpu.memory_space<vmem>>, vector<1x1x16xf32>,
          %get3A_1263 = arith.constant 0 : i32
          %get3A_1264 = arith.index_cast %get3A_1263 : i32 to index
          %get3A_1265 = arith.index_cast %add3A_1187 : i32 to index
          %get3A_1266 = arith.constant 80 : index
          %get3A_1267 = tpu.vector_load %arg11[%get3A_1264, %get3A_1265, %get3A_1266] {strides = array<i32>} : memref<2x128x128xf32, #tpu.memory_space<vmem>>, vector<1x1x16xf32>,
          %get3A_1268 = vector.shape_cast %get3A_1267 : vector<1x1x16xf32> to vector<16xf32>
          %mul3A_1269 = vector.broadcast %squeeze3A_1183 : f32 to vector<16xf32>
          %mul3A_1270 = arith.mulf %get3A_1268, %mul3A_1269 : vector<16xf32>
          %swap3A_1271 = arith.constant 0 : i32
          %swap3A_1272 = arith.index_cast %swap3A_1271 : i32 to index
          %swap3A_1273 = arith.index_cast %add3A_1187 : i32 to index
          %swap3A_1274 = arith.constant 80 : index
          %swap3A_1275 = tpu.vector_load %arg11[%swap3A_1272, %swap3A_1273, %swap3A_1274] {strides = array<i32>} : memref<2x128x128xf32, #tpu.memory_space<vmem>>, vector<1x1x16xf32>,
          %swap3A_1276 = vector.shape_cast %swap3A_1275 : vector<1x1x16xf32> to vector<16xf32>
          %swap3A_1277 = vector.shape_cast %mul3A_1270 : vector<16xf32> to vector<1x1x16xf32>
          tpu.vector_store %arg11[%swap3A_1272, %swap3A_1273, %swap3A_1274], %swap3A_1277 {strides = array<i32>} : memref<2x128x128xf32, #tpu.memory_space<vmem>>, vector<1x1x16xf32>,
          %get3A_1278 = arith.constant 0 : i32
          %get3A_1279 = arith.index_cast %get3A_1278 : i32 to index
          %get3A_1280 = arith.index_cast %add3A_1187 : i32 to index
          %get3A_1281 = arith.constant 96 : index
          %get3A_1282 = tpu.vector_load %arg11[%get3A_1279, %get3A_1280, %get3A_1281] {strides = array<i32>} : memref<2x128x128xf32, #tpu.memory_space<vmem>>, vector<1x1x16xf32>,
          %get3A_1283 = vector.shape_cast %get3A_1282 : vector<1x1x16xf32> to vector<16xf32>
          %mul3A_1284 = vector.broadcast %squeeze3A_1183 : f32 to vector<16xf32>
          %mul3A_1285 = arith.mulf %get3A_1283, %mul3A_1284 : vector<16xf32>
          %swap3A_1286 = arith.constant 0 : i32
          %swap3A_1287 = arith.index_cast %swap3A_1286 : i32 to index
          %swap3A_1288 = arith.index_cast %add3A_1187 : i32 to index
          %swap3A_1289 = arith.constant 96 : index
          %swap3A_1290 = tpu.vector_load %arg11[%swap3A_1287, %swap3A_1288, %swap3A_1289] {strides = array<i32>} : memref<2x128x128xf32, #tpu.memory_space<vmem>>, vector<1x1x16xf32>,
          %swap3A_1291 = vector.shape_cast %swap3A_1290 : vector<1x1x16xf32> to vector<16xf32>
          %swap3A_1292 = vector.shape_cast %mul3A_1285 : vector<16xf32> to vector<1x1x16xf32>
          tpu.vector_store %arg11[%swap3A_1287, %swap3A_1288, %swap3A_1289], %swap3A_1292 {strides = array<i32>} : memref<2x128x128xf32, #tpu.memory_space<vmem>>, vector<1x1x16xf32>,
          %get3A_1293 = arith.constant 0 : i32
          %get3A_1294 = arith.index_cast %get3A_1293 : i32 to index
          %get3A_1295 = arith.index_cast %add3A_1187 : i32 to index
          %get3A_1296 = arith.constant 112 : index
          %get3A_1297 = tpu.vector_load %arg11[%get3A_1294, %get3A_1295, %get3A_1296] {strides = array<i32>} : memref<2x128x128xf32, #tpu.memory_space<vmem>>, vector<1x1x16xf32>,
          %get3A_1298 = vector.shape_cast %get3A_1297 : vector<1x1x16xf32> to vector<16xf32>
          %mul3A_1299 = vector.broadcast %squeeze3A_1183 : f32 to vector<16xf32>
          %mul3A_1300 = arith.mulf %get3A_1298, %mul3A_1299 : vector<16xf32>
          %swap3A_1301 = arith.constant 0 : i32
          %swap3A_1302 = arith.index_cast %swap3A_1301 : i32 to index
          %swap3A_1303 = arith.index_cast %add3A_1187 : i32 to index
          %swap3A_1304 = arith.constant 112 : index
          %swap3A_1305 = tpu.vector_load %arg11[%swap3A_1302, %swap3A_1303, %swap3A_1304] {strides = array<i32>} : memref<2x128x128xf32, #tpu.memory_space<vmem>>, vector<1x1x16xf32>,
          %swap3A_1306 = vector.shape_cast %swap3A_1305 : vector<1x1x16xf32> to vector<16xf32>
          %swap3A_1307 = vector.shape_cast %mul3A_1300 : vector<16xf32> to vector<1x1x16xf32>
          tpu.vector_store %arg11[%swap3A_1302, %swap3A_1303, %swap3A_1304], %swap3A_1307 {strides = array<i32>} : memref<2x128x128xf32, #tpu.memory_space<vmem>>, vector<1x1x16xf32>,
          %slice3A_1308 = vector.extract_strided_slice %get3A_176 {offsets = [9], sizes = [1], strides = [1]} : vector<16xf32> to vector<1xf32>
          %squeeze3A_1309 = vector.extract %slice3A_1308[0] : f32 from vector<1xf32>
          %mul3A_1310 = arith.constant 16 : i32
          %mul3A_1311 = arith.muli %scan3A_170, %mul3A_1310 : i32
          %add3A_1312 = arith.constant 9 : i32
          %add3A_1313 = arith.addi %mul3A_1311, %add3A_1312 : i32
          %get3A_1314 = arith.constant 0 : i32
          %get3A_1315 = arith.index_cast %get3A_1314 : i32 to index
          %get3A_1316 = arith.index_cast %add3A_1313 : i32 to index
          %get3A_1317 = arith.constant 0 : index
          %get3A_1318 = tpu.vector_load %arg11[%get3A_1315, %get3A_1316, %get3A_1317] {strides = array<i32>} : memref<2x128x128xf32, #tpu.memory_space<vmem>>, vector<1x1x16xf32>,
          %get3A_1319 = vector.shape_cast %get3A_1318 : vector<1x1x16xf32> to vector<16xf32>
          %mul3A_1320 = vector.broadcast %squeeze3A_1309 : f32 to vector<16xf32>
          %mul3A_1321 = arith.mulf %get3A_1319, %mul3A_1320 : vector<16xf32>
          %swap3A_1322 = arith.constant 0 : i32
          %swap3A_1323 = arith.index_cast %swap3A_1322 : i32 to index
          %swap3A_1324 = arith.index_cast %add3A_1313 : i32 to index
          %swap3A_1325 = arith.constant 0 : index
          %swap3A_1326 = tpu.vector_load %arg11[%swap3A_1323, %swap3A_1324, %swap3A_1325] {strides = array<i32>} : memref<2x128x128xf32, #tpu.memory_space<vmem>>, vector<1x1x16xf32>,
          %swap3A_1327 = vector.shape_cast %swap3A_1326 : vector<1x1x16xf32> to vector<16xf32>
          %swap3A_1328 = vector.shape_cast %mul3A_1321 : vector<16xf32> to vector<1x1x16xf32>
          tpu.vector_store %arg11[%swap3A_1323, %swap3A_1324, %swap3A_1325], %swap3A_1328 {strides = array<i32>} : memref<2x128x128xf32, #tpu.memory_space<vmem>>, vector<1x1x16xf32>,
          %get3A_1329 = arith.constant 0 : i32
          %get3A_1330 = arith.index_cast %get3A_1329 : i32 to index
          %get3A_1331 = arith.index_cast %add3A_1313 : i32 to index
          %get3A_1332 = arith.constant 16 : index
          %get3A_1333 = tpu.vector_load %arg11[%get3A_1330, %get3A_1331, %get3A_1332] {strides = array<i32>} : memref<2x128x128xf32, #tpu.memory_space<vmem>>, vector<1x1x16xf32>,
          %get3A_1334 = vector.shape_cast %get3A_1333 : vector<1x1x16xf32> to vector<16xf32>
          %mul3A_1335 = vector.broadcast %squeeze3A_1309 : f32 to vector<16xf32>
          %mul3A_1336 = arith.mulf %get3A_1334, %mul3A_1335 : vector<16xf32>
          %swap3A_1337 = arith.constant 0 : i32
          %swap3A_1338 = arith.index_cast %swap3A_1337 : i32 to index
          %swap3A_1339 = arith.index_cast %add3A_1313 : i32 to index
          %swap3A_1340 = arith.constant 16 : index
          %swap3A_1341 = tpu.vector_load %arg11[%swap3A_1338, %swap3A_1339, %swap3A_1340] {strides = array<i32>} : memref<2x128x128xf32, #tpu.memory_space<vmem>>, vector<1x1x16xf32>,
          %swap3A_1342 = vector.shape_cast %swap3A_1341 : vector<1x1x16xf32> to vector<16xf32>
          %swap3A_1343 = vector.shape_cast %mul3A_1336 : vector<16xf32> to vector<1x1x16xf32>
          tpu.vector_store %arg11[%swap3A_1338, %swap3A_1339, %swap3A_1340], %swap3A_1343 {strides = array<i32>} : memref<2x128x128xf32, #tpu.memory_space<vmem>>, vector<1x1x16xf32>,
          %get3A_1344 = arith.constant 0 : i32
          %get3A_1345 = arith.index_cast %get3A_1344 : i32 to index
          %get3A_1346 = arith.index_cast %add3A_1313 : i32 to index
          %get3A_1347 = arith.constant 32 : index
          %get3A_1348 = tpu.vector_load %arg11[%get3A_1345, %get3A_1346, %get3A_1347] {strides = array<i32>} : memref<2x128x128xf32, #tpu.memory_space<vmem>>, vector<1x1x16xf32>,
          %get3A_1349 = vector.shape_cast %get3A_1348 : vector<1x1x16xf32> to vector<16xf32>
          %mul3A_1350 = vector.broadcast %squeeze3A_1309 : f32 to vector<16xf32>
          %mul3A_1351 = arith.mulf %get3A_1349, %mul3A_1350 : vector<16xf32>
          %swap3A_1352 = arith.constant 0 : i32
          %swap3A_1353 = arith.index_cast %swap3A_1352 : i32 to index
          %swap3A_1354 = arith.index_cast %add3A_1313 : i32 to index
          %swap3A_1355 = arith.constant 32 : index
          %swap3A_1356 = tpu.vector_load %arg11[%swap3A_1353, %swap3A_1354, %swap3A_1355] {strides = array<i32>} : memref<2x128x128xf32, #tpu.memory_space<vmem>>, vector<1x1x16xf32>,
          %swap3A_1357 = vector.shape_cast %swap3A_1356 : vector<1x1x16xf32> to vector<16xf32>
          %swap3A_1358 = vector.shape_cast %mul3A_1351 : vector<16xf32> to vector<1x1x16xf32>
          tpu.vector_store %arg11[%swap3A_1353, %swap3A_1354, %swap3A_1355], %swap3A_1358 {strides = array<i32>} : memref<2x128x128xf32, #tpu.memory_space<vmem>>, vector<1x1x16xf32>,
          %get3A_1359 = arith.constant 0 : i32
          %get3A_1360 = arith.index_cast %get3A_1359 : i32 to index
          %get3A_1361 = arith.index_cast %add3A_1313 : i32 to index
          %get3A_1362 = arith.constant 48 : index
          %get3A_1363 = tpu.vector_load %arg11[%get3A_1360, %get3A_1361, %get3A_1362] {strides = array<i32>} : memref<2x128x128xf32, #tpu.memory_space<vmem>>, vector<1x1x16xf32>,
          %get3A_1364 = vector.shape_cast %get3A_1363 : vector<1x1x16xf32> to vector<16xf32>
          %mul3A_1365 = vector.broadcast %squeeze3A_1309 : f32 to vector<16xf32>
          %mul3A_1366 = arith.mulf %get3A_1364, %mul3A_1365 : vector<16xf32>
          %swap3A_1367 = arith.constant 0 : i32
          %swap3A_1368 = arith.index_cast %swap3A_1367 : i32 to index
          %swap3A_1369 = arith.index_cast %add3A_1313 : i32 to index
          %swap3A_1370 = arith.constant 48 : index
          %swap3A_1371 = tpu.vector_load %arg11[%swap3A_1368, %swap3A_1369, %swap3A_1370] {strides = array<i32>} : memref<2x128x128xf32, #tpu.memory_space<vmem>>, vector<1x1x16xf32>,
          %swap3A_1372 = vector.shape_cast %swap3A_1371 : vector<1x1x16xf32> to vector<16xf32>
          %swap3A_1373 = vector.shape_cast %mul3A_1366 : vector<16xf32> to vector<1x1x16xf32>
          tpu.vector_store %arg11[%swap3A_1368, %swap3A_1369, %swap3A_1370], %swap3A_1373 {strides = array<i32>} : memref<2x128x128xf32, #tpu.memory_space<vmem>>, vector<1x1x16xf32>,
          %get3A_1374 = arith.constant 0 : i32
          %get3A_1375 = arith.index_cast %get3A_1374 : i32 to index
          %get3A_1376 = arith.index_cast %add3A_1313 : i32 to index
          %get3A_1377 = arith.constant 64 : index
          %get3A_1378 = tpu.vector_load %arg11[%get3A_1375, %get3A_1376, %get3A_1377] {strides = array<i32>} : memref<2x128x128xf32, #tpu.memory_space<vmem>>, vector<1x1x16xf32>,
          %get3A_1379 = vector.shape_cast %get3A_1378 : vector<1x1x16xf32> to vector<16xf32>
          %mul3A_1380 = vector.broadcast %squeeze3A_1309 : f32 to vector<16xf32>
          %mul3A_1381 = arith.mulf %get3A_1379, %mul3A_1380 : vector<16xf32>
          %swap3A_1382 = arith.constant 0 : i32
          %swap3A_1383 = arith.index_cast %swap3A_1382 : i32 to index
          %swap3A_1384 = arith.index_cast %add3A_1313 : i32 to index
          %swap3A_1385 = arith.constant 64 : index
          %swap3A_1386 = tpu.vector_load %arg11[%swap3A_1383, %swap3A_1384, %swap3A_1385] {strides = array<i32>} : memref<2x128x128xf32, #tpu.memory_space<vmem>>, vector<1x1x16xf32>,
          %swap3A_1387 = vector.shape_cast %swap3A_1386 : vector<1x1x16xf32> to vector<16xf32>
          %swap3A_1388 = vector.shape_cast %mul3A_1381 : vector<16xf32> to vector<1x1x16xf32>
          tpu.vector_store %arg11[%swap3A_1383, %swap3A_1384, %swap3A_1385], %swap3A_1388 {strides = array<i32>} : memref<2x128x128xf32, #tpu.memory_space<vmem>>, vector<1x1x16xf32>,
          %get3A_1389 = arith.constant 0 : i32
          %get3A_1390 = arith.index_cast %get3A_1389 : i32 to index
          %get3A_1391 = arith.index_cast %add3A_1313 : i32 to index
          %get3A_1392 = arith.constant 80 : index
          %get3A_1393 = tpu.vector_load %arg11[%get3A_1390, %get3A_1391, %get3A_1392] {strides = array<i32>} : memref<2x128x128xf32, #tpu.memory_space<vmem>>, vector<1x1x16xf32>,
          %get3A_1394 = vector.shape_cast %get3A_1393 : vector<1x1x16xf32> to vector<16xf32>
          %mul3A_1395 = vector.broadcast %squeeze3A_1309 : f32 to vector<16xf32>
          %mul3A_1396 = arith.mulf %get3A_1394, %mul3A_1395 : vector<16xf32>
          %swap3A_1397 = arith.constant 0 : i32
          %swap3A_1398 = arith.index_cast %swap3A_1397 : i32 to index
          %swap3A_1399 = arith.index_cast %add3A_1313 : i32 to index
          %swap3A_1400 = arith.constant 80 : index
          %swap3A_1401 = tpu.vector_load %arg11[%swap3A_1398, %swap3A_1399, %swap3A_1400] {strides = array<i32>} : memref<2x128x128xf32, #tpu.memory_space<vmem>>, vector<1x1x16xf32>,
          %swap3A_1402 = vector.shape_cast %swap3A_1401 : vector<1x1x16xf32> to vector<16xf32>
          %swap3A_1403 = vector.shape_cast %mul3A_1396 : vector<16xf32> to vector<1x1x16xf32>
          tpu.vector_store %arg11[%swap3A_1398, %swap3A_1399, %swap3A_1400], %swap3A_1403 {strides = array<i32>} : memref<2x128x128xf32, #tpu.memory_space<vmem>>, vector<1x1x16xf32>,
          %get3A_1404 = arith.constant 0 : i32
          %get3A_1405 = arith.index_cast %get3A_1404 : i32 to index
          %get3A_1406 = arith.index_cast %add3A_1313 : i32 to index
          %get3A_1407 = arith.constant 96 : index
          %get3A_1408 = tpu.vector_load %arg11[%get3A_1405, %get3A_1406, %get3A_1407] {strides = array<i32>} : memref<2x128x128xf32, #tpu.memory_space<vmem>>, vector<1x1x16xf32>,
          %get3A_1409 = vector.shape_cast %get3A_1408 : vector<1x1x16xf32> to vector<16xf32>
          %mul3A_1410 = vector.broadcast %squeeze3A_1309 : f32 to vector<16xf32>
          %mul3A_1411 = arith.mulf %get3A_1409, %mul3A_1410 : vector<16xf32>
          %swap3A_1412 = arith.constant 0 : i32
          %swap3A_1413 = arith.index_cast %swap3A_1412 : i32 to index
          %swap3A_1414 = arith.index_cast %add3A_1313 : i32 to index
          %swap3A_1415 = arith.constant 96 : index
          %swap3A_1416 = tpu.vector_load %arg11[%swap3A_1413, %swap3A_1414, %swap3A_1415] {strides = array<i32>} : memref<2x128x128xf32, #tpu.memory_space<vmem>>, vector<1x1x16xf32>,
          %swap3A_1417 = vector.shape_cast %swap3A_1416 : vector<1x1x16xf32> to vector<16xf32>
          %swap3A_1418 = vector.shape_cast %mul3A_1411 : vector<16xf32> to vector<1x1x16xf32>
          tpu.vector_store %arg11[%swap3A_1413, %swap3A_1414, %swap3A_1415], %swap3A_1418 {strides = array<i32>} : memref<2x128x128xf32, #tpu.memory_space<vmem>>, vector<1x1x16xf32>,
          %get3A_1419 = arith.constant 0 : i32
          %get3A_1420 = arith.index_cast %get3A_1419 : i32 to index
          %get3A_1421 = arith.index_cast %add3A_1313 : i32 to index
          %get3A_1422 = arith.constant 112 : index
          %get3A_1423 = tpu.vector_load %arg11[%get3A_1420, %get3A_1421, %get3A_1422] {strides = array<i32>} : memref<2x128x128xf32, #tpu.memory_space<vmem>>, vector<1x1x16xf32>,
          %get3A_1424 = vector.shape_cast %get3A_1423 : vector<1x1x16xf32> to vector<16xf32>
          %mul3A_1425 = vector.broadcast %squeeze3A_1309 : f32 to vector<16xf32>
          %mul3A_1426 = arith.mulf %get3A_1424, %mul3A_1425 : vector<16xf32>
          %swap3A_1427 = arith.constant 0 : i32
          %swap3A_1428 = arith.index_cast %swap3A_1427 : i32 to index
          %swap3A_1429 = arith.index_cast %add3A_1313 : i32 to index
          %swap3A_1430 = arith.constant 112 : index
          %swap3A_1431 = tpu.vector_load %arg11[%swap3A_1428, %swap3A_1429, %swap3A_1430] {strides = array<i32>} : memref<2x128x128xf32, #tpu.memory_space<vmem>>, vector<1x1x16xf32>,
          %swap3A_1432 = vector.shape_cast %swap3A_1431 : vector<1x1x16xf32> to vector<16xf32>
          %swap3A_1433 = vector.shape_cast %mul3A_1426 : vector<16xf32> to vector<1x1x16xf32>
          tpu.vector_store %arg11[%swap3A_1428, %swap3A_1429, %swap3A_1430], %swap3A_1433 {strides = array<i32>} : memref<2x128x128xf32, #tpu.memory_space<vmem>>, vector<1x1x16xf32>,
          %slice3A_1434 = vector.extract_strided_slice %get3A_176 {offsets = [10], sizes = [1], strides = [1]} : vector<16xf32> to vector<1xf32>
          %squeeze3A_1435 = vector.extract %slice3A_1434[0] : f32 from vector<1xf32>
          %mul3A_1436 = arith.constant 16 : i32
          %mul3A_1437 = arith.muli %scan3A_170, %mul3A_1436 : i32
          %add3A_1438 = arith.constant 10 : i32
          %add3A_1439 = arith.addi %mul3A_1437, %add3A_1438 : i32
          %get3A_1440 = arith.constant 0 : i32
          %get3A_1441 = arith.index_cast %get3A_1440 : i32 to index
          %get3A_1442 = arith.index_cast %add3A_1439 : i32 to index
          %get3A_1443 = arith.constant 0 : index
          %get3A_1444 = tpu.vector_load %arg11[%get3A_1441, %get3A_1442, %get3A_1443] {strides = array<i32>} : memref<2x128x128xf32, #tpu.memory_space<vmem>>, vector<1x1x16xf32>,
          %get3A_1445 = vector.shape_cast %get3A_1444 : vector<1x1x16xf32> to vector<16xf32>
          %mul3A_1446 = vector.broadcast %squeeze3A_1435 : f32 to vector<16xf32>
          %mul3A_1447 = arith.mulf %get3A_1445, %mul3A_1446 : vector<16xf32>
          %swap3A_1448 = arith.constant 0 : i32
          %swap3A_1449 = arith.index_cast %swap3A_1448 : i32 to index
          %swap3A_1450 = arith.index_cast %add3A_1439 : i32 to index
          %swap3A_1451 = arith.constant 0 : index
          %swap3A_1452 = tpu.vector_load %arg11[%swap3A_1449, %swap3A_1450, %swap3A_1451] {strides = array<i32>} : memref<2x128x128xf32, #tpu.memory_space<vmem>>, vector<1x1x16xf32>,
          %swap3A_1453 = vector.shape_cast %swap3A_1452 : vector<1x1x16xf32> to vector<16xf32>
          %swap3A_1454 = vector.shape_cast %mul3A_1447 : vector<16xf32> to vector<1x1x16xf32>
          tpu.vector_store %arg11[%swap3A_1449, %swap3A_1450, %swap3A_1451], %swap3A_1454 {strides = array<i32>} : memref<2x128x128xf32, #tpu.memory_space<vmem>>, vector<1x1x16xf32>,
          %get3A_1455 = arith.constant 0 : i32
          %get3A_1456 = arith.index_cast %get3A_1455 : i32 to index
          %get3A_1457 = arith.index_cast %add3A_1439 : i32 to index
          %get3A_1458 = arith.constant 16 : index
          %get3A_1459 = tpu.vector_load %arg11[%get3A_1456, %get3A_1457, %get3A_1458] {strides = array<i32>} : memref<2x128x128xf32, #tpu.memory_space<vmem>>, vector<1x1x16xf32>,
          %get3A_1460 = vector.shape_cast %get3A_1459 : vector<1x1x16xf32> to vector<16xf32>
          %mul3A_1461 = vector.broadcast %squeeze3A_1435 : f32 to vector<16xf32>
          %mul3A_1462 = arith.mulf %get3A_1460, %mul3A_1461 : vector<16xf32>
          %swap3A_1463 = arith.constant 0 : i32
          %swap3A_1464 = arith.index_cast %swap3A_1463 : i32 to index
          %swap3A_1465 = arith.index_cast %add3A_1439 : i32 to index
          %swap3A_1466 = arith.constant 16 : index
          %swap3A_1467 = tpu.vector_load %arg11[%swap3A_1464, %swap3A_1465, %swap3A_1466] {strides = array<i32>} : memref<2x128x128xf32, #tpu.memory_space<vmem>>, vector<1x1x16xf32>,
          %swap3A_1468 = vector.shape_cast %swap3A_1467 : vector<1x1x16xf32> to vector<16xf32>
          %swap3A_1469 = vector.shape_cast %mul3A_1462 : vector<16xf32> to vector<1x1x16xf32>
          tpu.vector_store %arg11[%swap3A_1464, %swap3A_1465, %swap3A_1466], %swap3A_1469 {strides = array<i32>} : memref<2x128x128xf32, #tpu.memory_space<vmem>>, vector<1x1x16xf32>,
          %get3A_1470 = arith.constant 0 : i32
          %get3A_1471 = arith.index_cast %get3A_1470 : i32 to index
          %get3A_1472 = arith.index_cast %add3A_1439 : i32 to index
          %get3A_1473 = arith.constant 32 : index
          %get3A_1474 = tpu.vector_load %arg11[%get3A_1471, %get3A_1472, %get3A_1473] {strides = array<i32>} : memref<2x128x128xf32, #tpu.memory_space<vmem>>, vector<1x1x16xf32>,
          %get3A_1475 = vector.shape_cast %get3A_1474 : vector<1x1x16xf32> to vector<16xf32>
          %mul3A_1476 = vector.broadcast %squeeze3A_1435 : f32 to vector<16xf32>
          %mul3A_1477 = arith.mulf %get3A_1475, %mul3A_1476 : vector<16xf32>
          %swap3A_1478 = arith.constant 0 : i32
          %swap3A_1479 = arith.index_cast %swap3A_1478 : i32 to index
          %swap3A_1480 = arith.index_cast %add3A_1439 : i32 to index
          %swap3A_1481 = arith.constant 32 : index
          %swap3A_1482 = tpu.vector_load %arg11[%swap3A_1479, %swap3A_1480, %swap3A_1481] {strides = array<i32>} : memref<2x128x128xf32, #tpu.memory_space<vmem>>, vector<1x1x16xf32>,
          %swap3A_1483 = vector.shape_cast %swap3A_1482 : vector<1x1x16xf32> to vector<16xf32>
          %swap3A_1484 = vector.shape_cast %mul3A_1477 : vector<16xf32> to vector<1x1x16xf32>
          tpu.vector_store %arg11[%swap3A_1479, %swap3A_1480, %swap3A_1481], %swap3A_1484 {strides = array<i32>} : memref<2x128x128xf32, #tpu.memory_space<vmem>>, vector<1x1x16xf32>,
          %get3A_1485 = arith.constant 0 : i32
          %get3A_1486 = arith.index_cast %get3A_1485 : i32 to index
          %get3A_1487 = arith.index_cast %add3A_1439 : i32 to index
          %get3A_1488 = arith.constant 48 : index
          %get3A_1489 = tpu.vector_load %arg11[%get3A_1486, %get3A_1487, %get3A_1488] {strides = array<i32>} : memref<2x128x128xf32, #tpu.memory_space<vmem>>, vector<1x1x16xf32>,
          %get3A_1490 = vector.shape_cast %get3A_1489 : vector<1x1x16xf32> to vector<16xf32>
          %mul3A_1491 = vector.broadcast %squeeze3A_1435 : f32 to vector<16xf32>
          %mul3A_1492 = arith.mulf %get3A_1490, %mul3A_1491 : vector<16xf32>
          %swap3A_1493 = arith.constant 0 : i32
          %swap3A_1494 = arith.index_cast %swap3A_1493 : i32 to index
          %swap3A_1495 = arith.index_cast %add3A_1439 : i32 to index
          %swap3A_1496 = arith.constant 48 : index
          %swap3A_1497 = tpu.vector_load %arg11[%swap3A_1494, %swap3A_1495, %swap3A_1496] {strides = array<i32>} : memref<2x128x128xf32, #tpu.memory_space<vmem>>, vector<1x1x16xf32>,
          %swap3A_1498 = vector.shape_cast %swap3A_1497 : vector<1x1x16xf32> to vector<16xf32>
          %swap3A_1499 = vector.shape_cast %mul3A_1492 : vector<16xf32> to vector<1x1x16xf32>
          tpu.vector_store %arg11[%swap3A_1494, %swap3A_1495, %swap3A_1496], %swap3A_1499 {strides = array<i32>} : memref<2x128x128xf32, #tpu.memory_space<vmem>>, vector<1x1x16xf32>,
          %get3A_1500 = arith.constant 0 : i32
          %get3A_1501 = arith.index_cast %get3A_1500 : i32 to index
          %get3A_1502 = arith.index_cast %add3A_1439 : i32 to index
          %get3A_1503 = arith.constant 64 : index
          %get3A_1504 = tpu.vector_load %arg11[%get3A_1501, %get3A_1502, %get3A_1503] {strides = array<i32>} : memref<2x128x128xf32, #tpu.memory_space<vmem>>, vector<1x1x16xf32>,
          %get3A_1505 = vector.shape_cast %get3A_1504 : vector<1x1x16xf32> to vector<16xf32>
          %mul3A_1506 = vector.broadcast %squeeze3A_1435 : f32 to vector<16xf32>
          %mul3A_1507 = arith.mulf %get3A_1505, %mul3A_1506 : vector<16xf32>
          %swap3A_1508 = arith.constant 0 : i32
          %swap3A_1509 = arith.index_cast %swap3A_1508 : i32 to index
          %swap3A_1510 = arith.index_cast %add3A_1439 : i32 to index
          %swap3A_1511 = arith.constant 64 : index
          %swap3A_1512 = tpu.vector_load %arg11[%swap3A_1509, %swap3A_1510, %swap3A_1511] {strides = array<i32>} : memref<2x128x128xf32, #tpu.memory_space<vmem>>, vector<1x1x16xf32>,
          %swap3A_1513 = vector.shape_cast %swap3A_1512 : vector<1x1x16xf32> to vector<16xf32>
          %swap3A_1514 = vector.shape_cast %mul3A_1507 : vector<16xf32> to vector<1x1x16xf32>
          tpu.vector_store %arg11[%swap3A_1509, %swap3A_1510, %swap3A_1511], %swap3A_1514 {strides = array<i32>} : memref<2x128x128xf32, #tpu.memory_space<vmem>>, vector<1x1x16xf32>,
          %get3A_1515 = arith.constant 0 : i32
          %get3A_1516 = arith.index_cast %get3A_1515 : i32 to index
          %get3A_1517 = arith.index_cast %add3A_1439 : i32 to index
          %get3A_1518 = arith.constant 80 : index
          %get3A_1519 = tpu.vector_load %arg11[%get3A_1516, %get3A_1517, %get3A_1518] {strides = array<i32>} : memref<2x128x128xf32, #tpu.memory_space<vmem>>, vector<1x1x16xf32>,
          %get3A_1520 = vector.shape_cast %get3A_1519 : vector<1x1x16xf32> to vector<16xf32>
          %mul3A_1521 = vector.broadcast %squeeze3A_1435 : f32 to vector<16xf32>
          %mul3A_1522 = arith.mulf %get3A_1520, %mul3A_1521 : vector<16xf32>
          %swap3A_1523 = arith.constant 0 : i32
          %swap3A_1524 = arith.index_cast %swap3A_1523 : i32 to index
          %swap3A_1525 = arith.index_cast %add3A_1439 : i32 to index
          %swap3A_1526 = arith.constant 80 : index
          %swap3A_1527 = tpu.vector_load %arg11[%swap3A_1524, %swap3A_1525, %swap3A_1526] {strides = array<i32>} : memref<2x128x128xf32, #tpu.memory_space<vmem>>, vector<1x1x16xf32>,
          %swap3A_1528 = vector.shape_cast %swap3A_1527 : vector<1x1x16xf32> to vector<16xf32>
          %swap3A_1529 = vector.shape_cast %mul3A_1522 : vector<16xf32> to vector<1x1x16xf32>
          tpu.vector_store %arg11[%swap3A_1524, %swap3A_1525, %swap3A_1526], %swap3A_1529 {strides = array<i32>} : memref<2x128x128xf32, #tpu.memory_space<vmem>>, vector<1x1x16xf32>,
          %get3A_1530 = arith.constant 0 : i32
          %get3A_1531 = arith.index_cast %get3A_1530 : i32 to index
          %get3A_1532 = arith.index_cast %add3A_1439 : i32 to index
          %get3A_1533 = arith.constant 96 : index
          %get3A_1534 = tpu.vector_load %arg11[%get3A_1531, %get3A_1532, %get3A_1533] {strides = array<i32>} : memref<2x128x128xf32, #tpu.memory_space<vmem>>, vector<1x1x16xf32>,
          %get3A_1535 = vector.shape_cast %get3A_1534 : vector<1x1x16xf32> to vector<16xf32>
          %mul3A_1536 = vector.broadcast %squeeze3A_1435 : f32 to vector<16xf32>
          %mul3A_1537 = arith.mulf %get3A_1535, %mul3A_1536 : vector<16xf32>
          %swap3A_1538 = arith.constant 0 : i32
          %swap3A_1539 = arith.index_cast %swap3A_1538 : i32 to index
          %swap3A_1540 = arith.index_cast %add3A_1439 : i32 to index
          %swap3A_1541 = arith.constant 96 : index
          %swap3A_1542 = tpu.vector_load %arg11[%swap3A_1539, %swap3A_1540, %swap3A_1541] {strides = array<i32>} : memref<2x128x128xf32, #tpu.memory_space<vmem>>, vector<1x1x16xf32>,
          %swap3A_1543 = vector.shape_cast %swap3A_1542 : vector<1x1x16xf32> to vector<16xf32>
          %swap3A_1544 = vector.shape_cast %mul3A_1537 : vector<16xf32> to vector<1x1x16xf32>
          tpu.vector_store %arg11[%swap3A_1539, %swap3A_1540, %swap3A_1541], %swap3A_1544 {strides = array<i32>} : memref<2x128x128xf32, #tpu.memory_space<vmem>>, vector<1x1x16xf32>,
          %get3A_1545 = arith.constant 0 : i32
          %get3A_1546 = arith.index_cast %get3A_1545 : i32 to index
          %get3A_1547 = arith.index_cast %add3A_1439 : i32 to index
          %get3A_1548 = arith.constant 112 : index
          %get3A_1549 = tpu.vector_load %arg11[%get3A_1546, %get3A_1547, %get3A_1548] {strides = array<i32>} : memref<2x128x128xf32, #tpu.memory_space<vmem>>, vector<1x1x16xf32>,
          %get3A_1550 = vector.shape_cast %get3A_1549 : vector<1x1x16xf32> to vector<16xf32>
          %mul3A_1551 = vector.broadcast %squeeze3A_1435 : f32 to vector<16xf32>
          %mul3A_1552 = arith.mulf %get3A_1550, %mul3A_1551 : vector<16xf32>
          %swap3A_1553 = arith.constant 0 : i32
          %swap3A_1554 = arith.index_cast %swap3A_1553 : i32 to index
          %swap3A_1555 = arith.index_cast %add3A_1439 : i32 to index
          %swap3A_1556 = arith.constant 112 : index
          %swap3A_1557 = tpu.vector_load %arg11[%swap3A_1554, %swap3A_1555, %swap3A_1556] {strides = array<i32>} : memref<2x128x128xf32, #tpu.memory_space<vmem>>, vector<1x1x16xf32>,
          %swap3A_1558 = vector.shape_cast %swap3A_1557 : vector<1x1x16xf32> to vector<16xf32>
          %swap3A_1559 = vector.shape_cast %mul3A_1552 : vector<16xf32> to vector<1x1x16xf32>
          tpu.vector_store %arg11[%swap3A_1554, %swap3A_1555, %swap3A_1556], %swap3A_1559 {strides = array<i32>} : memref<2x128x128xf32, #tpu.memory_space<vmem>>, vector<1x1x16xf32>,
          %slice3A_1560 = vector.extract_strided_slice %get3A_176 {offsets = [11], sizes = [1], strides = [1]} : vector<16xf32> to vector<1xf32>
          %squeeze3A_1561 = vector.extract %slice3A_1560[0] : f32 from vector<1xf32>
          %mul3A_1562 = arith.constant 16 : i32
          %mul3A_1563 = arith.muli %scan3A_170, %mul3A_1562 : i32
          %add3A_1564 = arith.constant 11 : i32
          %add3A_1565 = arith.addi %mul3A_1563, %add3A_1564 : i32
          %get3A_1566 = arith.constant 0 : i32
          %get3A_1567 = arith.index_cast %get3A_1566 : i32 to index
          %get3A_1568 = arith.index_cast %add3A_1565 : i32 to index
          %get3A_1569 = arith.constant 0 : index
          %get3A_1570 = tpu.vector_load %arg11[%get3A_1567, %get3A_1568, %get3A_1569] {strides = array<i32>} : memref<2x128x128xf32, #tpu.memory_space<vmem>>, vector<1x1x16xf32>,
          %get3A_1571 = vector.shape_cast %get3A_1570 : vector<1x1x16xf32> to vector<16xf32>
          %mul3A_1572 = vector.broadcast %squeeze3A_1561 : f32 to vector<16xf32>
          %mul3A_1573 = arith.mulf %get3A_1571, %mul3A_1572 : vector<16xf32>
          %swap3A_1574 = arith.constant 0 : i32
          %swap3A_1575 = arith.index_cast %swap3A_1574 : i32 to index
          %swap3A_1576 = arith.index_cast %add3A_1565 : i32 to index
          %swap3A_1577 = arith.constant 0 : index
          %swap3A_1578 = tpu.vector_load %arg11[%swap3A_1575, %swap3A_1576, %swap3A_1577] {strides = array<i32>} : memref<2x128x128xf32, #tpu.memory_space<vmem>>, vector<1x1x16xf32>,
          %swap3A_1579 = vector.shape_cast %swap3A_1578 : vector<1x1x16xf32> to vector<16xf32>
          %swap3A_1580 = vector.shape_cast %mul3A_1573 : vector<16xf32> to vector<1x1x16xf32>
          tpu.vector_store %arg11[%swap3A_1575, %swap3A_1576, %swap3A_1577], %swap3A_1580 {strides = array<i32>} : memref<2x128x128xf32, #tpu.memory_space<vmem>>, vector<1x1x16xf32>,
          %get3A_1581 = arith.constant 0 : i32
          %get3A_1582 = arith.index_cast %get3A_1581 : i32 to index
          %get3A_1583 = arith.index_cast %add3A_1565 : i32 to index
          %get3A_1584 = arith.constant 16 : index
          %get3A_1585 = tpu.vector_load %arg11[%get3A_1582, %get3A_1583, %get3A_1584] {strides = array<i32>} : memref<2x128x128xf32, #tpu.memory_space<vmem>>, vector<1x1x16xf32>,
          %get3A_1586 = vector.shape_cast %get3A_1585 : vector<1x1x16xf32> to vector<16xf32>
          %mul3A_1587 = vector.broadcast %squeeze3A_1561 : f32 to vector<16xf32>
          %mul3A_1588 = arith.mulf %get3A_1586, %mul3A_1587 : vector<16xf32>
          %swap3A_1589 = arith.constant 0 : i32
          %swap3A_1590 = arith.index_cast %swap3A_1589 : i32 to index
          %swap3A_1591 = arith.index_cast %add3A_1565 : i32 to index
          %swap3A_1592 = arith.constant 16 : index
          %swap3A_1593 = tpu.vector_load %arg11[%swap3A_1590, %swap3A_1591, %swap3A_1592] {strides = array<i32>} : memref<2x128x128xf32, #tpu.memory_space<vmem>>, vector<1x1x16xf32>,
          %swap3A_1594 = vector.shape_cast %swap3A_1593 : vector<1x1x16xf32> to vector<16xf32>
          %swap3A_1595 = vector.shape_cast %mul3A_1588 : vector<16xf32> to vector<1x1x16xf32>
          tpu.vector_store %arg11[%swap3A_1590, %swap3A_1591, %swap3A_1592], %swap3A_1595 {strides = array<i32>} : memref<2x128x128xf32, #tpu.memory_space<vmem>>, vector<1x1x16xf32>,
          %get3A_1596 = arith.constant 0 : i32
          %get3A_1597 = arith.index_cast %get3A_1596 : i32 to index
          %get3A_1598 = arith.index_cast %add3A_1565 : i32 to index
          %get3A_1599 = arith.constant 32 : index
          %get3A_1600 = tpu.vector_load %arg11[%get3A_1597, %get3A_1598, %get3A_1599] {strides = array<i32>} : memref<2x128x128xf32, #tpu.memory_space<vmem>>, vector<1x1x16xf32>,
          %get3A_1601 = vector.shape_cast %get3A_1600 : vector<1x1x16xf32> to vector<16xf32>
          %mul3A_1602 = vector.broadcast %squeeze3A_1561 : f32 to vector<16xf32>
          %mul3A_1603 = arith.mulf %get3A_1601, %mul3A_1602 : vector<16xf32>
          %swap3A_1604 = arith.constant 0 : i32
          %swap3A_1605 = arith.index_cast %swap3A_1604 : i32 to index
          %swap3A_1606 = arith.index_cast %add3A_1565 : i32 to index
          %swap3A_1607 = arith.constant 32 : index
          %swap3A_1608 = tpu.vector_load %arg11[%swap3A_1605, %swap3A_1606, %swap3A_1607] {strides = array<i32>} : memref<2x128x128xf32, #tpu.memory_space<vmem>>, vector<1x1x16xf32>,
          %swap3A_1609 = vector.shape_cast %swap3A_1608 : vector<1x1x16xf32> to vector<16xf32>
          %swap3A_1610 = vector.shape_cast %mul3A_1603 : vector<16xf32> to vector<1x1x16xf32>
          tpu.vector_store %arg11[%swap3A_1605, %swap3A_1606, %swap3A_1607], %swap3A_1610 {strides = array<i32>} : memref<2x128x128xf32, #tpu.memory_space<vmem>>, vector<1x1x16xf32>,
          %get3A_1611 = arith.constant 0 : i32
          %get3A_1612 = arith.index_cast %get3A_1611 : i32 to index
          %get3A_1613 = arith.index_cast %add3A_1565 : i32 to index
          %get3A_1614 = arith.constant 48 : index
          %get3A_1615 = tpu.vector_load %arg11[%get3A_1612, %get3A_1613, %get3A_1614] {strides = array<i32>} : memref<2x128x128xf32, #tpu.memory_space<vmem>>, vector<1x1x16xf32>,
          %get3A_1616 = vector.shape_cast %get3A_1615 : vector<1x1x16xf32> to vector<16xf32>
          %mul3A_1617 = vector.broadcast %squeeze3A_1561 : f32 to vector<16xf32>
          %mul3A_1618 = arith.mulf %get3A_1616, %mul3A_1617 : vector<16xf32>
          %swap3A_1619 = arith.constant 0 : i32
          %swap3A_1620 = arith.index_cast %swap3A_1619 : i32 to index
          %swap3A_1621 = arith.index_cast %add3A_1565 : i32 to index
          %swap3A_1622 = arith.constant 48 : index
          %swap3A_1623 = tpu.vector_load %arg11[%swap3A_1620, %swap3A_1621, %swap3A_1622] {strides = array<i32>} : memref<2x128x128xf32, #tpu.memory_space<vmem>>, vector<1x1x16xf32>,
          %swap3A_1624 = vector.shape_cast %swap3A_1623 : vector<1x1x16xf32> to vector<16xf32>
          %swap3A_1625 = vector.shape_cast %mul3A_1618 : vector<16xf32> to vector<1x1x16xf32>
          tpu.vector_store %arg11[%swap3A_1620, %swap3A_1621, %swap3A_1622], %swap3A_1625 {strides = array<i32>} : memref<2x128x128xf32, #tpu.memory_space<vmem>>, vector<1x1x16xf32>,
          %get3A_1626 = arith.constant 0 : i32
          %get3A_1627 = arith.index_cast %get3A_1626 : i32 to index
          %get3A_1628 = arith.index_cast %add3A_1565 : i32 to index
          %get3A_1629 = arith.constant 64 : index
          %get3A_1630 = tpu.vector_load %arg11[%get3A_1627, %get3A_1628, %get3A_1629] {strides = array<i32>} : memref<2x128x128xf32, #tpu.memory_space<vmem>>, vector<1x1x16xf32>,
          %get3A_1631 = vector.shape_cast %get3A_1630 : vector<1x1x16xf32> to vector<16xf32>
          %mul3A_1632 = vector.broadcast %squeeze3A_1561 : f32 to vector<16xf32>
          %mul3A_1633 = arith.mulf %get3A_1631, %mul3A_1632 : vector<16xf32>
          %swap3A_1634 = arith.constant 0 : i32
          %swap3A_1635 = arith.index_cast %swap3A_1634 : i32 to index
          %swap3A_1636 = arith.index_cast %add3A_1565 : i32 to index
          %swap3A_1637 = arith.constant 64 : index
          %swap3A_1638 = tpu.vector_load %arg11[%swap3A_1635, %swap3A_1636, %swap3A_1637] {strides = array<i32>} : memref<2x128x128xf32, #tpu.memory_space<vmem>>, vector<1x1x16xf32>,
          %swap3A_1639 = vector.shape_cast %swap3A_1638 : vector<1x1x16xf32> to vector<16xf32>
          %swap3A_1640 = vector.shape_cast %mul3A_1633 : vector<16xf32> to vector<1x1x16xf32>
          tpu.vector_store %arg11[%swap3A_1635, %swap3A_1636, %swap3A_1637], %swap3A_1640 {strides = array<i32>} : memref<2x128x128xf32, #tpu.memory_space<vmem>>, vector<1x1x16xf32>,
          %get3A_1641 = arith.constant 0 : i32
          %get3A_1642 = arith.index_cast %get3A_1641 : i32 to index
          %get3A_1643 = arith.index_cast %add3A_1565 : i32 to index
          %get3A_1644 = arith.constant 80 : index
          %get3A_1645 = tpu.vector_load %arg11[%get3A_1642, %get3A_1643, %get3A_1644] {strides = array<i32>} : memref<2x128x128xf32, #tpu.memory_space<vmem>>, vector<1x1x16xf32>,
          %get3A_1646 = vector.shape_cast %get3A_1645 : vector<1x1x16xf32> to vector<16xf32>
          %mul3A_1647 = vector.broadcast %squeeze3A_1561 : f32 to vector<16xf32>
          %mul3A_1648 = arith.mulf %get3A_1646, %mul3A_1647 : vector<16xf32>
          %swap3A_1649 = arith.constant 0 : i32
          %swap3A_1650 = arith.index_cast %swap3A_1649 : i32 to index
          %swap3A_1651 = arith.index_cast %add3A_1565 : i32 to index
          %swap3A_1652 = arith.constant 80 : index
          %swap3A_1653 = tpu.vector_load %arg11[%swap3A_1650, %swap3A_1651, %swap3A_1652] {strides = array<i32>} : memref<2x128x128xf32, #tpu.memory_space<vmem>>, vector<1x1x16xf32>,
          %swap3A_1654 = vector.shape_cast %swap3A_1653 : vector<1x1x16xf32> to vector<16xf32>
          %swap3A_1655 = vector.shape_cast %mul3A_1648 : vector<16xf32> to vector<1x1x16xf32>
          tpu.vector_store %arg11[%swap3A_1650, %swap3A_1651, %swap3A_1652], %swap3A_1655 {strides = array<i32>} : memref<2x128x128xf32, #tpu.memory_space<vmem>>, vector<1x1x16xf32>,
          %get3A_1656 = arith.constant 0 : i32
          %get3A_1657 = arith.index_cast %get3A_1656 : i32 to index
          %get3A_1658 = arith.index_cast %add3A_1565 : i32 to index
          %get3A_1659 = arith.constant 96 : index
          %get3A_1660 = tpu.vector_load %arg11[%get3A_1657, %get3A_1658, %get3A_1659] {strides = array<i32>} : memref<2x128x128xf32, #tpu.memory_space<vmem>>, vector<1x1x16xf32>,
          %get3A_1661 = vector.shape_cast %get3A_1660 : vector<1x1x16xf32> to vector<16xf32>
          %mul3A_1662 = vector.broadcast %squeeze3A_1561 : f32 to vector<16xf32>
          %mul3A_1663 = arith.mulf %get3A_1661, %mul3A_1662 : vector<16xf32>
          %swap3A_1664 = arith.constant 0 : i32
          %swap3A_1665 = arith.index_cast %swap3A_1664 : i32 to index
          %swap3A_1666 = arith.index_cast %add3A_1565 : i32 to index
          %swap3A_1667 = arith.constant 96 : index
          %swap3A_1668 = tpu.vector_load %arg11[%swap3A_1665, %swap3A_1666, %swap3A_1667] {strides = array<i32>} : memref<2x128x128xf32, #tpu.memory_space<vmem>>, vector<1x1x16xf32>,
          %swap3A_1669 = vector.shape_cast %swap3A_1668 : vector<1x1x16xf32> to vector<16xf32>
          %swap3A_1670 = vector.shape_cast %mul3A_1663 : vector<16xf32> to vector<1x1x16xf32>
          tpu.vector_store %arg11[%swap3A_1665, %swap3A_1666, %swap3A_1667], %swap3A_1670 {strides = array<i32>} : memref<2x128x128xf32, #tpu.memory_space<vmem>>, vector<1x1x16xf32>,
          %get3A_1671 = arith.constant 0 : i32
          %get3A_1672 = arith.index_cast %get3A_1671 : i32 to index
          %get3A_1673 = arith.index_cast %add3A_1565 : i32 to index
          %get3A_1674 = arith.constant 112 : index
          %get3A_1675 = tpu.vector_load %arg11[%get3A_1672, %get3A_1673, %get3A_1674] {strides = array<i32>} : memref<2x128x128xf32, #tpu.memory_space<vmem>>, vector<1x1x16xf32>,
          %get3A_1676 = vector.shape_cast %get3A_1675 : vector<1x1x16xf32> to vector<16xf32>
          %mul3A_1677 = vector.broadcast %squeeze3A_1561 : f32 to vector<16xf32>
          %mul3A_1678 = arith.mulf %get3A_1676, %mul3A_1677 : vector<16xf32>
          %swap3A_1679 = arith.constant 0 : i32
          %swap3A_1680 = arith.index_cast %swap3A_1679 : i32 to index
          %swap3A_1681 = arith.index_cast %add3A_1565 : i32 to index
          %swap3A_1682 = arith.constant 112 : index
          %swap3A_1683 = tpu.vector_load %arg11[%swap3A_1680, %swap3A_1681, %swap3A_1682] {strides = array<i32>} : memref<2x128x128xf32, #tpu.memory_space<vmem>>, vector<1x1x16xf32>,
          %swap3A_1684 = vector.shape_cast %swap3A_1683 : vector<1x1x16xf32> to vector<16xf32>
          %swap3A_1685 = vector.shape_cast %mul3A_1678 : vector<16xf32> to vector<1x1x16xf32>
          tpu.vector_store %arg11[%swap3A_1680, %swap3A_1681, %swap3A_1682], %swap3A_1685 {strides = array<i32>} : memref<2x128x128xf32, #tpu.memory_space<vmem>>, vector<1x1x16xf32>,
          %slice3A_1686 = vector.extract_strided_slice %get3A_176 {offsets = [12], sizes = [1], strides = [1]} : vector<16xf32> to vector<1xf32>
          %squeeze3A_1687 = vector.extract %slice3A_1686[0] : f32 from vector<1xf32>
          %mul3A_1688 = arith.constant 16 : i32
          %mul3A_1689 = arith.muli %scan3A_170, %mul3A_1688 : i32
          %add3A_1690 = arith.constant 12 : i32
          %add3A_1691 = arith.addi %mul3A_1689, %add3A_1690 : i32
          %get3A_1692 = arith.constant 0 : i32
          %get3A_1693 = arith.index_cast %get3A_1692 : i32 to index
          %get3A_1694 = arith.index_cast %add3A_1691 : i32 to index
          %get3A_1695 = arith.constant 0 : index
          %get3A_1696 = tpu.vector_load %arg11[%get3A_1693, %get3A_1694, %get3A_1695] {strides = array<i32>} : memref<2x128x128xf32, #tpu.memory_space<vmem>>, vector<1x1x16xf32>,
          %get3A_1697 = vector.shape_cast %get3A_1696 : vector<1x1x16xf32> to vector<16xf32>
          %mul3A_1698 = vector.broadcast %squeeze3A_1687 : f32 to vector<16xf32>
          %mul3A_1699 = arith.mulf %get3A_1697, %mul3A_1698 : vector<16xf32>
          %swap3A_1700 = arith.constant 0 : i32
          %swap3A_1701 = arith.index_cast %swap3A_1700 : i32 to index
          %swap3A_1702 = arith.index_cast %add3A_1691 : i32 to index
          %swap3A_1703 = arith.constant 0 : index
          %swap3A_1704 = tpu.vector_load %arg11[%swap3A_1701, %swap3A_1702, %swap3A_1703] {strides = array<i32>} : memref<2x128x128xf32, #tpu.memory_space<vmem>>, vector<1x1x16xf32>,
          %swap3A_1705 = vector.shape_cast %swap3A_1704 : vector<1x1x16xf32> to vector<16xf32>
          %swap3A_1706 = vector.shape_cast %mul3A_1699 : vector<16xf32> to vector<1x1x16xf32>
          tpu.vector_store %arg11[%swap3A_1701, %swap3A_1702, %swap3A_1703], %swap3A_1706 {strides = array<i32>} : memref<2x128x128xf32, #tpu.memory_space<vmem>>, vector<1x1x16xf32>,
          %get3A_1707 = arith.constant 0 : i32
          %get3A_1708 = arith.index_cast %get3A_1707 : i32 to index
          %get3A_1709 = arith.index_cast %add3A_1691 : i32 to index
          %get3A_1710 = arith.constant 16 : index
          %get3A_1711 = tpu.vector_load %arg11[%get3A_1708, %get3A_1709, %get3A_1710] {strides = array<i32>} : memref<2x128x128xf32, #tpu.memory_space<vmem>>, vector<1x1x16xf32>,
          %get3A_1712 = vector.shape_cast %get3A_1711 : vector<1x1x16xf32> to vector<16xf32>
          %mul3A_1713 = vector.broadcast %squeeze3A_1687 : f32 to vector<16xf32>
          %mul3A_1714 = arith.mulf %get3A_1712, %mul3A_1713 : vector<16xf32>
          %swap3A_1715 = arith.constant 0 : i32
          %swap3A_1716 = arith.index_cast %swap3A_1715 : i32 to index
          %swap3A_1717 = arith.index_cast %add3A_1691 : i32 to index
          %swap3A_1718 = arith.constant 16 : index
          %swap3A_1719 = tpu.vector_load %arg11[%swap3A_1716, %swap3A_1717, %swap3A_1718] {strides = array<i32>} : memref<2x128x128xf32, #tpu.memory_space<vmem>>, vector<1x1x16xf32>,
          %swap3A_1720 = vector.shape_cast %swap3A_1719 : vector<1x1x16xf32> to vector<16xf32>
          %swap3A_1721 = vector.shape_cast %mul3A_1714 : vector<16xf32> to vector<1x1x16xf32>
          tpu.vector_store %arg11[%swap3A_1716, %swap3A_1717, %swap3A_1718], %swap3A_1721 {strides = array<i32>} : memref<2x128x128xf32, #tpu.memory_space<vmem>>, vector<1x1x16xf32>,
          %get3A_1722 = arith.constant 0 : i32
          %get3A_1723 = arith.index_cast %get3A_1722 : i32 to index
          %get3A_1724 = arith.index_cast %add3A_1691 : i32 to index
          %get3A_1725 = arith.constant 32 : index
          %get3A_1726 = tpu.vector_load %arg11[%get3A_1723, %get3A_1724, %get3A_1725] {strides = array<i32>} : memref<2x128x128xf32, #tpu.memory_space<vmem>>, vector<1x1x16xf32>,
          %get3A_1727 = vector.shape_cast %get3A_1726 : vector<1x1x16xf32> to vector<16xf32>
          %mul3A_1728 = vector.broadcast %squeeze3A_1687 : f32 to vector<16xf32>
          %mul3A_1729 = arith.mulf %get3A_1727, %mul3A_1728 : vector<16xf32>
          %swap3A_1730 = arith.constant 0 : i32
          %swap3A_1731 = arith.index_cast %swap3A_1730 : i32 to index
          %swap3A_1732 = arith.index_cast %add3A_1691 : i32 to index
          %swap3A_1733 = arith.constant 32 : index
          %swap3A_1734 = tpu.vector_load %arg11[%swap3A_1731, %swap3A_1732, %swap3A_1733] {strides = array<i32>} : memref<2x128x128xf32, #tpu.memory_space<vmem>>, vector<1x1x16xf32>,
          %swap3A_1735 = vector.shape_cast %swap3A_1734 : vector<1x1x16xf32> to vector<16xf32>
          %swap3A_1736 = vector.shape_cast %mul3A_1729 : vector<16xf32> to vector<1x1x16xf32>
          tpu.vector_store %arg11[%swap3A_1731, %swap3A_1732, %swap3A_1733], %swap3A_1736 {strides = array<i32>} : memref<2x128x128xf32, #tpu.memory_space<vmem>>, vector<1x1x16xf32>,
          %get3A_1737 = arith.constant 0 : i32
          %get3A_1738 = arith.index_cast %get3A_1737 : i32 to index
          %get3A_1739 = arith.index_cast %add3A_1691 : i32 to index
          %get3A_1740 = arith.constant 48 : index
          %get3A_1741 = tpu.vector_load %arg11[%get3A_1738, %get3A_1739, %get3A_1740] {strides = array<i32>} : memref<2x128x128xf32, #tpu.memory_space<vmem>>, vector<1x1x16xf32>,
          %get3A_1742 = vector.shape_cast %get3A_1741 : vector<1x1x16xf32> to vector<16xf32>
          %mul3A_1743 = vector.broadcast %squeeze3A_1687 : f32 to vector<16xf32>
          %mul3A_1744 = arith.mulf %get3A_1742, %mul3A_1743 : vector<16xf32>
          %swap3A_1745 = arith.constant 0 : i32
          %swap3A_1746 = arith.index_cast %swap3A_1745 : i32 to index
          %swap3A_1747 = arith.index_cast %add3A_1691 : i32 to index
          %swap3A_1748 = arith.constant 48 : index
          %swap3A_1749 = tpu.vector_load %arg11[%swap3A_1746, %swap3A_1747, %swap3A_1748] {strides = array<i32>} : memref<2x128x128xf32, #tpu.memory_space<vmem>>, vector<1x1x16xf32>,
          %swap3A_1750 = vector.shape_cast %swap3A_1749 : vector<1x1x16xf32> to vector<16xf32>
          %swap3A_1751 = vector.shape_cast %mul3A_1744 : vector<16xf32> to vector<1x1x16xf32>
          tpu.vector_store %arg11[%swap3A_1746, %swap3A_1747, %swap3A_1748], %swap3A_1751 {strides = array<i32>} : memref<2x128x128xf32, #tpu.memory_space<vmem>>, vector<1x1x16xf32>,
          %get3A_1752 = arith.constant 0 : i32
          %get3A_1753 = arith.index_cast %get3A_1752 : i32 to index
          %get3A_1754 = arith.index_cast %add3A_1691 : i32 to index
          %get3A_1755 = arith.constant 64 : index
          %get3A_1756 = tpu.vector_load %arg11[%get3A_1753, %get3A_1754, %get3A_1755] {strides = array<i32>} : memref<2x128x128xf32, #tpu.memory_space<vmem>>, vector<1x1x16xf32>,
          %get3A_1757 = vector.shape_cast %get3A_1756 : vector<1x1x16xf32> to vector<16xf32>
          %mul3A_1758 = vector.broadcast %squeeze3A_1687 : f32 to vector<16xf32>
          %mul3A_1759 = arith.mulf %get3A_1757, %mul3A_1758 : vector<16xf32>
          %swap3A_1760 = arith.constant 0 : i32
          %swap3A_1761 = arith.index_cast %swap3A_1760 : i32 to index
          %swap3A_1762 = arith.index_cast %add3A_1691 : i32 to index
          %swap3A_1763 = arith.constant 64 : index
          %swap3A_1764 = tpu.vector_load %arg11[%swap3A_1761, %swap3A_1762, %swap3A_1763] {strides = array<i32>} : memref<2x128x128xf32, #tpu.memory_space<vmem>>, vector<1x1x16xf32>,
          %swap3A_1765 = vector.shape_cast %swap3A_1764 : vector<1x1x16xf32> to vector<16xf32>
          %swap3A_1766 = vector.shape_cast %mul3A_1759 : vector<16xf32> to vector<1x1x16xf32>
          tpu.vector_store %arg11[%swap3A_1761, %swap3A_1762, %swap3A_1763], %swap3A_1766 {strides = array<i32>} : memref<2x128x128xf32, #tpu.memory_space<vmem>>, vector<1x1x16xf32>,
          %get3A_1767 = arith.constant 0 : i32
          %get3A_1768 = arith.index_cast %get3A_1767 : i32 to index
          %get3A_1769 = arith.index_cast %add3A_1691 : i32 to index
          %get3A_1770 = arith.constant 80 : index
          %get3A_1771 = tpu.vector_load %arg11[%get3A_1768, %get3A_1769, %get3A_1770] {strides = array<i32>} : memref<2x128x128xf32, #tpu.memory_space<vmem>>, vector<1x1x16xf32>,
          %get3A_1772 = vector.shape_cast %get3A_1771 : vector<1x1x16xf32> to vector<16xf32>
          %mul3A_1773 = vector.broadcast %squeeze3A_1687 : f32 to vector<16xf32>
          %mul3A_1774 = arith.mulf %get3A_1772, %mul3A_1773 : vector<16xf32>
          %swap3A_1775 = arith.constant 0 : i32
          %swap3A_1776 = arith.index_cast %swap3A_1775 : i32 to index
          %swap3A_1777 = arith.index_cast %add3A_1691 : i32 to index
          %swap3A_1778 = arith.constant 80 : index
          %swap3A_1779 = tpu.vector_load %arg11[%swap3A_1776, %swap3A_1777, %swap3A_1778] {strides = array<i32>} : memref<2x128x128xf32, #tpu.memory_space<vmem>>, vector<1x1x16xf32>,
          %swap3A_1780 = vector.shape_cast %swap3A_1779 : vector<1x1x16xf32> to vector<16xf32>
          %swap3A_1781 = vector.shape_cast %mul3A_1774 : vector<16xf32> to vector<1x1x16xf32>
          tpu.vector_store %arg11[%swap3A_1776, %swap3A_1777, %swap3A_1778], %swap3A_1781 {strides = array<i32>} : memref<2x128x128xf32, #tpu.memory_space<vmem>>, vector<1x1x16xf32>,
          %get3A_1782 = arith.constant 0 : i32
          %get3A_1783 = arith.index_cast %get3A_1782 : i32 to index
          %get3A_1784 = arith.index_cast %add3A_1691 : i32 to index
          %get3A_1785 = arith.constant 96 : index
          %get3A_1786 = tpu.vector_load %arg11[%get3A_1783, %get3A_1784, %get3A_1785] {strides = array<i32>} : memref<2x128x128xf32, #tpu.memory_space<vmem>>, vector<1x1x16xf32>,
          %get3A_1787 = vector.shape_cast %get3A_1786 : vector<1x1x16xf32> to vector<16xf32>
          %mul3A_1788 = vector.broadcast %squeeze3A_1687 : f32 to vector<16xf32>
          %mul3A_1789 = arith.mulf %get3A_1787, %mul3A_1788 : vector<16xf32>
          %swap3A_1790 = arith.constant 0 : i32
          %swap3A_1791 = arith.index_cast %swap3A_1790 : i32 to index
          %swap3A_1792 = arith.index_cast %add3A_1691 : i32 to index
          %swap3A_1793 = arith.constant 96 : index
          %swap3A_1794 = tpu.vector_load %arg11[%swap3A_1791, %swap3A_1792, %swap3A_1793] {strides = array<i32>} : memref<2x128x128xf32, #tpu.memory_space<vmem>>, vector<1x1x16xf32>,
          %swap3A_1795 = vector.shape_cast %swap3A_1794 : vector<1x1x16xf32> to vector<16xf32>
          %swap3A_1796 = vector.shape_cast %mul3A_1789 : vector<16xf32> to vector<1x1x16xf32>
          tpu.vector_store %arg11[%swap3A_1791, %swap3A_1792, %swap3A_1793], %swap3A_1796 {strides = array<i32>} : memref<2x128x128xf32, #tpu.memory_space<vmem>>, vector<1x1x16xf32>,
          %get3A_1797 = arith.constant 0 : i32
          %get3A_1798 = arith.index_cast %get3A_1797 : i32 to index
          %get3A_1799 = arith.index_cast %add3A_1691 : i32 to index
          %get3A_1800 = arith.constant 112 : index
          %get3A_1801 = tpu.vector_load %arg11[%get3A_1798, %get3A_1799, %get3A_1800] {strides = array<i32>} : memref<2x128x128xf32, #tpu.memory_space<vmem>>, vector<1x1x16xf32>,
          %get3A_1802 = vector.shape_cast %get3A_1801 : vector<1x1x16xf32> to vector<16xf32>
          %mul3A_1803 = vector.broadcast %squeeze3A_1687 : f32 to vector<16xf32>
          %mul3A_1804 = arith.mulf %get3A_1802, %mul3A_1803 : vector<16xf32>
          %swap3A_1805 = arith.constant 0 : i32
          %swap3A_1806 = arith.index_cast %swap3A_1805 : i32 to index
          %swap3A_1807 = arith.index_cast %add3A_1691 : i32 to index
          %swap3A_1808 = arith.constant 112 : index
          %swap3A_1809 = tpu.vector_load %arg11[%swap3A_1806, %swap3A_1807, %swap3A_1808] {strides = array<i32>} : memref<2x128x128xf32, #tpu.memory_space<vmem>>, vector<1x1x16xf32>,
          %swap3A_1810 = vector.shape_cast %swap3A_1809 : vector<1x1x16xf32> to vector<16xf32>
          %swap3A_1811 = vector.shape_cast %mul3A_1804 : vector<16xf32> to vector<1x1x16xf32>
          tpu.vector_store %arg11[%swap3A_1806, %swap3A_1807, %swap3A_1808], %swap3A_1811 {strides = array<i32>} : memref<2x128x128xf32, #tpu.memory_space<vmem>>, vector<1x1x16xf32>,
          %slice3A_1812 = vector.extract_strided_slice %get3A_176 {offsets = [13], sizes = [1], strides = [1]} : vector<16xf32> to vector<1xf32>
          %squeeze3A_1813 = vector.extract %slice3A_1812[0] : f32 from vector<1xf32>
          %mul3A_1814 = arith.constant 16 : i32
          %mul3A_1815 = arith.muli %scan3A_170, %mul3A_1814 : i32
          %add3A_1816 = arith.constant 13 : i32
          %add3A_1817 = arith.addi %mul3A_1815, %add3A_1816 : i32
          %get3A_1818 = arith.constant 0 : i32
          %get3A_1819 = arith.index_cast %get3A_1818 : i32 to index
          %get3A_1820 = arith.index_cast %add3A_1817 : i32 to index
          %get3A_1821 = arith.constant 0 : index
          %get3A_1822 = tpu.vector_load %arg11[%get3A_1819, %get3A_1820, %get3A_1821] {strides = array<i32>} : memref<2x128x128xf32, #tpu.memory_space<vmem>>, vector<1x1x16xf32>,
          %get3A_1823 = vector.shape_cast %get3A_1822 : vector<1x1x16xf32> to vector<16xf32>
          %mul3A_1824 = vector.broadcast %squeeze3A_1813 : f32 to vector<16xf32>
          %mul3A_1825 = arith.mulf %get3A_1823, %mul3A_1824 : vector<16xf32>
          %swap3A_1826 = arith.constant 0 : i32
          %swap3A_1827 = arith.index_cast %swap3A_1826 : i32 to index
          %swap3A_1828 = arith.index_cast %add3A_1817 : i32 to index
          %swap3A_1829 = arith.constant 0 : index
          %swap3A_1830 = tpu.vector_load %arg11[%swap3A_1827, %swap3A_1828, %swap3A_1829] {strides = array<i32>} : memref<2x128x128xf32, #tpu.memory_space<vmem>>, vector<1x1x16xf32>,
          %swap3A_1831 = vector.shape_cast %swap3A_1830 : vector<1x1x16xf32> to vector<16xf32>
          %swap3A_1832 = vector.shape_cast %mul3A_1825 : vector<16xf32> to vector<1x1x16xf32>
          tpu.vector_store %arg11[%swap3A_1827, %swap3A_1828, %swap3A_1829], %swap3A_1832 {strides = array<i32>} : memref<2x128x128xf32, #tpu.memory_space<vmem>>, vector<1x1x16xf32>,
          %get3A_1833 = arith.constant 0 : i32
          %get3A_1834 = arith.index_cast %get3A_1833 : i32 to index
          %get3A_1835 = arith.index_cast %add3A_1817 : i32 to index
          %get3A_1836 = arith.constant 16 : index
          %get3A_1837 = tpu.vector_load %arg11[%get3A_1834, %get3A_1835, %get3A_1836] {strides = array<i32>} : memref<2x128x128xf32, #tpu.memory_space<vmem>>, vector<1x1x16xf32>,
          %get3A_1838 = vector.shape_cast %get3A_1837 : vector<1x1x16xf32> to vector<16xf32>
          %mul3A_1839 = vector.broadcast %squeeze3A_1813 : f32 to vector<16xf32>
          %mul3A_1840 = arith.mulf %get3A_1838, %mul3A_1839 : vector<16xf32>
          %swap3A_1841 = arith.constant 0 : i32
          %swap3A_1842 = arith.index_cast %swap3A_1841 : i32 to index
          %swap3A_1843 = arith.index_cast %add3A_1817 : i32 to index
          %swap3A_1844 = arith.constant 16 : index
          %swap3A_1845 = tpu.vector_load %arg11[%swap3A_1842, %swap3A_1843, %swap3A_1844] {strides = array<i32>} : memref<2x128x128xf32, #tpu.memory_space<vmem>>, vector<1x1x16xf32>,
          %swap3A_1846 = vector.shape_cast %swap3A_1845 : vector<1x1x16xf32> to vector<16xf32>
          %swap3A_1847 = vector.shape_cast %mul3A_1840 : vector<16xf32> to vector<1x1x16xf32>
          tpu.vector_store %arg11[%swap3A_1842, %swap3A_1843, %swap3A_1844], %swap3A_1847 {strides = array<i32>} : memref<2x128x128xf32, #tpu.memory_space<vmem>>, vector<1x1x16xf32>,
          %get3A_1848 = arith.constant 0 : i32
          %get3A_1849 = arith.index_cast %get3A_1848 : i32 to index
          %get3A_1850 = arith.index_cast %add3A_1817 : i32 to index
          %get3A_1851 = arith.constant 32 : index
          %get3A_1852 = tpu.vector_load %arg11[%get3A_1849, %get3A_1850, %get3A_1851] {strides = array<i32>} : memref<2x128x128xf32, #tpu.memory_space<vmem>>, vector<1x1x16xf32>,
          %get3A_1853 = vector.shape_cast %get3A_1852 : vector<1x1x16xf32> to vector<16xf32>
          %mul3A_1854 = vector.broadcast %squeeze3A_1813 : f32 to vector<16xf32>
          %mul3A_1855 = arith.mulf %get3A_1853, %mul3A_1854 : vector<16xf32>
          %swap3A_1856 = arith.constant 0 : i32
          %swap3A_1857 = arith.index_cast %swap3A_1856 : i32 to index
          %swap3A_1858 = arith.index_cast %add3A_1817 : i32 to index
          %swap3A_1859 = arith.constant 32 : index
          %swap3A_1860 = tpu.vector_load %arg11[%swap3A_1857, %swap3A_1858, %swap3A_1859] {strides = array<i32>} : memref<2x128x128xf32, #tpu.memory_space<vmem>>, vector<1x1x16xf32>,
          %swap3A_1861 = vector.shape_cast %swap3A_1860 : vector<1x1x16xf32> to vector<16xf32>
          %swap3A_1862 = vector.shape_cast %mul3A_1855 : vector<16xf32> to vector<1x1x16xf32>
          tpu.vector_store %arg11[%swap3A_1857, %swap3A_1858, %swap3A_1859], %swap3A_1862 {strides = array<i32>} : memref<2x128x128xf32, #tpu.memory_space<vmem>>, vector<1x1x16xf32>,
          %get3A_1863 = arith.constant 0 : i32
          %get3A_1864 = arith.index_cast %get3A_1863 : i32 to index
          %get3A_1865 = arith.index_cast %add3A_1817 : i32 to index
          %get3A_1866 = arith.constant 48 : index
          %get3A_1867 = tpu.vector_load %arg11[%get3A_1864, %get3A_1865, %get3A_1866] {strides = array<i32>} : memref<2x128x128xf32, #tpu.memory_space<vmem>>, vector<1x1x16xf32>,
          %get3A_1868 = vector.shape_cast %get3A_1867 : vector<1x1x16xf32> to vector<16xf32>
          %mul3A_1869 = vector.broadcast %squeeze3A_1813 : f32 to vector<16xf32>
          %mul3A_1870 = arith.mulf %get3A_1868, %mul3A_1869 : vector<16xf32>
          %swap3A_1871 = arith.constant 0 : i32
          %swap3A_1872 = arith.index_cast %swap3A_1871 : i32 to index
          %swap3A_1873 = arith.index_cast %add3A_1817 : i32 to index
          %swap3A_1874 = arith.constant 48 : index
          %swap3A_1875 = tpu.vector_load %arg11[%swap3A_1872, %swap3A_1873, %swap3A_1874] {strides = array<i32>} : memref<2x128x128xf32, #tpu.memory_space<vmem>>, vector<1x1x16xf32>,
          %swap3A_1876 = vector.shape_cast %swap3A_1875 : vector<1x1x16xf32> to vector<16xf32>
          %swap3A_1877 = vector.shape_cast %mul3A_1870 : vector<16xf32> to vector<1x1x16xf32>
          tpu.vector_store %arg11[%swap3A_1872, %swap3A_1873, %swap3A_1874], %swap3A_1877 {strides = array<i32>} : memref<2x128x128xf32, #tpu.memory_space<vmem>>, vector<1x1x16xf32>,
          %get3A_1878 = arith.constant 0 : i32
          %get3A_1879 = arith.index_cast %get3A_1878 : i32 to index
          %get3A_1880 = arith.index_cast %add3A_1817 : i32 to index
          %get3A_1881 = arith.constant 64 : index
          %get3A_1882 = tpu.vector_load %arg11[%get3A_1879, %get3A_1880, %get3A_1881] {strides = array<i32>} : memref<2x128x128xf32, #tpu.memory_space<vmem>>, vector<1x1x16xf32>,
          %get3A_1883 = vector.shape_cast %get3A_1882 : vector<1x1x16xf32> to vector<16xf32>
          %mul3A_1884 = vector.broadcast %squeeze3A_1813 : f32 to vector<16xf32>
          %mul3A_1885 = arith.mulf %get3A_1883, %mul3A_1884 : vector<16xf32>
          %swap3A_1886 = arith.constant 0 : i32
          %swap3A_1887 = arith.index_cast %swap3A_1886 : i32 to index
          %swap3A_1888 = arith.index_cast %add3A_1817 : i32 to index
          %swap3A_1889 = arith.constant 64 : index
          %swap3A_1890 = tpu.vector_load %arg11[%swap3A_1887, %swap3A_1888, %swap3A_1889] {strides = array<i32>} : memref<2x128x128xf32, #tpu.memory_space<vmem>>, vector<1x1x16xf32>,
          %swap3A_1891 = vector.shape_cast %swap3A_1890 : vector<1x1x16xf32> to vector<16xf32>
          %swap3A_1892 = vector.shape_cast %mul3A_1885 : vector<16xf32> to vector<1x1x16xf32>
          tpu.vector_store %arg11[%swap3A_1887, %swap3A_1888, %swap3A_1889], %swap3A_1892 {strides = array<i32>} : memref<2x128x128xf32, #tpu.memory_space<vmem>>, vector<1x1x16xf32>,
          %get3A_1893 = arith.constant 0 : i32
          %get3A_1894 = arith.index_cast %get3A_1893 : i32 to index
          %get3A_1895 = arith.index_cast %add3A_1817 : i32 to index
          %get3A_1896 = arith.constant 80 : index
          %get3A_1897 = tpu.vector_load %arg11[%get3A_1894, %get3A_1895, %get3A_1896] {strides = array<i32>} : memref<2x128x128xf32, #tpu.memory_space<vmem>>, vector<1x1x16xf32>,
          %get3A_1898 = vector.shape_cast %get3A_1897 : vector<1x1x16xf32> to vector<16xf32>
          %mul3A_1899 = vector.broadcast %squeeze3A_1813 : f32 to vector<16xf32>
          %mul3A_1900 = arith.mulf %get3A_1898, %mul3A_1899 : vector<16xf32>
          %swap3A_1901 = arith.constant 0 : i32
          %swap3A_1902 = arith.index_cast %swap3A_1901 : i32 to index
          %swap3A_1903 = arith.index_cast %add3A_1817 : i32 to index
          %swap3A_1904 = arith.constant 80 : index
          %swap3A_1905 = tpu.vector_load %arg11[%swap3A_1902, %swap3A_1903, %swap3A_1904] {strides = array<i32>} : memref<2x128x128xf32, #tpu.memory_space<vmem>>, vector<1x1x16xf32>,
          %swap3A_1906 = vector.shape_cast %swap3A_1905 : vector<1x1x16xf32> to vector<16xf32>
          %swap3A_1907 = vector.shape_cast %mul3A_1900 : vector<16xf32> to vector<1x1x16xf32>
          tpu.vector_store %arg11[%swap3A_1902, %swap3A_1903, %swap3A_1904], %swap3A_1907 {strides = array<i32>} : memref<2x128x128xf32, #tpu.memory_space<vmem>>, vector<1x1x16xf32>,
          %get3A_1908 = arith.constant 0 : i32
          %get3A_1909 = arith.index_cast %get3A_1908 : i32 to index
          %get3A_1910 = arith.index_cast %add3A_1817 : i32 to index
          %get3A_1911 = arith.constant 96 : index
          %get3A_1912 = tpu.vector_load %arg11[%get3A_1909, %get3A_1910, %get3A_1911] {strides = array<i32>} : memref<2x128x128xf32, #tpu.memory_space<vmem>>, vector<1x1x16xf32>,
          %get3A_1913 = vector.shape_cast %get3A_1912 : vector<1x1x16xf32> to vector<16xf32>
          %mul3A_1914 = vector.broadcast %squeeze3A_1813 : f32 to vector<16xf32>
          %mul3A_1915 = arith.mulf %get3A_1913, %mul3A_1914 : vector<16xf32>
          %swap3A_1916 = arith.constant 0 : i32
          %swap3A_1917 = arith.index_cast %swap3A_1916 : i32 to index
          %swap3A_1918 = arith.index_cast %add3A_1817 : i32 to index
          %swap3A_1919 = arith.constant 96 : index
          %swap3A_1920 = tpu.vector_load %arg11[%swap3A_1917, %swap3A_1918, %swap3A_1919] {strides = array<i32>} : memref<2x128x128xf32, #tpu.memory_space<vmem>>, vector<1x1x16xf32>,
          %swap3A_1921 = vector.shape_cast %swap3A_1920 : vector<1x1x16xf32> to vector<16xf32>
          %swap3A_1922 = vector.shape_cast %mul3A_1915 : vector<16xf32> to vector<1x1x16xf32>
          tpu.vector_store %arg11[%swap3A_1917, %swap3A_1918, %swap3A_1919], %swap3A_1922 {strides = array<i32>} : memref<2x128x128xf32, #tpu.memory_space<vmem>>, vector<1x1x16xf32>,
          %get3A_1923 = arith.constant 0 : i32
          %get3A_1924 = arith.index_cast %get3A_1923 : i32 to index
          %get3A_1925 = arith.index_cast %add3A_1817 : i32 to index
          %get3A_1926 = arith.constant 112 : index
          %get3A_1927 = tpu.vector_load %arg11[%get3A_1924, %get3A_1925, %get3A_1926] {strides = array<i32>} : memref<2x128x128xf32, #tpu.memory_space<vmem>>, vector<1x1x16xf32>,
          %get3A_1928 = vector.shape_cast %get3A_1927 : vector<1x1x16xf32> to vector<16xf32>
          %mul3A_1929 = vector.broadcast %squeeze3A_1813 : f32 to vector<16xf32>
          %mul3A_1930 = arith.mulf %get3A_1928, %mul3A_1929 : vector<16xf32>
          %swap3A_1931 = arith.constant 0 : i32
          %swap3A_1932 = arith.index_cast %swap3A_1931 : i32 to index
          %swap3A_1933 = arith.index_cast %add3A_1817 : i32 to index
          %swap3A_1934 = arith.constant 112 : index
          %swap3A_1935 = tpu.vector_load %arg11[%swap3A_1932, %swap3A_1933, %swap3A_1934] {strides = array<i32>} : memref<2x128x128xf32, #tpu.memory_space<vmem>>, vector<1x1x16xf32>,
          %swap3A_1936 = vector.shape_cast %swap3A_1935 : vector<1x1x16xf32> to vector<16xf32>
          %swap3A_1937 = vector.shape_cast %mul3A_1930 : vector<16xf32> to vector<1x1x16xf32>
          tpu.vector_store %arg11[%swap3A_1932, %swap3A_1933, %swap3A_1934], %swap3A_1937 {strides = array<i32>} : memref<2x128x128xf32, #tpu.memory_space<vmem>>, vector<1x1x16xf32>,
          %slice3A_1938 = vector.extract_strided_slice %get3A_176 {offsets = [14], sizes = [1], strides = [1]} : vector<16xf32> to vector<1xf32>
          %squeeze3A_1939 = vector.extract %slice3A_1938[0] : f32 from vector<1xf32>
          %mul3A_1940 = arith.constant 16 : i32
          %mul3A_1941 = arith.muli %scan3A_170, %mul3A_1940 : i32
          %add3A_1942 = arith.constant 14 : i32
          %add3A_1943 = arith.addi %mul3A_1941, %add3A_1942 : i32
          %get3A_1944 = arith.constant 0 : i32
          %get3A_1945 = arith.index_cast %get3A_1944 : i32 to index
          %get3A_1946 = arith.index_cast %add3A_1943 : i32 to index
          %get3A_1947 = arith.constant 0 : index
          %get3A_1948 = tpu.vector_load %arg11[%get3A_1945, %get3A_1946, %get3A_1947] {strides = array<i32>} : memref<2x128x128xf32, #tpu.memory_space<vmem>>, vector<1x1x16xf32>,
          %get3A_1949 = vector.shape_cast %get3A_1948 : vector<1x1x16xf32> to vector<16xf32>
          %mul3A_1950 = vector.broadcast %squeeze3A_1939 : f32 to vector<16xf32>
          %mul3A_1951 = arith.mulf %get3A_1949, %mul3A_1950 : vector<16xf32>
          %swap3A_1952 = arith.constant 0 : i32
          %swap3A_1953 = arith.index_cast %swap3A_1952 : i32 to index
          %swap3A_1954 = arith.index_cast %add3A_1943 : i32 to index
          %swap3A_1955 = arith.constant 0 : index
          %swap3A_1956 = tpu.vector_load %arg11[%swap3A_1953, %swap3A_1954, %swap3A_1955] {strides = array<i32>} : memref<2x128x128xf32, #tpu.memory_space<vmem>>, vector<1x1x16xf32>,
          %swap3A_1957 = vector.shape_cast %swap3A_1956 : vector<1x1x16xf32> to vector<16xf32>
          %swap3A_1958 = vector.shape_cast %mul3A_1951 : vector<16xf32> to vector<1x1x16xf32>
          tpu.vector_store %arg11[%swap3A_1953, %swap3A_1954, %swap3A_1955], %swap3A_1958 {strides = array<i32>} : memref<2x128x128xf32, #tpu.memory_space<vmem>>, vector<1x1x16xf32>,
          %get3A_1959 = arith.constant 0 : i32
          %get3A_1960 = arith.index_cast %get3A_1959 : i32 to index
          %get3A_1961 = arith.index_cast %add3A_1943 : i32 to index
          %get3A_1962 = arith.constant 16 : index
          %get3A_1963 = tpu.vector_load %arg11[%get3A_1960, %get3A_1961, %get3A_1962] {strides = array<i32>} : memref<2x128x128xf32, #tpu.memory_space<vmem>>, vector<1x1x16xf32>,
          %get3A_1964 = vector.shape_cast %get3A_1963 : vector<1x1x16xf32> to vector<16xf32>
          %mul3A_1965 = vector.broadcast %squeeze3A_1939 : f32 to vector<16xf32>
          %mul3A_1966 = arith.mulf %get3A_1964, %mul3A_1965 : vector<16xf32>
          %swap3A_1967 = arith.constant 0 : i32
          %swap3A_1968 = arith.index_cast %swap3A_1967 : i32 to index
          %swap3A_1969 = arith.index_cast %add3A_1943 : i32 to index
          %swap3A_1970 = arith.constant 16 : index
          %swap3A_1971 = tpu.vector_load %arg11[%swap3A_1968, %swap3A_1969, %swap3A_1970] {strides = array<i32>} : memref<2x128x128xf32, #tpu.memory_space<vmem>>, vector<1x1x16xf32>,
          %swap3A_1972 = vector.shape_cast %swap3A_1971 : vector<1x1x16xf32> to vector<16xf32>
          %swap3A_1973 = vector.shape_cast %mul3A_1966 : vector<16xf32> to vector<1x1x16xf32>
          tpu.vector_store %arg11[%swap3A_1968, %swap3A_1969, %swap3A_1970], %swap3A_1973 {strides = array<i32>} : memref<2x128x128xf32, #tpu.memory_space<vmem>>, vector<1x1x16xf32>,
          %get3A_1974 = arith.constant 0 : i32
          %get3A_1975 = arith.index_cast %get3A_1974 : i32 to index
          %get3A_1976 = arith.index_cast %add3A_1943 : i32 to index
          %get3A_1977 = arith.constant 32 : index
          %get3A_1978 = tpu.vector_load %arg11[%get3A_1975, %get3A_1976, %get3A_1977] {strides = array<i32>} : memref<2x128x128xf32, #tpu.memory_space<vmem>>, vector<1x1x16xf32>,
          %get3A_1979 = vector.shape_cast %get3A_1978 : vector<1x1x16xf32> to vector<16xf32>
          %mul3A_1980 = vector.broadcast %squeeze3A_1939 : f32 to vector<16xf32>
          %mul3A_1981 = arith.mulf %get3A_1979, %mul3A_1980 : vector<16xf32>
          %swap3A_1982 = arith.constant 0 : i32
          %swap3A_1983 = arith.index_cast %swap3A_1982 : i32 to index
          %swap3A_1984 = arith.index_cast %add3A_1943 : i32 to index
          %swap3A_1985 = arith.constant 32 : index
          %swap3A_1986 = tpu.vector_load %arg11[%swap3A_1983, %swap3A_1984, %swap3A_1985] {strides = array<i32>} : memref<2x128x128xf32, #tpu.memory_space<vmem>>, vector<1x1x16xf32>,
          %swap3A_1987 = vector.shape_cast %swap3A_1986 : vector<1x1x16xf32> to vector<16xf32>
          %swap3A_1988 = vector.shape_cast %mul3A_1981 : vector<16xf32> to vector<1x1x16xf32>
          tpu.vector_store %arg11[%swap3A_1983, %swap3A_1984, %swap3A_1985], %swap3A_1988 {strides = array<i32>} : memref<2x128x128xf32, #tpu.memory_space<vmem>>, vector<1x1x16xf32>,
          %get3A_1989 = arith.constant 0 : i32
          %get3A_1990 = arith.index_cast %get3A_1989 : i32 to index
          %get3A_1991 = arith.index_cast %add3A_1943 : i32 to index
          %get3A_1992 = arith.constant 48 : index
          %get3A_1993 = tpu.vector_load %arg11[%get3A_1990, %get3A_1991, %get3A_1992] {strides = array<i32>} : memref<2x128x128xf32, #tpu.memory_space<vmem>>, vector<1x1x16xf32>,
          %get3A_1994 = vector.shape_cast %get3A_1993 : vector<1x1x16xf32> to vector<16xf32>
          %mul3A_1995 = vector.broadcast %squeeze3A_1939 : f32 to vector<16xf32>
          %mul3A_1996 = arith.mulf %get3A_1994, %mul3A_1995 : vector<16xf32>
          %swap3A_1997 = arith.constant 0 : i32
          %swap3A_1998 = arith.index_cast %swap3A_1997 : i32 to index
          %swap3A_1999 = arith.index_cast %add3A_1943 : i32 to index
          %swap3A_2000 = arith.constant 48 : index
          %swap3A_2001 = tpu.vector_load %arg11[%swap3A_1998, %swap3A_1999, %swap3A_2000] {strides = array<i32>} : memref<2x128x128xf32, #tpu.memory_space<vmem>>, vector<1x1x16xf32>,
          %swap3A_2002 = vector.shape_cast %swap3A_2001 : vector<1x1x16xf32> to vector<16xf32>
          %swap3A_2003 = vector.shape_cast %mul3A_1996 : vector<16xf32> to vector<1x1x16xf32>
          tpu.vector_store %arg11[%swap3A_1998, %swap3A_1999, %swap3A_2000], %swap3A_2003 {strides = array<i32>} : memref<2x128x128xf32, #tpu.memory_space<vmem>>, vector<1x1x16xf32>,
          %get3A_2004 = arith.constant 0 : i32
          %get3A_2005 = arith.index_cast %get3A_2004 : i32 to index
          %get3A_2006 = arith.index_cast %add3A_1943 : i32 to index
          %get3A_2007 = arith.constant 64 : index
          %get3A_2008 = tpu.vector_load %arg11[%get3A_2005, %get3A_2006, %get3A_2007] {strides = array<i32>} : memref<2x128x128xf32, #tpu.memory_space<vmem>>, vector<1x1x16xf32>,
          %get3A_2009 = vector.shape_cast %get3A_2008 : vector<1x1x16xf32> to vector<16xf32>
          %mul3A_2010 = vector.broadcast %squeeze3A_1939 : f32 to vector<16xf32>
          %mul3A_2011 = arith.mulf %get3A_2009, %mul3A_2010 : vector<16xf32>
          %swap3A_2012 = arith.constant 0 : i32
          %swap3A_2013 = arith.index_cast %swap3A_2012 : i32 to index
          %swap3A_2014 = arith.index_cast %add3A_1943 : i32 to index
          %swap3A_2015 = arith.constant 64 : index
          %swap3A_2016 = tpu.vector_load %arg11[%swap3A_2013, %swap3A_2014, %swap3A_2015] {strides = array<i32>} : memref<2x128x128xf32, #tpu.memory_space<vmem>>, vector<1x1x16xf32>,
          %swap3A_2017 = vector.shape_cast %swap3A_2016 : vector<1x1x16xf32> to vector<16xf32>
          %swap3A_2018 = vector.shape_cast %mul3A_2011 : vector<16xf32> to vector<1x1x16xf32>
          tpu.vector_store %arg11[%swap3A_2013, %swap3A_2014, %swap3A_2015], %swap3A_2018 {strides = array<i32>} : memref<2x128x128xf32, #tpu.memory_space<vmem>>, vector<1x1x16xf32>,
          %get3A_2019 = arith.constant 0 : i32
          %get3A_2020 = arith.index_cast %get3A_2019 : i32 to index
          %get3A_2021 = arith.index_cast %add3A_1943 : i32 to index
          %get3A_2022 = arith.constant 80 : index
          %get3A_2023 = tpu.vector_load %arg11[%get3A_2020, %get3A_2021, %get3A_2022] {strides = array<i32>} : memref<2x128x128xf32, #tpu.memory_space<vmem>>, vector<1x1x16xf32>,
          %get3A_2024 = vector.shape_cast %get3A_2023 : vector<1x1x16xf32> to vector<16xf32>
          %mul3A_2025 = vector.broadcast %squeeze3A_1939 : f32 to vector<16xf32>
          %mul3A_2026 = arith.mulf %get3A_2024, %mul3A_2025 : vector<16xf32>
          %swap3A_2027 = arith.constant 0 : i32
          %swap3A_2028 = arith.index_cast %swap3A_2027 : i32 to index
          %swap3A_2029 = arith.index_cast %add3A_1943 : i32 to index
          %swap3A_2030 = arith.constant 80 : index
          %swap3A_2031 = tpu.vector_load %arg11[%swap3A_2028, %swap3A_2029, %swap3A_2030] {strides = array<i32>} : memref<2x128x128xf32, #tpu.memory_space<vmem>>, vector<1x1x16xf32>,
          %swap3A_2032 = vector.shape_cast %swap3A_2031 : vector<1x1x16xf32> to vector<16xf32>
          %swap3A_2033 = vector.shape_cast %mul3A_2026 : vector<16xf32> to vector<1x1x16xf32>
          tpu.vector_store %arg11[%swap3A_2028, %swap3A_2029, %swap3A_2030], %swap3A_2033 {strides = array<i32>} : memref<2x128x128xf32, #tpu.memory_space<vmem>>, vector<1x1x16xf32>,
          %get3A_2034 = arith.constant 0 : i32
          %get3A_2035 = arith.index_cast %get3A_2034 : i32 to index
          %get3A_2036 = arith.index_cast %add3A_1943 : i32 to index
          %get3A_2037 = arith.constant 96 : index
          %get3A_2038 = tpu.vector_load %arg11[%get3A_2035, %get3A_2036, %get3A_2037] {strides = array<i32>} : memref<2x128x128xf32, #tpu.memory_space<vmem>>, vector<1x1x16xf32>,
          %get3A_2039 = vector.shape_cast %get3A_2038 : vector<1x1x16xf32> to vector<16xf32>
          %mul3A_2040 = vector.broadcast %squeeze3A_1939 : f32 to vector<16xf32>
          %mul3A_2041 = arith.mulf %get3A_2039, %mul3A_2040 : vector<16xf32>
          %swap3A_2042 = arith.constant 0 : i32
          %swap3A_2043 = arith.index_cast %swap3A_2042 : i32 to index
          %swap3A_2044 = arith.index_cast %add3A_1943 : i32 to index
          %swap3A_2045 = arith.constant 96 : index
          %swap3A_2046 = tpu.vector_load %arg11[%swap3A_2043, %swap3A_2044, %swap3A_2045] {strides = array<i32>} : memref<2x128x128xf32, #tpu.memory_space<vmem>>, vector<1x1x16xf32>,
          %swap3A_2047 = vector.shape_cast %swap3A_2046 : vector<1x1x16xf32> to vector<16xf32>
          %swap3A_2048 = vector.shape_cast %mul3A_2041 : vector<16xf32> to vector<1x1x16xf32>
          tpu.vector_store %arg11[%swap3A_2043, %swap3A_2044, %swap3A_2045], %swap3A_2048 {strides = array<i32>} : memref<2x128x128xf32, #tpu.memory_space<vmem>>, vector<1x1x16xf32>,
          %get3A_2049 = arith.constant 0 : i32
          %get3A_2050 = arith.index_cast %get3A_2049 : i32 to index
          %get3A_2051 = arith.index_cast %add3A_1943 : i32 to index
          %get3A_2052 = arith.constant 112 : index
          %get3A_2053 = tpu.vector_load %arg11[%get3A_2050, %get3A_2051, %get3A_2052] {strides = array<i32>} : memref<2x128x128xf32, #tpu.memory_space<vmem>>, vector<1x1x16xf32>,
          %get3A_2054 = vector.shape_cast %get3A_2053 : vector<1x1x16xf32> to vector<16xf32>
          %mul3A_2055 = vector.broadcast %squeeze3A_1939 : f32 to vector<16xf32>
          %mul3A_2056 = arith.mulf %get3A_2054, %mul3A_2055 : vector<16xf32>
          %swap3A_2057 = arith.constant 0 : i32
          %swap3A_2058 = arith.index_cast %swap3A_2057 : i32 to index
          %swap3A_2059 = arith.index_cast %add3A_1943 : i32 to index
          %swap3A_2060 = arith.constant 112 : index
          %swap3A_2061 = tpu.vector_load %arg11[%swap3A_2058, %swap3A_2059, %swap3A_2060] {strides = array<i32>} : memref<2x128x128xf32, #tpu.memory_space<vmem>>, vector<1x1x16xf32>,
          %swap3A_2062 = vector.shape_cast %swap3A_2061 : vector<1x1x16xf32> to vector<16xf32>
          %swap3A_2063 = vector.shape_cast %mul3A_2056 : vector<16xf32> to vector<1x1x16xf32>
          tpu.vector_store %arg11[%swap3A_2058, %swap3A_2059, %swap3A_2060], %swap3A_2063 {strides = array<i32>} : memref<2x128x128xf32, #tpu.memory_space<vmem>>, vector<1x1x16xf32>,
          %slice3A_2064 = vector.extract_strided_slice %get3A_176 {offsets = [15], sizes = [1], strides = [1]} : vector<16xf32> to vector<1xf32>
          %squeeze3A_2065 = vector.extract %slice3A_2064[0] : f32 from vector<1xf32>
          %mul3A_2066 = arith.constant 16 : i32
          %mul3A_2067 = arith.muli %scan3A_170, %mul3A_2066 : i32
          %add3A_2068 = arith.constant 15 : i32
          %add3A_2069 = arith.addi %mul3A_2067, %add3A_2068 : i32
          %get3A_2070 = arith.constant 0 : i32
          %get3A_2071 = arith.index_cast %get3A_2070 : i32 to index
          %get3A_2072 = arith.index_cast %add3A_2069 : i32 to index
          %get3A_2073 = arith.constant 0 : index
          %get3A_2074 = tpu.vector_load %arg11[%get3A_2071, %get3A_2072, %get3A_2073] {strides = array<i32>} : memref<2x128x128xf32, #tpu.memory_space<vmem>>, vector<1x1x16xf32>,
          %get3A_2075 = vector.shape_cast %get3A_2074 : vector<1x1x16xf32> to vector<16xf32>
          %mul3A_2076 = vector.broadcast %squeeze3A_2065 : f32 to vector<16xf32>
          %mul3A_2077 = arith.mulf %get3A_2075, %mul3A_2076 : vector<16xf32>
          %swap3A_2078 = arith.constant 0 : i32
          %swap3A_2079 = arith.index_cast %swap3A_2078 : i32 to index
          %swap3A_2080 = arith.index_cast %add3A_2069 : i32 to index
          %swap3A_2081 = arith.constant 0 : index
          %swap3A_2082 = tpu.vector_load %arg11[%swap3A_2079, %swap3A_2080, %swap3A_2081] {strides = array<i32>} : memref<2x128x128xf32, #tpu.memory_space<vmem>>, vector<1x1x16xf32>,
          %swap3A_2083 = vector.shape_cast %swap3A_2082 : vector<1x1x16xf32> to vector<16xf32>
          %swap3A_2084 = vector.shape_cast %mul3A_2077 : vector<16xf32> to vector<1x1x16xf32>
          tpu.vector_store %arg11[%swap3A_2079, %swap3A_2080, %swap3A_2081], %swap3A_2084 {strides = array<i32>} : memref<2x128x128xf32, #tpu.memory_space<vmem>>, vector<1x1x16xf32>,
          %get3A_2085 = arith.constant 0 : i32
          %get3A_2086 = arith.index_cast %get3A_2085 : i32 to index
          %get3A_2087 = arith.index_cast %add3A_2069 : i32 to index
          %get3A_2088 = arith.constant 16 : index
          %get3A_2089 = tpu.vector_load %arg11[%get3A_2086, %get3A_2087, %get3A_2088] {strides = array<i32>} : memref<2x128x128xf32, #tpu.memory_space<vmem>>, vector<1x1x16xf32>,
          %get3A_2090 = vector.shape_cast %get3A_2089 : vector<1x1x16xf32> to vector<16xf32>
          %mul3A_2091 = vector.broadcast %squeeze3A_2065 : f32 to vector<16xf32>
          %mul3A_2092 = arith.mulf %get3A_2090, %mul3A_2091 : vector<16xf32>
          %swap3A_2093 = arith.constant 0 : i32
          %swap3A_2094 = arith.index_cast %swap3A_2093 : i32 to index
          %swap3A_2095 = arith.index_cast %add3A_2069 : i32 to index
          %swap3A_2096 = arith.constant 16 : index
          %swap3A_2097 = tpu.vector_load %arg11[%swap3A_2094, %swap3A_2095, %swap3A_2096] {strides = array<i32>} : memref<2x128x128xf32, #tpu.memory_space<vmem>>, vector<1x1x16xf32>,
          %swap3A_2098 = vector.shape_cast %swap3A_2097 : vector<1x1x16xf32> to vector<16xf32>
          %swap3A_2099 = vector.shape_cast %mul3A_2092 : vector<16xf32> to vector<1x1x16xf32>
          tpu.vector_store %arg11[%swap3A_2094, %swap3A_2095, %swap3A_2096], %swap3A_2099 {strides = array<i32>} : memref<2x128x128xf32, #tpu.memory_space<vmem>>, vector<1x1x16xf32>,
          %get3A_2100 = arith.constant 0 : i32
          %get3A_2101 = arith.index_cast %get3A_2100 : i32 to index
          %get3A_2102 = arith.index_cast %add3A_2069 : i32 to index
          %get3A_2103 = arith.constant 32 : index
          %get3A_2104 = tpu.vector_load %arg11[%get3A_2101, %get3A_2102, %get3A_2103] {strides = array<i32>} : memref<2x128x128xf32, #tpu.memory_space<vmem>>, vector<1x1x16xf32>,
          %get3A_2105 = vector.shape_cast %get3A_2104 : vector<1x1x16xf32> to vector<16xf32>
          %mul3A_2106 = vector.broadcast %squeeze3A_2065 : f32 to vector<16xf32>
          %mul3A_2107 = arith.mulf %get3A_2105, %mul3A_2106 : vector<16xf32>
          %swap3A_2108 = arith.constant 0 : i32
          %swap3A_2109 = arith.index_cast %swap3A_2108 : i32 to index
          %swap3A_2110 = arith.index_cast %add3A_2069 : i32 to index
          %swap3A_2111 = arith.constant 32 : index
          %swap3A_2112 = tpu.vector_load %arg11[%swap3A_2109, %swap3A_2110, %swap3A_2111] {strides = array<i32>} : memref<2x128x128xf32, #tpu.memory_space<vmem>>, vector<1x1x16xf32>,
          %swap3A_2113 = vector.shape_cast %swap3A_2112 : vector<1x1x16xf32> to vector<16xf32>
          %swap3A_2114 = vector.shape_cast %mul3A_2107 : vector<16xf32> to vector<1x1x16xf32>
          tpu.vector_store %arg11[%swap3A_2109, %swap3A_2110, %swap3A_2111], %swap3A_2114 {strides = array<i32>} : memref<2x128x128xf32, #tpu.memory_space<vmem>>, vector<1x1x16xf32>,
          %get3A_2115 = arith.constant 0 : i32
          %get3A_2116 = arith.index_cast %get3A_2115 : i32 to index
          %get3A_2117 = arith.index_cast %add3A_2069 : i32 to index
          %get3A_2118 = arith.constant 48 : index
          %get3A_2119 = tpu.vector_load %arg11[%get3A_2116, %get3A_2117, %get3A_2118] {strides = array<i32>} : memref<2x128x128xf32, #tpu.memory_space<vmem>>, vector<1x1x16xf32>,
          %get3A_2120 = vector.shape_cast %get3A_2119 : vector<1x1x16xf32> to vector<16xf32>
          %mul3A_2121 = vector.broadcast %squeeze3A_2065 : f32 to vector<16xf32>
          %mul3A_2122 = arith.mulf %get3A_2120, %mul3A_2121 : vector<16xf32>
          %swap3A_2123 = arith.constant 0 : i32
          %swap3A_2124 = arith.index_cast %swap3A_2123 : i32 to index
          %swap3A_2125 = arith.index_cast %add3A_2069 : i32 to index
          %swap3A_2126 = arith.constant 48 : index
          %swap3A_2127 = tpu.vector_load %arg11[%swap3A_2124, %swap3A_2125, %swap3A_2126] {strides = array<i32>} : memref<2x128x128xf32, #tpu.memory_space<vmem>>, vector<1x1x16xf32>,
          %swap3A_2128 = vector.shape_cast %swap3A_2127 : vector<1x1x16xf32> to vector<16xf32>
          %swap3A_2129 = vector.shape_cast %mul3A_2122 : vector<16xf32> to vector<1x1x16xf32>
          tpu.vector_store %arg11[%swap3A_2124, %swap3A_2125, %swap3A_2126], %swap3A_2129 {strides = array<i32>} : memref<2x128x128xf32, #tpu.memory_space<vmem>>, vector<1x1x16xf32>,
          %get3A_2130 = arith.constant 0 : i32
          %get3A_2131 = arith.index_cast %get3A_2130 : i32 to index
          %get3A_2132 = arith.index_cast %add3A_2069 : i32 to index
          %get3A_2133 = arith.constant 64 : index
          %get3A_2134 = tpu.vector_load %arg11[%get3A_2131, %get3A_2132, %get3A_2133] {strides = array<i32>} : memref<2x128x128xf32, #tpu.memory_space<vmem>>, vector<1x1x16xf32>,
          %get3A_2135 = vector.shape_cast %get3A_2134 : vector<1x1x16xf32> to vector<16xf32>
          %mul3A_2136 = vector.broadcast %squeeze3A_2065 : f32 to vector<16xf32>
          %mul3A_2137 = arith.mulf %get3A_2135, %mul3A_2136 : vector<16xf32>
          %swap3A_2138 = arith.constant 0 : i32
          %swap3A_2139 = arith.index_cast %swap3A_2138 : i32 to index
          %swap3A_2140 = arith.index_cast %add3A_2069 : i32 to index
          %swap3A_2141 = arith.constant 64 : index
          %swap3A_2142 = tpu.vector_load %arg11[%swap3A_2139, %swap3A_2140, %swap3A_2141] {strides = array<i32>} : memref<2x128x128xf32, #tpu.memory_space<vmem>>, vector<1x1x16xf32>,
          %swap3A_2143 = vector.shape_cast %swap3A_2142 : vector<1x1x16xf32> to vector<16xf32>
          %swap3A_2144 = vector.shape_cast %mul3A_2137 : vector<16xf32> to vector<1x1x16xf32>
          tpu.vector_store %arg11[%swap3A_2139, %swap3A_2140, %swap3A_2141], %swap3A_2144 {strides = array<i32>} : memref<2x128x128xf32, #tpu.memory_space<vmem>>, vector<1x1x16xf32>,
          %get3A_2145 = arith.constant 0 : i32
          %get3A_2146 = arith.index_cast %get3A_2145 : i32 to index
          %get3A_2147 = arith.index_cast %add3A_2069 : i32 to index
          %get3A_2148 = arith.constant 80 : index
          %get3A_2149 = tpu.vector_load %arg11[%get3A_2146, %get3A_2147, %get3A_2148] {strides = array<i32>} : memref<2x128x128xf32, #tpu.memory_space<vmem>>, vector<1x1x16xf32>,
          %get3A_2150 = vector.shape_cast %get3A_2149 : vector<1x1x16xf32> to vector<16xf32>
          %mul3A_2151 = vector.broadcast %squeeze3A_2065 : f32 to vector<16xf32>
          %mul3A_2152 = arith.mulf %get3A_2150, %mul3A_2151 : vector<16xf32>
          %swap3A_2153 = arith.constant 0 : i32
          %swap3A_2154 = arith.index_cast %swap3A_2153 : i32 to index
          %swap3A_2155 = arith.index_cast %add3A_2069 : i32 to index
          %swap3A_2156 = arith.constant 80 : index
          %swap3A_2157 = tpu.vector_load %arg11[%swap3A_2154, %swap3A_2155, %swap3A_2156] {strides = array<i32>} : memref<2x128x128xf32, #tpu.memory_space<vmem>>, vector<1x1x16xf32>,
          %swap3A_2158 = vector.shape_cast %swap3A_2157 : vector<1x1x16xf32> to vector<16xf32>
          %swap3A_2159 = vector.shape_cast %mul3A_2152 : vector<16xf32> to vector<1x1x16xf32>
          tpu.vector_store %arg11[%swap3A_2154, %swap3A_2155, %swap3A_2156], %swap3A_2159 {strides = array<i32>} : memref<2x128x128xf32, #tpu.memory_space<vmem>>, vector<1x1x16xf32>,
          %get3A_2160 = arith.constant 0 : i32
          %get3A_2161 = arith.index_cast %get3A_2160 : i32 to index
          %get3A_2162 = arith.index_cast %add3A_2069 : i32 to index
          %get3A_2163 = arith.constant 96 : index
          %get3A_2164 = tpu.vector_load %arg11[%get3A_2161, %get3A_2162, %get3A_2163] {strides = array<i32>} : memref<2x128x128xf32, #tpu.memory_space<vmem>>, vector<1x1x16xf32>,
          %get3A_2165 = vector.shape_cast %get3A_2164 : vector<1x1x16xf32> to vector<16xf32>
          %mul3A_2166 = vector.broadcast %squeeze3A_2065 : f32 to vector<16xf32>
          %mul3A_2167 = arith.mulf %get3A_2165, %mul3A_2166 : vector<16xf32>
          %swap3A_2168 = arith.constant 0 : i32
          %swap3A_2169 = arith.index_cast %swap3A_2168 : i32 to index
          %swap3A_2170 = arith.index_cast %add3A_2069 : i32 to index
          %swap3A_2171 = arith.constant 96 : index
          %swap3A_2172 = tpu.vector_load %arg11[%swap3A_2169, %swap3A_2170, %swap3A_2171] {strides = array<i32>} : memref<2x128x128xf32, #tpu.memory_space<vmem>>, vector<1x1x16xf32>,
          %swap3A_2173 = vector.shape_cast %swap3A_2172 : vector<1x1x16xf32> to vector<16xf32>
          %swap3A_2174 = vector.shape_cast %mul3A_2167 : vector<16xf32> to vector<1x1x16xf32>
          tpu.vector_store %arg11[%swap3A_2169, %swap3A_2170, %swap3A_2171], %swap3A_2174 {strides = array<i32>} : memref<2x128x128xf32, #tpu.memory_space<vmem>>, vector<1x1x16xf32>,
          %get3A_2175 = arith.constant 0 : i32
          %get3A_2176 = arith.index_cast %get3A_2175 : i32 to index
          %get3A_2177 = arith.index_cast %add3A_2069 : i32 to index
          %get3A_2178 = arith.constant 112 : index
          %get3A_2179 = tpu.vector_load %arg11[%get3A_2176, %get3A_2177, %get3A_2178] {strides = array<i32>} : memref<2x128x128xf32, #tpu.memory_space<vmem>>, vector<1x1x16xf32>,
          %get3A_2180 = vector.shape_cast %get3A_2179 : vector<1x1x16xf32> to vector<16xf32>
          %mul3A_2181 = vector.broadcast %squeeze3A_2065 : f32 to vector<16xf32>
          %mul3A_2182 = arith.mulf %get3A_2180, %mul3A_2181 : vector<16xf32>
          %swap3A_2183 = arith.constant 0 : i32
          %swap3A_2184 = arith.index_cast %swap3A_2183 : i32 to index
          %swap3A_2185 = arith.index_cast %add3A_2069 : i32 to index
          %swap3A_2186 = arith.constant 112 : index
          %swap3A_2187 = tpu.vector_load %arg11[%swap3A_2184, %swap3A_2185, %swap3A_2186] {strides = array<i32>} : memref<2x128x128xf32, #tpu.memory_space<vmem>>, vector<1x1x16xf32>,
          %swap3A_2188 = vector.shape_cast %swap3A_2187 : vector<1x1x16xf32> to vector<16xf32>
          %swap3A_2189 = vector.shape_cast %mul3A_2182 : vector<16xf32> to vector<1x1x16xf32>
          tpu.vector_store %arg11[%swap3A_2184, %swap3A_2185, %swap3A_2186], %swap3A_2189 {strides = array<i32>} : memref<2x128x128xf32, #tpu.memory_space<vmem>>, vector<1x1x16xf32>,
          %scan3A_2190 = arith.constant 0 : i32
          scf.yield %scan3A_2190 : i32
        }
        %scan3A_117 = arith.constant 8 : i32
        %dma_start3A_118 = arith.constant 0 : i32
        %dma_start3A_119 = arith.constant 0 : i32
        %dma_start3A_120 = arith.constant 0 : i32
        %dma_start3A_121 = tpu.memref_slice %arg11[%dma_start3A_118, %dma_start3A_119, %dma_start3A_120] : memref<2x128x128xf32, #tpu.memory_space<vmem>> -> memref<1x128x128xf32, #tpu.memory_space<vmem>>
        %dma_start3A_122 = tpu.memref_squeeze %dma_start3A_121 : memref<1x128x128xf32, #tpu.memory_space<vmem>> -> memref<128x128xf32, #tpu.memory_space<vmem>>
        %dma_start3A_123 = arith.constant 0 : i32
        %dma_start3A_124 = tpu.memref_slice %arg9[%mul3A_71, %dma_start3A_123] : memref<8x128xi32, #tpu.memory_space<vmem>> -> memref<1x128xi32, #tpu.memory_space<vmem>>
        %dma_start3A_125 = tpu.memref_squeeze %dma_start3A_124 : memref<1x128xi32, #tpu.memory_space<vmem>> -> memref<128xi32, #tpu.memory_space<vmem>>
        %dma_start3A_126 = arith.constant 0 : i32
        %dma_start3A_127 = arith.constant 0 : i32
        %dma_start3A_128 = tpu.memref_slice %arg7[%dma_start3A_126, %dma_start3A_127] : memref<10000x128xf32, #tpu.memory_space<vmem_shared>> -> memref<10000x128xf32, #tpu.memory_space<vmem_shared>>
        tpu.enqueue_indirect_dma source(%dma_start3A_122 : memref<128x128xf32, #tpu.memory_space<vmem>>) target(%dma_start3A_128 : memref<10000x128xf32, #tpu.memory_space<vmem_shared>>) offsets(%dma_start3A_125 : memref<128xi32, #tpu.memory_space<vmem>>) semaphore(%arg14 : memref<!tpu.dma_semaphore, #tpu.memory_space<semaphore_mem>>) {add = true}
        %dma_wait3A_129 = arith.constant 1 : i32
        %dma_wait3A_130 = arith.constant 0 : i32
        %dma_wait3A_131 = arith.constant 0 : i32
        %dma_wait3A_132 = tpu.memref_slice %arg11[%dma_wait3A_129, %dma_wait3A_130, %dma_wait3A_131] : memref<2x128x128xf32, #tpu.memory_space<vmem>> -> memref<1x128x128xf32, #tpu.memory_space<vmem>>
        %dma_wait3A_133 = tpu.memref_squeeze %dma_wait3A_132 : memref<1x128x128xf32, #tpu.memory_space<vmem>> -> memref<128x128xf32, #tpu.memory_space<vmem>>
        %dma_wait3A_134 = arith.constant 0 : i32
        %dma_wait3A_135 = tpu.memref_slice %arg8[%add3A_73, %dma_wait3A_134] : memref<8x128xi32, #tpu.memory_space<vmem>> -> memref<1x128xi32, #tpu.memory_space<vmem>>
        %dma_wait3A_136 = tpu.memref_squeeze %dma_wait3A_135 : memref<1x128xi32, #tpu.memory_space<vmem>> -> memref<128xi32, #tpu.memory_space<vmem>>
        %dma_wait3A_137 = arith.constant 0 : i32
        %dma_wait3A_138 = arith.constant 0 : i32
        %dma_wait3A_139 = tpu.memref_slice %arg5[%dma_wait3A_137, %dma_wait3A_138] : memref<10000x128xf32, #tpu.memory_space<hbm>> -> memref<10000x128xf32, #tpu.memory_space<hbm>>
        tpu.wait_indirect_dma semaphore(%arg13 : memref<!tpu.dma_semaphore, #tpu.memory_space<semaphore_mem>>) src(%dma_wait3A_139 : memref<10000x128xf32, #tpu.memory_space<hbm>>) dst(%dma_wait3A_133 : memref<128x128xf32, #tpu.memory_space<vmem>>)
        %scan3A_140 = arith.constant 0 : i32
        %scan3A_141 = arith.constant 0 : i32
        %scan3A_142 = arith.constant 8 : i32
        %scan3A_143 = arith.addi %scan3A_141, %scan3A_142 : i32
        %scan3A_144 = arith.constant 1 : i32
        %scan3A_145 = scf.for %scan3A_170 = %scan3A_141 to %scan3A_143 step %scan3A_144 iter_args(%scan3A_171 = %scan3A_140) -> (i32)  : i32 {
          %mul3A_172 = arith.constant 16 : i32
          %mul3A_173 = arith.muli %scan3A_170, %mul3A_172 : i32
          %get3A = arith.index_cast %add3A_73 : i32 to index
          %get3A_174 = arith.index_cast %mul3A_173 : i32 to index
          %get3A_175 = tpu.vector_load %arg10[%get3A, %get3A_174] {strides = array<i32>} : memref<8x128xf32, #tpu.memory_space<vmem>>, vector<1x16xf32>,
          %get3A_176 = vector.shape_cast %get3A_175 : vector<1x16xf32> to vector<16xf32>
          %slice3A = vector.extract_strided_slice %get3A_176 {offsets = [0], sizes = [1], strides = [1]} : vector<16xf32> to vector<1xf32>
          %squeeze3A = vector.extract %slice3A[0] : f32 from vector<1xf32>
          %mul3A_177 = arith.constant 16 : i32
          %mul3A_178 = arith.muli %scan3A_170, %mul3A_177 : i32
          %add3A_179 = arith.constant 0 : i32
          %add3A_180 = arith.addi %mul3A_178, %add3A_179 : i32
          %get3A_181 = arith.constant 1 : i32
          %get3A_182 = arith.index_cast %get3A_181 : i32 to index
          %get3A_183 = arith.index_cast %add3A_180 : i32 to index
          %get3A_184 = arith.constant 0 : index
          %get3A_185 = tpu.vector_load %arg11[%get3A_182, %get3A_183, %get3A_184] {strides = array<i32>} : memref<2x128x128xf32, #tpu.memory_space<vmem>>, vector<1x1x16xf32>,
          %get3A_186 = vector.shape_cast %get3A_185 : vector<1x1x16xf32> to vector<16xf32>
          %mul3A_187 = vector.broadcast %squeeze3A : f32 to vector<16xf32>
          %mul3A_188 = arith.mulf %get3A_186, %mul3A_187 : vector<16xf32>
          %swap3A = arith.constant 1 : i32
          %swap3A_189 = arith.index_cast %swap3A : i32 to index
          %swap3A_190 = arith.index_cast %add3A_180 : i32 to index
          %swap3A_191 = arith.constant 0 : index
          %swap3A_192 = tpu.vector_load %arg11[%swap3A_189, %swap3A_190, %swap3A_191] {strides = array<i32>} : memref<2x128x128xf32, #tpu.memory_space<vmem>>, vector<1x1x16xf32>,
          %swap3A_193 = vector.shape_cast %swap3A_192 : vector<1x1x16xf32> to vector<16xf32>
          %swap3A_194 = vector.shape_cast %mul3A_188 : vector<16xf32> to vector<1x1x16xf32>
          tpu.vector_store %arg11[%swap3A_189, %swap3A_190, %swap3A_191], %swap3A_194 {strides = array<i32>} : memref<2x128x128xf32, #tpu.memory_space<vmem>>, vector<1x1x16xf32>,
          %get3A_195 = arith.constant 1 : i32
          %get3A_196 = arith.index_cast %get3A_195 : i32 to index
          %get3A_197 = arith.index_cast %add3A_180 : i32 to index
          %get3A_198 = arith.constant 16 : index
          %get3A_199 = tpu.vector_load %arg11[%get3A_196, %get3A_197, %get3A_198] {strides = array<i32>} : memref<2x128x128xf32, #tpu.memory_space<vmem>>, vector<1x1x16xf32>,
          %get3A_200 = vector.shape_cast %get3A_199 : vector<1x1x16xf32> to vector<16xf32>
          %mul3A_201 = vector.broadcast %squeeze3A : f32 to vector<16xf32>
          %mul3A_202 = arith.mulf %get3A_200, %mul3A_201 : vector<16xf32>
          %swap3A_203 = arith.constant 1 : i32
          %swap3A_204 = arith.index_cast %swap3A_203 : i32 to index
          %swap3A_205 = arith.index_cast %add3A_180 : i32 to index
          %swap3A_206 = arith.constant 16 : index
          %swap3A_207 = tpu.vector_load %arg11[%swap3A_204, %swap3A_205, %swap3A_206] {strides = array<i32>} : memref<2x128x128xf32, #tpu.memory_space<vmem>>, vector<1x1x16xf32>,
          %swap3A_208 = vector.shape_cast %swap3A_207 : vector<1x1x16xf32> to vector<16xf32>
          %swap3A_209 = vector.shape_cast %mul3A_202 : vector<16xf32> to vector<1x1x16xf32>
          tpu.vector_store %arg11[%swap3A_204, %swap3A_205, %swap3A_206], %swap3A_209 {strides = array<i32>} : memref<2x128x128xf32, #tpu.memory_space<vmem>>, vector<1x1x16xf32>,
          %get3A_210 = arith.constant 1 : i32
          %get3A_211 = arith.index_cast %get3A_210 : i32 to index
          %get3A_212 = arith.index_cast %add3A_180 : i32 to index
          %get3A_213 = arith.constant 32 : index
          %get3A_214 = tpu.vector_load %arg11[%get3A_211, %get3A_212, %get3A_213] {strides = array<i32>} : memref<2x128x128xf32, #tpu.memory_space<vmem>>, vector<1x1x16xf32>,
          %get3A_215 = vector.shape_cast %get3A_214 : vector<1x1x16xf32> to vector<16xf32>
          %mul3A_216 = vector.broadcast %squeeze3A : f32 to vector<16xf32>
          %mul3A_217 = arith.mulf %get3A_215, %mul3A_216 : vector<16xf32>
          %swap3A_218 = arith.constant 1 : i32
          %swap3A_219 = arith.index_cast %swap3A_218 : i32 to index
          %swap3A_220 = arith.index_cast %add3A_180 : i32 to index
          %swap3A_221 = arith.constant 32 : index
          %swap3A_222 = tpu.vector_load %arg11[%swap3A_219, %swap3A_220, %swap3A_221] {strides = array<i32>} : memref<2x128x128xf32, #tpu.memory_space<vmem>>, vector<1x1x16xf32>,
          %swap3A_223 = vector.shape_cast %swap3A_222 : vector<1x1x16xf32> to vector<16xf32>
          %swap3A_224 = vector.shape_cast %mul3A_217 : vector<16xf32> to vector<1x1x16xf32>
          tpu.vector_store %arg11[%swap3A_219, %swap3A_220, %swap3A_221], %swap3A_224 {strides = array<i32>} : memref<2x128x128xf32, #tpu.memory_space<vmem>>, vector<1x1x16xf32>,
          %get3A_225 = arith.constant 1 : i32
          %get3A_226 = arith.index_cast %get3A_225 : i32 to index
          %get3A_227 = arith.index_cast %add3A_180 : i32 to index
          %get3A_228 = arith.constant 48 : index
          %get3A_229 = tpu.vector_load %arg11[%get3A_226, %get3A_227, %get3A_228] {strides = array<i32>} : memref<2x128x128xf32, #tpu.memory_space<vmem>>, vector<1x1x16xf32>,
          %get3A_230 = vector.shape_cast %get3A_229 : vector<1x1x16xf32> to vector<16xf32>
          %mul3A_231 = vector.broadcast %squeeze3A : f32 to vector<16xf32>
          %mul3A_232 = arith.mulf %get3A_230, %mul3A_231 : vector<16xf32>
          %swap3A_233 = arith.constant 1 : i32
          %swap3A_234 = arith.index_cast %swap3A_233 : i32 to index
          %swap3A_235 = arith.index_cast %add3A_180 : i32 to index
          %swap3A_236 = arith.constant 48 : index
          %swap3A_237 = tpu.vector_load %arg11[%swap3A_234, %swap3A_235, %swap3A_236] {strides = array<i32>} : memref<2x128x128xf32, #tpu.memory_space<vmem>>, vector<1x1x16xf32>,
          %swap3A_238 = vector.shape_cast %swap3A_237 : vector<1x1x16xf32> to vector<16xf32>
          %swap3A_239 = vector.shape_cast %mul3A_232 : vector<16xf32> to vector<1x1x16xf32>
          tpu.vector_store %arg11[%swap3A_234, %swap3A_235, %swap3A_236], %swap3A_239 {strides = array<i32>} : memref<2x128x128xf32, #tpu.memory_space<vmem>>, vector<1x1x16xf32>,
          %get3A_240 = arith.constant 1 : i32
          %get3A_241 = arith.index_cast %get3A_240 : i32 to index
          %get3A_242 = arith.index_cast %add3A_180 : i32 to index
          %get3A_243 = arith.constant 64 : index
          %get3A_244 = tpu.vector_load %arg11[%get3A_241, %get3A_242, %get3A_243] {strides = array<i32>} : memref<2x128x128xf32, #tpu.memory_space<vmem>>, vector<1x1x16xf32>,
          %get3A_245 = vector.shape_cast %get3A_244 : vector<1x1x16xf32> to vector<16xf32>
          %mul3A_246 = vector.broadcast %squeeze3A : f32 to vector<16xf32>
          %mul3A_247 = arith.mulf %get3A_245, %mul3A_246 : vector<16xf32>
          %swap3A_248 = arith.constant 1 : i32
          %swap3A_249 = arith.index_cast %swap3A_248 : i32 to index
          %swap3A_250 = arith.index_cast %add3A_180 : i32 to index
          %swap3A_251 = arith.constant 64 : index
          %swap3A_252 = tpu.vector_load %arg11[%swap3A_249, %swap3A_250, %swap3A_251] {strides = array<i32>} : memref<2x128x128xf32, #tpu.memory_space<vmem>>, vector<1x1x16xf32>,
          %swap3A_253 = vector.shape_cast %swap3A_252 : vector<1x1x16xf32> to vector<16xf32>
          %swap3A_254 = vector.shape_cast %mul3A_247 : vector<16xf32> to vector<1x1x16xf32>
          tpu.vector_store %arg11[%swap3A_249, %swap3A_250, %swap3A_251], %swap3A_254 {strides = array<i32>} : memref<2x128x128xf32, #tpu.memory_space<vmem>>, vector<1x1x16xf32>,
          %get3A_255 = arith.constant 1 : i32
          %get3A_256 = arith.index_cast %get3A_255 : i32 to index
          %get3A_257 = arith.index_cast %add3A_180 : i32 to index
          %get3A_258 = arith.constant 80 : index
          %get3A_259 = tpu.vector_load %arg11[%get3A_256, %get3A_257, %get3A_258] {strides = array<i32>} : memref<2x128x128xf32, #tpu.memory_space<vmem>>, vector<1x1x16xf32>,
          %get3A_260 = vector.shape_cast %get3A_259 : vector<1x1x16xf32> to vector<16xf32>
          %mul3A_261 = vector.broadcast %squeeze3A : f32 to vector<16xf32>
          %mul3A_262 = arith.mulf %get3A_260, %mul3A_261 : vector<16xf32>
          %swap3A_263 = arith.constant 1 : i32
          %swap3A_264 = arith.index_cast %swap3A_263 : i32 to index
          %swap3A_265 = arith.index_cast %add3A_180 : i32 to index
          %swap3A_266 = arith.constant 80 : index
          %swap3A_267 = tpu.vector_load %arg11[%swap3A_264, %swap3A_265, %swap3A_266] {strides = array<i32>} : memref<2x128x128xf32, #tpu.memory_space<vmem>>, vector<1x1x16xf32>,
          %swap3A_268 = vector.shape_cast %swap3A_267 : vector<1x1x16xf32> to vector<16xf32>
          %swap3A_269 = vector.shape_cast %mul3A_262 : vector<16xf32> to vector<1x1x16xf32>
          tpu.vector_store %arg11[%swap3A_264, %swap3A_265, %swap3A_266], %swap3A_269 {strides = array<i32>} : memref<2x128x128xf32, #tpu.memory_space<vmem>>, vector<1x1x16xf32>,
          %get3A_270 = arith.constant 1 : i32
          %get3A_271 = arith.index_cast %get3A_270 : i32 to index
          %get3A_272 = arith.index_cast %add3A_180 : i32 to index
          %get3A_273 = arith.constant 96 : index
          %get3A_274 = tpu.vector_load %arg11[%get3A_271, %get3A_272, %get3A_273] {strides = array<i32>} : memref<2x128x128xf32, #tpu.memory_space<vmem>>, vector<1x1x16xf32>,
          %get3A_275 = vector.shape_cast %get3A_274 : vector<1x1x16xf32> to vector<16xf32>
          %mul3A_276 = vector.broadcast %squeeze3A : f32 to vector<16xf32>
          %mul3A_277 = arith.mulf %get3A_275, %mul3A_276 : vector<16xf32>
          %swap3A_278 = arith.constant 1 : i32
          %swap3A_279 = arith.index_cast %swap3A_278 : i32 to index
          %swap3A_280 = arith.index_cast %add3A_180 : i32 to index
          %swap3A_281 = arith.constant 96 : index
          %swap3A_282 = tpu.vector_load %arg11[%swap3A_279, %swap3A_280, %swap3A_281] {strides = array<i32>} : memref<2x128x128xf32, #tpu.memory_space<vmem>>, vector<1x1x16xf32>,
          %swap3A_283 = vector.shape_cast %swap3A_282 : vector<1x1x16xf32> to vector<16xf32>
          %swap3A_284 = vector.shape_cast %mul3A_277 : vector<16xf32> to vector<1x1x16xf32>
          tpu.vector_store %arg11[%swap3A_279, %swap3A_280, %swap3A_281], %swap3A_284 {strides = array<i32>} : memref<2x128x128xf32, #tpu.memory_space<vmem>>, vector<1x1x16xf32>,
          %get3A_285 = arith.constant 1 : i32
          %get3A_286 = arith.index_cast %get3A_285 : i32 to index
          %get3A_287 = arith.index_cast %add3A_180 : i32 to index
          %get3A_288 = arith.constant 112 : index
          %get3A_289 = tpu.vector_load %arg11[%get3A_286, %get3A_287, %get3A_288] {strides = array<i32>} : memref<2x128x128xf32, #tpu.memory_space<vmem>>, vector<1x1x16xf32>,
          %get3A_290 = vector.shape_cast %get3A_289 : vector<1x1x16xf32> to vector<16xf32>
          %mul3A_291 = vector.broadcast %squeeze3A : f32 to vector<16xf32>
          %mul3A_292 = arith.mulf %get3A_290, %mul3A_291 : vector<16xf32>
          %swap3A_293 = arith.constant 1 : i32
          %swap3A_294 = arith.index_cast %swap3A_293 : i32 to index
          %swap3A_295 = arith.index_cast %add3A_180 : i32 to index
          %swap3A_296 = arith.constant 112 : index
          %swap3A_297 = tpu.vector_load %arg11[%swap3A_294, %swap3A_295, %swap3A_296] {strides = array<i32>} : memref<2x128x128xf32, #tpu.memory_space<vmem>>, vector<1x1x16xf32>,
          %swap3A_298 = vector.shape_cast %swap3A_297 : vector<1x1x16xf32> to vector<16xf32>
          %swap3A_299 = vector.shape_cast %mul3A_292 : vector<16xf32> to vector<1x1x16xf32>
          tpu.vector_store %arg11[%swap3A_294, %swap3A_295, %swap3A_296], %swap3A_299 {strides = array<i32>} : memref<2x128x128xf32, #tpu.memory_space<vmem>>, vector<1x1x16xf32>,
          %slice3A_300 = vector.extract_strided_slice %get3A_176 {offsets = [1], sizes = [1], strides = [1]} : vector<16xf32> to vector<1xf32>
          %squeeze3A_301 = vector.extract %slice3A_300[0] : f32 from vector<1xf32>
          %mul3A_302 = arith.constant 16 : i32
          %mul3A_303 = arith.muli %scan3A_170, %mul3A_302 : i32
          %add3A_304 = arith.constant 1 : i32
          %add3A_305 = arith.addi %mul3A_303, %add3A_304 : i32
          %get3A_306 = arith.constant 1 : i32
          %get3A_307 = arith.index_cast %get3A_306 : i32 to index
          %get3A_308 = arith.index_cast %add3A_305 : i32 to index
          %get3A_309 = arith.constant 0 : index
          %get3A_310 = tpu.vector_load %arg11[%get3A_307, %get3A_308, %get3A_309] {strides = array<i32>} : memref<2x128x128xf32, #tpu.memory_space<vmem>>, vector<1x1x16xf32>,
          %get3A_311 = vector.shape_cast %get3A_310 : vector<1x1x16xf32> to vector<16xf32>
          %mul3A_312 = vector.broadcast %squeeze3A_301 : f32 to vector<16xf32>
          %mul3A_313 = arith.mulf %get3A_311, %mul3A_312 : vector<16xf32>
          %swap3A_314 = arith.constant 1 : i32
          %swap3A_315 = arith.index_cast %swap3A_314 : i32 to index
          %swap3A_316 = arith.index_cast %add3A_305 : i32 to index
          %swap3A_317 = arith.constant 0 : index
          %swap3A_318 = tpu.vector_load %arg11[%swap3A_315, %swap3A_316, %swap3A_317] {strides = array<i32>} : memref<2x128x128xf32, #tpu.memory_space<vmem>>, vector<1x1x16xf32>,
          %swap3A_319 = vector.shape_cast %swap3A_318 : vector<1x1x16xf32> to vector<16xf32>
          %swap3A_320 = vector.shape_cast %mul3A_313 : vector<16xf32> to vector<1x1x16xf32>
          tpu.vector_store %arg11[%swap3A_315, %swap3A_316, %swap3A_317], %swap3A_320 {strides = array<i32>} : memref<2x128x128xf32, #tpu.memory_space<vmem>>, vector<1x1x16xf32>,
          %get3A_321 = arith.constant 1 : i32
          %get3A_322 = arith.index_cast %get3A_321 : i32 to index
          %get3A_323 = arith.index_cast %add3A_305 : i32 to index
          %get3A_324 = arith.constant 16 : index
          %get3A_325 = tpu.vector_load %arg11[%get3A_322, %get3A_323, %get3A_324] {strides = array<i32>} : memref<2x128x128xf32, #tpu.memory_space<vmem>>, vector<1x1x16xf32>,
          %get3A_326 = vector.shape_cast %get3A_325 : vector<1x1x16xf32> to vector<16xf32>
          %mul3A_327 = vector.broadcast %squeeze3A_301 : f32 to vector<16xf32>
          %mul3A_328 = arith.mulf %get3A_326, %mul3A_327 : vector<16xf32>
          %swap3A_329 = arith.constant 1 : i32
          %swap3A_330 = arith.index_cast %swap3A_329 : i32 to index
          %swap3A_331 = arith.index_cast %add3A_305 : i32 to index
          %swap3A_332 = arith.constant 16 : index
          %swap3A_333 = tpu.vector_load %arg11[%swap3A_330, %swap3A_331, %swap3A_332] {strides = array<i32>} : memref<2x128x128xf32, #tpu.memory_space<vmem>>, vector<1x1x16xf32>,
          %swap3A_334 = vector.shape_cast %swap3A_333 : vector<1x1x16xf32> to vector<16xf32>
          %swap3A_335 = vector.shape_cast %mul3A_328 : vector<16xf32> to vector<1x1x16xf32>
          tpu.vector_store %arg11[%swap3A_330, %swap3A_331, %swap3A_332], %swap3A_335 {strides = array<i32>} : memref<2x128x128xf32, #tpu.memory_space<vmem>>, vector<1x1x16xf32>,
          %get3A_336 = arith.constant 1 : i32
          %get3A_337 = arith.index_cast %get3A_336 : i32 to index
          %get3A_338 = arith.index_cast %add3A_305 : i32 to index
          %get3A_339 = arith.constant 32 : index
          %get3A_340 = tpu.vector_load %arg11[%get3A_337, %get3A_338, %get3A_339] {strides = array<i32>} : memref<2x128x128xf32, #tpu.memory_space<vmem>>, vector<1x1x16xf32>,
          %get3A_341 = vector.shape_cast %get3A_340 : vector<1x1x16xf32> to vector<16xf32>
          %mul3A_342 = vector.broadcast %squeeze3A_301 : f32 to vector<16xf32>
          %mul3A_343 = arith.mulf %get3A_341, %mul3A_342 : vector<16xf32>
          %swap3A_344 = arith.constant 1 : i32
          %swap3A_345 = arith.index_cast %swap3A_344 : i32 to index
          %swap3A_346 = arith.index_cast %add3A_305 : i32 to index
          %swap3A_347 = arith.constant 32 : index
          %swap3A_348 = tpu.vector_load %arg11[%swap3A_345, %swap3A_346, %swap3A_347] {strides = array<i32>} : memref<2x128x128xf32, #tpu.memory_space<vmem>>, vector<1x1x16xf32>,
          %swap3A_349 = vector.shape_cast %swap3A_348 : vector<1x1x16xf32> to vector<16xf32>
          %swap3A_350 = vector.shape_cast %mul3A_343 : vector<16xf32> to vector<1x1x16xf32>
          tpu.vector_store %arg11[%swap3A_345, %swap3A_346, %swap3A_347], %swap3A_350 {strides = array<i32>} : memref<2x128x128xf32, #tpu.memory_space<vmem>>, vector<1x1x16xf32>,
          %get3A_351 = arith.constant 1 : i32
          %get3A_352 = arith.index_cast %get3A_351 : i32 to index
          %get3A_353 = arith.index_cast %add3A_305 : i32 to index
          %get3A_354 = arith.constant 48 : index
          %get3A_355 = tpu.vector_load %arg11[%get3A_352, %get3A_353, %get3A_354] {strides = array<i32>} : memref<2x128x128xf32, #tpu.memory_space<vmem>>, vector<1x1x16xf32>,
          %get3A_356 = vector.shape_cast %get3A_355 : vector<1x1x16xf32> to vector<16xf32>
          %mul3A_357 = vector.broadcast %squeeze3A_301 : f32 to vector<16xf32>
          %mul3A_358 = arith.mulf %get3A_356, %mul3A_357 : vector<16xf32>
          %swap3A_359 = arith.constant 1 : i32
          %swap3A_360 = arith.index_cast %swap3A_359 : i32 to index
          %swap3A_361 = arith.index_cast %add3A_305 : i32 to index
          %swap3A_362 = arith.constant 48 : index
          %swap3A_363 = tpu.vector_load %arg11[%swap3A_360, %swap3A_361, %swap3A_362] {strides = array<i32>} : memref<2x128x128xf32, #tpu.memory_space<vmem>>, vector<1x1x16xf32>,
          %swap3A_364 = vector.shape_cast %swap3A_363 : vector<1x1x16xf32> to vector<16xf32>
          %swap3A_365 = vector.shape_cast %mul3A_358 : vector<16xf32> to vector<1x1x16xf32>
          tpu.vector_store %arg11[%swap3A_360, %swap3A_361, %swap3A_362], %swap3A_365 {strides = array<i32>} : memref<2x128x128xf32, #tpu.memory_space<vmem>>, vector<1x1x16xf32>,
          %get3A_366 = arith.constant 1 : i32
          %get3A_367 = arith.index_cast %get3A_366 : i32 to index
          %get3A_368 = arith.index_cast %add3A_305 : i32 to index
          %get3A_369 = arith.constant 64 : index
          %get3A_370 = tpu.vector_load %arg11[%get3A_367, %get3A_368, %get3A_369] {strides = array<i32>} : memref<2x128x128xf32, #tpu.memory_space<vmem>>, vector<1x1x16xf32>,
          %get3A_371 = vector.shape_cast %get3A_370 : vector<1x1x16xf32> to vector<16xf32>
          %mul3A_372 = vector.broadcast %squeeze3A_301 : f32 to vector<16xf32>
          %mul3A_373 = arith.mulf %get3A_371, %mul3A_372 : vector<16xf32>
          %swap3A_374 = arith.constant 1 : i32
          %swap3A_375 = arith.index_cast %swap3A_374 : i32 to index
          %swap3A_376 = arith.index_cast %add3A_305 : i32 to index
          %swap3A_377 = arith.constant 64 : index
          %swap3A_378 = tpu.vector_load %arg11[%swap3A_375, %swap3A_376, %swap3A_377] {strides = array<i32>} : memref<2x128x128xf32, #tpu.memory_space<vmem>>, vector<1x1x16xf32>,
          %swap3A_379 = vector.shape_cast %swap3A_378 : vector<1x1x16xf32> to vector<16xf32>
          %swap3A_380 = vector.shape_cast %mul3A_373 : vector<16xf32> to vector<1x1x16xf32>
          tpu.vector_store %arg11[%swap3A_375, %swap3A_376, %swap3A_377], %swap3A_380 {strides = array<i32>} : memref<2x128x128xf32, #tpu.memory_space<vmem>>, vector<1x1x16xf32>,
          %get3A_381 = arith.constant 1 : i32
          %get3A_382 = arith.index_cast %get3A_381 : i32 to index
          %get3A_383 = arith.index_cast %add3A_305 : i32 to index
          %get3A_384 = arith.constant 80 : index
          %get3A_385 = tpu.vector_load %arg11[%get3A_382, %get3A_383, %get3A_384] {strides = array<i32>} : memref<2x128x128xf32, #tpu.memory_space<vmem>>, vector<1x1x16xf32>,
          %get3A_386 = vector.shape_cast %get3A_385 : vector<1x1x16xf32> to vector<16xf32>
          %mul3A_387 = vector.broadcast %squeeze3A_301 : f32 to vector<16xf32>
          %mul3A_388 = arith.mulf %get3A_386, %mul3A_387 : vector<16xf32>
          %swap3A_389 = arith.constant 1 : i32
          %swap3A_390 = arith.index_cast %swap3A_389 : i32 to index
          %swap3A_391 = arith.index_cast %add3A_305 : i32 to index
          %swap3A_392 = arith.constant 80 : index
          %swap3A_393 = tpu.vector_load %arg11[%swap3A_390, %swap3A_391, %swap3A_392] {strides = array<i32>} : memref<2x128x128xf32, #tpu.memory_space<vmem>>, vector<1x1x16xf32>,
          %swap3A_394 = vector.shape_cast %swap3A_393 : vector<1x1x16xf32> to vector<16xf32>
          %swap3A_395 = vector.shape_cast %mul3A_388 : vector<16xf32> to vector<1x1x16xf32>
          tpu.vector_store %arg11[%swap3A_390, %swap3A_391, %swap3A_392], %swap3A_395 {strides = array<i32>} : memref<2x128x128xf32, #tpu.memory_space<vmem>>, vector<1x1x16xf32>,
          %get3A_396 = arith.constant 1 : i32
          %get3A_397 = arith.index_cast %get3A_396 : i32 to index
          %get3A_398 = arith.index_cast %add3A_305 : i32 to index
          %get3A_399 = arith.constant 96 : index
          %get3A_400 = tpu.vector_load %arg11[%get3A_397, %get3A_398, %get3A_399] {strides = array<i32>} : memref<2x128x128xf32, #tpu.memory_space<vmem>>, vector<1x1x16xf32>,
          %get3A_401 = vector.shape_cast %get3A_400 : vector<1x1x16xf32> to vector<16xf32>
          %mul3A_402 = vector.broadcast %squeeze3A_301 : f32 to vector<16xf32>
          %mul3A_403 = arith.mulf %get3A_401, %mul3A_402 : vector<16xf32>
          %swap3A_404 = arith.constant 1 : i32
          %swap3A_405 = arith.index_cast %swap3A_404 : i32 to index
          %swap3A_406 = arith.index_cast %add3A_305 : i32 to index
          %swap3A_407 = arith.constant 96 : index
          %swap3A_408 = tpu.vector_load %arg11[%swap3A_405, %swap3A_406, %swap3A_407] {strides = array<i32>} : memref<2x128x128xf32, #tpu.memory_space<vmem>>, vector<1x1x16xf32>,
          %swap3A_409 = vector.shape_cast %swap3A_408 : vector<1x1x16xf32> to vector<16xf32>
          %swap3A_410 = vector.shape_cast %mul3A_403 : vector<16xf32> to vector<1x1x16xf32>
          tpu.vector_store %arg11[%swap3A_405, %swap3A_406, %swap3A_407], %swap3A_410 {strides = array<i32>} : memref<2x128x128xf32, #tpu.memory_space<vmem>>, vector<1x1x16xf32>,
          %get3A_411 = arith.constant 1 : i32
          %get3A_412 = arith.index_cast %get3A_411 : i32 to index
          %get3A_413 = arith.index_cast %add3A_305 : i32 to index
          %get3A_414 = arith.constant 112 : index
          %get3A_415 = tpu.vector_load %arg11[%get3A_412, %get3A_413, %get3A_414] {strides = array<i32>} : memref<2x128x128xf32, #tpu.memory_space<vmem>>, vector<1x1x16xf32>,
          %get3A_416 = vector.shape_cast %get3A_415 : vector<1x1x16xf32> to vector<16xf32>
          %mul3A_417 = vector.broadcast %squeeze3A_301 : f32 to vector<16xf32>
          %mul3A_418 = arith.mulf %get3A_416, %mul3A_417 : vector<16xf32>
          %swap3A_419 = arith.constant 1 : i32
          %swap3A_420 = arith.index_cast %swap3A_419 : i32 to index
          %swap3A_421 = arith.index_cast %add3A_305 : i32 to index
          %swap3A_422 = arith.constant 112 : index
          %swap3A_423 = tpu.vector_load %arg11[%swap3A_420, %swap3A_421, %swap3A_422] {strides = array<i32>} : memref<2x128x128xf32, #tpu.memory_space<vmem>>, vector<1x1x16xf32>,
          %swap3A_424 = vector.shape_cast %swap3A_423 : vector<1x1x16xf32> to vector<16xf32>
          %swap3A_425 = vector.shape_cast %mul3A_418 : vector<16xf32> to vector<1x1x16xf32>
          tpu.vector_store %arg11[%swap3A_420, %swap3A_421, %swap3A_422], %swap3A_425 {strides = array<i32>} : memref<2x128x128xf32, #tpu.memory_space<vmem>>, vector<1x1x16xf32>,
          %slice3A_426 = vector.extract_strided_slice %get3A_176 {offsets = [2], sizes = [1], strides = [1]} : vector<16xf32> to vector<1xf32>
          %squeeze3A_427 = vector.extract %slice3A_426[0] : f32 from vector<1xf32>
          %mul3A_428 = arith.constant 16 : i32
          %mul3A_429 = arith.muli %scan3A_170, %mul3A_428 : i32
          %add3A_430 = arith.constant 2 : i32
          %add3A_431 = arith.addi %mul3A_429, %add3A_430 : i32
          %get3A_432 = arith.constant 1 : i32
          %get3A_433 = arith.index_cast %get3A_432 : i32 to index
          %get3A_434 = arith.index_cast %add3A_431 : i32 to index
          %get3A_435 = arith.constant 0 : index
          %get3A_436 = tpu.vector_load %arg11[%get3A_433, %get3A_434, %get3A_435] {strides = array<i32>} : memref<2x128x128xf32, #tpu.memory_space<vmem>>, vector<1x1x16xf32>,
          %get3A_437 = vector.shape_cast %get3A_436 : vector<1x1x16xf32> to vector<16xf32>
          %mul3A_438 = vector.broadcast %squeeze3A_427 : f32 to vector<16xf32>
          %mul3A_439 = arith.mulf %get3A_437, %mul3A_438 : vector<16xf32>
          %swap3A_440 = arith.constant 1 : i32
          %swap3A_441 = arith.index_cast %swap3A_440 : i32 to index
          %swap3A_442 = arith.index_cast %add3A_431 : i32 to index
          %swap3A_443 = arith.constant 0 : index
          %swap3A_444 = tpu.vector_load %arg11[%swap3A_441, %swap3A_442, %swap3A_443] {strides = array<i32>} : memref<2x128x128xf32, #tpu.memory_space<vmem>>, vector<1x1x16xf32>,
          %swap3A_445 = vector.shape_cast %swap3A_444 : vector<1x1x16xf32> to vector<16xf32>
          %swap3A_446 = vector.shape_cast %mul3A_439 : vector<16xf32> to vector<1x1x16xf32>
          tpu.vector_store %arg11[%swap3A_441, %swap3A_442, %swap3A_443], %swap3A_446 {strides = array<i32>} : memref<2x128x128xf32, #tpu.memory_space<vmem>>, vector<1x1x16xf32>,
          %get3A_447 = arith.constant 1 : i32
          %get3A_448 = arith.index_cast %get3A_447 : i32 to index
          %get3A_449 = arith.index_cast %add3A_431 : i32 to index
          %get3A_450 = arith.constant 16 : index
          %get3A_451 = tpu.vector_load %arg11[%get3A_448, %get3A_449, %get3A_450] {strides = array<i32>} : memref<2x128x128xf32, #tpu.memory_space<vmem>>, vector<1x1x16xf32>,
          %get3A_452 = vector.shape_cast %get3A_451 : vector<1x1x16xf32> to vector<16xf32>
          %mul3A_453 = vector.broadcast %squeeze3A_427 : f32 to vector<16xf32>
          %mul3A_454 = arith.mulf %get3A_452, %mul3A_453 : vector<16xf32>
          %swap3A_455 = arith.constant 1 : i32
          %swap3A_456 = arith.index_cast %swap3A_455 : i32 to index
          %swap3A_457 = arith.index_cast %add3A_431 : i32 to index
          %swap3A_458 = arith.constant 16 : index
          %swap3A_459 = tpu.vector_load %arg11[%swap3A_456, %swap3A_457, %swap3A_458] {strides = array<i32>} : memref<2x128x128xf32, #tpu.memory_space<vmem>>, vector<1x1x16xf32>,
          %swap3A_460 = vector.shape_cast %swap3A_459 : vector<1x1x16xf32> to vector<16xf32>
          %swap3A_461 = vector.shape_cast %mul3A_454 : vector<16xf32> to vector<1x1x16xf32>
          tpu.vector_store %arg11[%swap3A_456, %swap3A_457, %swap3A_458], %swap3A_461 {strides = array<i32>} : memref<2x128x128xf32, #tpu.memory_space<vmem>>, vector<1x1x16xf32>,
          %get3A_462 = arith.constant 1 : i32
          %get3A_463 = arith.index_cast %get3A_462 : i32 to index
          %get3A_464 = arith.index_cast %add3A_431 : i32 to index
          %get3A_465 = arith.constant 32 : index
          %get3A_466 = tpu.vector_load %arg11[%get3A_463, %get3A_464, %get3A_465] {strides = array<i32>} : memref<2x128x128xf32, #tpu.memory_space<vmem>>, vector<1x1x16xf32>,
          %get3A_467 = vector.shape_cast %get3A_466 : vector<1x1x16xf32> to vector<16xf32>
          %mul3A_468 = vector.broadcast %squeeze3A_427 : f32 to vector<16xf32>
          %mul3A_469 = arith.mulf %get3A_467, %mul3A_468 : vector<16xf32>
          %swap3A_470 = arith.constant 1 : i32
          %swap3A_471 = arith.index_cast %swap3A_470 : i32 to index
          %swap3A_472 = arith.index_cast %add3A_431 : i32 to index
          %swap3A_473 = arith.constant 32 : index
          %swap3A_474 = tpu.vector_load %arg11[%swap3A_471, %swap3A_472, %swap3A_473] {strides = array<i32>} : memref<2x128x128xf32, #tpu.memory_space<vmem>>, vector<1x1x16xf32>,
          %swap3A_475 = vector.shape_cast %swap3A_474 : vector<1x1x16xf32> to vector<16xf32>
          %swap3A_476 = vector.shape_cast %mul3A_469 : vector<16xf32> to vector<1x1x16xf32>
          tpu.vector_store %arg11[%swap3A_471, %swap3A_472, %swap3A_473], %swap3A_476 {strides = array<i32>} : memref<2x128x128xf32, #tpu.memory_space<vmem>>, vector<1x1x16xf32>,
          %get3A_477 = arith.constant 1 : i32
          %get3A_478 = arith.index_cast %get3A_477 : i32 to index
          %get3A_479 = arith.index_cast %add3A_431 : i32 to index
          %get3A_480 = arith.constant 48 : index
          %get3A_481 = tpu.vector_load %arg11[%get3A_478, %get3A_479, %get3A_480] {strides = array<i32>} : memref<2x128x128xf32, #tpu.memory_space<vmem>>, vector<1x1x16xf32>,
          %get3A_482 = vector.shape_cast %get3A_481 : vector<1x1x16xf32> to vector<16xf32>
          %mul3A_483 = vector.broadcast %squeeze3A_427 : f32 to vector<16xf32>
          %mul3A_484 = arith.mulf %get3A_482, %mul3A_483 : vector<16xf32>
          %swap3A_485 = arith.constant 1 : i32
          %swap3A_486 = arith.index_cast %swap3A_485 : i32 to index
          %swap3A_487 = arith.index_cast %add3A_431 : i32 to index
          %swap3A_488 = arith.constant 48 : index
          %swap3A_489 = tpu.vector_load %arg11[%swap3A_486, %swap3A_487, %swap3A_488] {strides = array<i32>} : memref<2x128x128xf32, #tpu.memory_space<vmem>>, vector<1x1x16xf32>,
          %swap3A_490 = vector.shape_cast %swap3A_489 : vector<1x1x16xf32> to vector<16xf32>
          %swap3A_491 = vector.shape_cast %mul3A_484 : vector<16xf32> to vector<1x1x16xf32>
          tpu.vector_store %arg11[%swap3A_486, %swap3A_487, %swap3A_488], %swap3A_491 {strides = array<i32>} : memref<2x128x128xf32, #tpu.memory_space<vmem>>, vector<1x1x16xf32>,
          %get3A_492 = arith.constant 1 : i32
          %get3A_493 = arith.index_cast %get3A_492 : i32 to index
          %get3A_494 = arith.index_cast %add3A_431 : i32 to index
          %get3A_495 = arith.constant 64 : index
          %get3A_496 = tpu.vector_load %arg11[%get3A_493, %get3A_494, %get3A_495] {strides = array<i32>} : memref<2x128x128xf32, #tpu.memory_space<vmem>>, vector<1x1x16xf32>,
          %get3A_497 = vector.shape_cast %get3A_496 : vector<1x1x16xf32> to vector<16xf32>
          %mul3A_498 = vector.broadcast %squeeze3A_427 : f32 to vector<16xf32>
          %mul3A_499 = arith.mulf %get3A_497, %mul3A_498 : vector<16xf32>
          %swap3A_500 = arith.constant 1 : i32
          %swap3A_501 = arith.index_cast %swap3A_500 : i32 to index
          %swap3A_502 = arith.index_cast %add3A_431 : i32 to index
          %swap3A_503 = arith.constant 64 : index
          %swap3A_504 = tpu.vector_load %arg11[%swap3A_501, %swap3A_502, %swap3A_503] {strides = array<i32>} : memref<2x128x128xf32, #tpu.memory_space<vmem>>, vector<1x1x16xf32>,
          %swap3A_505 = vector.shape_cast %swap3A_504 : vector<1x1x16xf32> to vector<16xf32>
          %swap3A_506 = vector.shape_cast %mul3A_499 : vector<16xf32> to vector<1x1x16xf32>
          tpu.vector_store %arg11[%swap3A_501, %swap3A_502, %swap3A_503], %swap3A_506 {strides = array<i32>} : memref<2x128x128xf32, #tpu.memory_space<vmem>>, vector<1x1x16xf32>,
          %get3A_507 = arith.constant 1 : i32
          %get3A_508 = arith.index_cast %get3A_507 : i32 to index
          %get3A_509 = arith.index_cast %add3A_431 : i32 to index
          %get3A_510 = arith.constant 80 : index
          %get3A_511 = tpu.vector_load %arg11[%get3A_508, %get3A_509, %get3A_510] {strides = array<i32>} : memref<2x128x128xf32, #tpu.memory_space<vmem>>, vector<1x1x16xf32>,
          %get3A_512 = vector.shape_cast %get3A_511 : vector<1x1x16xf32> to vector<16xf32>
          %mul3A_513 = vector.broadcast %squeeze3A_427 : f32 to vector<16xf32>
          %mul3A_514 = arith.mulf %get3A_512, %mul3A_513 : vector<16xf32>
          %swap3A_515 = arith.constant 1 : i32
          %swap3A_516 = arith.index_cast %swap3A_515 : i32 to index
          %swap3A_517 = arith.index_cast %add3A_431 : i32 to index
          %swap3A_518 = arith.constant 80 : index
          %swap3A_519 = tpu.vector_load %arg11[%swap3A_516, %swap3A_517, %swap3A_518] {strides = array<i32>} : memref<2x128x128xf32, #tpu.memory_space<vmem>>, vector<1x1x16xf32>,
          %swap3A_520 = vector.shape_cast %swap3A_519 : vector<1x1x16xf32> to vector<16xf32>
          %swap3A_521 = vector.shape_cast %mul3A_514 : vector<16xf32> to vector<1x1x16xf32>
          tpu.vector_store %arg11[%swap3A_516, %swap3A_517, %swap3A_518], %swap3A_521 {strides = array<i32>} : memref<2x128x128xf32, #tpu.memory_space<vmem>>, vector<1x1x16xf32>,
          %get3A_522 = arith.constant 1 : i32
          %get3A_523 = arith.index_cast %get3A_522 : i32 to index
          %get3A_524 = arith.index_cast %add3A_431 : i32 to index
          %get3A_525 = arith.constant 96 : index
          %get3A_526 = tpu.vector_load %arg11[%get3A_523, %get3A_524, %get3A_525] {strides = array<i32>} : memref<2x128x128xf32, #tpu.memory_space<vmem>>, vector<1x1x16xf32>,
          %get3A_527 = vector.shape_cast %get3A_526 : vector<1x1x16xf32> to vector<16xf32>
          %mul3A_528 = vector.broadcast %squeeze3A_427 : f32 to vector<16xf32>
          %mul3A_529 = arith.mulf %get3A_527, %mul3A_528 : vector<16xf32>
          %swap3A_530 = arith.constant 1 : i32
          %swap3A_531 = arith.index_cast %swap3A_530 : i32 to index
          %swap3A_532 = arith.index_cast %add3A_431 : i32 to index
          %swap3A_533 = arith.constant 96 : index
          %swap3A_534 = tpu.vector_load %arg11[%swap3A_531, %swap3A_532, %swap3A_533] {strides = array<i32>} : memref<2x128x128xf32, #tpu.memory_space<vmem>>, vector<1x1x16xf32>,
          %swap3A_535 = vector.shape_cast %swap3A_534 : vector<1x1x16xf32> to vector<16xf32>
          %swap3A_536 = vector.shape_cast %mul3A_529 : vector<16xf32> to vector<1x1x16xf32>
          tpu.vector_store %arg11[%swap3A_531, %swap3A_532, %swap3A_533], %swap3A_536 {strides = array<i32>} : memref<2x128x128xf32, #tpu.memory_space<vmem>>, vector<1x1x16xf32>,
          %get3A_537 = arith.constant 1 : i32
          %get3A_538 = arith.index_cast %get3A_537 : i32 to index
          %get3A_539 = arith.index_cast %add3A_431 : i32 to index
          %get3A_540 = arith.constant 112 : index
          %get3A_541 = tpu.vector_load %arg11[%get3A_538, %get3A_539, %get3A_540] {strides = array<i32>} : memref<2x128x128xf32, #tpu.memory_space<vmem>>, vector<1x1x16xf32>,
          %get3A_542 = vector.shape_cast %get3A_541 : vector<1x1x16xf32> to vector<16xf32>
          %mul3A_543 = vector.broadcast %squeeze3A_427 : f32 to vector<16xf32>
          %mul3A_544 = arith.mulf %get3A_542, %mul3A_543 : vector<16xf32>
          %swap3A_545 = arith.constant 1 : i32
          %swap3A_546 = arith.index_cast %swap3A_545 : i32 to index
          %swap3A_547 = arith.index_cast %add3A_431 : i32 to index
          %swap3A_548 = arith.constant 112 : index
          %swap3A_549 = tpu.vector_load %arg11[%swap3A_546, %swap3A_547, %swap3A_548] {strides = array<i32>} : memref<2x128x128xf32, #tpu.memory_space<vmem>>, vector<1x1x16xf32>,
          %swap3A_550 = vector.shape_cast %swap3A_549 : vector<1x1x16xf32> to vector<16xf32>
          %swap3A_551 = vector.shape_cast %mul3A_544 : vector<16xf32> to vector<1x1x16xf32>
          tpu.vector_store %arg11[%swap3A_546, %swap3A_547, %swap3A_548], %swap3A_551 {strides = array<i32>} : memref<2x128x128xf32, #tpu.memory_space<vmem>>, vector<1x1x16xf32>,
          %slice3A_552 = vector.extract_strided_slice %get3A_176 {offsets = [3], sizes = [1], strides = [1]} : vector<16xf32> to vector<1xf32>
          %squeeze3A_553 = vector.extract %slice3A_552[0] : f32 from vector<1xf32>
          %mul3A_554 = arith.constant 16 : i32
          %mul3A_555 = arith.muli %scan3A_170, %mul3A_554 : i32
          %add3A_556 = arith.constant 3 : i32
          %add3A_557 = arith.addi %mul3A_555, %add3A_556 : i32
          %get3A_558 = arith.constant 1 : i32
          %get3A_559 = arith.index_cast %get3A_558 : i32 to index
          %get3A_560 = arith.index_cast %add3A_557 : i32 to index
          %get3A_561 = arith.constant 0 : index
          %get3A_562 = tpu.vector_load %arg11[%get3A_559, %get3A_560, %get3A_561] {strides = array<i32>} : memref<2x128x128xf32, #tpu.memory_space<vmem>>, vector<1x1x16xf32>,
          %get3A_563 = vector.shape_cast %get3A_562 : vector<1x1x16xf32> to vector<16xf32>
          %mul3A_564 = vector.broadcast %squeeze3A_553 : f32 to vector<16xf32>
          %mul3A_565 = arith.mulf %get3A_563, %mul3A_564 : vector<16xf32>
          %swap3A_566 = arith.constant 1 : i32
          %swap3A_567 = arith.index_cast %swap3A_566 : i32 to index
          %swap3A_568 = arith.index_cast %add3A_557 : i32 to index
          %swap3A_569 = arith.constant 0 : index
          %swap3A_570 = tpu.vector_load %arg11[%swap3A_567, %swap3A_568, %swap3A_569] {strides = array<i32>} : memref<2x128x128xf32, #tpu.memory_space<vmem>>, vector<1x1x16xf32>,
          %swap3A_571 = vector.shape_cast %swap3A_570 : vector<1x1x16xf32> to vector<16xf32>
          %swap3A_572 = vector.shape_cast %mul3A_565 : vector<16xf32> to vector<1x1x16xf32>
          tpu.vector_store %arg11[%swap3A_567, %swap3A_568, %swap3A_569], %swap3A_572 {strides = array<i32>} : memref<2x128x128xf32, #tpu.memory_space<vmem>>, vector<1x1x16xf32>,
          %get3A_573 = arith.constant 1 : i32
          %get3A_574 = arith.index_cast %get3A_573 : i32 to index
          %get3A_575 = arith.index_cast %add3A_557 : i32 to index
          %get3A_576 = arith.constant 16 : index
          %get3A_577 = tpu.vector_load %arg11[%get3A_574, %get3A_575, %get3A_576] {strides = array<i32>} : memref<2x128x128xf32, #tpu.memory_space<vmem>>, vector<1x1x16xf32>,
          %get3A_578 = vector.shape_cast %get3A_577 : vector<1x1x16xf32> to vector<16xf32>
          %mul3A_579 = vector.broadcast %squeeze3A_553 : f32 to vector<16xf32>
          %mul3A_580 = arith.mulf %get3A_578, %mul3A_579 : vector<16xf32>
          %swap3A_581 = arith.constant 1 : i32
          %swap3A_582 = arith.index_cast %swap3A_581 : i32 to index
          %swap3A_583 = arith.index_cast %add3A_557 : i32 to index
          %swap3A_584 = arith.constant 16 : index
          %swap3A_585 = tpu.vector_load %arg11[%swap3A_582, %swap3A_583, %swap3A_584] {strides = array<i32>} : memref<2x128x128xf32, #tpu.memory_space<vmem>>, vector<1x1x16xf32>,
          %swap3A_586 = vector.shape_cast %swap3A_585 : vector<1x1x16xf32> to vector<16xf32>
          %swap3A_587 = vector.shape_cast %mul3A_580 : vector<16xf32> to vector<1x1x16xf32>
          tpu.vector_store %arg11[%swap3A_582, %swap3A_583, %swap3A_584], %swap3A_587 {strides = array<i32>} : memref<2x128x128xf32, #tpu.memory_space<vmem>>, vector<1x1x16xf32>,
          %get3A_588 = arith.constant 1 : i32
          %get3A_589 = arith.index_cast %get3A_588 : i32 to index
          %get3A_590 = arith.index_cast %add3A_557 : i32 to index
          %get3A_591 = arith.constant 32 : index
          %get3A_592 = tpu.vector_load %arg11[%get3A_589, %get3A_590, %get3A_591] {strides = array<i32>} : memref<2x128x128xf32, #tpu.memory_space<vmem>>, vector<1x1x16xf32>,
          %get3A_593 = vector.shape_cast %get3A_592 : vector<1x1x16xf32> to vector<16xf32>
          %mul3A_594 = vector.broadcast %squeeze3A_553 : f32 to vector<16xf32>
          %mul3A_595 = arith.mulf %get3A_593, %mul3A_594 : vector<16xf32>
          %swap3A_596 = arith.constant 1 : i32
          %swap3A_597 = arith.index_cast %swap3A_596 : i32 to index
          %swap3A_598 = arith.index_cast %add3A_557 : i32 to index
          %swap3A_599 = arith.constant 32 : index
          %swap3A_600 = tpu.vector_load %arg11[%swap3A_597, %swap3A_598, %swap3A_599] {strides = array<i32>} : memref<2x128x128xf32, #tpu.memory_space<vmem>>, vector<1x1x16xf32>,
          %swap3A_601 = vector.shape_cast %swap3A_600 : vector<1x1x16xf32> to vector<16xf32>
          %swap3A_602 = vector.shape_cast %mul3A_595 : vector<16xf32> to vector<1x1x16xf32>
          tpu.vector_store %arg11[%swap3A_597, %swap3A_598, %swap3A_599], %swap3A_602 {strides = array<i32>} : memref<2x128x128xf32, #tpu.memory_space<vmem>>, vector<1x1x16xf32>,
          %get3A_603 = arith.constant 1 : i32
          %get3A_604 = arith.index_cast %get3A_603 : i32 to index
          %get3A_605 = arith.index_cast %add3A_557 : i32 to index
          %get3A_606 = arith.constant 48 : index
          %get3A_607 = tpu.vector_load %arg11[%get3A_604, %get3A_605, %get3A_606] {strides = array<i32>} : memref<2x128x128xf32, #tpu.memory_space<vmem>>, vector<1x1x16xf32>,
          %get3A_608 = vector.shape_cast %get3A_607 : vector<1x1x16xf32> to vector<16xf32>
          %mul3A_609 = vector.broadcast %squeeze3A_553 : f32 to vector<16xf32>
          %mul3A_610 = arith.mulf %get3A_608, %mul3A_609 : vector<16xf32>
          %swap3A_611 = arith.constant 1 : i32
          %swap3A_612 = arith.index_cast %swap3A_611 : i32 to index
          %swap3A_613 = arith.index_cast %add3A_557 : i32 to index
          %swap3A_614 = arith.constant 48 : index
          %swap3A_615 = tpu.vector_load %arg11[%swap3A_612, %swap3A_613, %swap3A_614] {strides = array<i32>} : memref<2x128x128xf32, #tpu.memory_space<vmem>>, vector<1x1x16xf32>,
          %swap3A_616 = vector.shape_cast %swap3A_615 : vector<1x1x16xf32> to vector<16xf32>
          %swap3A_617 = vector.shape_cast %mul3A_610 : vector<16xf32> to vector<1x1x16xf32>
          tpu.vector_store %arg11[%swap3A_612, %swap3A_613, %swap3A_614], %swap3A_617 {strides = array<i32>} : memref<2x128x128xf32, #tpu.memory_space<vmem>>, vector<1x1x16xf32>,
          %get3A_618 = arith.constant 1 : i32
          %get3A_619 = arith.index_cast %get3A_618 : i32 to index
          %get3A_620 = arith.index_cast %add3A_557 : i32 to index
          %get3A_621 = arith.constant 64 : index
          %get3A_622 = tpu.vector_load %arg11[%get3A_619, %get3A_620, %get3A_621] {strides = array<i32>} : memref<2x128x128xf32, #tpu.memory_space<vmem>>, vector<1x1x16xf32>,
          %get3A_623 = vector.shape_cast %get3A_622 : vector<1x1x16xf32> to vector<16xf32>
          %mul3A_624 = vector.broadcast %squeeze3A_553 : f32 to vector<16xf32>
          %mul3A_625 = arith.mulf %get3A_623, %mul3A_624 : vector<16xf32>
          %swap3A_626 = arith.constant 1 : i32
          %swap3A_627 = arith.index_cast %swap3A_626 : i32 to index
          %swap3A_628 = arith.index_cast %add3A_557 : i32 to index
          %swap3A_629 = arith.constant 64 : index
          %swap3A_630 = tpu.vector_load %arg11[%swap3A_627, %swap3A_628, %swap3A_629] {strides = array<i32>} : memref<2x128x128xf32, #tpu.memory_space<vmem>>, vector<1x1x16xf32>,
          %swap3A_631 = vector.shape_cast %swap3A_630 : vector<1x1x16xf32> to vector<16xf32>
          %swap3A_632 = vector.shape_cast %mul3A_625 : vector<16xf32> to vector<1x1x16xf32>
          tpu.vector_store %arg11[%swap3A_627, %swap3A_628, %swap3A_629], %swap3A_632 {strides = array<i32>} : memref<2x128x128xf32, #tpu.memory_space<vmem>>, vector<1x1x16xf32>,
          %get3A_633 = arith.constant 1 : i32
          %get3A_634 = arith.index_cast %get3A_633 : i32 to index
          %get3A_635 = arith.index_cast %add3A_557 : i32 to index
          %get3A_636 = arith.constant 80 : index
          %get3A_637 = tpu.vector_load %arg11[%get3A_634, %get3A_635, %get3A_636] {strides = array<i32>} : memref<2x128x128xf32, #tpu.memory_space<vmem>>, vector<1x1x16xf32>,
          %get3A_638 = vector.shape_cast %get3A_637 : vector<1x1x16xf32> to vector<16xf32>
          %mul3A_639 = vector.broadcast %squeeze3A_553 : f32 to vector<16xf32>
          %mul3A_640 = arith.mulf %get3A_638, %mul3A_639 : vector<16xf32>
          %swap3A_641 = arith.constant 1 : i32
          %swap3A_642 = arith.index_cast %swap3A_641 : i32 to index
          %swap3A_643 = arith.index_cast %add3A_557 : i32 to index
          %swap3A_644 = arith.constant 80 : index
          %swap3A_645 = tpu.vector_load %arg11[%swap3A_642, %swap3A_643, %swap3A_644] {strides = array<i32>} : memref<2x128x128xf32, #tpu.memory_space<vmem>>, vector<1x1x16xf32>,
          %swap3A_646 = vector.shape_cast %swap3A_645 : vector<1x1x16xf32> to vector<16xf32>
          %swap3A_647 = vector.shape_cast %mul3A_640 : vector<16xf32> to vector<1x1x16xf32>
          tpu.vector_store %arg11[%swap3A_642, %swap3A_643, %swap3A_644], %swap3A_647 {strides = array<i32>} : memref<2x128x128xf32, #tpu.memory_space<vmem>>, vector<1x1x16xf32>,
          %get3A_648 = arith.constant 1 : i32
          %get3A_649 = arith.index_cast %get3A_648 : i32 to index
          %get3A_650 = arith.index_cast %add3A_557 : i32 to index
          %get3A_651 = arith.constant 96 : index
          %get3A_652 = tpu.vector_load %arg11[%get3A_649, %get3A_650, %get3A_651] {strides = array<i32>} : memref<2x128x128xf32, #tpu.memory_space<vmem>>, vector<1x1x16xf32>,
          %get3A_653 = vector.shape_cast %get3A_652 : vector<1x1x16xf32> to vector<16xf32>
          %mul3A_654 = vector.broadcast %squeeze3A_553 : f32 to vector<16xf32>
          %mul3A_655 = arith.mulf %get3A_653, %mul3A_654 : vector<16xf32>
          %swap3A_656 = arith.constant 1 : i32
          %swap3A_657 = arith.index_cast %swap3A_656 : i32 to index
          %swap3A_658 = arith.index_cast %add3A_557 : i32 to index
          %swap3A_659 = arith.constant 96 : index
          %swap3A_660 = tpu.vector_load %arg11[%swap3A_657, %swap3A_658, %swap3A_659] {strides = array<i32>} : memref<2x128x128xf32, #tpu.memory_space<vmem>>, vector<1x1x16xf32>,
          %swap3A_661 = vector.shape_cast %swap3A_660 : vector<1x1x16xf32> to vector<16xf32>
          %swap3A_662 = vector.shape_cast %mul3A_655 : vector<16xf32> to vector<1x1x16xf32>
          tpu.vector_store %arg11[%swap3A_657, %swap3A_658, %swap3A_659], %swap3A_662 {strides = array<i32>} : memref<2x128x128xf32, #tpu.memory_space<vmem>>, vector<1x1x16xf32>,
          %get3A_663 = arith.constant 1 : i32
          %get3A_664 = arith.index_cast %get3A_663 : i32 to index
          %get3A_665 = arith.index_cast %add3A_557 : i32 to index
          %get3A_666 = arith.constant 112 : index
          %get3A_667 = tpu.vector_load %arg11[%get3A_664, %get3A_665, %get3A_666] {strides = array<i32>} : memref<2x128x128xf32, #tpu.memory_space<vmem>>, vector<1x1x16xf32>,
          %get3A_668 = vector.shape_cast %get3A_667 : vector<1x1x16xf32> to vector<16xf32>
          %mul3A_669 = vector.broadcast %squeeze3A_553 : f32 to vector<16xf32>
          %mul3A_670 = arith.mulf %get3A_668, %mul3A_669 : vector<16xf32>
          %swap3A_671 = arith.constant 1 : i32
          %swap3A_672 = arith.index_cast %swap3A_671 : i32 to index
          %swap3A_673 = arith.index_cast %add3A_557 : i32 to index
          %swap3A_674 = arith.constant 112 : index
          %swap3A_675 = tpu.vector_load %arg11[%swap3A_672, %swap3A_673, %swap3A_674] {strides = array<i32>} : memref<2x128x128xf32, #tpu.memory_space<vmem>>, vector<1x1x16xf32>,
          %swap3A_676 = vector.shape_cast %swap3A_675 : vector<1x1x16xf32> to vector<16xf32>
          %swap3A_677 = vector.shape_cast %mul3A_670 : vector<16xf32> to vector<1x1x16xf32>
          tpu.vector_store %arg11[%swap3A_672, %swap3A_673, %swap3A_674], %swap3A_677 {strides = array<i32>} : memref<2x128x128xf32, #tpu.memory_space<vmem>>, vector<1x1x16xf32>,
          %slice3A_678 = vector.extract_strided_slice %get3A_176 {offsets = [4], sizes = [1], strides = [1]} : vector<16xf32> to vector<1xf32>
          %squeeze3A_679 = vector.extract %slice3A_678[0] : f32 from vector<1xf32>
          %mul3A_680 = arith.constant 16 : i32
          %mul3A_681 = arith.muli %scan3A_170, %mul3A_680 : i32
          %add3A_682 = arith.constant 4 : i32
          %add3A_683 = arith.addi %mul3A_681, %add3A_682 : i32
          %get3A_684 = arith.constant 1 : i32
          %get3A_685 = arith.index_cast %get3A_684 : i32 to index
          %get3A_686 = arith.index_cast %add3A_683 : i32 to index
          %get3A_687 = arith.constant 0 : index
          %get3A_688 = tpu.vector_load %arg11[%get3A_685, %get3A_686, %get3A_687] {strides = array<i32>} : memref<2x128x128xf32, #tpu.memory_space<vmem>>, vector<1x1x16xf32>,
          %get3A_689 = vector.shape_cast %get3A_688 : vector<1x1x16xf32> to vector<16xf32>
          %mul3A_690 = vector.broadcast %squeeze3A_679 : f32 to vector<16xf32>
          %mul3A_691 = arith.mulf %get3A_689, %mul3A_690 : vector<16xf32>
          %swap3A_692 = arith.constant 1 : i32
          %swap3A_693 = arith.index_cast %swap3A_692 : i32 to index
          %swap3A_694 = arith.index_cast %add3A_683 : i32 to index
          %swap3A_695 = arith.constant 0 : index
          %swap3A_696 = tpu.vector_load %arg11[%swap3A_693, %swap3A_694, %swap3A_695] {strides = array<i32>} : memref<2x128x128xf32, #tpu.memory_space<vmem>>, vector<1x1x16xf32>,
          %swap3A_697 = vector.shape_cast %swap3A_696 : vector<1x1x16xf32> to vector<16xf32>
          %swap3A_698 = vector.shape_cast %mul3A_691 : vector<16xf32> to vector<1x1x16xf32>
          tpu.vector_store %arg11[%swap3A_693, %swap3A_694, %swap3A_695], %swap3A_698 {strides = array<i32>} : memref<2x128x128xf32, #tpu.memory_space<vmem>>, vector<1x1x16xf32>,
          %get3A_699 = arith.constant 1 : i32
          %get3A_700 = arith.index_cast %get3A_699 : i32 to index
          %get3A_701 = arith.index_cast %add3A_683 : i32 to index
          %get3A_702 = arith.constant 16 : index
          %get3A_703 = tpu.vector_load %arg11[%get3A_700, %get3A_701, %get3A_702] {strides = array<i32>} : memref<2x128x128xf32, #tpu.memory_space<vmem>>, vector<1x1x16xf32>,
          %get3A_704 = vector.shape_cast %get3A_703 : vector<1x1x16xf32> to vector<16xf32>
          %mul3A_705 = vector.broadcast %squeeze3A_679 : f32 to vector<16xf32>
          %mul3A_706 = arith.mulf %get3A_704, %mul3A_705 : vector<16xf32>
          %swap3A_707 = arith.constant 1 : i32
          %swap3A_708 = arith.index_cast %swap3A_707 : i32 to index
          %swap3A_709 = arith.index_cast %add3A_683 : i32 to index
          %swap3A_710 = arith.constant 16 : index
          %swap3A_711 = tpu.vector_load %arg11[%swap3A_708, %swap3A_709, %swap3A_710] {strides = array<i32>} : memref<2x128x128xf32, #tpu.memory_space<vmem>>, vector<1x1x16xf32>,
          %swap3A_712 = vector.shape_cast %swap3A_711 : vector<1x1x16xf32> to vector<16xf32>
          %swap3A_713 = vector.shape_cast %mul3A_706 : vector<16xf32> to vector<1x1x16xf32>
          tpu.vector_store %arg11[%swap3A_708, %swap3A_709, %swap3A_710], %swap3A_713 {strides = array<i32>} : memref<2x128x128xf32, #tpu.memory_space<vmem>>, vector<1x1x16xf32>,
          %get3A_714 = arith.constant 1 : i32
          %get3A_715 = arith.index_cast %get3A_714 : i32 to index
          %get3A_716 = arith.index_cast %add3A_683 : i32 to index
          %get3A_717 = arith.constant 32 : index
          %get3A_718 = tpu.vector_load %arg11[%get3A_715, %get3A_716, %get3A_717] {strides = array<i32>} : memref<2x128x128xf32, #tpu.memory_space<vmem>>, vector<1x1x16xf32>,
          %get3A_719 = vector.shape_cast %get3A_718 : vector<1x1x16xf32> to vector<16xf32>
          %mul3A_720 = vector.broadcast %squeeze3A_679 : f32 to vector<16xf32>
          %mul3A_721 = arith.mulf %get3A_719, %mul3A_720 : vector<16xf32>
          %swap3A_722 = arith.constant 1 : i32
          %swap3A_723 = arith.index_cast %swap3A_722 : i32 to index
          %swap3A_724 = arith.index_cast %add3A_683 : i32 to index
          %swap3A_725 = arith.constant 32 : index
          %swap3A_726 = tpu.vector_load %arg11[%swap3A_723, %swap3A_724, %swap3A_725] {strides = array<i32>} : memref<2x128x128xf32, #tpu.memory_space<vmem>>, vector<1x1x16xf32>,
          %swap3A_727 = vector.shape_cast %swap3A_726 : vector<1x1x16xf32> to vector<16xf32>
          %swap3A_728 = vector.shape_cast %mul3A_721 : vector<16xf32> to vector<1x1x16xf32>
          tpu.vector_store %arg11[%swap3A_723, %swap3A_724, %swap3A_725], %swap3A_728 {strides = array<i32>} : memref<2x128x128xf32, #tpu.memory_space<vmem>>, vector<1x1x16xf32>,
          %get3A_729 = arith.constant 1 : i32
          %get3A_730 = arith.index_cast %get3A_729 : i32 to index
          %get3A_731 = arith.index_cast %add3A_683 : i32 to index
          %get3A_732 = arith.constant 48 : index
          %get3A_733 = tpu.vector_load %arg11[%get3A_730, %get3A_731, %get3A_732] {strides = array<i32>} : memref<2x128x128xf32, #tpu.memory_space<vmem>>, vector<1x1x16xf32>,
          %get3A_734 = vector.shape_cast %get3A_733 : vector<1x1x16xf32> to vector<16xf32>
          %mul3A_735 = vector.broadcast %squeeze3A_679 : f32 to vector<16xf32>
          %mul3A_736 = arith.mulf %get3A_734, %mul3A_735 : vector<16xf32>
          %swap3A_737 = arith.constant 1 : i32
          %swap3A_738 = arith.index_cast %swap3A_737 : i32 to index
          %swap3A_739 = arith.index_cast %add3A_683 : i32 to index
          %swap3A_740 = arith.constant 48 : index
          %swap3A_741 = tpu.vector_load %arg11[%swap3A_738, %swap3A_739, %swap3A_740] {strides = array<i32>} : memref<2x128x128xf32, #tpu.memory_space<vmem>>, vector<1x1x16xf32>,
          %swap3A_742 = vector.shape_cast %swap3A_741 : vector<1x1x16xf32> to vector<16xf32>
          %swap3A_743 = vector.shape_cast %mul3A_736 : vector<16xf32> to vector<1x1x16xf32>
          tpu.vector_store %arg11[%swap3A_738, %swap3A_739, %swap3A_740], %swap3A_743 {strides = array<i32>} : memref<2x128x128xf32, #tpu.memory_space<vmem>>, vector<1x1x16xf32>,
          %get3A_744 = arith.constant 1 : i32
          %get3A_745 = arith.index_cast %get3A_744 : i32 to index
          %get3A_746 = arith.index_cast %add3A_683 : i32 to index
          %get3A_747 = arith.constant 64 : index
          %get3A_748 = tpu.vector_load %arg11[%get3A_745, %get3A_746, %get3A_747] {strides = array<i32>} : memref<2x128x128xf32, #tpu.memory_space<vmem>>, vector<1x1x16xf32>,
          %get3A_749 = vector.shape_cast %get3A_748 : vector<1x1x16xf32> to vector<16xf32>
          %mul3A_750 = vector.broadcast %squeeze3A_679 : f32 to vector<16xf32>
          %mul3A_751 = arith.mulf %get3A_749, %mul3A_750 : vector<16xf32>
          %swap3A_752 = arith.constant 1 : i32
          %swap3A_753 = arith.index_cast %swap3A_752 : i32 to index
          %swap3A_754 = arith.index_cast %add3A_683 : i32 to index
          %swap3A_755 = arith.constant 64 : index
          %swap3A_756 = tpu.vector_load %arg11[%swap3A_753, %swap3A_754, %swap3A_755] {strides = array<i32>} : memref<2x128x128xf32, #tpu.memory_space<vmem>>, vector<1x1x16xf32>,
          %swap3A_757 = vector.shape_cast %swap3A_756 : vector<1x1x16xf32> to vector<16xf32>
          %swap3A_758 = vector.shape_cast %mul3A_751 : vector<16xf32> to vector<1x1x16xf32>
          tpu.vector_store %arg11[%swap3A_753, %swap3A_754, %swap3A_755], %swap3A_758 {strides = array<i32>} : memref<2x128x128xf32, #tpu.memory_space<vmem>>, vector<1x1x16xf32>,
          %get3A_759 = arith.constant 1 : i32
          %get3A_760 = arith.index_cast %get3A_759 : i32 to index
          %get3A_761 = arith.index_cast %add3A_683 : i32 to index
          %get3A_762 = arith.constant 80 : index
          %get3A_763 = tpu.vector_load %arg11[%get3A_760, %get3A_761, %get3A_762] {strides = array<i32>} : memref<2x128x128xf32, #tpu.memory_space<vmem>>, vector<1x1x16xf32>,
          %get3A_764 = vector.shape_cast %get3A_763 : vector<1x1x16xf32> to vector<16xf32>
          %mul3A_765 = vector.broadcast %squeeze3A_679 : f32 to vector<16xf32>
          %mul3A_766 = arith.mulf %get3A_764, %mul3A_765 : vector<16xf32>
          %swap3A_767 = arith.constant 1 : i32
          %swap3A_768 = arith.index_cast %swap3A_767 : i32 to index
          %swap3A_769 = arith.index_cast %add3A_683 : i32 to index
          %swap3A_770 = arith.constant 80 : index
          %swap3A_771 = tpu.vector_load %arg11[%swap3A_768, %swap3A_769, %swap3A_770] {strides = array<i32>} : memref<2x128x128xf32, #tpu.memory_space<vmem>>, vector<1x1x16xf32>,
          %swap3A_772 = vector.shape_cast %swap3A_771 : vector<1x1x16xf32> to vector<16xf32>
          %swap3A_773 = vector.shape_cast %mul3A_766 : vector<16xf32> to vector<1x1x16xf32>
          tpu.vector_store %arg11[%swap3A_768, %swap3A_769, %swap3A_770], %swap3A_773 {strides = array<i32>} : memref<2x128x128xf32, #tpu.memory_space<vmem>>, vector<1x1x16xf32>,
          %get3A_774 = arith.constant 1 : i32
          %get3A_775 = arith.index_cast %get3A_774 : i32 to index
          %get3A_776 = arith.index_cast %add3A_683 : i32 to index
          %get3A_777 = arith.constant 96 : index
          %get3A_778 = tpu.vector_load %arg11[%get3A_775, %get3A_776, %get3A_777] {strides = array<i32>} : memref<2x128x128xf32, #tpu.memory_space<vmem>>, vector<1x1x16xf32>,
          %get3A_779 = vector.shape_cast %get3A_778 : vector<1x1x16xf32> to vector<16xf32>
          %mul3A_780 = vector.broadcast %squeeze3A_679 : f32 to vector<16xf32>
          %mul3A_781 = arith.mulf %get3A_779, %mul3A_780 : vector<16xf32>
          %swap3A_782 = arith.constant 1 : i32
          %swap3A_783 = arith.index_cast %swap3A_782 : i32 to index
          %swap3A_784 = arith.index_cast %add3A_683 : i32 to index
          %swap3A_785 = arith.constant 96 : index
          %swap3A_786 = tpu.vector_load %arg11[%swap3A_783, %swap3A_784, %swap3A_785] {strides = array<i32>} : memref<2x128x128xf32, #tpu.memory_space<vmem>>, vector<1x1x16xf32>,
          %swap3A_787 = vector.shape_cast %swap3A_786 : vector<1x1x16xf32> to vector<16xf32>
          %swap3A_788 = vector.shape_cast %mul3A_781 : vector<16xf32> to vector<1x1x16xf32>
          tpu.vector_store %arg11[%swap3A_783, %swap3A_784, %swap3A_785], %swap3A_788 {strides = array<i32>} : memref<2x128x128xf32, #tpu.memory_space<vmem>>, vector<1x1x16xf32>,
          %get3A_789 = arith.constant 1 : i32
          %get3A_790 = arith.index_cast %get3A_789 : i32 to index
          %get3A_791 = arith.index_cast %add3A_683 : i32 to index
          %get3A_792 = arith.constant 112 : index
          %get3A_793 = tpu.vector_load %arg11[%get3A_790, %get3A_791, %get3A_792] {strides = array<i32>} : memref<2x128x128xf32, #tpu.memory_space<vmem>>, vector<1x1x16xf32>,
          %get3A_794 = vector.shape_cast %get3A_793 : vector<1x1x16xf32> to vector<16xf32>
          %mul3A_795 = vector.broadcast %squeeze3A_679 : f32 to vector<16xf32>
          %mul3A_796 = arith.mulf %get3A_794, %mul3A_795 : vector<16xf32>
          %swap3A_797 = arith.constant 1 : i32
          %swap3A_798 = arith.index_cast %swap3A_797 : i32 to index
          %swap3A_799 = arith.index_cast %add3A_683 : i32 to index
          %swap3A_800 = arith.constant 112 : index
          %swap3A_801 = tpu.vector_load %arg11[%swap3A_798, %swap3A_799, %swap3A_800] {strides = array<i32>} : memref<2x128x128xf32, #tpu.memory_space<vmem>>, vector<1x1x16xf32>,
          %swap3A_802 = vector.shape_cast %swap3A_801 : vector<1x1x16xf32> to vector<16xf32>
          %swap3A_803 = vector.shape_cast %mul3A_796 : vector<16xf32> to vector<1x1x16xf32>
          tpu.vector_store %arg11[%swap3A_798, %swap3A_799, %swap3A_800], %swap3A_803 {strides = array<i32>} : memref<2x128x128xf32, #tpu.memory_space<vmem>>, vector<1x1x16xf32>,
          %slice3A_804 = vector.extract_strided_slice %get3A_176 {offsets = [5], sizes = [1], strides = [1]} : vector<16xf32> to vector<1xf32>
          %squeeze3A_805 = vector.extract %slice3A_804[0] : f32 from vector<1xf32>
          %mul3A_806 = arith.constant 16 : i32
          %mul3A_807 = arith.muli %scan3A_170, %mul3A_806 : i32
          %add3A_808 = arith.constant 5 : i32
          %add3A_809 = arith.addi %mul3A_807, %add3A_808 : i32
          %get3A_810 = arith.constant 1 : i32
          %get3A_811 = arith.index_cast %get3A_810 : i32 to index
          %get3A_812 = arith.index_cast %add3A_809 : i32 to index
          %get3A_813 = arith.constant 0 : index
          %get3A_814 = tpu.vector_load %arg11[%get3A_811, %get3A_812, %get3A_813] {strides = array<i32>} : memref<2x128x128xf32, #tpu.memory_space<vmem>>, vector<1x1x16xf32>,
          %get3A_815 = vector.shape_cast %get3A_814 : vector<1x1x16xf32> to vector<16xf32>
          %mul3A_816 = vector.broadcast %squeeze3A_805 : f32 to vector<16xf32>
          %mul3A_817 = arith.mulf %get3A_815, %mul3A_816 : vector<16xf32>
          %swap3A_818 = arith.constant 1 : i32
          %swap3A_819 = arith.index_cast %swap3A_818 : i32 to index
          %swap3A_820 = arith.index_cast %add3A_809 : i32 to index
          %swap3A_821 = arith.constant 0 : index
          %swap3A_822 = tpu.vector_load %arg11[%swap3A_819, %swap3A_820, %swap3A_821] {strides = array<i32>} : memref<2x128x128xf32, #tpu.memory_space<vmem>>, vector<1x1x16xf32>,
          %swap3A_823 = vector.shape_cast %swap3A_822 : vector<1x1x16xf32> to vector<16xf32>
          %swap3A_824 = vector.shape_cast %mul3A_817 : vector<16xf32> to vector<1x1x16xf32>
          tpu.vector_store %arg11[%swap3A_819, %swap3A_820, %swap3A_821], %swap3A_824 {strides = array<i32>} : memref<2x128x128xf32, #tpu.memory_space<vmem>>, vector<1x1x16xf32>,
          %get3A_825 = arith.constant 1 : i32
          %get3A_826 = arith.index_cast %get3A_825 : i32 to index
          %get3A_827 = arith.index_cast %add3A_809 : i32 to index
          %get3A_828 = arith.constant 16 : index
          %get3A_829 = tpu.vector_load %arg11[%get3A_826, %get3A_827, %get3A_828] {strides = array<i32>} : memref<2x128x128xf32, #tpu.memory_space<vmem>>, vector<1x1x16xf32>,
          %get3A_830 = vector.shape_cast %get3A_829 : vector<1x1x16xf32> to vector<16xf32>
          %mul3A_831 = vector.broadcast %squeeze3A_805 : f32 to vector<16xf32>
          %mul3A_832 = arith.mulf %get3A_830, %mul3A_831 : vector<16xf32>
          %swap3A_833 = arith.constant 1 : i32
          %swap3A_834 = arith.index_cast %swap3A_833 : i32 to index
          %swap3A_835 = arith.index_cast %add3A_809 : i32 to index
          %swap3A_836 = arith.constant 16 : index
          %swap3A_837 = tpu.vector_load %arg11[%swap3A_834, %swap3A_835, %swap3A_836] {strides = array<i32>} : memref<2x128x128xf32, #tpu.memory_space<vmem>>, vector<1x1x16xf32>,
          %swap3A_838 = vector.shape_cast %swap3A_837 : vector<1x1x16xf32> to vector<16xf32>
          %swap3A_839 = vector.shape_cast %mul3A_832 : vector<16xf32> to vector<1x1x16xf32>
          tpu.vector_store %arg11[%swap3A_834, %swap3A_835, %swap3A_836], %swap3A_839 {strides = array<i32>} : memref<2x128x128xf32, #tpu.memory_space<vmem>>, vector<1x1x16xf32>,
          %get3A_840 = arith.constant 1 : i32
          %get3A_841 = arith.index_cast %get3A_840 : i32 to index
          %get3A_842 = arith.index_cast %add3A_809 : i32 to index
          %get3A_843 = arith.constant 32 : index
          %get3A_844 = tpu.vector_load %arg11[%get3A_841, %get3A_842, %get3A_843] {strides = array<i32>} : memref<2x128x128xf32, #tpu.memory_space<vmem>>, vector<1x1x16xf32>,
          %get3A_845 = vector.shape_cast %get3A_844 : vector<1x1x16xf32> to vector<16xf32>
          %mul3A_846 = vector.broadcast %squeeze3A_805 : f32 to vector<16xf32>
          %mul3A_847 = arith.mulf %get3A_845, %mul3A_846 : vector<16xf32>
          %swap3A_848 = arith.constant 1 : i32
          %swap3A_849 = arith.index_cast %swap3A_848 : i32 to index
          %swap3A_850 = arith.index_cast %add3A_809 : i32 to index
          %swap3A_851 = arith.constant 32 : index
          %swap3A_852 = tpu.vector_load %arg11[%swap3A_849, %swap3A_850, %swap3A_851] {strides = array<i32>} : memref<2x128x128xf32, #tpu.memory_space<vmem>>, vector<1x1x16xf32>,
          %swap3A_853 = vector.shape_cast %swap3A_852 : vector<1x1x16xf32> to vector<16xf32>
          %swap3A_854 = vector.shape_cast %mul3A_847 : vector<16xf32> to vector<1x1x16xf32>
          tpu.vector_store %arg11[%swap3A_849, %swap3A_850, %swap3A_851], %swap3A_854 {strides = array<i32>} : memref<2x128x128xf32, #tpu.memory_space<vmem>>, vector<1x1x16xf32>,
          %get3A_855 = arith.constant 1 : i32
          %get3A_856 = arith.index_cast %get3A_855 : i32 to index
          %get3A_857 = arith.index_cast %add3A_809 : i32 to index
          %get3A_858 = arith.constant 48 : index
          %get3A_859 = tpu.vector_load %arg11[%get3A_856, %get3A_857, %get3A_858] {strides = array<i32>} : memref<2x128x128xf32, #tpu.memory_space<vmem>>, vector<1x1x16xf32>,
          %get3A_860 = vector.shape_cast %get3A_859 : vector<1x1x16xf32> to vector<16xf32>
          %mul3A_861 = vector.broadcast %squeeze3A_805 : f32 to vector<16xf32>
          %mul3A_862 = arith.mulf %get3A_860, %mul3A_861 : vector<16xf32>
          %swap3A_863 = arith.constant 1 : i32
          %swap3A_864 = arith.index_cast %swap3A_863 : i32 to index
          %swap3A_865 = arith.index_cast %add3A_809 : i32 to index
          %swap3A_866 = arith.constant 48 : index
          %swap3A_867 = tpu.vector_load %arg11[%swap3A_864, %swap3A_865, %swap3A_866] {strides = array<i32>} : memref<2x128x128xf32, #tpu.memory_space<vmem>>, vector<1x1x16xf32>,
          %swap3A_868 = vector.shape_cast %swap3A_867 : vector<1x1x16xf32> to vector<16xf32>
          %swap3A_869 = vector.shape_cast %mul3A_862 : vector<16xf32> to vector<1x1x16xf32>
          tpu.vector_store %arg11[%swap3A_864, %swap3A_865, %swap3A_866], %swap3A_869 {strides = array<i32>} : memref<2x128x128xf32, #tpu.memory_space<vmem>>, vector<1x1x16xf32>,
          %get3A_870 = arith.constant 1 : i32
          %get3A_871 = arith.index_cast %get3A_870 : i32 to index
          %get3A_872 = arith.index_cast %add3A_809 : i32 to index
          %get3A_873 = arith.constant 64 : index
          %get3A_874 = tpu.vector_load %arg11[%get3A_871, %get3A_872, %get3A_873] {strides = array<i32>} : memref<2x128x128xf32, #tpu.memory_space<vmem>>, vector<1x1x16xf32>,
          %get3A_875 = vector.shape_cast %get3A_874 : vector<1x1x16xf32> to vector<16xf32>
          %mul3A_876 = vector.broadcast %squeeze3A_805 : f32 to vector<16xf32>
          %mul3A_877 = arith.mulf %get3A_875, %mul3A_876 : vector<16xf32>
          %swap3A_878 = arith.constant 1 : i32
          %swap3A_879 = arith.index_cast %swap3A_878 : i32 to index
          %swap3A_880 = arith.index_cast %add3A_809 : i32 to index
          %swap3A_881 = arith.constant 64 : index
          %swap3A_882 = tpu.vector_load %arg11[%swap3A_879, %swap3A_880, %swap3A_881] {strides = array<i32>} : memref<2x128x128xf32, #tpu.memory_space<vmem>>, vector<1x1x16xf32>,
          %swap3A_883 = vector.shape_cast %swap3A_882 : vector<1x1x16xf32> to vector<16xf32>
          %swap3A_884 = vector.shape_cast %mul3A_877 : vector<16xf32> to vector<1x1x16xf32>
          tpu.vector_store %arg11[%swap3A_879, %swap3A_880, %swap3A_881], %swap3A_884 {strides = array<i32>} : memref<2x128x128xf32, #tpu.memory_space<vmem>>, vector<1x1x16xf32>,
          %get3A_885 = arith.constant 1 : i32
          %get3A_886 = arith.index_cast %get3A_885 : i32 to index
          %get3A_887 = arith.index_cast %add3A_809 : i32 to index
          %get3A_888 = arith.constant 80 : index
          %get3A_889 = tpu.vector_load %arg11[%get3A_886, %get3A_887, %get3A_888] {strides = array<i32>} : memref<2x128x128xf32, #tpu.memory_space<vmem>>, vector<1x1x16xf32>,
          %get3A_890 = vector.shape_cast %get3A_889 : vector<1x1x16xf32> to vector<16xf32>
          %mul3A_891 = vector.broadcast %squeeze3A_805 : f32 to vector<16xf32>
          %mul3A_892 = arith.mulf %get3A_890, %mul3A_891 : vector<16xf32>
          %swap3A_893 = arith.constant 1 : i32
          %swap3A_894 = arith.index_cast %swap3A_893 : i32 to index
          %swap3A_895 = arith.index_cast %add3A_809 : i32 to index
          %swap3A_896 = arith.constant 80 : index
          %swap3A_897 = tpu.vector_load %arg11[%swap3A_894, %swap3A_895, %swap3A_896] {strides = array<i32>} : memref<2x128x128xf32, #tpu.memory_space<vmem>>, vector<1x1x16xf32>,
          %swap3A_898 = vector.shape_cast %swap3A_897 : vector<1x1x16xf32> to vector<16xf32>
          %swap3A_899 = vector.shape_cast %mul3A_892 : vector<16xf32> to vector<1x1x16xf32>
          tpu.vector_store %arg11[%swap3A_894, %swap3A_895, %swap3A_896], %swap3A_899 {strides = array<i32>} : memref<2x128x128xf32, #tpu.memory_space<vmem>>, vector<1x1x16xf32>,
          %get3A_900 = arith.constant 1 : i32
          %get3A_901 = arith.index_cast %get3A_900 : i32 to index
          %get3A_902 = arith.index_cast %add3A_809 : i32 to index
          %get3A_903 = arith.constant 96 : index
          %get3A_904 = tpu.vector_load %arg11[%get3A_901, %get3A_902, %get3A_903] {strides = array<i32>} : memref<2x128x128xf32, #tpu.memory_space<vmem>>, vector<1x1x16xf32>,
          %get3A_905 = vector.shape_cast %get3A_904 : vector<1x1x16xf32> to vector<16xf32>
          %mul3A_906 = vector.broadcast %squeeze3A_805 : f32 to vector<16xf32>
          %mul3A_907 = arith.mulf %get3A_905, %mul3A_906 : vector<16xf32>
          %swap3A_908 = arith.constant 1 : i32
          %swap3A_909 = arith.index_cast %swap3A_908 : i32 to index
          %swap3A_910 = arith.index_cast %add3A_809 : i32 to index
          %swap3A_911 = arith.constant 96 : index
          %swap3A_912 = tpu.vector_load %arg11[%swap3A_909, %swap3A_910, %swap3A_911] {strides = array<i32>} : memref<2x128x128xf32, #tpu.memory_space<vmem>>, vector<1x1x16xf32>,
          %swap3A_913 = vector.shape_cast %swap3A_912 : vector<1x1x16xf32> to vector<16xf32>
          %swap3A_914 = vector.shape_cast %mul3A_907 : vector<16xf32> to vector<1x1x16xf32>
          tpu.vector_store %arg11[%swap3A_909, %swap3A_910, %swap3A_911], %swap3A_914 {strides = array<i32>} : memref<2x128x128xf32, #tpu.memory_space<vmem>>, vector<1x1x16xf32>,
          %get3A_915 = arith.constant 1 : i32
          %get3A_916 = arith.index_cast %get3A_915 : i32 to index
          %get3A_917 = arith.index_cast %add3A_809 : i32 to index
          %get3A_918 = arith.constant 112 : index
          %get3A_919 = tpu.vector_load %arg11[%get3A_916, %get3A_917, %get3A_918] {strides = array<i32>} : memref<2x128x128xf32, #tpu.memory_space<vmem>>, vector<1x1x16xf32>,
          %get3A_920 = vector.shape_cast %get3A_919 : vector<1x1x16xf32> to vector<16xf32>
          %mul3A_921 = vector.broadcast %squeeze3A_805 : f32 to vector<16xf32>
          %mul3A_922 = arith.mulf %get3A_920, %mul3A_921 : vector<16xf32>
          %swap3A_923 = arith.constant 1 : i32
          %swap3A_924 = arith.index_cast %swap3A_923 : i32 to index
          %swap3A_925 = arith.index_cast %add3A_809 : i32 to index
          %swap3A_926 = arith.constant 112 : index
          %swap3A_927 = tpu.vector_load %arg11[%swap3A_924, %swap3A_925, %swap3A_926] {strides = array<i32>} : memref<2x128x128xf32, #tpu.memory_space<vmem>>, vector<1x1x16xf32>,
          %swap3A_928 = vector.shape_cast %swap3A_927 : vector<1x1x16xf32> to vector<16xf32>
          %swap3A_929 = vector.shape_cast %mul3A_922 : vector<16xf32> to vector<1x1x16xf32>
          tpu.vector_store %arg11[%swap3A_924, %swap3A_925, %swap3A_926], %swap3A_929 {strides = array<i32>} : memref<2x128x128xf32, #tpu.memory_space<vmem>>, vector<1x1x16xf32>,
          %slice3A_930 = vector.extract_strided_slice %get3A_176 {offsets = [6], sizes = [1], strides = [1]} : vector<16xf32> to vector<1xf32>
          %squeeze3A_931 = vector.extract %slice3A_930[0] : f32 from vector<1xf32>
          %mul3A_932 = arith.constant 16 : i32
          %mul3A_933 = arith.muli %scan3A_170, %mul3A_932 : i32
          %add3A_934 = arith.constant 6 : i32
          %add3A_935 = arith.addi %mul3A_933, %add3A_934 : i32
          %get3A_936 = arith.constant 1 : i32
          %get3A_937 = arith.index_cast %get3A_936 : i32 to index
          %get3A_938 = arith.index_cast %add3A_935 : i32 to index
          %get3A_939 = arith.constant 0 : index
          %get3A_940 = tpu.vector_load %arg11[%get3A_937, %get3A_938, %get3A_939] {strides = array<i32>} : memref<2x128x128xf32, #tpu.memory_space<vmem>>, vector<1x1x16xf32>,
          %get3A_941 = vector.shape_cast %get3A_940 : vector<1x1x16xf32> to vector<16xf32>
          %mul3A_942 = vector.broadcast %squeeze3A_931 : f32 to vector<16xf32>
          %mul3A_943 = arith.mulf %get3A_941, %mul3A_942 : vector<16xf32>
          %swap3A_944 = arith.constant 1 : i32
          %swap3A_945 = arith.index_cast %swap3A_944 : i32 to index
          %swap3A_946 = arith.index_cast %add3A_935 : i32 to index
          %swap3A_947 = arith.constant 0 : index
          %swap3A_948 = tpu.vector_load %arg11[%swap3A_945, %swap3A_946, %swap3A_947] {strides = array<i32>} : memref<2x128x128xf32, #tpu.memory_space<vmem>>, vector<1x1x16xf32>,
          %swap3A_949 = vector.shape_cast %swap3A_948 : vector<1x1x16xf32> to vector<16xf32>
          %swap3A_950 = vector.shape_cast %mul3A_943 : vector<16xf32> to vector<1x1x16xf32>
          tpu.vector_store %arg11[%swap3A_945, %swap3A_946, %swap3A_947], %swap3A_950 {strides = array<i32>} : memref<2x128x128xf32, #tpu.memory_space<vmem>>, vector<1x1x16xf32>,
          %get3A_951 = arith.constant 1 : i32
          %get3A_952 = arith.index_cast %get3A_951 : i32 to index
          %get3A_953 = arith.index_cast %add3A_935 : i32 to index
          %get3A_954 = arith.constant 16 : index
          %get3A_955 = tpu.vector_load %arg11[%get3A_952, %get3A_953, %get3A_954] {strides = array<i32>} : memref<2x128x128xf32, #tpu.memory_space<vmem>>, vector<1x1x16xf32>,
          %get3A_956 = vector.shape_cast %get3A_955 : vector<1x1x16xf32> to vector<16xf32>
          %mul3A_957 = vector.broadcast %squeeze3A_931 : f32 to vector<16xf32>
          %mul3A_958 = arith.mulf %get3A_956, %mul3A_957 : vector<16xf32>
          %swap3A_959 = arith.constant 1 : i32
          %swap3A_960 = arith.index_cast %swap3A_959 : i32 to index
          %swap3A_961 = arith.index_cast %add3A_935 : i32 to index
          %swap3A_962 = arith.constant 16 : index
          %swap3A_963 = tpu.vector_load %arg11[%swap3A_960, %swap3A_961, %swap3A_962] {strides = array<i32>} : memref<2x128x128xf32, #tpu.memory_space<vmem>>, vector<1x1x16xf32>,
          %swap3A_964 = vector.shape_cast %swap3A_963 : vector<1x1x16xf32> to vector<16xf32>
          %swap3A_965 = vector.shape_cast %mul3A_958 : vector<16xf32> to vector<1x1x16xf32>
          tpu.vector_store %arg11[%swap3A_960, %swap3A_961, %swap3A_962], %swap3A_965 {strides = array<i32>} : memref<2x128x128xf32, #tpu.memory_space<vmem>>, vector<1x1x16xf32>,
          %get3A_966 = arith.constant 1 : i32
          %get3A_967 = arith.index_cast %get3A_966 : i32 to index
          %get3A_968 = arith.index_cast %add3A_935 : i32 to index
          %get3A_969 = arith.constant 32 : index
          %get3A_970 = tpu.vector_load %arg11[%get3A_967, %get3A_968, %get3A_969] {strides = array<i32>} : memref<2x128x128xf32, #tpu.memory_space<vmem>>, vector<1x1x16xf32>,
          %get3A_971 = vector.shape_cast %get3A_970 : vector<1x1x16xf32> to vector<16xf32>
          %mul3A_972 = vector.broadcast %squeeze3A_931 : f32 to vector<16xf32>
          %mul3A_973 = arith.mulf %get3A_971, %mul3A_972 : vector<16xf32>
          %swap3A_974 = arith.constant 1 : i32
          %swap3A_975 = arith.index_cast %swap3A_974 : i32 to index
          %swap3A_976 = arith.index_cast %add3A_935 : i32 to index
          %swap3A_977 = arith.constant 32 : index
          %swap3A_978 = tpu.vector_load %arg11[%swap3A_975, %swap3A_976, %swap3A_977] {strides = array<i32>} : memref<2x128x128xf32, #tpu.memory_space<vmem>>, vector<1x1x16xf32>,
          %swap3A_979 = vector.shape_cast %swap3A_978 : vector<1x1x16xf32> to vector<16xf32>
          %swap3A_980 = vector.shape_cast %mul3A_973 : vector<16xf32> to vector<1x1x16xf32>
          tpu.vector_store %arg11[%swap3A_975, %swap3A_976, %swap3A_977], %swap3A_980 {strides = array<i32>} : memref<2x128x128xf32, #tpu.memory_space<vmem>>, vector<1x1x16xf32>,
          %get3A_981 = arith.constant 1 : i32
          %get3A_982 = arith.index_cast %get3A_981 : i32 to index
          %get3A_983 = arith.index_cast %add3A_935 : i32 to index
          %get3A_984 = arith.constant 48 : index
          %get3A_985 = tpu.vector_load %arg11[%get3A_982, %get3A_983, %get3A_984] {strides = array<i32>} : memref<2x128x128xf32, #tpu.memory_space<vmem>>, vector<1x1x16xf32>,
          %get3A_986 = vector.shape_cast %get3A_985 : vector<1x1x16xf32> to vector<16xf32>
          %mul3A_987 = vector.broadcast %squeeze3A_931 : f32 to vector<16xf32>
          %mul3A_988 = arith.mulf %get3A_986, %mul3A_987 : vector<16xf32>
          %swap3A_989 = arith.constant 1 : i32
          %swap3A_990 = arith.index_cast %swap3A_989 : i32 to index
          %swap3A_991 = arith.index_cast %add3A_935 : i32 to index
          %swap3A_992 = arith.constant 48 : index
          %swap3A_993 = tpu.vector_load %arg11[%swap3A_990, %swap3A_991, %swap3A_992] {strides = array<i32>} : memref<2x128x128xf32, #tpu.memory_space<vmem>>, vector<1x1x16xf32>,
          %swap3A_994 = vector.shape_cast %swap3A_993 : vector<1x1x16xf32> to vector<16xf32>
          %swap3A_995 = vector.shape_cast %mul3A_988 : vector<16xf32> to vector<1x1x16xf32>
          tpu.vector_store %arg11[%swap3A_990, %swap3A_991, %swap3A_992], %swap3A_995 {strides = array<i32>} : memref<2x128x128xf32, #tpu.memory_space<vmem>>, vector<1x1x16xf32>,
          %get3A_996 = arith.constant 1 : i32
          %get3A_997 = arith.index_cast %get3A_996 : i32 to index
          %get3A_998 = arith.index_cast %add3A_935 : i32 to index
          %get3A_999 = arith.constant 64 : index
          %get3A_1000 = tpu.vector_load %arg11[%get3A_997, %get3A_998, %get3A_999] {strides = array<i32>} : memref<2x128x128xf32, #tpu.memory_space<vmem>>, vector<1x1x16xf32>,
          %get3A_1001 = vector.shape_cast %get3A_1000 : vector<1x1x16xf32> to vector<16xf32>
          %mul3A_1002 = vector.broadcast %squeeze3A_931 : f32 to vector<16xf32>
          %mul3A_1003 = arith.mulf %get3A_1001, %mul3A_1002 : vector<16xf32>
          %swap3A_1004 = arith.constant 1 : i32
          %swap3A_1005 = arith.index_cast %swap3A_1004 : i32 to index
          %swap3A_1006 = arith.index_cast %add3A_935 : i32 to index
          %swap3A_1007 = arith.constant 64 : index
          %swap3A_1008 = tpu.vector_load %arg11[%swap3A_1005, %swap3A_1006, %swap3A_1007] {strides = array<i32>} : memref<2x128x128xf32, #tpu.memory_space<vmem>>, vector<1x1x16xf32>,
          %swap3A_1009 = vector.shape_cast %swap3A_1008 : vector<1x1x16xf32> to vector<16xf32>
          %swap3A_1010 = vector.shape_cast %mul3A_1003 : vector<16xf32> to vector<1x1x16xf32>
          tpu.vector_store %arg11[%swap3A_1005, %swap3A_1006, %swap3A_1007], %swap3A_1010 {strides = array<i32>} : memref<2x128x128xf32, #tpu.memory_space<vmem>>, vector<1x1x16xf32>,
          %get3A_1011 = arith.constant 1 : i32
          %get3A_1012 = arith.index_cast %get3A_1011 : i32 to index
          %get3A_1013 = arith.index_cast %add3A_935 : i32 to index
          %get3A_1014 = arith.constant 80 : index
          %get3A_1015 = tpu.vector_load %arg11[%get3A_1012, %get3A_1013, %get3A_1014] {strides = array<i32>} : memref<2x128x128xf32, #tpu.memory_space<vmem>>, vector<1x1x16xf32>,
          %get3A_1016 = vector.shape_cast %get3A_1015 : vector<1x1x16xf32> to vector<16xf32>
          %mul3A_1017 = vector.broadcast %squeeze3A_931 : f32 to vector<16xf32>
          %mul3A_1018 = arith.mulf %get3A_1016, %mul3A_1017 : vector<16xf32>
          %swap3A_1019 = arith.constant 1 : i32
          %swap3A_1020 = arith.index_cast %swap3A_1019 : i32 to index
          %swap3A_1021 = arith.index_cast %add3A_935 : i32 to index
          %swap3A_1022 = arith.constant 80 : index
          %swap3A_1023 = tpu.vector_load %arg11[%swap3A_1020, %swap3A_1021, %swap3A_1022] {strides = array<i32>} : memref<2x128x128xf32, #tpu.memory_space<vmem>>, vector<1x1x16xf32>,
          %swap3A_1024 = vector.shape_cast %swap3A_1023 : vector<1x1x16xf32> to vector<16xf32>
          %swap3A_1025 = vector.shape_cast %mul3A_1018 : vector<16xf32> to vector<1x1x16xf32>
          tpu.vector_store %arg11[%swap3A_1020, %swap3A_1021, %swap3A_1022], %swap3A_1025 {strides = array<i32>} : memref<2x128x128xf32, #tpu.memory_space<vmem>>, vector<1x1x16xf32>,
          %get3A_1026 = arith.constant 1 : i32
          %get3A_1027 = arith.index_cast %get3A_1026 : i32 to index
          %get3A_1028 = arith.index_cast %add3A_935 : i32 to index
          %get3A_1029 = arith.constant 96 : index
          %get3A_1030 = tpu.vector_load %arg11[%get3A_1027, %get3A_1028, %get3A_1029] {strides = array<i32>} : memref<2x128x128xf32, #tpu.memory_space<vmem>>, vector<1x1x16xf32>,
          %get3A_1031 = vector.shape_cast %get3A_1030 : vector<1x1x16xf32> to vector<16xf32>
          %mul3A_1032 = vector.broadcast %squeeze3A_931 : f32 to vector<16xf32>
          %mul3A_1033 = arith.mulf %get3A_1031, %mul3A_1032 : vector<16xf32>
          %swap3A_1034 = arith.constant 1 : i32
          %swap3A_1035 = arith.index_cast %swap3A_1034 : i32 to index
          %swap3A_1036 = arith.index_cast %add3A_935 : i32 to index
          %swap3A_1037 = arith.constant 96 : index
          %swap3A_1038 = tpu.vector_load %arg11[%swap3A_1035, %swap3A_1036, %swap3A_1037] {strides = array<i32>} : memref<2x128x128xf32, #tpu.memory_space<vmem>>, vector<1x1x16xf32>,
          %swap3A_1039 = vector.shape_cast %swap3A_1038 : vector<1x1x16xf32> to vector<16xf32>
          %swap3A_1040 = vector.shape_cast %mul3A_1033 : vector<16xf32> to vector<1x1x16xf32>
          tpu.vector_store %arg11[%swap3A_1035, %swap3A_1036, %swap3A_1037], %swap3A_1040 {strides = array<i32>} : memref<2x128x128xf32, #tpu.memory_space<vmem>>, vector<1x1x16xf32>,
          %get3A_1041 = arith.constant 1 : i32
          %get3A_1042 = arith.index_cast %get3A_1041 : i32 to index
          %get3A_1043 = arith.index_cast %add3A_935 : i32 to index
          %get3A_1044 = arith.constant 112 : index
          %get3A_1045 = tpu.vector_load %arg11[%get3A_1042, %get3A_1043, %get3A_1044] {strides = array<i32>} : memref<2x128x128xf32, #tpu.memory_space<vmem>>, vector<1x1x16xf32>,
          %get3A_1046 = vector.shape_cast %get3A_1045 : vector<1x1x16xf32> to vector<16xf32>
          %mul3A_1047 = vector.broadcast %squeeze3A_931 : f32 to vector<16xf32>
          %mul3A_1048 = arith.mulf %get3A_1046, %mul3A_1047 : vector<16xf32>
          %swap3A_1049 = arith.constant 1 : i32
          %swap3A_1050 = arith.index_cast %swap3A_1049 : i32 to index
          %swap3A_1051 = arith.index_cast %add3A_935 : i32 to index
          %swap3A_1052 = arith.constant 112 : index
          %swap3A_1053 = tpu.vector_load %arg11[%swap3A_1050, %swap3A_1051, %swap3A_1052] {strides = array<i32>} : memref<2x128x128xf32, #tpu.memory_space<vmem>>, vector<1x1x16xf32>,
          %swap3A_1054 = vector.shape_cast %swap3A_1053 : vector<1x1x16xf32> to vector<16xf32>
          %swap3A_1055 = vector.shape_cast %mul3A_1048 : vector<16xf32> to vector<1x1x16xf32>
          tpu.vector_store %arg11[%swap3A_1050, %swap3A_1051, %swap3A_1052], %swap3A_1055 {strides = array<i32>} : memref<2x128x128xf32, #tpu.memory_space<vmem>>, vector<1x1x16xf32>,
          %slice3A_1056 = vector.extract_strided_slice %get3A_176 {offsets = [7], sizes = [1], strides = [1]} : vector<16xf32> to vector<1xf32>
          %squeeze3A_1057 = vector.extract %slice3A_1056[0] : f32 from vector<1xf32>
          %mul3A_1058 = arith.constant 16 : i32
          %mul3A_1059 = arith.muli %scan3A_170, %mul3A_1058 : i32
          %add3A_1060 = arith.constant 7 : i32
          %add3A_1061 = arith.addi %mul3A_1059, %add3A_1060 : i32
          %get3A_1062 = arith.constant 1 : i32
          %get3A_1063 = arith.index_cast %get3A_1062 : i32 to index
          %get3A_1064 = arith.index_cast %add3A_1061 : i32 to index
          %get3A_1065 = arith.constant 0 : index
          %get3A_1066 = tpu.vector_load %arg11[%get3A_1063, %get3A_1064, %get3A_1065] {strides = array<i32>} : memref<2x128x128xf32, #tpu.memory_space<vmem>>, vector<1x1x16xf32>,
          %get3A_1067 = vector.shape_cast %get3A_1066 : vector<1x1x16xf32> to vector<16xf32>
          %mul3A_1068 = vector.broadcast %squeeze3A_1057 : f32 to vector<16xf32>
          %mul3A_1069 = arith.mulf %get3A_1067, %mul3A_1068 : vector<16xf32>
          %swap3A_1070 = arith.constant 1 : i32
          %swap3A_1071 = arith.index_cast %swap3A_1070 : i32 to index
          %swap3A_1072 = arith.index_cast %add3A_1061 : i32 to index
          %swap3A_1073 = arith.constant 0 : index
          %swap3A_1074 = tpu.vector_load %arg11[%swap3A_1071, %swap3A_1072, %swap3A_1073] {strides = array<i32>} : memref<2x128x128xf32, #tpu.memory_space<vmem>>, vector<1x1x16xf32>,
          %swap3A_1075 = vector.shape_cast %swap3A_1074 : vector<1x1x16xf32> to vector<16xf32>
          %swap3A_1076 = vector.shape_cast %mul3A_1069 : vector<16xf32> to vector<1x1x16xf32>
          tpu.vector_store %arg11[%swap3A_1071, %swap3A_1072, %swap3A_1073], %swap3A_1076 {strides = array<i32>} : memref<2x128x128xf32, #tpu.memory_space<vmem>>, vector<1x1x16xf32>,
          %get3A_1077 = arith.constant 1 : i32
          %get3A_1078 = arith.index_cast %get3A_1077 : i32 to index
          %get3A_1079 = arith.index_cast %add3A_1061 : i32 to index
          %get3A_1080 = arith.constant 16 : index
          %get3A_1081 = tpu.vector_load %arg11[%get3A_1078, %get3A_1079, %get3A_1080] {strides = array<i32>} : memref<2x128x128xf32, #tpu.memory_space<vmem>>, vector<1x1x16xf32>,
          %get3A_1082 = vector.shape_cast %get3A_1081 : vector<1x1x16xf32> to vector<16xf32>
          %mul3A_1083 = vector.broadcast %squeeze3A_1057 : f32 to vector<16xf32>
          %mul3A_1084 = arith.mulf %get3A_1082, %mul3A_1083 : vector<16xf32>
          %swap3A_1085 = arith.constant 1 : i32
          %swap3A_1086 = arith.index_cast %swap3A_1085 : i32 to index
          %swap3A_1087 = arith.index_cast %add3A_1061 : i32 to index
          %swap3A_1088 = arith.constant 16 : index
          %swap3A_1089 = tpu.vector_load %arg11[%swap3A_1086, %swap3A_1087, %swap3A_1088] {strides = array<i32>} : memref<2x128x128xf32, #tpu.memory_space<vmem>>, vector<1x1x16xf32>,
          %swap3A_1090 = vector.shape_cast %swap3A_1089 : vector<1x1x16xf32> to vector<16xf32>
          %swap3A_1091 = vector.shape_cast %mul3A_1084 : vector<16xf32> to vector<1x1x16xf32>
          tpu.vector_store %arg11[%swap3A_1086, %swap3A_1087, %swap3A_1088], %swap3A_1091 {strides = array<i32>} : memref<2x128x128xf32, #tpu.memory_space<vmem>>, vector<1x1x16xf32>,
          %get3A_1092 = arith.constant 1 : i32
          %get3A_1093 = arith.index_cast %get3A_1092 : i32 to index
          %get3A_1094 = arith.index_cast %add3A_1061 : i32 to index
          %get3A_1095 = arith.constant 32 : index
          %get3A_1096 = tpu.vector_load %arg11[%get3A_1093, %get3A_1094, %get3A_1095] {strides = array<i32>} : memref<2x128x128xf32, #tpu.memory_space<vmem>>, vector<1x1x16xf32>,
          %get3A_1097 = vector.shape_cast %get3A_1096 : vector<1x1x16xf32> to vector<16xf32>
          %mul3A_1098 = vector.broadcast %squeeze3A_1057 : f32 to vector<16xf32>
          %mul3A_1099 = arith.mulf %get3A_1097, %mul3A_1098 : vector<16xf32>
          %swap3A_1100 = arith.constant 1 : i32
          %swap3A_1101 = arith.index_cast %swap3A_1100 : i32 to index
          %swap3A_1102 = arith.index_cast %add3A_1061 : i32 to index
          %swap3A_1103 = arith.constant 32 : index
          %swap3A_1104 = tpu.vector_load %arg11[%swap3A_1101, %swap3A_1102, %swap3A_1103] {strides = array<i32>} : memref<2x128x128xf32, #tpu.memory_space<vmem>>, vector<1x1x16xf32>,
          %swap3A_1105 = vector.shape_cast %swap3A_1104 : vector<1x1x16xf32> to vector<16xf32>
          %swap3A_1106 = vector.shape_cast %mul3A_1099 : vector<16xf32> to vector<1x1x16xf32>
          tpu.vector_store %arg11[%swap3A_1101, %swap3A_1102, %swap3A_1103], %swap3A_1106 {strides = array<i32>} : memref<2x128x128xf32, #tpu.memory_space<vmem>>, vector<1x1x16xf32>,
          %get3A_1107 = arith.constant 1 : i32
          %get3A_1108 = arith.index_cast %get3A_1107 : i32 to index
          %get3A_1109 = arith.index_cast %add3A_1061 : i32 to index
          %get3A_1110 = arith.constant 48 : index
          %get3A_1111 = tpu.vector_load %arg11[%get3A_1108, %get3A_1109, %get3A_1110] {strides = array<i32>} : memref<2x128x128xf32, #tpu.memory_space<vmem>>, vector<1x1x16xf32>,
          %get3A_1112 = vector.shape_cast %get3A_1111 : vector<1x1x16xf32> to vector<16xf32>
          %mul3A_1113 = vector.broadcast %squeeze3A_1057 : f32 to vector<16xf32>
          %mul3A_1114 = arith.mulf %get3A_1112, %mul3A_1113 : vector<16xf32>
          %swap3A_1115 = arith.constant 1 : i32
          %swap3A_1116 = arith.index_cast %swap3A_1115 : i32 to index
          %swap3A_1117 = arith.index_cast %add3A_1061 : i32 to index
          %swap3A_1118 = arith.constant 48 : index
          %swap3A_1119 = tpu.vector_load %arg11[%swap3A_1116, %swap3A_1117, %swap3A_1118] {strides = array<i32>} : memref<2x128x128xf32, #tpu.memory_space<vmem>>, vector<1x1x16xf32>,
          %swap3A_1120 = vector.shape_cast %swap3A_1119 : vector<1x1x16xf32> to vector<16xf32>
          %swap3A_1121 = vector.shape_cast %mul3A_1114 : vector<16xf32> to vector<1x1x16xf32>
          tpu.vector_store %arg11[%swap3A_1116, %swap3A_1117, %swap3A_1118], %swap3A_1121 {strides = array<i32>} : memref<2x128x128xf32, #tpu.memory_space<vmem>>, vector<1x1x16xf32>,
          %get3A_1122 = arith.constant 1 : i32
          %get3A_1123 = arith.index_cast %get3A_1122 : i32 to index
          %get3A_1124 = arith.index_cast %add3A_1061 : i32 to index
          %get3A_1125 = arith.constant 64 : index
          %get3A_1126 = tpu.vector_load %arg11[%get3A_1123, %get3A_1124, %get3A_1125] {strides = array<i32>} : memref<2x128x128xf32, #tpu.memory_space<vmem>>, vector<1x1x16xf32>,
          %get3A_1127 = vector.shape_cast %get3A_1126 : vector<1x1x16xf32> to vector<16xf32>
          %mul3A_1128 = vector.broadcast %squeeze3A_1057 : f32 to vector<16xf32>
          %mul3A_1129 = arith.mulf %get3A_1127, %mul3A_1128 : vector<16xf32>
          %swap3A_1130 = arith.constant 1 : i32
          %swap3A_1131 = arith.index_cast %swap3A_1130 : i32 to index
          %swap3A_1132 = arith.index_cast %add3A_1061 : i32 to index
          %swap3A_1133 = arith.constant 64 : index
          %swap3A_1134 = tpu.vector_load %arg11[%swap3A_1131, %swap3A_1132, %swap3A_1133] {strides = array<i32>} : memref<2x128x128xf32, #tpu.memory_space<vmem>>, vector<1x1x16xf32>,
          %swap3A_1135 = vector.shape_cast %swap3A_1134 : vector<1x1x16xf32> to vector<16xf32>
          %swap3A_1136 = vector.shape_cast %mul3A_1129 : vector<16xf32> to vector<1x1x16xf32>
          tpu.vector_store %arg11[%swap3A_1131, %swap3A_1132, %swap3A_1133], %swap3A_1136 {strides = array<i32>} : memref<2x128x128xf32, #tpu.memory_space<vmem>>, vector<1x1x16xf32>,
          %get3A_1137 = arith.constant 1 : i32
          %get3A_1138 = arith.index_cast %get3A_1137 : i32 to index
          %get3A_1139 = arith.index_cast %add3A_1061 : i32 to index
          %get3A_1140 = arith.constant 80 : index
          %get3A_1141 = tpu.vector_load %arg11[%get3A_1138, %get3A_1139, %get3A_1140] {strides = array<i32>} : memref<2x128x128xf32, #tpu.memory_space<vmem>>, vector<1x1x16xf32>,
          %get3A_1142 = vector.shape_cast %get3A_1141 : vector<1x1x16xf32> to vector<16xf32>
          %mul3A_1143 = vector.broadcast %squeeze3A_1057 : f32 to vector<16xf32>
          %mul3A_1144 = arith.mulf %get3A_1142, %mul3A_1143 : vector<16xf32>
          %swap3A_1145 = arith.constant 1 : i32
          %swap3A_1146 = arith.index_cast %swap3A_1145 : i32 to index
          %swap3A_1147 = arith.index_cast %add3A_1061 : i32 to index
          %swap3A_1148 = arith.constant 80 : index
          %swap3A_1149 = tpu.vector_load %arg11[%swap3A_1146, %swap3A_1147, %swap3A_1148] {strides = array<i32>} : memref<2x128x128xf32, #tpu.memory_space<vmem>>, vector<1x1x16xf32>,
          %swap3A_1150 = vector.shape_cast %swap3A_1149 : vector<1x1x16xf32> to vector<16xf32>
          %swap3A_1151 = vector.shape_cast %mul3A_1144 : vector<16xf32> to vector<1x1x16xf32>
          tpu.vector_store %arg11[%swap3A_1146, %swap3A_1147, %swap3A_1148], %swap3A_1151 {strides = array<i32>} : memref<2x128x128xf32, #tpu.memory_space<vmem>>, vector<1x1x16xf32>,
          %get3A_1152 = arith.constant 1 : i32
          %get3A_1153 = arith.index_cast %get3A_1152 : i32 to index
          %get3A_1154 = arith.index_cast %add3A_1061 : i32 to index
          %get3A_1155 = arith.constant 96 : index
          %get3A_1156 = tpu.vector_load %arg11[%get3A_1153, %get3A_1154, %get3A_1155] {strides = array<i32>} : memref<2x128x128xf32, #tpu.memory_space<vmem>>, vector<1x1x16xf32>,
          %get3A_1157 = vector.shape_cast %get3A_1156 : vector<1x1x16xf32> to vector<16xf32>
          %mul3A_1158 = vector.broadcast %squeeze3A_1057 : f32 to vector<16xf32>
          %mul3A_1159 = arith.mulf %get3A_1157, %mul3A_1158 : vector<16xf32>
          %swap3A_1160 = arith.constant 1 : i32
          %swap3A_1161 = arith.index_cast %swap3A_1160 : i32 to index
          %swap3A_1162 = arith.index_cast %add3A_1061 : i32 to index
          %swap3A_1163 = arith.constant 96 : index
          %swap3A_1164 = tpu.vector_load %arg11[%swap3A_1161, %swap3A_1162, %swap3A_1163] {strides = array<i32>} : memref<2x128x128xf32, #tpu.memory_space<vmem>>, vector<1x1x16xf32>,
          %swap3A_1165 = vector.shape_cast %swap3A_1164 : vector<1x1x16xf32> to vector<16xf32>
          %swap3A_1166 = vector.shape_cast %mul3A_1159 : vector<16xf32> to vector<1x1x16xf32>
          tpu.vector_store %arg11[%swap3A_1161, %swap3A_1162, %swap3A_1163], %swap3A_1166 {strides = array<i32>} : memref<2x128x128xf32, #tpu.memory_space<vmem>>, vector<1x1x16xf32>,
          %get3A_1167 = arith.constant 1 : i32
          %get3A_1168 = arith.index_cast %get3A_1167 : i32 to index
          %get3A_1169 = arith.index_cast %add3A_1061 : i32 to index
          %get3A_1170 = arith.constant 112 : index
          %get3A_1171 = tpu.vector_load %arg11[%get3A_1168, %get3A_1169, %get3A_1170] {strides = array<i32>} : memref<2x128x128xf32, #tpu.memory_space<vmem>>, vector<1x1x16xf32>,
          %get3A_1172 = vector.shape_cast %get3A_1171 : vector<1x1x16xf32> to vector<16xf32>
          %mul3A_1173 = vector.broadcast %squeeze3A_1057 : f32 to vector<16xf32>
          %mul3A_1174 = arith.mulf %get3A_1172, %mul3A_1173 : vector<16xf32>
          %swap3A_1175 = arith.constant 1 : i32
          %swap3A_1176 = arith.index_cast %swap3A_1175 : i32 to index
          %swap3A_1177 = arith.index_cast %add3A_1061 : i32 to index
          %swap3A_1178 = arith.constant 112 : index
          %swap3A_1179 = tpu.vector_load %arg11[%swap3A_1176, %swap3A_1177, %swap3A_1178] {strides = array<i32>} : memref<2x128x128xf32, #tpu.memory_space<vmem>>, vector<1x1x16xf32>,
          %swap3A_1180 = vector.shape_cast %swap3A_1179 : vector<1x1x16xf32> to vector<16xf32>
          %swap3A_1181 = vector.shape_cast %mul3A_1174 : vector<16xf32> to vector<1x1x16xf32>
          tpu.vector_store %arg11[%swap3A_1176, %swap3A_1177, %swap3A_1178], %swap3A_1181 {strides = array<i32>} : memref<2x128x128xf32, #tpu.memory_space<vmem>>, vector<1x1x16xf32>,
          %slice3A_1182 = vector.extract_strided_slice %get3A_176 {offsets = [8], sizes = [1], strides = [1]} : vector<16xf32> to vector<1xf32>
          %squeeze3A_1183 = vector.extract %slice3A_1182[0] : f32 from vector<1xf32>
          %mul3A_1184 = arith.constant 16 : i32
          %mul3A_1185 = arith.muli %scan3A_170, %mul3A_1184 : i32
          %add3A_1186 = arith.constant 8 : i32
          %add3A_1187 = arith.addi %mul3A_1185, %add3A_1186 : i32
          %get3A_1188 = arith.constant 1 : i32
          %get3A_1189 = arith.index_cast %get3A_1188 : i32 to index
          %get3A_1190 = arith.index_cast %add3A_1187 : i32 to index
          %get3A_1191 = arith.constant 0 : index
          %get3A_1192 = tpu.vector_load %arg11[%get3A_1189, %get3A_1190, %get3A_1191] {strides = array<i32>} : memref<2x128x128xf32, #tpu.memory_space<vmem>>, vector<1x1x16xf32>,
          %get3A_1193 = vector.shape_cast %get3A_1192 : vector<1x1x16xf32> to vector<16xf32>
          %mul3A_1194 = vector.broadcast %squeeze3A_1183 : f32 to vector<16xf32>
          %mul3A_1195 = arith.mulf %get3A_1193, %mul3A_1194 : vector<16xf32>
          %swap3A_1196 = arith.constant 1 : i32
          %swap3A_1197 = arith.index_cast %swap3A_1196 : i32 to index
          %swap3A_1198 = arith.index_cast %add3A_1187 : i32 to index
          %swap3A_1199 = arith.constant 0 : index
          %swap3A_1200 = tpu.vector_load %arg11[%swap3A_1197, %swap3A_1198, %swap3A_1199] {strides = array<i32>} : memref<2x128x128xf32, #tpu.memory_space<vmem>>, vector<1x1x16xf32>,
          %swap3A_1201 = vector.shape_cast %swap3A_1200 : vector<1x1x16xf32> to vector<16xf32>
          %swap3A_1202 = vector.shape_cast %mul3A_1195 : vector<16xf32> to vector<1x1x16xf32>
          tpu.vector_store %arg11[%swap3A_1197, %swap3A_1198, %swap3A_1199], %swap3A_1202 {strides = array<i32>} : memref<2x128x128xf32, #tpu.memory_space<vmem>>, vector<1x1x16xf32>,
          %get3A_1203 = arith.constant 1 : i32
          %get3A_1204 = arith.index_cast %get3A_1203 : i32 to index
          %get3A_1205 = arith.index_cast %add3A_1187 : i32 to index
          %get3A_1206 = arith.constant 16 : index
          %get3A_1207 = tpu.vector_load %arg11[%get3A_1204, %get3A_1205, %get3A_1206] {strides = array<i32>} : memref<2x128x128xf32, #tpu.memory_space<vmem>>, vector<1x1x16xf32>,
          %get3A_1208 = vector.shape_cast %get3A_1207 : vector<1x1x16xf32> to vector<16xf32>
          %mul3A_1209 = vector.broadcast %squeeze3A_1183 : f32 to vector<16xf32>
          %mul3A_1210 = arith.mulf %get3A_1208, %mul3A_1209 : vector<16xf32>
          %swap3A_1211 = arith.constant 1 : i32
          %swap3A_1212 = arith.index_cast %swap3A_1211 : i32 to index
          %swap3A_1213 = arith.index_cast %add3A_1187 : i32 to index
          %swap3A_1214 = arith.constant 16 : index
          %swap3A_1215 = tpu.vector_load %arg11[%swap3A_1212, %swap3A_1213, %swap3A_1214] {strides = array<i32>} : memref<2x128x128xf32, #tpu.memory_space<vmem>>, vector<1x1x16xf32>,
          %swap3A_1216 = vector.shape_cast %swap3A_1215 : vector<1x1x16xf32> to vector<16xf32>
          %swap3A_1217 = vector.shape_cast %mul3A_1210 : vector<16xf32> to vector<1x1x16xf32>
          tpu.vector_store %arg11[%swap3A_1212, %swap3A_1213, %swap3A_1214], %swap3A_1217 {strides = array<i32>} : memref<2x128x128xf32, #tpu.memory_space<vmem>>, vector<1x1x16xf32>,
          %get3A_1218 = arith.constant 1 : i32
          %get3A_1219 = arith.index_cast %get3A_1218 : i32 to index
          %get3A_1220 = arith.index_cast %add3A_1187 : i32 to index
          %get3A_1221 = arith.constant 32 : index
          %get3A_1222 = tpu.vector_load %arg11[%get3A_1219, %get3A_1220, %get3A_1221] {strides = array<i32>} : memref<2x128x128xf32, #tpu.memory_space<vmem>>, vector<1x1x16xf32>,
          %get3A_1223 = vector.shape_cast %get3A_1222 : vector<1x1x16xf32> to vector<16xf32>
          %mul3A_1224 = vector.broadcast %squeeze3A_1183 : f32 to vector<16xf32>
          %mul3A_1225 = arith.mulf %get3A_1223, %mul3A_1224 : vector<16xf32>
          %swap3A_1226 = arith.constant 1 : i32
          %swap3A_1227 = arith.index_cast %swap3A_1226 : i32 to index
          %swap3A_1228 = arith.index_cast %add3A_1187 : i32 to index
          %swap3A_1229 = arith.constant 32 : index
          %swap3A_1230 = tpu.vector_load %arg11[%swap3A_1227, %swap3A_1228, %swap3A_1229] {strides = array<i32>} : memref<2x128x128xf32, #tpu.memory_space<vmem>>, vector<1x1x16xf32>,
          %swap3A_1231 = vector.shape_cast %swap3A_1230 : vector<1x1x16xf32> to vector<16xf32>
          %swap3A_1232 = vector.shape_cast %mul3A_1225 : vector<16xf32> to vector<1x1x16xf32>
          tpu.vector_store %arg11[%swap3A_1227, %swap3A_1228, %swap3A_1229], %swap3A_1232 {strides = array<i32>} : memref<2x128x128xf32, #tpu.memory_space<vmem>>, vector<1x1x16xf32>,
          %get3A_1233 = arith.constant 1 : i32
          %get3A_1234 = arith.index_cast %get3A_1233 : i32 to index
          %get3A_1235 = arith.index_cast %add3A_1187 : i32 to index
          %get3A_1236 = arith.constant 48 : index
          %get3A_1237 = tpu.vector_load %arg11[%get3A_1234, %get3A_1235, %get3A_1236] {strides = array<i32>} : memref<2x128x128xf32, #tpu.memory_space<vmem>>, vector<1x1x16xf32>,
          %get3A_1238 = vector.shape_cast %get3A_1237 : vector<1x1x16xf32> to vector<16xf32>
          %mul3A_1239 = vector.broadcast %squeeze3A_1183 : f32 to vector<16xf32>
          %mul3A_1240 = arith.mulf %get3A_1238, %mul3A_1239 : vector<16xf32>
          %swap3A_1241 = arith.constant 1 : i32
          %swap3A_1242 = arith.index_cast %swap3A_1241 : i32 to index
          %swap3A_1243 = arith.index_cast %add3A_1187 : i32 to index
          %swap3A_1244 = arith.constant 48 : index
          %swap3A_1245 = tpu.vector_load %arg11[%swap3A_1242, %swap3A_1243, %swap3A_1244] {strides = array<i32>} : memref<2x128x128xf32, #tpu.memory_space<vmem>>, vector<1x1x16xf32>,
          %swap3A_1246 = vector.shape_cast %swap3A_1245 : vector<1x1x16xf32> to vector<16xf32>
          %swap3A_1247 = vector.shape_cast %mul3A_1240 : vector<16xf32> to vector<1x1x16xf32>
          tpu.vector_store %arg11[%swap3A_1242, %swap3A_1243, %swap3A_1244], %swap3A_1247 {strides = array<i32>} : memref<2x128x128xf32, #tpu.memory_space<vmem>>, vector<1x1x16xf32>,
          %get3A_1248 = arith.constant 1 : i32
          %get3A_1249 = arith.index_cast %get3A_1248 : i32 to index
          %get3A_1250 = arith.index_cast %add3A_1187 : i32 to index
          %get3A_1251 = arith.constant 64 : index
          %get3A_1252 = tpu.vector_load %arg11[%get3A_1249, %get3A_1250, %get3A_1251] {strides = array<i32>} : memref<2x128x128xf32, #tpu.memory_space<vmem>>, vector<1x1x16xf32>,
          %get3A_1253 = vector.shape_cast %get3A_1252 : vector<1x1x16xf32> to vector<16xf32>
          %mul3A_1254 = vector.broadcast %squeeze3A_1183 : f32 to vector<16xf32>
          %mul3A_1255 = arith.mulf %get3A_1253, %mul3A_1254 : vector<16xf32>
          %swap3A_1256 = arith.constant 1 : i32
          %swap3A_1257 = arith.index_cast %swap3A_1256 : i32 to index
          %swap3A_1258 = arith.index_cast %add3A_1187 : i32 to index
          %swap3A_1259 = arith.constant 64 : index
          %swap3A_1260 = tpu.vector_load %arg11[%swap3A_1257, %swap3A_1258, %swap3A_1259] {strides = array<i32>} : memref<2x128x128xf32, #tpu.memory_space<vmem>>, vector<1x1x16xf32>,
          %swap3A_1261 = vector.shape_cast %swap3A_1260 : vector<1x1x16xf32> to vector<16xf32>
          %swap3A_1262 = vector.shape_cast %mul3A_1255 : vector<16xf32> to vector<1x1x16xf32>
          tpu.vector_store %arg11[%swap3A_1257, %swap3A_1258, %swap3A_1259], %swap3A_1262 {strides = array<i32>} : memref<2x128x128xf32, #tpu.memory_space<vmem>>, vector<1x1x16xf32>,
          %get3A_1263 = arith.constant 1 : i32
          %get3A_1264 = arith.index_cast %get3A_1263 : i32 to index
          %get3A_1265 = arith.index_cast %add3A_1187 : i32 to index
          %get3A_1266 = arith.constant 80 : index
          %get3A_1267 = tpu.vector_load %arg11[%get3A_1264, %get3A_1265, %get3A_1266] {strides = array<i32>} : memref<2x128x128xf32, #tpu.memory_space<vmem>>, vector<1x1x16xf32>,
          %get3A_1268 = vector.shape_cast %get3A_1267 : vector<1x1x16xf32> to vector<16xf32>
          %mul3A_1269 = vector.broadcast %squeeze3A_1183 : f32 to vector<16xf32>
          %mul3A_1270 = arith.mulf %get3A_1268, %mul3A_1269 : vector<16xf32>
          %swap3A_1271 = arith.constant 1 : i32
          %swap3A_1272 = arith.index_cast %swap3A_1271 : i32 to index
          %swap3A_1273 = arith.index_cast %add3A_1187 : i32 to index
          %swap3A_1274 = arith.constant 80 : index
          %swap3A_1275 = tpu.vector_load %arg11[%swap3A_1272, %swap3A_1273, %swap3A_1274] {strides = array<i32>} : memref<2x128x128xf32, #tpu.memory_space<vmem>>, vector<1x1x16xf32>,
          %swap3A_1276 = vector.shape_cast %swap3A_1275 : vector<1x1x16xf32> to vector<16xf32>
          %swap3A_1277 = vector.shape_cast %mul3A_1270 : vector<16xf32> to vector<1x1x16xf32>
          tpu.vector_store %arg11[%swap3A_1272, %swap3A_1273, %swap3A_1274], %swap3A_1277 {strides = array<i32>} : memref<2x128x128xf32, #tpu.memory_space<vmem>>, vector<1x1x16xf32>,
          %get3A_1278 = arith.constant 1 : i32
          %get3A_1279 = arith.index_cast %get3A_1278 : i32 to index
          %get3A_1280 = arith.index_cast %add3A_1187 : i32 to index
          %get3A_1281 = arith.constant 96 : index
          %get3A_1282 = tpu.vector_load %arg11[%get3A_1279, %get3A_1280, %get3A_1281] {strides = array<i32>} : memref<2x128x128xf32, #tpu.memory_space<vmem>>, vector<1x1x16xf32>,
          %get3A_1283 = vector.shape_cast %get3A_1282 : vector<1x1x16xf32> to vector<16xf32>
          %mul3A_1284 = vector.broadcast %squeeze3A_1183 : f32 to vector<16xf32>
          %mul3A_1285 = arith.mulf %get3A_1283, %mul3A_1284 : vector<16xf32>
          %swap3A_1286 = arith.constant 1 : i32
          %swap3A_1287 = arith.index_cast %swap3A_1286 : i32 to index
          %swap3A_1288 = arith.index_cast %add3A_1187 : i32 to index
          %swap3A_1289 = arith.constant 96 : index
          %swap3A_1290 = tpu.vector_load %arg11[%swap3A_1287, %swap3A_1288, %swap3A_1289] {strides = array<i32>} : memref<2x128x128xf32, #tpu.memory_space<vmem>>, vector<1x1x16xf32>,
          %swap3A_1291 = vector.shape_cast %swap3A_1290 : vector<1x1x16xf32> to vector<16xf32>
          %swap3A_1292 = vector.shape_cast %mul3A_1285 : vector<16xf32> to vector<1x1x16xf32>
          tpu.vector_store %arg11[%swap3A_1287, %swap3A_1288, %swap3A_1289], %swap3A_1292 {strides = array<i32>} : memref<2x128x128xf32, #tpu.memory_space<vmem>>, vector<1x1x16xf32>,
          %get3A_1293 = arith.constant 1 : i32
          %get3A_1294 = arith.index_cast %get3A_1293 : i32 to index
          %get3A_1295 = arith.index_cast %add3A_1187 : i32 to index
          %get3A_1296 = arith.constant 112 : index
          %get3A_1297 = tpu.vector_load %arg11[%get3A_1294, %get3A_1295, %get3A_1296] {strides = array<i32>} : memref<2x128x128xf32, #tpu.memory_space<vmem>>, vector<1x1x16xf32>,
          %get3A_1298 = vector.shape_cast %get3A_1297 : vector<1x1x16xf32> to vector<16xf32>
          %mul3A_1299 = vector.broadcast %squeeze3A_1183 : f32 to vector<16xf32>
          %mul3A_1300 = arith.mulf %get3A_1298, %mul3A_1299 : vector<16xf32>
          %swap3A_1301 = arith.constant 1 : i32
          %swap3A_1302 = arith.index_cast %swap3A_1301 : i32 to index
          %swap3A_1303 = arith.index_cast %add3A_1187 : i32 to index
          %swap3A_1304 = arith.constant 112 : index
          %swap3A_1305 = tpu.vector_load %arg11[%swap3A_1302, %swap3A_1303, %swap3A_1304] {strides = array<i32>} : memref<2x128x128xf32, #tpu.memory_space<vmem>>, vector<1x1x16xf32>,
          %swap3A_1306 = vector.shape_cast %swap3A_1305 : vector<1x1x16xf32> to vector<16xf32>
          %swap3A_1307 = vector.shape_cast %mul3A_1300 : vector<16xf32> to vector<1x1x16xf32>
          tpu.vector_store %arg11[%swap3A_1302, %swap3A_1303, %swap3A_1304], %swap3A_1307 {strides = array<i32>} : memref<2x128x128xf32, #tpu.memory_space<vmem>>, vector<1x1x16xf32>,
          %slice3A_1308 = vector.extract_strided_slice %get3A_176 {offsets = [9], sizes = [1], strides = [1]} : vector<16xf32> to vector<1xf32>
          %squeeze3A_1309 = vector.extract %slice3A_1308[0] : f32 from vector<1xf32>
          %mul3A_1310 = arith.constant 16 : i32
          %mul3A_1311 = arith.muli %scan3A_170, %mul3A_1310 : i32
          %add3A_1312 = arith.constant 9 : i32
          %add3A_1313 = arith.addi %mul3A_1311, %add3A_1312 : i32
          %get3A_1314 = arith.constant 1 : i32
          %get3A_1315 = arith.index_cast %get3A_1314 : i32 to index
          %get3A_1316 = arith.index_cast %add3A_1313 : i32 to index
          %get3A_1317 = arith.constant 0 : index
          %get3A_1318 = tpu.vector_load %arg11[%get3A_1315, %get3A_1316, %get3A_1317] {strides = array<i32>} : memref<2x128x128xf32, #tpu.memory_space<vmem>>, vector<1x1x16xf32>,
          %get3A_1319 = vector.shape_cast %get3A_1318 : vector<1x1x16xf32> to vector<16xf32>
          %mul3A_1320 = vector.broadcast %squeeze3A_1309 : f32 to vector<16xf32>
          %mul3A_1321 = arith.mulf %get3A_1319, %mul3A_1320 : vector<16xf32>
          %swap3A_1322 = arith.constant 1 : i32
          %swap3A_1323 = arith.index_cast %swap3A_1322 : i32 to index
          %swap3A_1324 = arith.index_cast %add3A_1313 : i32 to index
          %swap3A_1325 = arith.constant 0 : index
          %swap3A_1326 = tpu.vector_load %arg11[%swap3A_1323, %swap3A_1324, %swap3A_1325] {strides = array<i32>} : memref<2x128x128xf32, #tpu.memory_space<vmem>>, vector<1x1x16xf32>,
          %swap3A_1327 = vector.shape_cast %swap3A_1326 : vector<1x1x16xf32> to vector<16xf32>
          %swap3A_1328 = vector.shape_cast %mul3A_1321 : vector<16xf32> to vector<1x1x16xf32>
          tpu.vector_store %arg11[%swap3A_1323, %swap3A_1324, %swap3A_1325], %swap3A_1328 {strides = array<i32>} : memref<2x128x128xf32, #tpu.memory_space<vmem>>, vector<1x1x16xf32>,
          %get3A_1329 = arith.constant 1 : i32
          %get3A_1330 = arith.index_cast %get3A_1329 : i32 to index
          %get3A_1331 = arith.index_cast %add3A_1313 : i32 to index
          %get3A_1332 = arith.constant 16 : index
          %get3A_1333 = tpu.vector_load %arg11[%get3A_1330, %get3A_1331, %get3A_1332] {strides = array<i32>} : memref<2x128x128xf32, #tpu.memory_space<vmem>>, vector<1x1x16xf32>,
          %get3A_1334 = vector.shape_cast %get3A_1333 : vector<1x1x16xf32> to vector<16xf32>
          %mul3A_1335 = vector.broadcast %squeeze3A_1309 : f32 to vector<16xf32>
          %mul3A_1336 = arith.mulf %get3A_1334, %mul3A_1335 : vector<16xf32>
          %swap3A_1337 = arith.constant 1 : i32
          %swap3A_1338 = arith.index_cast %swap3A_1337 : i32 to index
          %swap3A_1339 = arith.index_cast %add3A_1313 : i32 to index
          %swap3A_1340 = arith.constant 16 : index
          %swap3A_1341 = tpu.vector_load %arg11[%swap3A_1338, %swap3A_1339, %swap3A_1340] {strides = array<i32>} : memref<2x128x128xf32, #tpu.memory_space<vmem>>, vector<1x1x16xf32>,
          %swap3A_1342 = vector.shape_cast %swap3A_1341 : vector<1x1x16xf32> to vector<16xf32>
          %swap3A_1343 = vector.shape_cast %mul3A_1336 : vector<16xf32> to vector<1x1x16xf32>
          tpu.vector_store %arg11[%swap3A_1338, %swap3A_1339, %swap3A_1340], %swap3A_1343 {strides = array<i32>} : memref<2x128x128xf32, #tpu.memory_space<vmem>>, vector<1x1x16xf32>,
          %get3A_1344 = arith.constant 1 : i32
          %get3A_1345 = arith.index_cast %get3A_1344 : i32 to index
          %get3A_1346 = arith.index_cast %add3A_1313 : i32 to index
          %get3A_1347 = arith.constant 32 : index
          %get3A_1348 = tpu.vector_load %arg11[%get3A_1345, %get3A_1346, %get3A_1347] {strides = array<i32>} : memref<2x128x128xf32, #tpu.memory_space<vmem>>, vector<1x1x16xf32>,
          %get3A_1349 = vector.shape_cast %get3A_1348 : vector<1x1x16xf32> to vector<16xf32>
          %mul3A_1350 = vector.broadcast %squeeze3A_1309 : f32 to vector<16xf32>
          %mul3A_1351 = arith.mulf %get3A_1349, %mul3A_1350 : vector<16xf32>
          %swap3A_1352 = arith.constant 1 : i32
          %swap3A_1353 = arith.index_cast %swap3A_1352 : i32 to index
          %swap3A_1354 = arith.index_cast %add3A_1313 : i32 to index
          %swap3A_1355 = arith.constant 32 : index
          %swap3A_1356 = tpu.vector_load %arg11[%swap3A_1353, %swap3A_1354, %swap3A_1355] {strides = array<i32>} : memref<2x128x128xf32, #tpu.memory_space<vmem>>, vector<1x1x16xf32>,
          %swap3A_1357 = vector.shape_cast %swap3A_1356 : vector<1x1x16xf32> to vector<16xf32>
          %swap3A_1358 = vector.shape_cast %mul3A_1351 : vector<16xf32> to vector<1x1x16xf32>
          tpu.vector_store %arg11[%swap3A_1353, %swap3A_1354, %swap3A_1355], %swap3A_1358 {strides = array<i32>} : memref<2x128x128xf32, #tpu.memory_space<vmem>>, vector<1x1x16xf32>,
          %get3A_1359 = arith.constant 1 : i32
          %get3A_1360 = arith.index_cast %get3A_1359 : i32 to index
          %get3A_1361 = arith.index_cast %add3A_1313 : i32 to index
          %get3A_1362 = arith.constant 48 : index
          %get3A_1363 = tpu.vector_load %arg11[%get3A_1360, %get3A_1361, %get3A_1362] {strides = array<i32>} : memref<2x128x128xf32, #tpu.memory_space<vmem>>, vector<1x1x16xf32>,
          %get3A_1364 = vector.shape_cast %get3A_1363 : vector<1x1x16xf32> to vector<16xf32>
          %mul3A_1365 = vector.broadcast %squeeze3A_1309 : f32 to vector<16xf32>
          %mul3A_1366 = arith.mulf %get3A_1364, %mul3A_1365 : vector<16xf32>
          %swap3A_1367 = arith.constant 1 : i32
          %swap3A_1368 = arith.index_cast %swap3A_1367 : i32 to index
          %swap3A_1369 = arith.index_cast %add3A_1313 : i32 to index
          %swap3A_1370 = arith.constant 48 : index
          %swap3A_1371 = tpu.vector_load %arg11[%swap3A_1368, %swap3A_1369, %swap3A_1370] {strides = array<i32>} : memref<2x128x128xf32, #tpu.memory_space<vmem>>, vector<1x1x16xf32>,
          %swap3A_1372 = vector.shape_cast %swap3A_1371 : vector<1x1x16xf32> to vector<16xf32>
          %swap3A_1373 = vector.shape_cast %mul3A_1366 : vector<16xf32> to vector<1x1x16xf32>
          tpu.vector_store %arg11[%swap3A_1368, %swap3A_1369, %swap3A_1370], %swap3A_1373 {strides = array<i32>} : memref<2x128x128xf32, #tpu.memory_space<vmem>>, vector<1x1x16xf32>,
          %get3A_1374 = arith.constant 1 : i32
          %get3A_1375 = arith.index_cast %get3A_1374 : i32 to index
          %get3A_1376 = arith.index_cast %add3A_1313 : i32 to index
          %get3A_1377 = arith.constant 64 : index
          %get3A_1378 = tpu.vector_load %arg11[%get3A_1375, %get3A_1376, %get3A_1377] {strides = array<i32>} : memref<2x128x128xf32, #tpu.memory_space<vmem>>, vector<1x1x16xf32>,
          %get3A_1379 = vector.shape_cast %get3A_1378 : vector<1x1x16xf32> to vector<16xf32>
          %mul3A_1380 = vector.broadcast %squeeze3A_1309 : f32 to vector<16xf32>
          %mul3A_1381 = arith.mulf %get3A_1379, %mul3A_1380 : vector<16xf32>
          %swap3A_1382 = arith.constant 1 : i32
          %swap3A_1383 = arith.index_cast %swap3A_1382 : i32 to index
          %swap3A_1384 = arith.index_cast %add3A_1313 : i32 to index
          %swap3A_1385 = arith.constant 64 : index
          %swap3A_1386 = tpu.vector_load %arg11[%swap3A_1383, %swap3A_1384, %swap3A_1385] {strides = array<i32>} : memref<2x128x128xf32, #tpu.memory_space<vmem>>, vector<1x1x16xf32>,
          %swap3A_1387 = vector.shape_cast %swap3A_1386 : vector<1x1x16xf32> to vector<16xf32>
          %swap3A_1388 = vector.shape_cast %mul3A_1381 : vector<16xf32> to vector<1x1x16xf32>
          tpu.vector_store %arg11[%swap3A_1383, %swap3A_1384, %swap3A_1385], %swap3A_1388 {strides = array<i32>} : memref<2x128x128xf32, #tpu.memory_space<vmem>>, vector<1x1x16xf32>,
          %get3A_1389 = arith.constant 1 : i32
          %get3A_1390 = arith.index_cast %get3A_1389 : i32 to index
          %get3A_1391 = arith.index_cast %add3A_1313 : i32 to index
          %get3A_1392 = arith.constant 80 : index
          %get3A_1393 = tpu.vector_load %arg11[%get3A_1390, %get3A_1391, %get3A_1392] {strides = array<i32>} : memref<2x128x128xf32, #tpu.memory_space<vmem>>, vector<1x1x16xf32>,
          %get3A_1394 = vector.shape_cast %get3A_1393 : vector<1x1x16xf32> to vector<16xf32>
          %mul3A_1395 = vector.broadcast %squeeze3A_1309 : f32 to vector<16xf32>
          %mul3A_1396 = arith.mulf %get3A_1394, %mul3A_1395 : vector<16xf32>
          %swap3A_1397 = arith.constant 1 : i32
          %swap3A_1398 = arith.index_cast %swap3A_1397 : i32 to index
          %swap3A_1399 = arith.index_cast %add3A_1313 : i32 to index
          %swap3A_1400 = arith.constant 80 : index
          %swap3A_1401 = tpu.vector_load %arg11[%swap3A_1398, %swap3A_1399, %swap3A_1400] {strides = array<i32>} : memref<2x128x128xf32, #tpu.memory_space<vmem>>, vector<1x1x16xf32>,
          %swap3A_1402 = vector.shape_cast %swap3A_1401 : vector<1x1x16xf32> to vector<16xf32>
          %swap3A_1403 = vector.shape_cast %mul3A_1396 : vector<16xf32> to vector<1x1x16xf32>
          tpu.vector_store %arg11[%swap3A_1398, %swap3A_1399, %swap3A_1400], %swap3A_1403 {strides = array<i32>} : memref<2x128x128xf32, #tpu.memory_space<vmem>>, vector<1x1x16xf32>,
          %get3A_1404 = arith.constant 1 : i32
          %get3A_1405 = arith.index_cast %get3A_1404 : i32 to index
          %get3A_1406 = arith.index_cast %add3A_1313 : i32 to index
          %get3A_1407 = arith.constant 96 : index
          %get3A_1408 = tpu.vector_load %arg11[%get3A_1405, %get3A_1406, %get3A_1407] {strides = array<i32>} : memref<2x128x128xf32, #tpu.memory_space<vmem>>, vector<1x1x16xf32>,
          %get3A_1409 = vector.shape_cast %get3A_1408 : vector<1x1x16xf32> to vector<16xf32>
          %mul3A_1410 = vector.broadcast %squeeze3A_1309 : f32 to vector<16xf32>
          %mul3A_1411 = arith.mulf %get3A_1409, %mul3A_1410 : vector<16xf32>
          %swap3A_1412 = arith.constant 1 : i32
          %swap3A_1413 = arith.index_cast %swap3A_1412 : i32 to index
          %swap3A_1414 = arith.index_cast %add3A_1313 : i32 to index
          %swap3A_1415 = arith.constant 96 : index
          %swap3A_1416 = tpu.vector_load %arg11[%swap3A_1413, %swap3A_1414, %swap3A_1415] {strides = array<i32>} : memref<2x128x128xf32, #tpu.memory_space<vmem>>, vector<1x1x16xf32>,
          %swap3A_1417 = vector.shape_cast %swap3A_1416 : vector<1x1x16xf32> to vector<16xf32>
          %swap3A_1418 = vector.shape_cast %mul3A_1411 : vector<16xf32> to vector<1x1x16xf32>
          tpu.vector_store %arg11[%swap3A_1413, %swap3A_1414, %swap3A_1415], %swap3A_1418 {strides = array<i32>} : memref<2x128x128xf32, #tpu.memory_space<vmem>>, vector<1x1x16xf32>,
          %get3A_1419 = arith.constant 1 : i32
          %get3A_1420 = arith.index_cast %get3A_1419 : i32 to index
          %get3A_1421 = arith.index_cast %add3A_1313 : i32 to index
          %get3A_1422 = arith.constant 112 : index
          %get3A_1423 = tpu.vector_load %arg11[%get3A_1420, %get3A_1421, %get3A_1422] {strides = array<i32>} : memref<2x128x128xf32, #tpu.memory_space<vmem>>, vector<1x1x16xf32>,
          %get3A_1424 = vector.shape_cast %get3A_1423 : vector<1x1x16xf32> to vector<16xf32>
          %mul3A_1425 = vector.broadcast %squeeze3A_1309 : f32 to vector<16xf32>
          %mul3A_1426 = arith.mulf %get3A_1424, %mul3A_1425 : vector<16xf32>
          %swap3A_1427 = arith.constant 1 : i32
          %swap3A_1428 = arith.index_cast %swap3A_1427 : i32 to index
          %swap3A_1429 = arith.index_cast %add3A_1313 : i32 to index
          %swap3A_1430 = arith.constant 112 : index
          %swap3A_1431 = tpu.vector_load %arg11[%swap3A_1428, %swap3A_1429, %swap3A_1430] {strides = array<i32>} : memref<2x128x128xf32, #tpu.memory_space<vmem>>, vector<1x1x16xf32>,
          %swap3A_1432 = vector.shape_cast %swap3A_1431 : vector<1x1x16xf32> to vector<16xf32>
          %swap3A_1433 = vector.shape_cast %mul3A_1426 : vector<16xf32> to vector<1x1x16xf32>
          tpu.vector_store %arg11[%swap3A_1428, %swap3A_1429, %swap3A_1430], %swap3A_1433 {strides = array<i32>} : memref<2x128x128xf32, #tpu.memory_space<vmem>>, vector<1x1x16xf32>,
          %slice3A_1434 = vector.extract_strided_slice %get3A_176 {offsets = [10], sizes = [1], strides = [1]} : vector<16xf32> to vector<1xf32>
          %squeeze3A_1435 = vector.extract %slice3A_1434[0] : f32 from vector<1xf32>
          %mul3A_1436 = arith.constant 16 : i32
          %mul3A_1437 = arith.muli %scan3A_170, %mul3A_1436 : i32
          %add3A_1438 = arith.constant 10 : i32
          %add3A_1439 = arith.addi %mul3A_1437, %add3A_1438 : i32
          %get3A_1440 = arith.constant 1 : i32
          %get3A_1441 = arith.index_cast %get3A_1440 : i32 to index
          %get3A_1442 = arith.index_cast %add3A_1439 : i32 to index
          %get3A_1443 = arith.constant 0 : index
          %get3A_1444 = tpu.vector_load %arg11[%get3A_1441, %get3A_1442, %get3A_1443] {strides = array<i32>} : memref<2x128x128xf32, #tpu.memory_space<vmem>>, vector<1x1x16xf32>,
          %get3A_1445 = vector.shape_cast %get3A_1444 : vector<1x1x16xf32> to vector<16xf32>
          %mul3A_1446 = vector.broadcast %squeeze3A_1435 : f32 to vector<16xf32>
          %mul3A_1447 = arith.mulf %get3A_1445, %mul3A_1446 : vector<16xf32>
          %swap3A_1448 = arith.constant 1 : i32
          %swap3A_1449 = arith.index_cast %swap3A_1448 : i32 to index
          %swap3A_1450 = arith.index_cast %add3A_1439 : i32 to index
          %swap3A_1451 = arith.constant 0 : index
          %swap3A_1452 = tpu.vector_load %arg11[%swap3A_1449, %swap3A_1450, %swap3A_1451] {strides = array<i32>} : memref<2x128x128xf32, #tpu.memory_space<vmem>>, vector<1x1x16xf32>,
          %swap3A_1453 = vector.shape_cast %swap3A_1452 : vector<1x1x16xf32> to vector<16xf32>
          %swap3A_1454 = vector.shape_cast %mul3A_1447 : vector<16xf32> to vector<1x1x16xf32>
          tpu.vector_store %arg11[%swap3A_1449, %swap3A_1450, %swap3A_1451], %swap3A_1454 {strides = array<i32>} : memref<2x128x128xf32, #tpu.memory_space<vmem>>, vector<1x1x16xf32>,
          %get3A_1455 = arith.constant 1 : i32
          %get3A_1456 = arith.index_cast %get3A_1455 : i32 to index
          %get3A_1457 = arith.index_cast %add3A_1439 : i32 to index
          %get3A_1458 = arith.constant 16 : index
          %get3A_1459 = tpu.vector_load %arg11[%get3A_1456, %get3A_1457, %get3A_1458] {strides = array<i32>} : memref<2x128x128xf32, #tpu.memory_space<vmem>>, vector<1x1x16xf32>,
          %get3A_1460 = vector.shape_cast %get3A_1459 : vector<1x1x16xf32> to vector<16xf32>
          %mul3A_1461 = vector.broadcast %squeeze3A_1435 : f32 to vector<16xf32>
          %mul3A_1462 = arith.mulf %get3A_1460, %mul3A_1461 : vector<16xf32>
          %swap3A_1463 = arith.constant 1 : i32
          %swap3A_1464 = arith.index_cast %swap3A_1463 : i32 to index
          %swap3A_1465 = arith.index_cast %add3A_1439 : i32 to index
          %swap3A_1466 = arith.constant 16 : index
          %swap3A_1467 = tpu.vector_load %arg11[%swap3A_1464, %swap3A_1465, %swap3A_1466] {strides = array<i32>} : memref<2x128x128xf32, #tpu.memory_space<vmem>>, vector<1x1x16xf32>,
          %swap3A_1468 = vector.shape_cast %swap3A_1467 : vector<1x1x16xf32> to vector<16xf32>
          %swap3A_1469 = vector.shape_cast %mul3A_1462 : vector<16xf32> to vector<1x1x16xf32>
          tpu.vector_store %arg11[%swap3A_1464, %swap3A_1465, %swap3A_1466], %swap3A_1469 {strides = array<i32>} : memref<2x128x128xf32, #tpu.memory_space<vmem>>, vector<1x1x16xf32>,
          %get3A_1470 = arith.constant 1 : i32
          %get3A_1471 = arith.index_cast %get3A_1470 : i32 to index
          %get3A_1472 = arith.index_cast %add3A_1439 : i32 to index
          %get3A_1473 = arith.constant 32 : index
          %get3A_1474 = tpu.vector_load %arg11[%get3A_1471, %get3A_1472, %get3A_1473] {strides = array<i32>} : memref<2x128x128xf32, #tpu.memory_space<vmem>>, vector<1x1x16xf32>,
          %get3A_1475 = vector.shape_cast %get3A_1474 : vector<1x1x16xf32> to vector<16xf32>
          %mul3A_1476 = vector.broadcast %squeeze3A_1435 : f32 to vector<16xf32>
          %mul3A_1477 = arith.mulf %get3A_1475, %mul3A_1476 : vector<16xf32>
          %swap3A_1478 = arith.constant 1 : i32
          %swap3A_1479 = arith.index_cast %swap3A_1478 : i32 to index
          %swap3A_1480 = arith.index_cast %add3A_1439 : i32 to index
          %swap3A_1481 = arith.constant 32 : index
          %swap3A_1482 = tpu.vector_load %arg11[%swap3A_1479, %swap3A_1480, %swap3A_1481] {strides = array<i32>} : memref<2x128x128xf32, #tpu.memory_space<vmem>>, vector<1x1x16xf32>,
          %swap3A_1483 = vector.shape_cast %swap3A_1482 : vector<1x1x16xf32> to vector<16xf32>
          %swap3A_1484 = vector.shape_cast %mul3A_1477 : vector<16xf32> to vector<1x1x16xf32>
          tpu.vector_store %arg11[%swap3A_1479, %swap3A_1480, %swap3A_1481], %swap3A_1484 {strides = array<i32>} : memref<2x128x128xf32, #tpu.memory_space<vmem>>, vector<1x1x16xf32>,
          %get3A_1485 = arith.constant 1 : i32
          %get3A_1486 = arith.index_cast %get3A_1485 : i32 to index
          %get3A_1487 = arith.index_cast %add3A_1439 : i32 to index
          %get3A_1488 = arith.constant 48 : index
          %get3A_1489 = tpu.vector_load %arg11[%get3A_1486, %get3A_1487, %get3A_1488] {strides = array<i32>} : memref<2x128x128xf32, #tpu.memory_space<vmem>>, vector<1x1x16xf32>,
          %get3A_1490 = vector.shape_cast %get3A_1489 : vector<1x1x16xf32> to vector<16xf32>
          %mul3A_1491 = vector.broadcast %squeeze3A_1435 : f32 to vector<16xf32>
          %mul3A_1492 = arith.mulf %get3A_1490, %mul3A_1491 : vector<16xf32>
          %swap3A_1493 = arith.constant 1 : i32
          %swap3A_1494 = arith.index_cast %swap3A_1493 : i32 to index
          %swap3A_1495 = arith.index_cast %add3A_1439 : i32 to index
          %swap3A_1496 = arith.constant 48 : index
          %swap3A_1497 = tpu.vector_load %arg11[%swap3A_1494, %swap3A_1495, %swap3A_1496] {strides = array<i32>} : memref<2x128x128xf32, #tpu.memory_space<vmem>>, vector<1x1x16xf32>,
          %swap3A_1498 = vector.shape_cast %swap3A_1497 : vector<1x1x16xf32> to vector<16xf32>
          %swap3A_1499 = vector.shape_cast %mul3A_1492 : vector<16xf32> to vector<1x1x16xf32>
          tpu.vector_store %arg11[%swap3A_1494, %swap3A_1495, %swap3A_1496], %swap3A_1499 {strides = array<i32>} : memref<2x128x128xf32, #tpu.memory_space<vmem>>, vector<1x1x16xf32>,
          %get3A_1500 = arith.constant 1 : i32
          %get3A_1501 = arith.index_cast %get3A_1500 : i32 to index
          %get3A_1502 = arith.index_cast %add3A_1439 : i32 to index
          %get3A_1503 = arith.constant 64 : index
          %get3A_1504 = tpu.vector_load %arg11[%get3A_1501, %get3A_1502, %get3A_1503] {strides = array<i32>} : memref<2x128x128xf32, #tpu.memory_space<vmem>>, vector<1x1x16xf32>,
          %get3A_1505 = vector.shape_cast %get3A_1504 : vector<1x1x16xf32> to vector<16xf32>
          %mul3A_1506 = vector.broadcast %squeeze3A_1435 : f32 to vector<16xf32>
          %mul3A_1507 = arith.mulf %get3A_1505, %mul3A_1506 : vector<16xf32>
          %swap3A_1508 = arith.constant 1 : i32
          %swap3A_1509 = arith.index_cast %swap3A_1508 : i32 to index
          %swap3A_1510 = arith.index_cast %add3A_1439 : i32 to index
          %swap3A_1511 = arith.constant 64 : index
          %swap3A_1512 = tpu.vector_load %arg11[%swap3A_1509, %swap3A_1510, %swap3A_1511] {strides = array<i32>} : memref<2x128x128xf32, #tpu.memory_space<vmem>>, vector<1x1x16xf32>,
          %swap3A_1513 = vector.shape_cast %swap3A_1512 : vector<1x1x16xf32> to vector<16xf32>
          %swap3A_1514 = vector.shape_cast %mul3A_1507 : vector<16xf32> to vector<1x1x16xf32>
          tpu.vector_store %arg11[%swap3A_1509, %swap3A_1510, %swap3A_1511], %swap3A_1514 {strides = array<i32>} : memref<2x128x128xf32, #tpu.memory_space<vmem>>, vector<1x1x16xf32>,
          %get3A_1515 = arith.constant 1 : i32
          %get3A_1516 = arith.index_cast %get3A_1515 : i32 to index
          %get3A_1517 = arith.index_cast %add3A_1439 : i32 to index
          %get3A_1518 = arith.constant 80 : index
          %get3A_1519 = tpu.vector_load %arg11[%get3A_1516, %get3A_1517, %get3A_1518] {strides = array<i32>} : memref<2x128x128xf32, #tpu.memory_space<vmem>>, vector<1x1x16xf32>,
          %get3A_1520 = vector.shape_cast %get3A_1519 : vector<1x1x16xf32> to vector<16xf32>
          %mul3A_1521 = vector.broadcast %squeeze3A_1435 : f32 to vector<16xf32>
          %mul3A_1522 = arith.mulf %get3A_1520, %mul3A_1521 : vector<16xf32>
          %swap3A_1523 = arith.constant 1 : i32
          %swap3A_1524 = arith.index_cast %swap3A_1523 : i32 to index
          %swap3A_1525 = arith.index_cast %add3A_1439 : i32 to index
          %swap3A_1526 = arith.constant 80 : index
          %swap3A_1527 = tpu.vector_load %arg11[%swap3A_1524, %swap3A_1525, %swap3A_1526] {strides = array<i32>} : memref<2x128x128xf32, #tpu.memory_space<vmem>>, vector<1x1x16xf32>,
          %swap3A_1528 = vector.shape_cast %swap3A_1527 : vector<1x1x16xf32> to vector<16xf32>
          %swap3A_1529 = vector.shape_cast %mul3A_1522 : vector<16xf32> to vector<1x1x16xf32>
          tpu.vector_store %arg11[%swap3A_1524, %swap3A_1525, %swap3A_1526], %swap3A_1529 {strides = array<i32>} : memref<2x128x128xf32, #tpu.memory_space<vmem>>, vector<1x1x16xf32>,
          %get3A_1530 = arith.constant 1 : i32
          %get3A_1531 = arith.index_cast %get3A_1530 : i32 to index
          %get3A_1532 = arith.index_cast %add3A_1439 : i32 to index
          %get3A_1533 = arith.constant 96 : index
          %get3A_1534 = tpu.vector_load %arg11[%get3A_1531, %get3A_1532, %get3A_1533] {strides = array<i32>} : memref<2x128x128xf32, #tpu.memory_space<vmem>>, vector<1x1x16xf32>,
          %get3A_1535 = vector.shape_cast %get3A_1534 : vector<1x1x16xf32> to vector<16xf32>
          %mul3A_1536 = vector.broadcast %squeeze3A_1435 : f32 to vector<16xf32>
          %mul3A_1537 = arith.mulf %get3A_1535, %mul3A_1536 : vector<16xf32>
          %swap3A_1538 = arith.constant 1 : i32
          %swap3A_1539 = arith.index_cast %swap3A_1538 : i32 to index
          %swap3A_1540 = arith.index_cast %add3A_1439 : i32 to index
          %swap3A_1541 = arith.constant 96 : index
          %swap3A_1542 = tpu.vector_load %arg11[%swap3A_1539, %swap3A_1540, %swap3A_1541] {strides = array<i32>} : memref<2x128x128xf32, #tpu.memory_space<vmem>>, vector<1x1x16xf32>,
          %swap3A_1543 = vector.shape_cast %swap3A_1542 : vector<1x1x16xf32> to vector<16xf32>
          %swap3A_1544 = vector.shape_cast %mul3A_1537 : vector<16xf32> to vector<1x1x16xf32>
          tpu.vector_store %arg11[%swap3A_1539, %swap3A_1540, %swap3A_1541], %swap3A_1544 {strides = array<i32>} : memref<2x128x128xf32, #tpu.memory_space<vmem>>, vector<1x1x16xf32>,
          %get3A_1545 = arith.constant 1 : i32
          %get3A_1546 = arith.index_cast %get3A_1545 : i32 to index
          %get3A_1547 = arith.index_cast %add3A_1439 : i32 to index
          %get3A_1548 = arith.constant 112 : index
          %get3A_1549 = tpu.vector_load %arg11[%get3A_1546, %get3A_1547, %get3A_1548] {strides = array<i32>} : memref<2x128x128xf32, #tpu.memory_space<vmem>>, vector<1x1x16xf32>,
          %get3A_1550 = vector.shape_cast %get3A_1549 : vector<1x1x16xf32> to vector<16xf32>
          %mul3A_1551 = vector.broadcast %squeeze3A_1435 : f32 to vector<16xf32>
          %mul3A_1552 = arith.mulf %get3A_1550, %mul3A_1551 : vector<16xf32>
          %swap3A_1553 = arith.constant 1 : i32
          %swap3A_1554 = arith.index_cast %swap3A_1553 : i32 to index
          %swap3A_1555 = arith.index_cast %add3A_1439 : i32 to index
          %swap3A_1556 = arith.constant 112 : index
          %swap3A_1557 = tpu.vector_load %arg11[%swap3A_1554, %swap3A_1555, %swap3A_1556] {strides = array<i32>} : memref<2x128x128xf32, #tpu.memory_space<vmem>>, vector<1x1x16xf32>,
          %swap3A_1558 = vector.shape_cast %swap3A_1557 : vector<1x1x16xf32> to vector<16xf32>
          %swap3A_1559 = vector.shape_cast %mul3A_1552 : vector<16xf32> to vector<1x1x16xf32>
          tpu.vector_store %arg11[%swap3A_1554, %swap3A_1555, %swap3A_1556], %swap3A_1559 {strides = array<i32>} : memref<2x128x128xf32, #tpu.memory_space<vmem>>, vector<1x1x16xf32>,
          %slice3A_1560 = vector.extract_strided_slice %get3A_176 {offsets = [11], sizes = [1], strides = [1]} : vector<16xf32> to vector<1xf32>
          %squeeze3A_1561 = vector.extract %slice3A_1560[0] : f32 from vector<1xf32>
          %mul3A_1562 = arith.constant 16 : i32
          %mul3A_1563 = arith.muli %scan3A_170, %mul3A_1562 : i32
          %add3A_1564 = arith.constant 11 : i32
          %add3A_1565 = arith.addi %mul3A_1563, %add3A_1564 : i32
          %get3A_1566 = arith.constant 1 : i32
          %get3A_1567 = arith.index_cast %get3A_1566 : i32 to index
          %get3A_1568 = arith.index_cast %add3A_1565 : i32 to index
          %get3A_1569 = arith.constant 0 : index
          %get3A_1570 = tpu.vector_load %arg11[%get3A_1567, %get3A_1568, %get3A_1569] {strides = array<i32>} : memref<2x128x128xf32, #tpu.memory_space<vmem>>, vector<1x1x16xf32>,
          %get3A_1571 = vector.shape_cast %get3A_1570 : vector<1x1x16xf32> to vector<16xf32>
          %mul3A_1572 = vector.broadcast %squeeze3A_1561 : f32 to vector<16xf32>
          %mul3A_1573 = arith.mulf %get3A_1571, %mul3A_1572 : vector<16xf32>
          %swap3A_1574 = arith.constant 1 : i32
          %swap3A_1575 = arith.index_cast %swap3A_1574 : i32 to index
          %swap3A_1576 = arith.index_cast %add3A_1565 : i32 to index
          %swap3A_1577 = arith.constant 0 : index
          %swap3A_1578 = tpu.vector_load %arg11[%swap3A_1575, %swap3A_1576, %swap3A_1577] {strides = array<i32>} : memref<2x128x128xf32, #tpu.memory_space<vmem>>, vector<1x1x16xf32>,
          %swap3A_1579 = vector.shape_cast %swap3A_1578 : vector<1x1x16xf32> to vector<16xf32>
          %swap3A_1580 = vector.shape_cast %mul3A_1573 : vector<16xf32> to vector<1x1x16xf32>
          tpu.vector_store %arg11[%swap3A_1575, %swap3A_1576, %swap3A_1577], %swap3A_1580 {strides = array<i32>} : memref<2x128x128xf32, #tpu.memory_space<vmem>>, vector<1x1x16xf32>,
          %get3A_1581 = arith.constant 1 : i32
          %get3A_1582 = arith.index_cast %get3A_1581 : i32 to index
          %get3A_1583 = arith.index_cast %add3A_1565 : i32 to index
          %get3A_1584 = arith.constant 16 : index
          %get3A_1585 = tpu.vector_load %arg11[%get3A_1582, %get3A_1583, %get3A_1584] {strides = array<i32>} : memref<2x128x128xf32, #tpu.memory_space<vmem>>, vector<1x1x16xf32>,
          %get3A_1586 = vector.shape_cast %get3A_1585 : vector<1x1x16xf32> to vector<16xf32>
          %mul3A_1587 = vector.broadcast %squeeze3A_1561 : f32 to vector<16xf32>
          %mul3A_1588 = arith.mulf %get3A_1586, %mul3A_1587 : vector<16xf32>
          %swap3A_1589 = arith.constant 1 : i32
          %swap3A_1590 = arith.index_cast %swap3A_1589 : i32 to index
          %swap3A_1591 = arith.index_cast %add3A_1565 : i32 to index
          %swap3A_1592 = arith.constant 16 : index
          %swap3A_1593 = tpu.vector_load %arg11[%swap3A_1590, %swap3A_1591, %swap3A_1592] {strides = array<i32>} : memref<2x128x128xf32, #tpu.memory_space<vmem>>, vector<1x1x16xf32>,
          %swap3A_1594 = vector.shape_cast %swap3A_1593 : vector<1x1x16xf32> to vector<16xf32>
          %swap3A_1595 = vector.shape_cast %mul3A_1588 : vector<16xf32> to vector<1x1x16xf32>
          tpu.vector_store %arg11[%swap3A_1590, %swap3A_1591, %swap3A_1592], %swap3A_1595 {strides = array<i32>} : memref<2x128x128xf32, #tpu.memory_space<vmem>>, vector<1x1x16xf32>,
          %get3A_1596 = arith.constant 1 : i32
          %get3A_1597 = arith.index_cast %get3A_1596 : i32 to index
          %get3A_1598 = arith.index_cast %add3A_1565 : i32 to index
          %get3A_1599 = arith.constant 32 : index
          %get3A_1600 = tpu.vector_load %arg11[%get3A_1597, %get3A_1598, %get3A_1599] {strides = array<i32>} : memref<2x128x128xf32, #tpu.memory_space<vmem>>, vector<1x1x16xf32>,
          %get3A_1601 = vector.shape_cast %get3A_1600 : vector<1x1x16xf32> to vector<16xf32>
          %mul3A_1602 = vector.broadcast %squeeze3A_1561 : f32 to vector<16xf32>
          %mul3A_1603 = arith.mulf %get3A_1601, %mul3A_1602 : vector<16xf32>
          %swap3A_1604 = arith.constant 1 : i32
          %swap3A_1605 = arith.index_cast %swap3A_1604 : i32 to index
          %swap3A_1606 = arith.index_cast %add3A_1565 : i32 to index
          %swap3A_1607 = arith.constant 32 : index
          %swap3A_1608 = tpu.vector_load %arg11[%swap3A_1605, %swap3A_1606, %swap3A_1607] {strides = array<i32>} : memref<2x128x128xf32, #tpu.memory_space<vmem>>, vector<1x1x16xf32>,
          %swap3A_1609 = vector.shape_cast %swap3A_1608 : vector<1x1x16xf32> to vector<16xf32>
          %swap3A_1610 = vector.shape_cast %mul3A_1603 : vector<16xf32> to vector<1x1x16xf32>
          tpu.vector_store %arg11[%swap3A_1605, %swap3A_1606, %swap3A_1607], %swap3A_1610 {strides = array<i32>} : memref<2x128x128xf32, #tpu.memory_space<vmem>>, vector<1x1x16xf32>,
          %get3A_1611 = arith.constant 1 : i32
          %get3A_1612 = arith.index_cast %get3A_1611 : i32 to index
          %get3A_1613 = arith.index_cast %add3A_1565 : i32 to index
          %get3A_1614 = arith.constant 48 : index
          %get3A_1615 = tpu.vector_load %arg11[%get3A_1612, %get3A_1613, %get3A_1614] {strides = array<i32>} : memref<2x128x128xf32, #tpu.memory_space<vmem>>, vector<1x1x16xf32>,
          %get3A_1616 = vector.shape_cast %get3A_1615 : vector<1x1x16xf32> to vector<16xf32>
          %mul3A_1617 = vector.broadcast %squeeze3A_1561 : f32 to vector<16xf32>
          %mul3A_1618 = arith.mulf %get3A_1616, %mul3A_1617 : vector<16xf32>
          %swap3A_1619 = arith.constant 1 : i32
          %swap3A_1620 = arith.index_cast %swap3A_1619 : i32 to index
          %swap3A_1621 = arith.index_cast %add3A_1565 : i32 to index
          %swap3A_1622 = arith.constant 48 : index
          %swap3A_1623 = tpu.vector_load %arg11[%swap3A_1620, %swap3A_1621, %swap3A_1622] {strides = array<i32>} : memref<2x128x128xf32, #tpu.memory_space<vmem>>, vector<1x1x16xf32>,
          %swap3A_1624 = vector.shape_cast %swap3A_1623 : vector<1x1x16xf32> to vector<16xf32>
          %swap3A_1625 = vector.shape_cast %mul3A_1618 : vector<16xf32> to vector<1x1x16xf32>
          tpu.vector_store %arg11[%swap3A_1620, %swap3A_1621, %swap3A_1622], %swap3A_1625 {strides = array<i32>} : memref<2x128x128xf32, #tpu.memory_space<vmem>>, vector<1x1x16xf32>,
          %get3A_1626 = arith.constant 1 : i32
          %get3A_1627 = arith.index_cast %get3A_1626 : i32 to index
          %get3A_1628 = arith.index_cast %add3A_1565 : i32 to index
          %get3A_1629 = arith.constant 64 : index
          %get3A_1630 = tpu.vector_load %arg11[%get3A_1627, %get3A_1628, %get3A_1629] {strides = array<i32>} : memref<2x128x128xf32, #tpu.memory_space<vmem>>, vector<1x1x16xf32>,
          %get3A_1631 = vector.shape_cast %get3A_1630 : vector<1x1x16xf32> to vector<16xf32>
          %mul3A_1632 = vector.broadcast %squeeze3A_1561 : f32 to vector<16xf32>
          %mul3A_1633 = arith.mulf %get3A_1631, %mul3A_1632 : vector<16xf32>
          %swap3A_1634 = arith.constant 1 : i32
          %swap3A_1635 = arith.index_cast %swap3A_1634 : i32 to index
          %swap3A_1636 = arith.index_cast %add3A_1565 : i32 to index
          %swap3A_1637 = arith.constant 64 : index
          %swap3A_1638 = tpu.vector_load %arg11[%swap3A_1635, %swap3A_1636, %swap3A_1637] {strides = array<i32>} : memref<2x128x128xf32, #tpu.memory_space<vmem>>, vector<1x1x16xf32>,
          %swap3A_1639 = vector.shape_cast %swap3A_1638 : vector<1x1x16xf32> to vector<16xf32>
          %swap3A_1640 = vector.shape_cast %mul3A_1633 : vector<16xf32> to vector<1x1x16xf32>
          tpu.vector_store %arg11[%swap3A_1635, %swap3A_1636, %swap3A_1637], %swap3A_1640 {strides = array<i32>} : memref<2x128x128xf32, #tpu.memory_space<vmem>>, vector<1x1x16xf32>,
          %get3A_1641 = arith.constant 1 : i32
          %get3A_1642 = arith.index_cast %get3A_1641 : i32 to index
          %get3A_1643 = arith.index_cast %add3A_1565 : i32 to index
          %get3A_1644 = arith.constant 80 : index
          %get3A_1645 = tpu.vector_load %arg11[%get3A_1642, %get3A_1643, %get3A_1644] {strides = array<i32>} : memref<2x128x128xf32, #tpu.memory_space<vmem>>, vector<1x1x16xf32>,
          %get3A_1646 = vector.shape_cast %get3A_1645 : vector<1x1x16xf32> to vector<16xf32>
          %mul3A_1647 = vector.broadcast %squeeze3A_1561 : f32 to vector<16xf32>
          %mul3A_1648 = arith.mulf %get3A_1646, %mul3A_1647 : vector<16xf32>
          %swap3A_1649 = arith.constant 1 : i32
          %swap3A_1650 = arith.index_cast %swap3A_1649 : i32 to index
          %swap3A_1651 = arith.index_cast %add3A_1565 : i32 to index
          %swap3A_1652 = arith.constant 80 : index
          %swap3A_1653 = tpu.vector_load %arg11[%swap3A_1650, %swap3A_1651, %swap3A_1652] {strides = array<i32>} : memref<2x128x128xf32, #tpu.memory_space<vmem>>, vector<1x1x16xf32>,
          %swap3A_1654 = vector.shape_cast %swap3A_1653 : vector<1x1x16xf32> to vector<16xf32>
          %swap3A_1655 = vector.shape_cast %mul3A_1648 : vector<16xf32> to vector<1x1x16xf32>
          tpu.vector_store %arg11[%swap3A_1650, %swap3A_1651, %swap3A_1652], %swap3A_1655 {strides = array<i32>} : memref<2x128x128xf32, #tpu.memory_space<vmem>>, vector<1x1x16xf32>,
          %get3A_1656 = arith.constant 1 : i32
          %get3A_1657 = arith.index_cast %get3A_1656 : i32 to index
          %get3A_1658 = arith.index_cast %add3A_1565 : i32 to index
          %get3A_1659 = arith.constant 96 : index
          %get3A_1660 = tpu.vector_load %arg11[%get3A_1657, %get3A_1658, %get3A_1659] {strides = array<i32>} : memref<2x128x128xf32, #tpu.memory_space<vmem>>, vector<1x1x16xf32>,
          %get3A_1661 = vector.shape_cast %get3A_1660 : vector<1x1x16xf32> to vector<16xf32>
          %mul3A_1662 = vector.broadcast %squeeze3A_1561 : f32 to vector<16xf32>
          %mul3A_1663 = arith.mulf %get3A_1661, %mul3A_1662 : vector<16xf32>
          %swap3A_1664 = arith.constant 1 : i32
          %swap3A_1665 = arith.index_cast %swap3A_1664 : i32 to index
          %swap3A_1666 = arith.index_cast %add3A_1565 : i32 to index
          %swap3A_1667 = arith.constant 96 : index
          %swap3A_1668 = tpu.vector_load %arg11[%swap3A_1665, %swap3A_1666, %swap3A_1667] {strides = array<i32>} : memref<2x128x128xf32, #tpu.memory_space<vmem>>, vector<1x1x16xf32>,
          %swap3A_1669 = vector.shape_cast %swap3A_1668 : vector<1x1x16xf32> to vector<16xf32>
          %swap3A_1670 = vector.shape_cast %mul3A_1663 : vector<16xf32> to vector<1x1x16xf32>
          tpu.vector_store %arg11[%swap3A_1665, %swap3A_1666, %swap3A_1667], %swap3A_1670 {strides = array<i32>} : memref<2x128x128xf32, #tpu.memory_space<vmem>>, vector<1x1x16xf32>,
          %get3A_1671 = arith.constant 1 : i32
          %get3A_1672 = arith.index_cast %get3A_1671 : i32 to index
          %get3A_1673 = arith.index_cast %add3A_1565 : i32 to index
          %get3A_1674 = arith.constant 112 : index
          %get3A_1675 = tpu.vector_load %arg11[%get3A_1672, %get3A_1673, %get3A_1674] {strides = array<i32>} : memref<2x128x128xf32, #tpu.memory_space<vmem>>, vector<1x1x16xf32>,
          %get3A_1676 = vector.shape_cast %get3A_1675 : vector<1x1x16xf32> to vector<16xf32>
          %mul3A_1677 = vector.broadcast %squeeze3A_1561 : f32 to vector<16xf32>
          %mul3A_1678 = arith.mulf %get3A_1676, %mul3A_1677 : vector<16xf32>
          %swap3A_1679 = arith.constant 1 : i32
          %swap3A_1680 = arith.index_cast %swap3A_1679 : i32 to index
          %swap3A_1681 = arith.index_cast %add3A_1565 : i32 to index
          %swap3A_1682 = arith.constant 112 : index
          %swap3A_1683 = tpu.vector_load %arg11[%swap3A_1680, %swap3A_1681, %swap3A_1682] {strides = array<i32>} : memref<2x128x128xf32, #tpu.memory_space<vmem>>, vector<1x1x16xf32>,
          %swap3A_1684 = vector.shape_cast %swap3A_1683 : vector<1x1x16xf32> to vector<16xf32>
          %swap3A_1685 = vector.shape_cast %mul3A_1678 : vector<16xf32> to vector<1x1x16xf32>
          tpu.vector_store %arg11[%swap3A_1680, %swap3A_1681, %swap3A_1682], %swap3A_1685 {strides = array<i32>} : memref<2x128x128xf32, #tpu.memory_space<vmem>>, vector<1x1x16xf32>,
          %slice3A_1686 = vector.extract_strided_slice %get3A_176 {offsets = [12], sizes = [1], strides = [1]} : vector<16xf32> to vector<1xf32>
          %squeeze3A_1687 = vector.extract %slice3A_1686[0] : f32 from vector<1xf32>
          %mul3A_1688 = arith.constant 16 : i32
          %mul3A_1689 = arith.muli %scan3A_170, %mul3A_1688 : i32
          %add3A_1690 = arith.constant 12 : i32
          %add3A_1691 = arith.addi %mul3A_1689, %add3A_1690 : i32
          %get3A_1692 = arith.constant 1 : i32
          %get3A_1693 = arith.index_cast %get3A_1692 : i32 to index
          %get3A_1694 = arith.index_cast %add3A_1691 : i32 to index
          %get3A_1695 = arith.constant 0 : index
          %get3A_1696 = tpu.vector_load %arg11[%get3A_1693, %get3A_1694, %get3A_1695] {strides = array<i32>} : memref<2x128x128xf32, #tpu.memory_space<vmem>>, vector<1x1x16xf32>,
          %get3A_1697 = vector.shape_cast %get3A_1696 : vector<1x1x16xf32> to vector<16xf32>
          %mul3A_1698 = vector.broadcast %squeeze3A_1687 : f32 to vector<16xf32>
          %mul3A_1699 = arith.mulf %get3A_1697, %mul3A_1698 : vector<16xf32>
          %swap3A_1700 = arith.constant 1 : i32
          %swap3A_1701 = arith.index_cast %swap3A_1700 : i32 to index
          %swap3A_1702 = arith.index_cast %add3A_1691 : i32 to index
          %swap3A_1703 = arith.constant 0 : index
          %swap3A_1704 = tpu.vector_load %arg11[%swap3A_1701, %swap3A_1702, %swap3A_1703] {strides = array<i32>} : memref<2x128x128xf32, #tpu.memory_space<vmem>>, vector<1x1x16xf32>,
          %swap3A_1705 = vector.shape_cast %swap3A_1704 : vector<1x1x16xf32> to vector<16xf32>
          %swap3A_1706 = vector.shape_cast %mul3A_1699 : vector<16xf32> to vector<1x1x16xf32>
          tpu.vector_store %arg11[%swap3A_1701, %swap3A_1702, %swap3A_1703], %swap3A_1706 {strides = array<i32>} : memref<2x128x128xf32, #tpu.memory_space<vmem>>, vector<1x1x16xf32>,
          %get3A_1707 = arith.constant 1 : i32
          %get3A_1708 = arith.index_cast %get3A_1707 : i32 to index
          %get3A_1709 = arith.index_cast %add3A_1691 : i32 to index
          %get3A_1710 = arith.constant 16 : index
          %get3A_1711 = tpu.vector_load %arg11[%get3A_1708, %get3A_1709, %get3A_1710] {strides = array<i32>} : memref<2x128x128xf32, #tpu.memory_space<vmem>>, vector<1x1x16xf32>,
          %get3A_1712 = vector.shape_cast %get3A_1711 : vector<1x1x16xf32> to vector<16xf32>
          %mul3A_1713 = vector.broadcast %squeeze3A_1687 : f32 to vector<16xf32>
          %mul3A_1714 = arith.mulf %get3A_1712, %mul3A_1713 : vector<16xf32>
          %swap3A_1715 = arith.constant 1 : i32
          %swap3A_1716 = arith.index_cast %swap3A_1715 : i32 to index
          %swap3A_1717 = arith.index_cast %add3A_1691 : i32 to index
          %swap3A_1718 = arith.constant 16 : index
          %swap3A_1719 = tpu.vector_load %arg11[%swap3A_1716, %swap3A_1717, %swap3A_1718] {strides = array<i32>} : memref<2x128x128xf32, #tpu.memory_space<vmem>>, vector<1x1x16xf32>,
          %swap3A_1720 = vector.shape_cast %swap3A_1719 : vector<1x1x16xf32> to vector<16xf32>
          %swap3A_1721 = vector.shape_cast %mul3A_1714 : vector<16xf32> to vector<1x1x16xf32>
          tpu.vector_store %arg11[%swap3A_1716, %swap3A_1717, %swap3A_1718], %swap3A_1721 {strides = array<i32>} : memref<2x128x128xf32, #tpu.memory_space<vmem>>, vector<1x1x16xf32>,
          %get3A_1722 = arith.constant 1 : i32
          %get3A_1723 = arith.index_cast %get3A_1722 : i32 to index
          %get3A_1724 = arith.index_cast %add3A_1691 : i32 to index
          %get3A_1725 = arith.constant 32 : index
          %get3A_1726 = tpu.vector_load %arg11[%get3A_1723, %get3A_1724, %get3A_1725] {strides = array<i32>} : memref<2x128x128xf32, #tpu.memory_space<vmem>>, vector<1x1x16xf32>,
          %get3A_1727 = vector.shape_cast %get3A_1726 : vector<1x1x16xf32> to vector<16xf32>
          %mul3A_1728 = vector.broadcast %squeeze3A_1687 : f32 to vector<16xf32>
          %mul3A_1729 = arith.mulf %get3A_1727, %mul3A_1728 : vector<16xf32>
          %swap3A_1730 = arith.constant 1 : i32
          %swap3A_1731 = arith.index_cast %swap3A_1730 : i32 to index
          %swap3A_1732 = arith.index_cast %add3A_1691 : i32 to index
          %swap3A_1733 = arith.constant 32 : index
          %swap3A_1734 = tpu.vector_load %arg11[%swap3A_1731, %swap3A_1732, %swap3A_1733] {strides = array<i32>} : memref<2x128x128xf32, #tpu.memory_space<vmem>>, vector<1x1x16xf32>,
          %swap3A_1735 = vector.shape_cast %swap3A_1734 : vector<1x1x16xf32> to vector<16xf32>
          %swap3A_1736 = vector.shape_cast %mul3A_1729 : vector<16xf32> to vector<1x1x16xf32>
          tpu.vector_store %arg11[%swap3A_1731, %swap3A_1732, %swap3A_1733], %swap3A_1736 {strides = array<i32>} : memref<2x128x128xf32, #tpu.memory_space<vmem>>, vector<1x1x16xf32>,
          %get3A_1737 = arith.constant 1 : i32
          %get3A_1738 = arith.index_cast %get3A_1737 : i32 to index
          %get3A_1739 = arith.index_cast %add3A_1691 : i32 to index
          %get3A_1740 = arith.constant 48 : index
          %get3A_1741 = tpu.vector_load %arg11[%get3A_1738, %get3A_1739, %get3A_1740] {strides = array<i32>} : memref<2x128x128xf32, #tpu.memory_space<vmem>>, vector<1x1x16xf32>,
          %get3A_1742 = vector.shape_cast %get3A_1741 : vector<1x1x16xf32> to vector<16xf32>
          %mul3A_1743 = vector.broadcast %squeeze3A_1687 : f32 to vector<16xf32>
          %mul3A_1744 = arith.mulf %get3A_1742, %mul3A_1743 : vector<16xf32>
          %swap3A_1745 = arith.constant 1 : i32
          %swap3A_1746 = arith.index_cast %swap3A_1745 : i32 to index
          %swap3A_1747 = arith.index_cast %add3A_1691 : i32 to index
          %swap3A_1748 = arith.constant 48 : index
          %swap3A_1749 = tpu.vector_load %arg11[%swap3A_1746, %swap3A_1747, %swap3A_1748] {strides = array<i32>} : memref<2x128x128xf32, #tpu.memory_space<vmem>>, vector<1x1x16xf32>,
          %swap3A_1750 = vector.shape_cast %swap3A_1749 : vector<1x1x16xf32> to vector<16xf32>
          %swap3A_1751 = vector.shape_cast %mul3A_1744 : vector<16xf32> to vector<1x1x16xf32>
          tpu.vector_store %arg11[%swap3A_1746, %swap3A_1747, %swap3A_1748], %swap3A_1751 {strides = array<i32>} : memref<2x128x128xf32, #tpu.memory_space<vmem>>, vector<1x1x16xf32>,
          %get3A_1752 = arith.constant 1 : i32
          %get3A_1753 = arith.index_cast %get3A_1752 : i32 to index
          %get3A_1754 = arith.index_cast %add3A_1691 : i32 to index
          %get3A_1755 = arith.constant 64 : index
          %get3A_1756 = tpu.vector_load %arg11[%get3A_1753, %get3A_1754, %get3A_1755] {strides = array<i32>} : memref<2x128x128xf32, #tpu.memory_space<vmem>>, vector<1x1x16xf32>,
          %get3A_1757 = vector.shape_cast %get3A_1756 : vector<1x1x16xf32> to vector<16xf32>
          %mul3A_1758 = vector.broadcast %squeeze3A_1687 : f32 to vector<16xf32>
          %mul3A_1759 = arith.mulf %get3A_1757, %mul3A_1758 : vector<16xf32>
          %swap3A_1760 = arith.constant 1 : i32
          %swap3A_1761 = arith.index_cast %swap3A_1760 : i32 to index
          %swap3A_1762 = arith.index_cast %add3A_1691 : i32 to index
          %swap3A_1763 = arith.constant 64 : index
          %swap3A_1764 = tpu.vector_load %arg11[%swap3A_1761, %swap3A_1762, %swap3A_1763] {strides = array<i32>} : memref<2x128x128xf32, #tpu.memory_space<vmem>>, vector<1x1x16xf32>,
          %swap3A_1765 = vector.shape_cast %swap3A_1764 : vector<1x1x16xf32> to vector<16xf32>
          %swap3A_1766 = vector.shape_cast %mul3A_1759 : vector<16xf32> to vector<1x1x16xf32>
          tpu.vector_store %arg11[%swap3A_1761, %swap3A_1762, %swap3A_1763], %swap3A_1766 {strides = array<i32>} : memref<2x128x128xf32, #tpu.memory_space<vmem>>, vector<1x1x16xf32>,
          %get3A_1767 = arith.constant 1 : i32
          %get3A_1768 = arith.index_cast %get3A_1767 : i32 to index
          %get3A_1769 = arith.index_cast %add3A_1691 : i32 to index
          %get3A_1770 = arith.constant 80 : index
          %get3A_1771 = tpu.vector_load %arg11[%get3A_1768, %get3A_1769, %get3A_1770] {strides = array<i32>} : memref<2x128x128xf32, #tpu.memory_space<vmem>>, vector<1x1x16xf32>,
          %get3A_1772 = vector.shape_cast %get3A_1771 : vector<1x1x16xf32> to vector<16xf32>
          %mul3A_1773 = vector.broadcast %squeeze3A_1687 : f32 to vector<16xf32>
          %mul3A_1774 = arith.mulf %get3A_1772, %mul3A_1773 : vector<16xf32>
          %swap3A_1775 = arith.constant 1 : i32
          %swap3A_1776 = arith.index_cast %swap3A_1775 : i32 to index
          %swap3A_1777 = arith.index_cast %add3A_1691 : i32 to index
          %swap3A_1778 = arith.constant 80 : index
          %swap3A_1779 = tpu.vector_load %arg11[%swap3A_1776, %swap3A_1777, %swap3A_1778] {strides = array<i32>} : memref<2x128x128xf32, #tpu.memory_space<vmem>>, vector<1x1x16xf32>,
          %swap3A_1780 = vector.shape_cast %swap3A_1779 : vector<1x1x16xf32> to vector<16xf32>
          %swap3A_1781 = vector.shape_cast %mul3A_1774 : vector<16xf32> to vector<1x1x16xf32>
          tpu.vector_store %arg11[%swap3A_1776, %swap3A_1777, %swap3A_1778], %swap3A_1781 {strides = array<i32>} : memref<2x128x128xf32, #tpu.memory_space<vmem>>, vector<1x1x16xf32>,
          %get3A_1782 = arith.constant 1 : i32
          %get3A_1783 = arith.index_cast %get3A_1782 : i32 to index
          %get3A_1784 = arith.index_cast %add3A_1691 : i32 to index
          %get3A_1785 = arith.constant 96 : index
          %get3A_1786 = tpu.vector_load %arg11[%get3A_1783, %get3A_1784, %get3A_1785] {strides = array<i32>} : memref<2x128x128xf32, #tpu.memory_space<vmem>>, vector<1x1x16xf32>,
          %get3A_1787 = vector.shape_cast %get3A_1786 : vector<1x1x16xf32> to vector<16xf32>
          %mul3A_1788 = vector.broadcast %squeeze3A_1687 : f32 to vector<16xf32>
          %mul3A_1789 = arith.mulf %get3A_1787, %mul3A_1788 : vector<16xf32>
          %swap3A_1790 = arith.constant 1 : i32
          %swap3A_1791 = arith.index_cast %swap3A_1790 : i32 to index
          %swap3A_1792 = arith.index_cast %add3A_1691 : i32 to index
          %swap3A_1793 = arith.constant 96 : index
          %swap3A_1794 = tpu.vector_load %arg11[%swap3A_1791, %swap3A_1792, %swap3A_1793] {strides = array<i32>} : memref<2x128x128xf32, #tpu.memory_space<vmem>>, vector<1x1x16xf32>,
          %swap3A_1795 = vector.shape_cast %swap3A_1794 : vector<1x1x16xf32> to vector<16xf32>
          %swap3A_1796 = vector.shape_cast %mul3A_1789 : vector<16xf32> to vector<1x1x16xf32>
          tpu.vector_store %arg11[%swap3A_1791, %swap3A_1792, %swap3A_1793], %swap3A_1796 {strides = array<i32>} : memref<2x128x128xf32, #tpu.memory_space<vmem>>, vector<1x1x16xf32>,
          %get3A_1797 = arith.constant 1 : i32
          %get3A_1798 = arith.index_cast %get3A_1797 : i32 to index
          %get3A_1799 = arith.index_cast %add3A_1691 : i32 to index
          %get3A_1800 = arith.constant 112 : index
          %get3A_1801 = tpu.vector_load %arg11[%get3A_1798, %get3A_1799, %get3A_1800] {strides = array<i32>} : memref<2x128x128xf32, #tpu.memory_space<vmem>>, vector<1x1x16xf32>,
          %get3A_1802 = vector.shape_cast %get3A_1801 : vector<1x1x16xf32> to vector<16xf32>
          %mul3A_1803 = vector.broadcast %squeeze3A_1687 : f32 to vector<16xf32>
          %mul3A_1804 = arith.mulf %get3A_1802, %mul3A_1803 : vector<16xf32>
          %swap3A_1805 = arith.constant 1 : i32
          %swap3A_1806 = arith.index_cast %swap3A_1805 : i32 to index
          %swap3A_1807 = arith.index_cast %add3A_1691 : i32 to index
          %swap3A_1808 = arith.constant 112 : index
          %swap3A_1809 = tpu.vector_load %arg11[%swap3A_1806, %swap3A_1807, %swap3A_1808] {strides = array<i32>} : memref<2x128x128xf32, #tpu.memory_space<vmem>>, vector<1x1x16xf32>,
          %swap3A_1810 = vector.shape_cast %swap3A_1809 : vector<1x1x16xf32> to vector<16xf32>
          %swap3A_1811 = vector.shape_cast %mul3A_1804 : vector<16xf32> to vector<1x1x16xf32>
          tpu.vector_store %arg11[%swap3A_1806, %swap3A_1807, %swap3A_1808], %swap3A_1811 {strides = array<i32>} : memref<2x128x128xf32, #tpu.memory_space<vmem>>, vector<1x1x16xf32>,
          %slice3A_1812 = vector.extract_strided_slice %get3A_176 {offsets = [13], sizes = [1], strides = [1]} : vector<16xf32> to vector<1xf32>
          %squeeze3A_1813 = vector.extract %slice3A_1812[0] : f32 from vector<1xf32>
          %mul3A_1814 = arith.constant 16 : i32
          %mul3A_1815 = arith.muli %scan3A_170, %mul3A_1814 : i32
          %add3A_1816 = arith.constant 13 : i32
          %add3A_1817 = arith.addi %mul3A_1815, %add3A_1816 : i32
          %get3A_1818 = arith.constant 1 : i32
          %get3A_1819 = arith.index_cast %get3A_1818 : i32 to index
          %get3A_1820 = arith.index_cast %add3A_1817 : i32 to index
          %get3A_1821 = arith.constant 0 : index
          %get3A_1822 = tpu.vector_load %arg11[%get3A_1819, %get3A_1820, %get3A_1821] {strides = array<i32>} : memref<2x128x128xf32, #tpu.memory_space<vmem>>, vector<1x1x16xf32>,
          %get3A_1823 = vector.shape_cast %get3A_1822 : vector<1x1x16xf32> to vector<16xf32>
          %mul3A_1824 = vector.broadcast %squeeze3A_1813 : f32 to vector<16xf32>
          %mul3A_1825 = arith.mulf %get3A_1823, %mul3A_1824 : vector<16xf32>
          %swap3A_1826 = arith.constant 1 : i32
          %swap3A_1827 = arith.index_cast %swap3A_1826 : i32 to index
          %swap3A_1828 = arith.index_cast %add3A_1817 : i32 to index
          %swap3A_1829 = arith.constant 0 : index
          %swap3A_1830 = tpu.vector_load %arg11[%swap3A_1827, %swap3A_1828, %swap3A_1829] {strides = array<i32>} : memref<2x128x128xf32, #tpu.memory_space<vmem>>, vector<1x1x16xf32>,
          %swap3A_1831 = vector.shape_cast %swap3A_1830 : vector<1x1x16xf32> to vector<16xf32>
          %swap3A_1832 = vector.shape_cast %mul3A_1825 : vector<16xf32> to vector<1x1x16xf32>
          tpu.vector_store %arg11[%swap3A_1827, %swap3A_1828, %swap3A_1829], %swap3A_1832 {strides = array<i32>} : memref<2x128x128xf32, #tpu.memory_space<vmem>>, vector<1x1x16xf32>,
          %get3A_1833 = arith.constant 1 : i32
          %get3A_1834 = arith.index_cast %get3A_1833 : i32 to index
          %get3A_1835 = arith.index_cast %add3A_1817 : i32 to index
          %get3A_1836 = arith.constant 16 : index
          %get3A_1837 = tpu.vector_load %arg11[%get3A_1834, %get3A_1835, %get3A_1836] {strides = array<i32>} : memref<2x128x128xf32, #tpu.memory_space<vmem>>, vector<1x1x16xf32>,
          %get3A_1838 = vector.shape_cast %get3A_1837 : vector<1x1x16xf32> to vector<16xf32>
          %mul3A_1839 = vector.broadcast %squeeze3A_1813 : f32 to vector<16xf32>
          %mul3A_1840 = arith.mulf %get3A_1838, %mul3A_1839 : vector<16xf32>
          %swap3A_1841 = arith.constant 1 : i32
          %swap3A_1842 = arith.index_cast %swap3A_1841 : i32 to index
          %swap3A_1843 = arith.index_cast %add3A_1817 : i32 to index
          %swap3A_1844 = arith.constant 16 : index
          %swap3A_1845 = tpu.vector_load %arg11[%swap3A_1842, %swap3A_1843, %swap3A_1844] {strides = array<i32>} : memref<2x128x128xf32, #tpu.memory_space<vmem>>, vector<1x1x16xf32>,
          %swap3A_1846 = vector.shape_cast %swap3A_1845 : vector<1x1x16xf32> to vector<16xf32>
          %swap3A_1847 = vector.shape_cast %mul3A_1840 : vector<16xf32> to vector<1x1x16xf32>
          tpu.vector_store %arg11[%swap3A_1842, %swap3A_1843, %swap3A_1844], %swap3A_1847 {strides = array<i32>} : memref<2x128x128xf32, #tpu.memory_space<vmem>>, vector<1x1x16xf32>,
          %get3A_1848 = arith.constant 1 : i32
          %get3A_1849 = arith.index_cast %get3A_1848 : i32 to index
          %get3A_1850 = arith.index_cast %add3A_1817 : i32 to index
          %get3A_1851 = arith.constant 32 : index
          %get3A_1852 = tpu.vector_load %arg11[%get3A_1849, %get3A_1850, %get3A_1851] {strides = array<i32>} : memref<2x128x128xf32, #tpu.memory_space<vmem>>, vector<1x1x16xf32>,
          %get3A_1853 = vector.shape_cast %get3A_1852 : vector<1x1x16xf32> to vector<16xf32>
          %mul3A_1854 = vector.broadcast %squeeze3A_1813 : f32 to vector<16xf32>
          %mul3A_1855 = arith.mulf %get3A_1853, %mul3A_1854 : vector<16xf32>
          %swap3A_1856 = arith.constant 1 : i32
          %swap3A_1857 = arith.index_cast %swap3A_1856 : i32 to index
          %swap3A_1858 = arith.index_cast %add3A_1817 : i32 to index
          %swap3A_1859 = arith.constant 32 : index
          %swap3A_1860 = tpu.vector_load %arg11[%swap3A_1857, %swap3A_1858, %swap3A_1859] {strides = array<i32>} : memref<2x128x128xf32, #tpu.memory_space<vmem>>, vector<1x1x16xf32>,
          %swap3A_1861 = vector.shape_cast %swap3A_1860 : vector<1x1x16xf32> to vector<16xf32>
          %swap3A_1862 = vector.shape_cast %mul3A_1855 : vector<16xf32> to vector<1x1x16xf32>
          tpu.vector_store %arg11[%swap3A_1857, %swap3A_1858, %swap3A_1859], %swap3A_1862 {strides = array<i32>} : memref<2x128x128xf32, #tpu.memory_space<vmem>>, vector<1x1x16xf32>,
          %get3A_1863 = arith.constant 1 : i32
          %get3A_1864 = arith.index_cast %get3A_1863 : i32 to index
          %get3A_1865 = arith.index_cast %add3A_1817 : i32 to index
          %get3A_1866 = arith.constant 48 : index
          %get3A_1867 = tpu.vector_load %arg11[%get3A_1864, %get3A_1865, %get3A_1866] {strides = array<i32>} : memref<2x128x128xf32, #tpu.memory_space<vmem>>, vector<1x1x16xf32>,
          %get3A_1868 = vector.shape_cast %get3A_1867 : vector<1x1x16xf32> to vector<16xf32>
          %mul3A_1869 = vector.broadcast %squeeze3A_1813 : f32 to vector<16xf32>
          %mul3A_1870 = arith.mulf %get3A_1868, %mul3A_1869 : vector<16xf32>
          %swap3A_1871 = arith.constant 1 : i32
          %swap3A_1872 = arith.index_cast %swap3A_1871 : i32 to index
          %swap3A_1873 = arith.index_cast %add3A_1817 : i32 to index
          %swap3A_1874 = arith.constant 48 : index
          %swap3A_1875 = tpu.vector_load %arg11[%swap3A_1872, %swap3A_1873, %swap3A_1874] {strides = array<i32>} : memref<2x128x128xf32, #tpu.memory_space<vmem>>, vector<1x1x16xf32>,
          %swap3A_1876 = vector.shape_cast %swap3A_1875 : vector<1x1x16xf32> to vector<16xf32>
          %swap3A_1877 = vector.shape_cast %mul3A_1870 : vector<16xf32> to vector<1x1x16xf32>
          tpu.vector_store %arg11[%swap3A_1872, %swap3A_1873, %swap3A_1874], %swap3A_1877 {strides = array<i32>} : memref<2x128x128xf32, #tpu.memory_space<vmem>>, vector<1x1x16xf32>,
          %get3A_1878 = arith.constant 1 : i32
          %get3A_1879 = arith.index_cast %get3A_1878 : i32 to index
          %get3A_1880 = arith.index_cast %add3A_1817 : i32 to index
          %get3A_1881 = arith.constant 64 : index
          %get3A_1882 = tpu.vector_load %arg11[%get3A_1879, %get3A_1880, %get3A_1881] {strides = array<i32>} : memref<2x128x128xf32, #tpu.memory_space<vmem>>, vector<1x1x16xf32>,
          %get3A_1883 = vector.shape_cast %get3A_1882 : vector<1x1x16xf32> to vector<16xf32>
          %mul3A_1884 = vector.broadcast %squeeze3A_1813 : f32 to vector<16xf32>
          %mul3A_1885 = arith.mulf %get3A_1883, %mul3A_1884 : vector<16xf32>
          %swap3A_1886 = arith.constant 1 : i32
          %swap3A_1887 = arith.index_cast %swap3A_1886 : i32 to index
          %swap3A_1888 = arith.index_cast %add3A_1817 : i32 to index
          %swap3A_1889 = arith.constant 64 : index
          %swap3A_1890 = tpu.vector_load %arg11[%swap3A_1887, %swap3A_1888, %swap3A_1889] {strides = array<i32>} : memref<2x128x128xf32, #tpu.memory_space<vmem>>, vector<1x1x16xf32>,
          %swap3A_1891 = vector.shape_cast %swap3A_1890 : vector<1x1x16xf32> to vector<16xf32>
          %swap3A_1892 = vector.shape_cast %mul3A_1885 : vector<16xf32> to vector<1x1x16xf32>
          tpu.vector_store %arg11[%swap3A_1887, %swap3A_1888, %swap3A_1889], %swap3A_1892 {strides = array<i32>} : memref<2x128x128xf32, #tpu.memory_space<vmem>>, vector<1x1x16xf32>,
          %get3A_1893 = arith.constant 1 : i32
          %get3A_1894 = arith.index_cast %get3A_1893 : i32 to index
          %get3A_1895 = arith.index_cast %add3A_1817 : i32 to index
          %get3A_1896 = arith.constant 80 : index
          %get3A_1897 = tpu.vector_load %arg11[%get3A_1894, %get3A_1895, %get3A_1896] {strides = array<i32>} : memref<2x128x128xf32, #tpu.memory_space<vmem>>, vector<1x1x16xf32>,
          %get3A_1898 = vector.shape_cast %get3A_1897 : vector<1x1x16xf32> to vector<16xf32>
          %mul3A_1899 = vector.broadcast %squeeze3A_1813 : f32 to vector<16xf32>
          %mul3A_1900 = arith.mulf %get3A_1898, %mul3A_1899 : vector<16xf32>
          %swap3A_1901 = arith.constant 1 : i32
          %swap3A_1902 = arith.index_cast %swap3A_1901 : i32 to index
          %swap3A_1903 = arith.index_cast %add3A_1817 : i32 to index
          %swap3A_1904 = arith.constant 80 : index
          %swap3A_1905 = tpu.vector_load %arg11[%swap3A_1902, %swap3A_1903, %swap3A_1904] {strides = array<i32>} : memref<2x128x128xf32, #tpu.memory_space<vmem>>, vector<1x1x16xf32>,
          %swap3A_1906 = vector.shape_cast %swap3A_1905 : vector<1x1x16xf32> to vector<16xf32>
          %swap3A_1907 = vector.shape_cast %mul3A_1900 : vector<16xf32> to vector<1x1x16xf32>
          tpu.vector_store %arg11[%swap3A_1902, %swap3A_1903, %swap3A_1904], %swap3A_1907 {strides = array<i32>} : memref<2x128x128xf32, #tpu.memory_space<vmem>>, vector<1x1x16xf32>,
          %get3A_1908 = arith.constant 1 : i32
          %get3A_1909 = arith.index_cast %get3A_1908 : i32 to index
          %get3A_1910 = arith.index_cast %add3A_1817 : i32 to index
          %get3A_1911 = arith.constant 96 : index
          %get3A_1912 = tpu.vector_load %arg11[%get3A_1909, %get3A_1910, %get3A_1911] {strides = array<i32>} : memref<2x128x128xf32, #tpu.memory_space<vmem>>, vector<1x1x16xf32>,
          %get3A_1913 = vector.shape_cast %get3A_1912 : vector<1x1x16xf32> to vector<16xf32>
          %mul3A_1914 = vector.broadcast %squeeze3A_1813 : f32 to vector<16xf32>
          %mul3A_1915 = arith.mulf %get3A_1913, %mul3A_1914 : vector<16xf32>
          %swap3A_1916 = arith.constant 1 : i32
          %swap3A_1917 = arith.index_cast %swap3A_1916 : i32 to index
          %swap3A_1918 = arith.index_cast %add3A_1817 : i32 to index
          %swap3A_1919 = arith.constant 96 : index
          %swap3A_1920 = tpu.vector_load %arg11[%swap3A_1917, %swap3A_1918, %swap3A_1919] {strides = array<i32>} : memref<2x128x128xf32, #tpu.memory_space<vmem>>, vector<1x1x16xf32>,
          %swap3A_1921 = vector.shape_cast %swap3A_1920 : vector<1x1x16xf32> to vector<16xf32>
          %swap3A_1922 = vector.shape_cast %mul3A_1915 : vector<16xf32> to vector<1x1x16xf32>
          tpu.vector_store %arg11[%swap3A_1917, %swap3A_1918, %swap3A_1919], %swap3A_1922 {strides = array<i32>} : memref<2x128x128xf32, #tpu.memory_space<vmem>>, vector<1x1x16xf32>,
          %get3A_1923 = arith.constant 1 : i32
          %get3A_1924 = arith.index_cast %get3A_1923 : i32 to index
          %get3A_1925 = arith.index_cast %add3A_1817 : i32 to index
          %get3A_1926 = arith.constant 112 : index
          %get3A_1927 = tpu.vector_load %arg11[%get3A_1924, %get3A_1925, %get3A_1926] {strides = array<i32>} : memref<2x128x128xf32, #tpu.memory_space<vmem>>, vector<1x1x16xf32>,
          %get3A_1928 = vector.shape_cast %get3A_1927 : vector<1x1x16xf32> to vector<16xf32>
          %mul3A_1929 = vector.broadcast %squeeze3A_1813 : f32 to vector<16xf32>
          %mul3A_1930 = arith.mulf %get3A_1928, %mul3A_1929 : vector<16xf32>
          %swap3A_1931 = arith.constant 1 : i32
          %swap3A_1932 = arith.index_cast %swap3A_1931 : i32 to index
          %swap3A_1933 = arith.index_cast %add3A_1817 : i32 to index
          %swap3A_1934 = arith.constant 112 : index
          %swap3A_1935 = tpu.vector_load %arg11[%swap3A_1932, %swap3A_1933, %swap3A_1934] {strides = array<i32>} : memref<2x128x128xf32, #tpu.memory_space<vmem>>, vector<1x1x16xf32>,
          %swap3A_1936 = vector.shape_cast %swap3A_1935 : vector<1x1x16xf32> to vector<16xf32>
          %swap3A_1937 = vector.shape_cast %mul3A_1930 : vector<16xf32> to vector<1x1x16xf32>
          tpu.vector_store %arg11[%swap3A_1932, %swap3A_1933, %swap3A_1934], %swap3A_1937 {strides = array<i32>} : memref<2x128x128xf32, #tpu.memory_space<vmem>>, vector<1x1x16xf32>,
          %slice3A_1938 = vector.extract_strided_slice %get3A_176 {offsets = [14], sizes = [1], strides = [1]} : vector<16xf32> to vector<1xf32>
          %squeeze3A_1939 = vector.extract %slice3A_1938[0] : f32 from vector<1xf32>
          %mul3A_1940 = arith.constant 16 : i32
          %mul3A_1941 = arith.muli %scan3A_170, %mul3A_1940 : i32
          %add3A_1942 = arith.constant 14 : i32
          %add3A_1943 = arith.addi %mul3A_1941, %add3A_1942 : i32
          %get3A_1944 = arith.constant 1 : i32
          %get3A_1945 = arith.index_cast %get3A_1944 : i32 to index
          %get3A_1946 = arith.index_cast %add3A_1943 : i32 to index
          %get3A_1947 = arith.constant 0 : index
          %get3A_1948 = tpu.vector_load %arg11[%get3A_1945, %get3A_1946, %get3A_1947] {strides = array<i32>} : memref<2x128x128xf32, #tpu.memory_space<vmem>>, vector<1x1x16xf32>,
          %get3A_1949 = vector.shape_cast %get3A_1948 : vector<1x1x16xf32> to vector<16xf32>
          %mul3A_1950 = vector.broadcast %squeeze3A_1939 : f32 to vector<16xf32>
          %mul3A_1951 = arith.mulf %get3A_1949, %mul3A_1950 : vector<16xf32>
          %swap3A_1952 = arith.constant 1 : i32
          %swap3A_1953 = arith.index_cast %swap3A_1952 : i32 to index
          %swap3A_1954 = arith.index_cast %add3A_1943 : i32 to index
          %swap3A_1955 = arith.constant 0 : index
          %swap3A_1956 = tpu.vector_load %arg11[%swap3A_1953, %swap3A_1954, %swap3A_1955] {strides = array<i32>} : memref<2x128x128xf32, #tpu.memory_space<vmem>>, vector<1x1x16xf32>,
          %swap3A_1957 = vector.shape_cast %swap3A_1956 : vector<1x1x16xf32> to vector<16xf32>
          %swap3A_1958 = vector.shape_cast %mul3A_1951 : vector<16xf32> to vector<1x1x16xf32>
          tpu.vector_store %arg11[%swap3A_1953, %swap3A_1954, %swap3A_1955], %swap3A_1958 {strides = array<i32>} : memref<2x128x128xf32, #tpu.memory_space<vmem>>, vector<1x1x16xf32>,
          %get3A_1959 = arith.constant 1 : i32
          %get3A_1960 = arith.index_cast %get3A_1959 : i32 to index
          %get3A_1961 = arith.index_cast %add3A_1943 : i32 to index
          %get3A_1962 = arith.constant 16 : index
          %get3A_1963 = tpu.vector_load %arg11[%get3A_1960, %get3A_1961, %get3A_1962] {strides = array<i32>} : memref<2x128x128xf32, #tpu.memory_space<vmem>>, vector<1x1x16xf32>,
          %get3A_1964 = vector.shape_cast %get3A_1963 : vector<1x1x16xf32> to vector<16xf32>
          %mul3A_1965 = vector.broadcast %squeeze3A_1939 : f32 to vector<16xf32>
          %mul3A_1966 = arith.mulf %get3A_1964, %mul3A_1965 : vector<16xf32>
          %swap3A_1967 = arith.constant 1 : i32
          %swap3A_1968 = arith.index_cast %swap3A_1967 : i32 to index
          %swap3A_1969 = arith.index_cast %add3A_1943 : i32 to index
          %swap3A_1970 = arith.constant 16 : index
          %swap3A_1971 = tpu.vector_load %arg11[%swap3A_1968, %swap3A_1969, %swap3A_1970] {strides = array<i32>} : memref<2x128x128xf32, #tpu.memory_space<vmem>>, vector<1x1x16xf32>,
          %swap3A_1972 = vector.shape_cast %swap3A_1971 : vector<1x1x16xf32> to vector<16xf32>
          %swap3A_1973 = vector.shape_cast %mul3A_1966 : vector<16xf32> to vector<1x1x16xf32>
          tpu.vector_store %arg11[%swap3A_1968, %swap3A_1969, %swap3A_1970], %swap3A_1973 {strides = array<i32>} : memref<2x128x128xf32, #tpu.memory_space<vmem>>, vector<1x1x16xf32>,
          %get3A_1974 = arith.constant 1 : i32
          %get3A_1975 = arith.index_cast %get3A_1974 : i32 to index
          %get3A_1976 = arith.index_cast %add3A_1943 : i32 to index
          %get3A_1977 = arith.constant 32 : index
          %get3A_1978 = tpu.vector_load %arg11[%get3A_1975, %get3A_1976, %get3A_1977] {strides = array<i32>} : memref<2x128x128xf32, #tpu.memory_space<vmem>>, vector<1x1x16xf32>,
          %get3A_1979 = vector.shape_cast %get3A_1978 : vector<1x1x16xf32> to vector<16xf32>
          %mul3A_1980 = vector.broadcast %squeeze3A_1939 : f32 to vector<16xf32>
          %mul3A_1981 = arith.mulf %get3A_1979, %mul3A_1980 : vector<16xf32>
          %swap3A_1982 = arith.constant 1 : i32
          %swap3A_1983 = arith.index_cast %swap3A_1982 : i32 to index
          %swap3A_1984 = arith.index_cast %add3A_1943 : i32 to index
          %swap3A_1985 = arith.constant 32 : index
          %swap3A_1986 = tpu.vector_load %arg11[%swap3A_1983, %swap3A_1984, %swap3A_1985] {strides = array<i32>} : memref<2x128x128xf32, #tpu.memory_space<vmem>>, vector<1x1x16xf32>,
          %swap3A_1987 = vector.shape_cast %swap3A_1986 : vector<1x1x16xf32> to vector<16xf32>
          %swap3A_1988 = vector.shape_cast %mul3A_1981 : vector<16xf32> to vector<1x1x16xf32>
          tpu.vector_store %arg11[%swap3A_1983, %swap3A_1984, %swap3A_1985], %swap3A_1988 {strides = array<i32>} : memref<2x128x128xf32, #tpu.memory_space<vmem>>, vector<1x1x16xf32>,
          %get3A_1989 = arith.constant 1 : i32
          %get3A_1990 = arith.index_cast %get3A_1989 : i32 to index
          %get3A_1991 = arith.index_cast %add3A_1943 : i32 to index
          %get3A_1992 = arith.constant 48 : index
          %get3A_1993 = tpu.vector_load %arg11[%get3A_1990, %get3A_1991, %get3A_1992] {strides = array<i32>} : memref<2x128x128xf32, #tpu.memory_space<vmem>>, vector<1x1x16xf32>,
          %get3A_1994 = vector.shape_cast %get3A_1993 : vector<1x1x16xf32> to vector<16xf32>
          %mul3A_1995 = vector.broadcast %squeeze3A_1939 : f32 to vector<16xf32>
          %mul3A_1996 = arith.mulf %get3A_1994, %mul3A_1995 : vector<16xf32>
          %swap3A_1997 = arith.constant 1 : i32
          %swap3A_1998 = arith.index_cast %swap3A_1997 : i32 to index
          %swap3A_1999 = arith.index_cast %add3A_1943 : i32 to index
          %swap3A_2000 = arith.constant 48 : index
          %swap3A_2001 = tpu.vector_load %arg11[%swap3A_1998, %swap3A_1999, %swap3A_2000] {strides = array<i32>} : memref<2x128x128xf32, #tpu.memory_space<vmem>>, vector<1x1x16xf32>,
          %swap3A_2002 = vector.shape_cast %swap3A_2001 : vector<1x1x16xf32> to vector<16xf32>
          %swap3A_2003 = vector.shape_cast %mul3A_1996 : vector<16xf32> to vector<1x1x16xf32>
          tpu.vector_store %arg11[%swap3A_1998, %swap3A_1999, %swap3A_2000], %swap3A_2003 {strides = array<i32>} : memref<2x128x128xf32, #tpu.memory_space<vmem>>, vector<1x1x16xf32>,
          %get3A_2004 = arith.constant 1 : i32
          %get3A_2005 = arith.index_cast %get3A_2004 : i32 to index
          %get3A_2006 = arith.index_cast %add3A_1943 : i32 to index
          %get3A_2007 = arith.constant 64 : index
          %get3A_2008 = tpu.vector_load %arg11[%get3A_2005, %get3A_2006, %get3A_2007] {strides = array<i32>} : memref<2x128x128xf32, #tpu.memory_space<vmem>>, vector<1x1x16xf32>,
          %get3A_2009 = vector.shape_cast %get3A_2008 : vector<1x1x16xf32> to vector<16xf32>
          %mul3A_2010 = vector.broadcast %squeeze3A_1939 : f32 to vector<16xf32>
          %mul3A_2011 = arith.mulf %get3A_2009, %mul3A_2010 : vector<16xf32>
          %swap3A_2012 = arith.constant 1 : i32
          %swap3A_2013 = arith.index_cast %swap3A_2012 : i32 to index
          %swap3A_2014 = arith.index_cast %add3A_1943 : i32 to index
          %swap3A_2015 = arith.constant 64 : index
          %swap3A_2016 = tpu.vector_load %arg11[%swap3A_2013, %swap3A_2014, %swap3A_2015] {strides = array<i32>} : memref<2x128x128xf32, #tpu.memory_space<vmem>>, vector<1x1x16xf32>,
          %swap3A_2017 = vector.shape_cast %swap3A_2016 : vector<1x1x16xf32> to vector<16xf32>
          %swap3A_2018 = vector.shape_cast %mul3A_2011 : vector<16xf32> to vector<1x1x16xf32>
          tpu.vector_store %arg11[%swap3A_2013, %swap3A_2014, %swap3A_2015], %swap3A_2018 {strides = array<i32>} : memref<2x128x128xf32, #tpu.memory_space<vmem>>, vector<1x1x16xf32>,
          %get3A_2019 = arith.constant 1 : i32
          %get3A_2020 = arith.index_cast %get3A_2019 : i32 to index
          %get3A_2021 = arith.index_cast %add3A_1943 : i32 to index
          %get3A_2022 = arith.constant 80 : index
          %get3A_2023 = tpu.vector_load %arg11[%get3A_2020, %get3A_2021, %get3A_2022] {strides = array<i32>} : memref<2x128x128xf32, #tpu.memory_space<vmem>>, vector<1x1x16xf32>,
          %get3A_2024 = vector.shape_cast %get3A_2023 : vector<1x1x16xf32> to vector<16xf32>
          %mul3A_2025 = vector.broadcast %squeeze3A_1939 : f32 to vector<16xf32>
          %mul3A_2026 = arith.mulf %get3A_2024, %mul3A_2025 : vector<16xf32>
          %swap3A_2027 = arith.constant 1 : i32
          %swap3A_2028 = arith.index_cast %swap3A_2027 : i32 to index
          %swap3A_2029 = arith.index_cast %add3A_1943 : i32 to index
          %swap3A_2030 = arith.constant 80 : index
          %swap3A_2031 = tpu.vector_load %arg11[%swap3A_2028, %swap3A_2029, %swap3A_2030] {strides = array<i32>} : memref<2x128x128xf32, #tpu.memory_space<vmem>>, vector<1x1x16xf32>,
          %swap3A_2032 = vector.shape_cast %swap3A_2031 : vector<1x1x16xf32> to vector<16xf32>
          %swap3A_2033 = vector.shape_cast %mul3A_2026 : vector<16xf32> to vector<1x1x16xf32>
          tpu.vector_store %arg11[%swap3A_2028, %swap3A_2029, %swap3A_2030], %swap3A_2033 {strides = array<i32>} : memref<2x128x128xf32, #tpu.memory_space<vmem>>, vector<1x1x16xf32>,
          %get3A_2034 = arith.constant 1 : i32
          %get3A_2035 = arith.index_cast %get3A_2034 : i32 to index
          %get3A_2036 = arith.index_cast %add3A_1943 : i32 to index
          %get3A_2037 = arith.constant 96 : index
          %get3A_2038 = tpu.vector_load %arg11[%get3A_2035, %get3A_2036, %get3A_2037] {strides = array<i32>} : memref<2x128x128xf32, #tpu.memory_space<vmem>>, vector<1x1x16xf32>,
          %get3A_2039 = vector.shape_cast %get3A_2038 : vector<1x1x16xf32> to vector<16xf32>
          %mul3A_2040 = vector.broadcast %squeeze3A_1939 : f32 to vector<16xf32>
          %mul3A_2041 = arith.mulf %get3A_2039, %mul3A_2040 : vector<16xf32>
          %swap3A_2042 = arith.constant 1 : i32
          %swap3A_2043 = arith.index_cast %swap3A_2042 : i32 to index
          %swap3A_2044 = arith.index_cast %add3A_1943 : i32 to index
          %swap3A_2045 = arith.constant 96 : index
          %swap3A_2046 = tpu.vector_load %arg11[%swap3A_2043, %swap3A_2044, %swap3A_2045] {strides = array<i32>} : memref<2x128x128xf32, #tpu.memory_space<vmem>>, vector<1x1x16xf32>,
          %swap3A_2047 = vector.shape_cast %swap3A_2046 : vector<1x1x16xf32> to vector<16xf32>
          %swap3A_2048 = vector.shape_cast %mul3A_2041 : vector<16xf32> to vector<1x1x16xf32>
          tpu.vector_store %arg11[%swap3A_2043, %swap3A_2044, %swap3A_2045], %swap3A_2048 {strides = array<i32>} : memref<2x128x128xf32, #tpu.memory_space<vmem>>, vector<1x1x16xf32>,
          %get3A_2049 = arith.constant 1 : i32
          %get3A_2050 = arith.index_cast %get3A_2049 : i32 to index
          %get3A_2051 = arith.index_cast %add3A_1943 : i32 to index
          %get3A_2052 = arith.constant 112 : index
          %get3A_2053 = tpu.vector_load %arg11[%get3A_2050, %get3A_2051, %get3A_2052] {strides = array<i32>} : memref<2x128x128xf32, #tpu.memory_space<vmem>>, vector<1x1x16xf32>,
          %get3A_2054 = vector.shape_cast %get3A_2053 : vector<1x1x16xf32> to vector<16xf32>
          %mul3A_2055 = vector.broadcast %squeeze3A_1939 : f32 to vector<16xf32>
          %mul3A_2056 = arith.mulf %get3A_2054, %mul3A_2055 : vector<16xf32>
          %swap3A_2057 = arith.constant 1 : i32
          %swap3A_2058 = arith.index_cast %swap3A_2057 : i32 to index
          %swap3A_2059 = arith.index_cast %add3A_1943 : i32 to index
          %swap3A_2060 = arith.constant 112 : index
          %swap3A_2061 = tpu.vector_load %arg11[%swap3A_2058, %swap3A_2059, %swap3A_2060] {strides = array<i32>} : memref<2x128x128xf32, #tpu.memory_space<vmem>>, vector<1x1x16xf32>,
          %swap3A_2062 = vector.shape_cast %swap3A_2061 : vector<1x1x16xf32> to vector<16xf32>
          %swap3A_2063 = vector.shape_cast %mul3A_2056 : vector<16xf32> to vector<1x1x16xf32>
          tpu.vector_store %arg11[%swap3A_2058, %swap3A_2059, %swap3A_2060], %swap3A_2063 {strides = array<i32>} : memref<2x128x128xf32, #tpu.memory_space<vmem>>, vector<1x1x16xf32>,
          %slice3A_2064 = vector.extract_strided_slice %get3A_176 {offsets = [15], sizes = [1], strides = [1]} : vector<16xf32> to vector<1xf32>
          %squeeze3A_2065 = vector.extract %slice3A_2064[0] : f32 from vector<1xf32>
          %mul3A_2066 = arith.constant 16 : i32
          %mul3A_2067 = arith.muli %scan3A_170, %mul3A_2066 : i32
          %add3A_2068 = arith.constant 15 : i32
          %add3A_2069 = arith.addi %mul3A_2067, %add3A_2068 : i32
          %get3A_2070 = arith.constant 1 : i32
          %get3A_2071 = arith.index_cast %get3A_2070 : i32 to index
          %get3A_2072 = arith.index_cast %add3A_2069 : i32 to index
          %get3A_2073 = arith.constant 0 : index
          %get3A_2074 = tpu.vector_load %arg11[%get3A_2071, %get3A_2072, %get3A_2073] {strides = array<i32>} : memref<2x128x128xf32, #tpu.memory_space<vmem>>, vector<1x1x16xf32>,
          %get3A_2075 = vector.shape_cast %get3A_2074 : vector<1x1x16xf32> to vector<16xf32>
          %mul3A_2076 = vector.broadcast %squeeze3A_2065 : f32 to vector<16xf32>
          %mul3A_2077 = arith.mulf %get3A_2075, %mul3A_2076 : vector<16xf32>
          %swap3A_2078 = arith.constant 1 : i32
          %swap3A_2079 = arith.index_cast %swap3A_2078 : i32 to index
          %swap3A_2080 = arith.index_cast %add3A_2069 : i32 to index
          %swap3A_2081 = arith.constant 0 : index
          %swap3A_2082 = tpu.vector_load %arg11[%swap3A_2079, %swap3A_2080, %swap3A_2081] {strides = array<i32>} : memref<2x128x128xf32, #tpu.memory_space<vmem>>, vector<1x1x16xf32>,
          %swap3A_2083 = vector.shape_cast %swap3A_2082 : vector<1x1x16xf32> to vector<16xf32>
          %swap3A_2084 = vector.shape_cast %mul3A_2077 : vector<16xf32> to vector<1x1x16xf32>
          tpu.vector_store %arg11[%swap3A_2079, %swap3A_2080, %swap3A_2081], %swap3A_2084 {strides = array<i32>} : memref<2x128x128xf32, #tpu.memory_space<vmem>>, vector<1x1x16xf32>,
          %get3A_2085 = arith.constant 1 : i32
          %get3A_2086 = arith.index_cast %get3A_2085 : i32 to index
          %get3A_2087 = arith.index_cast %add3A_2069 : i32 to index
          %get3A_2088 = arith.constant 16 : index
          %get3A_2089 = tpu.vector_load %arg11[%get3A_2086, %get3A_2087, %get3A_2088] {strides = array<i32>} : memref<2x128x128xf32, #tpu.memory_space<vmem>>, vector<1x1x16xf32>,
          %get3A_2090 = vector.shape_cast %get3A_2089 : vector<1x1x16xf32> to vector<16xf32>
          %mul3A_2091 = vector.broadcast %squeeze3A_2065 : f32 to vector<16xf32>
          %mul3A_2092 = arith.mulf %get3A_2090, %mul3A_2091 : vector<16xf32>
          %swap3A_2093 = arith.constant 1 : i32
          %swap3A_2094 = arith.index_cast %swap3A_2093 : i32 to index
          %swap3A_2095 = arith.index_cast %add3A_2069 : i32 to index
          %swap3A_2096 = arith.constant 16 : index
          %swap3A_2097 = tpu.vector_load %arg11[%swap3A_2094, %swap3A_2095, %swap3A_2096] {strides = array<i32>} : memref<2x128x128xf32, #tpu.memory_space<vmem>>, vector<1x1x16xf32>,
          %swap3A_2098 = vector.shape_cast %swap3A_2097 : vector<1x1x16xf32> to vector<16xf32>
          %swap3A_2099 = vector.shape_cast %mul3A_2092 : vector<16xf32> to vector<1x1x16xf32>
          tpu.vector_store %arg11[%swap3A_2094, %swap3A_2095, %swap3A_2096], %swap3A_2099 {strides = array<i32>} : memref<2x128x128xf32, #tpu.memory_space<vmem>>, vector<1x1x16xf32>,
          %get3A_2100 = arith.constant 1 : i32
          %get3A_2101 = arith.index_cast %get3A_2100 : i32 to index
          %get3A_2102 = arith.index_cast %add3A_2069 : i32 to index
          %get3A_2103 = arith.constant 32 : index
          %get3A_2104 = tpu.vector_load %arg11[%get3A_2101, %get3A_2102, %get3A_2103] {strides = array<i32>} : memref<2x128x128xf32, #tpu.memory_space<vmem>>, vector<1x1x16xf32>,
          %get3A_2105 = vector.shape_cast %get3A_2104 : vector<1x1x16xf32> to vector<16xf32>
          %mul3A_2106 = vector.broadcast %squeeze3A_2065 : f32 to vector<16xf32>
          %mul3A_2107 = arith.mulf %get3A_2105, %mul3A_2106 : vector<16xf32>
          %swap3A_2108 = arith.constant 1 : i32
          %swap3A_2109 = arith.index_cast %swap3A_2108 : i32 to index
          %swap3A_2110 = arith.index_cast %add3A_2069 : i32 to index
          %swap3A_2111 = arith.constant 32 : index
          %swap3A_2112 = tpu.vector_load %arg11[%swap3A_2109, %swap3A_2110, %swap3A_2111] {strides = array<i32>} : memref<2x128x128xf32, #tpu.memory_space<vmem>>, vector<1x1x16xf32>,
          %swap3A_2113 = vector.shape_cast %swap3A_2112 : vector<1x1x16xf32> to vector<16xf32>
          %swap3A_2114 = vector.shape_cast %mul3A_2107 : vector<16xf32> to vector<1x1x16xf32>
          tpu.vector_store %arg11[%swap3A_2109, %swap3A_2110, %swap3A_2111], %swap3A_2114 {strides = array<i32>} : memref<2x128x128xf32, #tpu.memory_space<vmem>>, vector<1x1x16xf32>,
          %get3A_2115 = arith.constant 1 : i32
          %get3A_2116 = arith.index_cast %get3A_2115 : i32 to index
          %get3A_2117 = arith.index_cast %add3A_2069 : i32 to index
          %get3A_2118 = arith.constant 48 : index
          %get3A_2119 = tpu.vector_load %arg11[%get3A_2116, %get3A_2117, %get3A_2118] {strides = array<i32>} : memref<2x128x128xf32, #tpu.memory_space<vmem>>, vector<1x1x16xf32>,
          %get3A_2120 = vector.shape_cast %get3A_2119 : vector<1x1x16xf32> to vector<16xf32>
          %mul3A_2121 = vector.broadcast %squeeze3A_2065 : f32 to vector<16xf32>
          %mul3A_2122 = arith.mulf %get3A_2120, %mul3A_2121 : vector<16xf32>
          %swap3A_2123 = arith.constant 1 : i32
          %swap3A_2124 = arith.index_cast %swap3A_2123 : i32 to index
          %swap3A_2125 = arith.index_cast %add3A_2069 : i32 to index
          %swap3A_2126 = arith.constant 48 : index
          %swap3A_2127 = tpu.vector_load %arg11[%swap3A_2124, %swap3A_2125, %swap3A_2126] {strides = array<i32>} : memref<2x128x128xf32, #tpu.memory_space<vmem>>, vector<1x1x16xf32>,
          %swap3A_2128 = vector.shape_cast %swap3A_2127 : vector<1x1x16xf32> to vector<16xf32>
          %swap3A_2129 = vector.shape_cast %mul3A_2122 : vector<16xf32> to vector<1x1x16xf32>
          tpu.vector_store %arg11[%swap3A_2124, %swap3A_2125, %swap3A_2126], %swap3A_2129 {strides = array<i32>} : memref<2x128x128xf32, #tpu.memory_space<vmem>>, vector<1x1x16xf32>,
          %get3A_2130 = arith.constant 1 : i32
          %get3A_2131 = arith.index_cast %get3A_2130 : i32 to index
          %get3A_2132 = arith.index_cast %add3A_2069 : i32 to index
          %get3A_2133 = arith.constant 64 : index
          %get3A_2134 = tpu.vector_load %arg11[%get3A_2131, %get3A_2132, %get3A_2133] {strides = array<i32>} : memref<2x128x128xf32, #tpu.memory_space<vmem>>, vector<1x1x16xf32>,
          %get3A_2135 = vector.shape_cast %get3A_2134 : vector<1x1x16xf32> to vector<16xf32>
          %mul3A_2136 = vector.broadcast %squeeze3A_2065 : f32 to vector<16xf32>
          %mul3A_2137 = arith.mulf %get3A_2135, %mul3A_2136 : vector<16xf32>
          %swap3A_2138 = arith.constant 1 : i32
          %swap3A_2139 = arith.index_cast %swap3A_2138 : i32 to index
          %swap3A_2140 = arith.index_cast %add3A_2069 : i32 to index
          %swap3A_2141 = arith.constant 64 : index
          %swap3A_2142 = tpu.vector_load %arg11[%swap3A_2139, %swap3A_2140, %swap3A_2141] {strides = array<i32>} : memref<2x128x128xf32, #tpu.memory_space<vmem>>, vector<1x1x16xf32>,
          %swap3A_2143 = vector.shape_cast %swap3A_2142 : vector<1x1x16xf32> to vector<16xf32>
          %swap3A_2144 = vector.shape_cast %mul3A_2137 : vector<16xf32> to vector<1x1x16xf32>
          tpu.vector_store %arg11[%swap3A_2139, %swap3A_2140, %swap3A_2141], %swap3A_2144 {strides = array<i32>} : memref<2x128x128xf32, #tpu.memory_space<vmem>>, vector<1x1x16xf32>,
          %get3A_2145 = arith.constant 1 : i32
          %get3A_2146 = arith.index_cast %get3A_2145 : i32 to index
          %get3A_2147 = arith.index_cast %add3A_2069 : i32 to index
          %get3A_2148 = arith.constant 80 : index
          %get3A_2149 = tpu.vector_load %arg11[%get3A_2146, %get3A_2147, %get3A_2148] {strides = array<i32>} : memref<2x128x128xf32, #tpu.memory_space<vmem>>, vector<1x1x16xf32>,
          %get3A_2150 = vector.shape_cast %get3A_2149 : vector<1x1x16xf32> to vector<16xf32>
          %mul3A_2151 = vector.broadcast %squeeze3A_2065 : f32 to vector<16xf32>
          %mul3A_2152 = arith.mulf %get3A_2150, %mul3A_2151 : vector<16xf32>
          %swap3A_2153 = arith.constant 1 : i32
          %swap3A_2154 = arith.index_cast %swap3A_2153 : i32 to index
          %swap3A_2155 = arith.index_cast %add3A_2069 : i32 to index
          %swap3A_2156 = arith.constant 80 : index
          %swap3A_2157 = tpu.vector_load %arg11[%swap3A_2154, %swap3A_2155, %swap3A_2156] {strides = array<i32>} : memref<2x128x128xf32, #tpu.memory_space<vmem>>, vector<1x1x16xf32>,
          %swap3A_2158 = vector.shape_cast %swap3A_2157 : vector<1x1x16xf32> to vector<16xf32>
          %swap3A_2159 = vector.shape_cast %mul3A_2152 : vector<16xf32> to vector<1x1x16xf32>
          tpu.vector_store %arg11[%swap3A_2154, %swap3A_2155, %swap3A_2156], %swap3A_2159 {strides = array<i32>} : memref<2x128x128xf32, #tpu.memory_space<vmem>>, vector<1x1x16xf32>,
          %get3A_2160 = arith.constant 1 : i32
          %get3A_2161 = arith.index_cast %get3A_2160 : i32 to index
          %get3A_2162 = arith.index_cast %add3A_2069 : i32 to index
          %get3A_2163 = arith.constant 96 : index
          %get3A_2164 = tpu.vector_load %arg11[%get3A_2161, %get3A_2162, %get3A_2163] {strides = array<i32>} : memref<2x128x128xf32, #tpu.memory_space<vmem>>, vector<1x1x16xf32>,
          %get3A_2165 = vector.shape_cast %get3A_2164 : vector<1x1x16xf32> to vector<16xf32>
          %mul3A_2166 = vector.broadcast %squeeze3A_2065 : f32 to vector<16xf32>
          %mul3A_2167 = arith.mulf %get3A_2165, %mul3A_2166 : vector<16xf32>
          %swap3A_2168 = arith.constant 1 : i32
          %swap3A_2169 = arith.index_cast %swap3A_2168 : i32 to index
          %swap3A_2170 = arith.index_cast %add3A_2069 : i32 to index
          %swap3A_2171 = arith.constant 96 : index
          %swap3A_2172 = tpu.vector_load %arg11[%swap3A_2169, %swap3A_2170, %swap3A_2171] {strides = array<i32>} : memref<2x128x128xf32, #tpu.memory_space<vmem>>, vector<1x1x16xf32>,
          %swap3A_2173 = vector.shape_cast %swap3A_2172 : vector<1x1x16xf32> to vector<16xf32>
          %swap3A_2174 = vector.shape_cast %mul3A_2167 : vector<16xf32> to vector<1x1x16xf32>
          tpu.vector_store %arg11[%swap3A_2169, %swap3A_2170, %swap3A_2171], %swap3A_2174 {strides = array<i32>} : memref<2x128x128xf32, #tpu.memory_space<vmem>>, vector<1x1x16xf32>,
          %get3A_2175 = arith.constant 1 : i32
          %get3A_2176 = arith.index_cast %get3A_2175 : i32 to index
          %get3A_2177 = arith.index_cast %add3A_2069 : i32 to index
          %get3A_2178 = arith.constant 112 : index
          %get3A_2179 = tpu.vector_load %arg11[%get3A_2176, %get3A_2177, %get3A_2178] {strides = array<i32>} : memref<2x128x128xf32, #tpu.memory_space<vmem>>, vector<1x1x16xf32>,
          %get3A_2180 = vector.shape_cast %get3A_2179 : vector<1x1x16xf32> to vector<16xf32>
          %mul3A_2181 = vector.broadcast %squeeze3A_2065 : f32 to vector<16xf32>
          %mul3A_2182 = arith.mulf %get3A_2180, %mul3A_2181 : vector<16xf32>
          %swap3A_2183 = arith.constant 1 : i32
          %swap3A_2184 = arith.index_cast %swap3A_2183 : i32 to index
          %swap3A_2185 = arith.index_cast %add3A_2069 : i32 to index
          %swap3A_2186 = arith.constant 112 : index
          %swap3A_2187 = tpu.vector_load %arg11[%swap3A_2184, %swap3A_2185, %swap3A_2186] {strides = array<i32>} : memref<2x128x128xf32, #tpu.memory_space<vmem>>, vector<1x1x16xf32>,
          %swap3A_2188 = vector.shape_cast %swap3A_2187 : vector<1x1x16xf32> to vector<16xf32>
          %swap3A_2189 = vector.shape_cast %mul3A_2182 : vector<16xf32> to vector<1x1x16xf32>
          tpu.vector_store %arg11[%swap3A_2184, %swap3A_2185, %swap3A_2186], %swap3A_2189 {strides = array<i32>} : memref<2x128x128xf32, #tpu.memory_space<vmem>>, vector<1x1x16xf32>,
          %scan3A_2190 = arith.constant 0 : i32
          scf.yield %scan3A_2190 : i32
        }
        %scan3A_146 = arith.constant 8 : i32
        %dma_start3A_147 = arith.constant 1 : i32
        %dma_start3A_148 = arith.constant 0 : i32
        %dma_start3A_149 = arith.constant 0 : i32
        %dma_start3A_150 = tpu.memref_slice %arg11[%dma_start3A_147, %dma_start3A_148, %dma_start3A_149] : memref<2x128x128xf32, #tpu.memory_space<vmem>> -> memref<1x128x128xf32, #tpu.memory_space<vmem>>
        %dma_start3A_151 = tpu.memref_squeeze %dma_start3A_150 : memref<1x128x128xf32, #tpu.memory_space<vmem>> -> memref<128x128xf32, #tpu.memory_space<vmem>>
        %dma_start3A_152 = arith.constant 0 : i32
        %dma_start3A_153 = tpu.memref_slice %arg9[%add3A_73, %dma_start3A_152] : memref<8x128xi32, #tpu.memory_space<vmem>> -> memref<1x128xi32, #tpu.memory_space<vmem>>
        %dma_start3A_154 = tpu.memref_squeeze %dma_start3A_153 : memref<1x128xi32, #tpu.memory_space<vmem>> -> memref<128xi32, #tpu.memory_space<vmem>>
        %dma_start3A_155 = arith.constant 0 : i32
        %dma_start3A_156 = arith.constant 0 : i32
        %dma_start3A_157 = tpu.memref_slice %arg7[%dma_start3A_155, %dma_start3A_156] : memref<10000x128xf32, #tpu.memory_space<vmem_shared>> -> memref<10000x128xf32, #tpu.memory_space<vmem_shared>>
        tpu.enqueue_indirect_dma source(%dma_start3A_151 : memref<128x128xf32, #tpu.memory_space<vmem>>) target(%dma_start3A_157 : memref<10000x128xf32, #tpu.memory_space<vmem_shared>>) offsets(%dma_start3A_154 : memref<128xi32, #tpu.memory_space<vmem>>) semaphore(%arg15 : memref<!tpu.dma_semaphore, #tpu.memory_space<semaphore_mem>>) {add = true}
        %dma_wait3A_158 = arith.constant 0 : i32
        %dma_wait3A_159 = arith.constant 0 : i32
        %dma_wait3A_160 = arith.constant 0 : i32
        %dma_wait3A_161 = tpu.memref_slice %arg11[%dma_wait3A_158, %dma_wait3A_159, %dma_wait3A_160] : memref<2x128x128xf32, #tpu.memory_space<vmem>> -> memref<1x128x128xf32, #tpu.memory_space<vmem>>
        %dma_wait3A_162 = tpu.memref_squeeze %dma_wait3A_161 : memref<1x128x128xf32, #tpu.memory_space<vmem>> -> memref<128x128xf32, #tpu.memory_space<vmem>>
        %dma_wait3A_163 = arith.constant 0 : i32
        %dma_wait3A_164 = tpu.memref_slice %arg9[%mul3A_71, %dma_wait3A_163] : memref<8x128xi32, #tpu.memory_space<vmem>> -> memref<1x128xi32, #tpu.memory_space<vmem>>
        %dma_wait3A_165 = tpu.memref_squeeze %dma_wait3A_164 : memref<1x128xi32, #tpu.memory_space<vmem>> -> memref<128xi32, #tpu.memory_space<vmem>>
        %dma_wait3A_166 = arith.constant 0 : i32
        %dma_wait3A_167 = arith.constant 0 : i32
        %dma_wait3A_168 = tpu.memref_slice %arg7[%dma_wait3A_166, %dma_wait3A_167] : memref<10000x128xf32, #tpu.memory_space<vmem_shared>> -> memref<10000x128xf32, #tpu.memory_space<vmem_shared>>
        tpu.wait_indirect_dma semaphore(%arg14 : memref<!tpu.dma_semaphore, #tpu.memory_space<semaphore_mem>>) src(%dma_wait3A_162 : memref<128x128xf32, #tpu.memory_space<vmem>>) dst(%dma_wait3A_168 : memref<10000x128xf32, #tpu.memory_space<vmem_shared>>)
        %scan3A_169 = arith.constant 0 : i32
        scf.yield %scan3A_169 : i32
      }
      %scan3A_66 = arith.constant 4 : i32
      %scan3A_67 = arith.constant 0 : i32
      scf.yield %scan3A_67 : i32
    }
    %scan3A_33 = arith.constant 10 : i32
    %dma_wait3A = arith.constant 1 : i32
    %dma_wait3A_34 = arith.constant 1 : i32
    %dma_wait3A_35 = arith.constant 0 : i32
    %dma_wait3A_36 = arith.constant 0 : i32
    %dma_wait3A_37 = tpu.memref_slice %arg11[%dma_wait3A, %dma_wait3A_35, %dma_wait3A_36] : memref<2x128x128xf32, #tpu.memory_space<vmem>> -> memref<1x128x128xf32, #tpu.memory_space<vmem>>
    %dma_wait3A_38 = tpu.memref_squeeze %dma_wait3A_37 : memref<1x128x128xf32, #tpu.memory_space<vmem>> -> memref<128x128xf32, #tpu.memory_space<vmem>>
    %dma_wait3A_39 = arith.constant 0 : i32
    %dma_wait3A_40 = tpu.memref_slice %arg9[%dma_wait3A_34, %dma_wait3A_39] : memref<8x128xi32, #tpu.memory_space<vmem>> -> memref<1x128xi32, #tpu.memory_space<vmem>>
    %dma_wait3A_41 = tpu.memref_squeeze %dma_wait3A_40 : memref<1x128xi32, #tpu.memory_space<vmem>> -> memref<128xi32, #tpu.memory_space<vmem>>
    %dma_wait3A_42 = arith.constant 0 : i32
    %dma_wait3A_43 = arith.constant 0 : i32
    %dma_wait3A_44 = tpu.memref_slice %arg7[%dma_wait3A_42, %dma_wait3A_43] : memref<10000x128xf32, #tpu.memory_space<vmem_shared>> -> memref<10000x128xf32, #tpu.memory_space<vmem_shared>>
    tpu.wait_indirect_dma semaphore(%arg15 : memref<!tpu.dma_semaphore, #tpu.memory_space<semaphore_mem>>) src(%dma_wait3A_38 : memref<128x128xf32, #tpu.memory_space<vmem>>) dst(%dma_wait3A_44 : memref<10000x128xf32, #tpu.memory_space<vmem_shared>>)
    %barrier3A_45 = arith.constant 0 : index
    tpu.barrier barrier_id(%barrier3A_45)
    "tpu.region"() ({
      %run_scoped3A_51 = tpu.sem_alloc : memref<!tpu.dma_semaphore, #tpu.memory_space<semaphore_mem>>
      %dma_start3A = arith.constant 0 : i32
      %dma_start3A_52 = tpu.memref_slice %arg6[%arg0, %mul3A_10, %dma_start3A] : memref<2x10000x128xf32, #tpu.memory_space<hbm>> -> memref<1x624x128xf32, #tpu.memory_space<hbm>>
      %dma_start3A_53 = tpu.memref_squeeze %dma_start3A_52 : memref<1x624x128xf32, #tpu.memory_space<hbm>> -> memref<624x128xf32, #tpu.memory_space<hbm>>
      %dma_start3A_54 = arith.constant 0 : i32
      %dma_start3A_55 = tpu.memref_slice %arg7[%mul3A_10, %dma_start3A_54] : memref<10000x128xf32, #tpu.memory_space<vmem_shared>> -> memref<624x128xf32, #tpu.memory_space<vmem_shared>>
      tpu.enqueue_dma source(%dma_start3A_55 : memref<624x128xf32, #tpu.memory_space<vmem_shared>>) target(%dma_start3A_53 : memref<624x128xf32, #tpu.memory_space<hbm>>) target_semaphore(%run_scoped3A_51 : memref<!tpu.dma_semaphore, #tpu.memory_space<semaphore_mem>>)
      %dma_wait3A_56 = arith.constant 0 : i32
      %dma_wait3A_57 = tpu.memref_slice %arg6[%arg0, %mul3A_10, %dma_wait3A_56] : memref<2x10000x128xf32, #tpu.memory_space<hbm>> -> memref<1x624x128xf32, #tpu.memory_space<hbm>>
      %dma_wait3A_58 = tpu.memref_squeeze %dma_wait3A_57 : memref<1x624x128xf32, #tpu.memory_space<hbm>> -> memref<624x128xf32, #tpu.memory_space<hbm>>
      %dma_wait3A_59 = arith.constant 0 : i32
      %dma_wait3A_60 = tpu.memref_slice %arg7[%mul3A_10, %dma_wait3A_59] : memref<10000x128xf32, #tpu.memory_space<vmem_shared>> -> memref<624x128xf32, #tpu.memory_space<vmem_shared>>
      tpu.wait_dma2 semaphore(%run_scoped3A_51 : memref<!tpu.dma_semaphore, #tpu.memory_space<semaphore_mem>>) src(%dma_wait3A_60 : memref<624x128xf32, #tpu.memory_space<vmem_shared>>) dst(%dma_wait3A_58 : memref<624x128xf32, #tpu.memory_space<hbm>>)
      tpu.yield
    }) : () -> ()
    %eq3A_46 = arith.constant 0 : i32
    %eq3A_47 = arith.cmpi eq, %arg1, %eq3A_46 : i32
    %convert_element_type3A_48 = arith.extui %eq3A_47 : i1 to i32
    %cond3A_49 = arith.constant 0 : i32
    %cond3A_50 = arith.cmpi ne, %convert_element_type3A_48, %cond3A_49 : i32
    scf.if %cond3A_50 {
      "tpu.region"() ({
        %run_scoped3A_51 = tpu.sem_alloc : memref<!tpu.dma_semaphore, #tpu.memory_space<semaphore_mem>>
        %dma_start3A = arith.constant 9984 : i32
        %dma_start3A_52 = arith.constant 0 : i32
        %dma_start3A_53 = tpu.memref_slice %arg6[%arg0, %dma_start3A, %dma_start3A_52] : memref<2x10000x128xf32, #tpu.memory_space<hbm>> -> memref<1x16x128xf32, #tpu.memory_space<hbm>>
        %dma_start3A_54 = tpu.memref_squeeze %dma_start3A_53 : memref<1x16x128xf32, #tpu.memory_space<hbm>> -> memref<16x128xf32, #tpu.memory_space<hbm>>
        %dma_start3A_55 = arith.constant 9984 : i32
        %dma_start3A_56 = arith.constant 0 : i32
        %dma_start3A_57 = tpu.memref_slice %arg7[%dma_start3A_55, %dma_start3A_56] : memref<10000x128xf32, #tpu.memory_space<vmem_shared>> -> memref<16x128xf32, #tpu.memory_space<vmem_shared>>
        tpu.enqueue_dma source(%dma_start3A_57 : memref<16x128xf32, #tpu.memory_space<vmem_shared>>) target(%dma_start3A_54 : memref<16x128xf32, #tpu.memory_space<hbm>>) target_semaphore(%run_scoped3A_51 : memref<!tpu.dma_semaphore, #tpu.memory_space<semaphore_mem>>)
        %dma_wait3A_58 = arith.constant 9984 : i32
        %dma_wait3A_59 = arith.constant 0 : i32
        %dma_wait3A_60 = tpu.memref_slice %arg6[%arg0, %dma_wait3A_58, %dma_wait3A_59] : memref<2x10000x128xf32, #tpu.memory_space<hbm>> -> memref<1x16x128xf32, #tpu.memory_space<hbm>>
        %dma_wait3A_61 = tpu.memref_squeeze %dma_wait3A_60 : memref<1x16x128xf32, #tpu.memory_space<hbm>> -> memref<16x128xf32, #tpu.memory_space<hbm>>
        %dma_wait3A_62 = arith.constant 9984 : i32
        %dma_wait3A_63 = arith.constant 0 : i32
        %dma_wait3A_64 = tpu.memref_slice %arg7[%dma_wait3A_62, %dma_wait3A_63] : memref<10000x128xf32, #tpu.memory_space<vmem_shared>> -> memref<16x128xf32, #tpu.memory_space<vmem_shared>>
        tpu.wait_dma2 semaphore(%run_scoped3A_51 : memref<!tpu.dma_semaphore, #tpu.memory_space<semaphore_mem>>) src(%dma_wait3A_64 : memref<16x128xf32, #tpu.memory_space<vmem_shared>>) dst(%dma_wait3A_61 : memref<16x128xf32, #tpu.memory_space<hbm>>)
        tpu.yield
      }) : () -> ()
    } else {
    }
    return
  }
}

module attributes {stable_mosaic.version = 14 : i64} {
  func.func @body(%arg0: i32, %arg1: memref<2x1000x128xf32, #tpu.memory_space<vmem>>, %arg2: memref<128x128xf32, #tpu.memory_space<vmem>>, %arg3: memref<1000x128xf32, #tpu.memory_space<vmem>>) attributes {dimension_semantics = [#tpu.dimension_semantics<arbitrary>], iteration_bounds = array<i64: 10>, scalar_prefetch = 0 : i64, scratch_operands = 0 : i64, tpu.core_type = #tpu.core_type<tc>, window_params = [{transform_indices = @transform_0, window_bounds = array<i64: 2, 1000, 128>}, {pipeline_mode = #tpu.pipeline_mode<synchronous>, transform_indices = @transform_1, window_bounds = array<i64: 128, 128>}, {transform_indices = @transform_2, window_bounds = array<i64: 1000, 128>}]} {
    %get3A = arith.constant 0 : index
    %get3A_0 = arith.constant 0 : index
    %get3A_1 = arith.constant 0 : index
    %get3A_2 = vector.load %arg1[%get3A, %get3A_0, %get3A_1] : memref<2x1000x128xf32, #tpu.memory_space<vmem>>, vector<1x1000x128xf32>
    %get3A_3 = vector.shape_cast %get3A_2 : vector<1x1000x128xf32> to vector<1000x128xf32>
    %get3A_4 = arith.constant 1 : index
    %get3A_5 = arith.constant 0 : index
    %get3A_6 = arith.constant 0 : index
    %get3A_7 = vector.load %arg1[%get3A_4, %get3A_5, %get3A_6] : memref<2x1000x128xf32, #tpu.memory_space<vmem>>, vector<1x1000x128xf32>
    %get3A_8 = vector.shape_cast %get3A_7 : vector<1x1000x128xf32> to vector<1000x128xf32>
    %add3A = arith.addf %get3A_3, %get3A_8 : vector<1000x128xf32>
    %get3A_9 = arith.constant 0 : index
    %get3A_10 = arith.constant 0 : index
    %get3A_11 = vector.load %arg2[%get3A_9, %get3A_10] : memref<128x128xf32, #tpu.memory_space<vmem>>, vector<128x128xf32>
    %dot_general3A = arith.constant dense<0.000000e+00> : vector<1000x128xf32>
    %dot_general3A_12 = tpu.matmul %add3A, %get3A_11, %dot_general3A {dimension_numbers = #tpu.dot_dimension_numbers<[1], [0], [0], [1], [0, 0, 1, 1], [], []>, transpose_lhs_hint = false} : vector<1000x128xf32>, vector<128x128xf32>, vector<1000x128xf32> -> vector<1000x128xf32>
    %max3A = arith.constant 0.000000e+00 : f32
    %max3A_13 = vector.broadcast %max3A : f32 to vector<1000x128xf32>
    %max3A_14 = arith.maximumf %dot_general3A_12, %max3A_13 : vector<1000x128xf32>
    %swap3A = arith.constant 0 : index
    %swap3A_15 = arith.constant 0 : index
    %swap3A_16 = vector.load %arg3[%swap3A, %swap3A_15] : memref<1000x128xf32, #tpu.memory_space<vmem>>, vector<1000x128xf32>
    tpu.vector_store %arg3[%swap3A, %swap3A_15], %max3A_14 {strides = array<i32>} : memref<1000x128xf32, #tpu.memory_space<vmem>>, vector<1000x128xf32>,
    return
  }
  func.func @transform_0(%arg0: i32) -> (i32, i32, i32) {
    %c0_i32 = arith.constant 0 : i32
    %c0_i32_0 = arith.constant 0 : i32
    %c0_i32_1 = arith.constant 0 : i32
    return %c0_i32, %arg0, %c0_i32_0 : i32, i32, i32
  }
  func.func @transform_1(%arg0: i32) -> (i32, i32) {
    %c0_i32 = arith.constant 0 : i32
    %c0_i32_0 = arith.constant 0 : i32
    %c0_i32_1 = arith.constant 0 : i32
    return %c0_i32, %c0_i32_0 : i32, i32
  }
  func.func @transform_2(%arg0: i32) -> (i32, i32) {
    %c0_i32 = arith.constant 0 : i32
    %c0_i32_0 = arith.constant 0 : i32
    return %arg0, %c0_i32 : i32, i32
  }
}

</mosaic_0001>

<sc_bundles>
// kernel: kernel.4.cloned.1.call-start
scs
__scs_entry_jumppad:
0x0: {  	(pc) =	sbr.rel $0x88, $3  }
0x1: {  	(tag) =	ssettag $0x0;
	lr =	simm.s32 $0x1  }
0x2: {  	[smem:$0x3F9D] =	sst lr;
	_ =	strace $0xD0000000  }
0x3: {  	_ = 	snop  }
0x4: {  	_ = 	snop  }
0x5: {  	_ = 	snop  }
0x6: {  	_ = 	snop  }
0x7: {  	_ = 	snop  }
__scs_overlays_trampoline_lowered:
0x8: {  	[smem:$0x3FAC] =	sst s0  }
0x9: {  	[smem:$0x3FAD] =	sst s1  }
0xa: {  	[smem:$0x3FAE] =	sst s2  }
0xb: {  	[smem:$0x3FAF] =	sst s3  }
0xc: {  	[smem:$0x3FB0] =	sst s4  }
0xd: {  	[smem:$0x3FB1] =	sst s5  }
0xe: {  	[smem:$0x3FB2] =	sst s6  }
0xf: {  	[smem:$0x3FB3] =	sst s7  }
0x10: {  	[smem:$0x3FB4] =	sst s8  }
0x11: {  	[smem:$0x3FB5] =	sst s9;
	s0 =	simm.s32 @!p0 $0x0  }
0x12: {  	s1 =	sld [smem:$0x3F9B];
	s0 =	simm.s32 @p0 $0x1  }
0x13: {  	[smem:$0x3FB6] =	sst s0;
	s0 =	simm.s32 @!p1 $0x0  }
0x14: {  	s2 =	sld [smem:$0x3F9A];
	s0 =	simm.s32 @p1 $0x1  }
0x15: {  	[smem:$0x3FB7] =	sst s0;
	s0 =	simm.s32 @!p2 $0x0  }
0x16: {  	s3 =	sld [smem:$0x3FDB];
	s0 =	simm.s32 @p2 $0x1  }
0x17: {  	s4 =	simm.s32 $0x1BF5;
	[smem:$0x3FB9] =	sst s0  }
0x18: {  	s0 =	sld [smem:$0x3F9C];
	_ =	swait.ge [sflag:s4], $0x0  }
0x19: {  	s7 =	sld [smem:$0x3F9D]  }
0x1a: {  	s8 =	sadd.s32 $0xFFFFE003, lr  }
0x1b: {  	s9 =	sadd.s32 $0xFFFFFEF7, lr;
	s5 =	simm.s32 $0xFFFFFFFF;
	p2 =	slt.u32 s8, $0xFFFFF086  }
0x1c: {  	p1 =	slt.u32 s9, $0xF7A;
	s5 =	simm.s32 @!p2 $0x0  }
0x1d: {  	s5 =	simm.s32 @p1 $0x1;
	p0 =	seq.s32 s7, s2  }
0x1e: {  	s7 =	smul.u32 @!p0 $0xF7A, s2;
	p2 =	seq.s32 @!p0 s5, $0x0  }
0x1f: {  	s9 =	smul.u32 $0xF7A, s1;
	s8 =	simm.s32 @!p0 $0x1BF5;
	p2 =	por !p2, p0  }
0x20: {  	[sflag:s8] =	ssyncset.s32 @!p0 $0xFFFFF086;
	s6 =	sadd.s32 @!p0 s3, s7;
	s7 =	simm.s32 @!p0 $0x108  }
0x21: {  	s3 =	sadd.s32 s3, s9;
	s6 =	sadd.s32 @!p0 $0x88, s6;
	s7 =	simm.s32 @p2 $0x1082  }
0x22: {  	[simem:s7], [sflag:s8] =	dma.local @!p0 [hbm:s6], $0xF7A  }
0x23: {  	s9 =	sor.u32 $0xD0000000, s2;
	s6 =	simm.s32 $0x108;
	_ =	swait.ge @!p0 [sflag:s8], $0x0  }
0x24: {  	s3 =	sadd.s32 $0x88, s3;
	s6 =	simm.s32 @!p1 $0x1082;
	[sflag:s4] =	ssyncset.s32 $0xFFFFF086  }
0x25: {  	[simem:s6], [sflag:s4] =	dma.local [hbm:s3], $0xF7A  }
0x26: {  	[smem:$0x3F9D] =	sst s1;
	(tag) =	ssettag s2;
	_ =	strace s9  }
0x27: {  	s1 =	sld [smem:$0x3FAD]  }
0x28: {  	s2 =	sld [smem:$0x3FAE]  }
0x29: {  	s4 =	sld [smem:$0x3FB0]  }
0x2a: {  	p0 =	seq.s32 s5, $0x0;
	s5 =	sld [smem:$0x3FB1]  }
0x2b: {  	s6 =	sld [smem:$0x3FB2]  }
0x2c: {  	s7 =	sld [smem:$0x3FB3]  }
0x2d: {  	s3 =	simm.s32 $0x108;
	s8 =	sld [smem:$0x3FB4]  }
0x2e: {  	s3 =	simm.s32 @!p0 $0x1082;
	s9 =	sld [smem:$0x3FB5]  }
0x2f: {  	lr =	sadd.s32 s0, s3;
	s0 =	sld [smem:$0x3FAC]  }
0x30: {  	s3 =	sld [smem:$0x3FAF]  }
0x31: {  	[smem:$0x3FB8] =	sst s10  }
0x32: {  	s10 =	sld [smem:$0x3FB6];
	_ =	sdelay $0x3  }
0x33: {  	p0 =	seq.s32 s10, $0x1;
	s10 =	sld [smem:$0x3FB8];
	_ =	sdelay $0x3  }
0x34: {  	[smem:$0x3FB8] =	sst s10  }
0x35: {  	s10 =	sld [smem:$0x3FB7];
	_ =	sdelay $0x3  }
0x36: {  	p1 =	seq.s32 s10, $0x1;
	s10 =	sld [smem:$0x3FB8];
	_ =	sdelay $0x3  }
0x37: {  	[smem:$0x3FB8] =	sst s10  }
0x38: {  	s10 =	sld [smem:$0x3FB9]  }
0x39: {  	_ = 	snop;
	(pc) =	sbr.ind lr, $3  }
0x3a: {  	_ = 	snop  }
0x3b: {  	_ = 	snop  }
0x3c: {  	p2 =	seq.s32 s10, $0x1;
	s10 =	sld [smem:$0x3FB8]  }
0x3d: {  	_ =	shalt  }
0x3e: {  	_ =	shalt  }
0x3f: {  	_ =	shalt  }
0x40: {  	_ =	shalt  }
0x41: {  	_ =	shalt  }
0x42: {  	_ =	shalt  }
0x43: {  	_ =	shalt  }
0x44: {  	_ =	shalt  }
0x45: {  	_ =	shalt  }
0x46: {  	_ =	shalt  }
0x47: {  	_ =	shalt  }
0x48: {  	_ =	shalt  }
0x49: {  	_ =	shalt  }
0x4a: {  	_ =	shalt  }
0x4b: {  	_ =	shalt  }
0x4c: {  	_ =	shalt  }
0x4d: {  	_ =	shalt  }
0x4e: {  	_ =	shalt  }
0x4f: {  	_ =	shalt  }
0x50: {  	_ =	shalt  }
0x51: {  	_ =	shalt  }
0x52: {  	_ =	shalt  }
0x53: {  	_ =	shalt  }
0x54: {  	_ =	shalt  }
0x55: {  	_ =	shalt  }
0x56: {  	_ =	shalt  }
0x57: {  	_ =	shalt  }
0x58: {  	_ =	shalt  }
0x59: {  	_ =	shalt  }
0x5a: {  	_ =	shalt  }
0x5b: {  	_ =	shalt  }
0x5c: {  	_ =	shalt  }
0x5d: {  	_ =	shalt  }
0x5e: {  	_ =	shalt  }
0x5f: {  	_ =	shalt  }
0x60: {  	_ =	shalt  }
0x61: {  	_ =	shalt  }
0x62: {  	_ =	shalt  }
0x63: {  	_ =	shalt  }
0x64: {  	_ =	shalt  }
0x65: {  	_ =	shalt  }
0x66: {  	_ =	shalt  }
0x67: {  	_ =	shalt  }
0x68: {  	_ =	shalt  }
0x69: {  	_ =	shalt  }
0x6a: {  	_ =	shalt  }
0x6b: {  	_ =	shalt  }
0x6c: {  	_ =	shalt  }
0x6d: {  	_ =	shalt  }
0x6e: {  	_ =	shalt  }
0x6f: {  	_ =	shalt  }
0x70: {  	_ =	shalt  }
0x71: {  	_ =	shalt  }
0x72: {  	_ =	shalt  }
0x73: {  	_ =	shalt  }
0x74: {  	_ =	shalt  }
0x75: {  	_ =	shalt  }
0x76: {  	_ =	shalt  }
0x77: {  	_ =	shalt  }
0x78: {  	_ =	shalt  }
0x79: {  	_ =	shalt  }
0x7a: {  	_ =	shalt  }
0x7b: {  	_ =	shalt  }
0x7c: {  	_ =	shalt  }
0x7d: {  	_ =	shalt  }
0x7e: {  	_ =	shalt  }
0x7f: {  	_ =	shalt  }
0x80: {  	_ =	shalt  }
0x81: {  	_ =	shalt  }
0x82: {  	_ =	shalt  }
0x83: {  	_ =	shalt  }
0x84: {  	_ =	shalt  }
0x85: {  	_ =	shalt  }
0x86: {  	_ =	shalt  }
0x87: {  	_ =	shalt  }
.Lfunc_end0:
.L_simem_size_0:
called_computation_lowered:
.L_overlay_start_0:
0x88: {  	s2 =	sld [smem:$0x3FD9]  }
0x89: {  	s3 =	sld [smem:$0x3FFE];
	_ =	sdelay $0x1  }
0x8a: {  	s1 =	srdreg.scid  }
0x8b: {  	s0 =	sand.u32 $0x1, s1  }
0x8c: {  	s17 =	sshll.u32 s0, $0xA;
	s2 =	sadd.s32 s3, s2  }
0x8d: {  	s2 =	sadd.s32 s2, s17  }
0x8e: {  	[smem:$0x3FC4] =	sst s2  }
0x8f: {  	_ = 	snop  }
0x90: {  	s2 =	sld [smem:$0x3FC9]  }
0x91: {  	s18 =	sld [smem:$0x3FD0];
	(tm) =	ssettm $0x1  }
0x92: {  	s4 =	sld [smem:$0x3FFB];
	_ =	sdelay $0x3  }
0x93: {  	_ =	strace s4  }
0x94: {  	s4 =	sld [smem:$0x3FFC];
	_ =	sdelay $0x3  }
0x95: {  	_ =	strace s4  }
0x96: {  	s4 =	sld [smem:$0x3FFD];
	_ =	sdelay $0x3  }
0x97: {  	_ =	strace s4  }
0x98: {  	_ =	strace $0x8FFFFFFF  }
0x99: {  	s19 =	sld [smem:$0x3FDB];
	_ =	sdelay $0x1  }
0x9a: {  	s5 =	simm.s32 $_scs_section_size  }
0x9b: {  	s6 =	simm.s32 $_size__tile_overlayer_lowered;
	s7 =	simm.s32 $_tile_overlayer_lowered  }
0x9c: {  	s22 =	simm.s32 $0x1BFF;
	s21 =	sshll.u32 s7, $0x1;
	s4 =	sadd.s32 s5, s19  }
0x9d: {  	s8 =	simm.s32 $0x0;
	s20 =	sshll.u32 s6, $0x1;
	s6 =	sadd.s32 s21, s4  }
0x9e: {  	[timem:s8], [sflag:s22] =	dma.local [hbm:s6], s20  }
0x9f: {  	_ =	swait.ge [sflag:s22], s20  }
0xa0: {  	s5 =	ssub.s32 $0x0, s20;
	[sflag:s22] =	ssyncset.done $0x0  }
0xa1: {  	[sflag:s22] =	ssyncadd.s32 s5;
	_ =	sdelay $0x1  }
0xa2: {  	s23 =	simm.s32 $0x1B8B  }
0xa3: {  	_ =	swait.ge [sflag:s23], $0x1  }
0xa4: {  	[sflag:s23] =	ssyncset.done $0x0  }
0xa5: {  	s25 =	simm.s32 $0x1B8E;
	s24 =	sld [smem:$0x3FFE];
	[sflag:s23] =	ssyncadd.s32 $0xFFFFFFFF  }
0xa6: {  	s26 =	simm.s32 $execute0_lowered;
	[smem:$0x3FD2] =	sst s25  }
0xa7: {  	s6 =	sshll.u32 s26, $0x1;
	_ =	strace $0x80000046;
	[dreg:$0x1] =	wrdreg $0xFFFFFFFF  }
0xa8: {  	s28 =	simm.s32 $_size_execute0_lowered;
	s4 =	sadd.s32 s4, s6;
	[dreg:$0x0] =	wrdreg $0x0  }
0xa9: {  	s6 =	sshll.u32 s28, $0x1;
	[dreg:$0x2] =	wrdreg s4  }
0xaa: {  	[dreg:$0x3] =	wrdreg s6  }
0xab: {  	[dreg:$0x4] =	wrdreg $0xC0  }
0xac: {  	_ =	task [dreg:s8], $0x5FFFF  }
0xad: {  	[dreg:$0x1] =	wrdreg $0xFFFFFFFF  }
0xae: {  	[dreg:$0x0] =	wrdreg $0x60  }
0xaf: {  	[dreg:$0x2] =	wrdreg s24  }
0xb0: {  	[dreg:$0x3] =	wrdreg s18  }
0xb1: {  	[dreg:$0x4] =	wrdreg s2  }
0xb2: {  	[dreg:$0x5] =	wrdreg $0x0  }
0xb3: {  	[dreg:$0x6] =	wrdreg $0x9  }
0xb4: {  	_ =	task.clear_ibuf [dreg:s8], $0x7FFFF;
	_ =	strace $0x90000046  }
0xb5: {  	s29 =	simm.s32 $0x9;
	_ =	strace $0x80000048  }
0xb6: {  	_ =	swait.ge [sflag:s29], $0x1  }
0xb7: {  	[sflag:s29] =	ssyncadd.s32 $0xFFFFFFFF  }
0xb8: {  	_ =	strace $0x90000048  }
0xb9: {  	_ =	sfence  }
0xba: {  	s30 =	sld [smem:$0x0];
	_ =	sdelay $0x2  }
0xbb: {  	s31 =	sshll.u32 s1, $0xD;
	s1 =	sshrl.u32 s1, $0x2  }
0xbc: {  	s3 =	sand.u32 $0x4000, s31;
	s1 =	sadd.s32 s1, s30  }
0xbd: {  	s0 =	sor.u32 s3, s0;
	s1 =	sshll.u32 s1, $0x11  }
0xbe: {  	s0 =	sor.u32 s1, s0  }
0xbf: {  	s0 =	sadd.s32 $0x8F2B, s0  }
0xc0: {  	[sflag:s0] =	ssyncadd.remote.s32 $0x1  }
0xc1: {  	_ =	sfence.sel $0xFFFF  }
0xc2: {  	[dreg:$0x0] =	wrdreg $0xFFFFFFFF;
	(pc) =	sbr.abs _section_cstart, $3  }
0xc3: {  	[dreg:$0x1] =	wrdreg $0xFFFFFFFF  }
0xc4: {  	_ =	task.clear_ibuf [dreg:s8], $0x2FFFF;
	_ =	strace $0x9FFFFFFF  }
0xc5: {  	(tm) =	ssettm $0x7FFFFFFF  }
tec
execute0_lowered:
.L_overlay_start_1:
0x0: {  	(tag) =	ssettag $0x1  }
0x1: {  	s0 =	rddreg [dreg:$0x0]  }
0x2: {  	s1 =	rddreg [dreg:$0x1]  }
0x3: {  	s2 =	rddreg [dreg:$0x2]  }
0x4: {  	s3 =	rddreg [dreg:$0x3];
	s4 =	simm.s32 $0x0  }
0x5: {  	s5 =	srdreg.scid;
	s12 =	stileid.u32;
	s18 =	simm.s32 $0x14480  }
0x6: {  	s19 =	simm.s32 $0x5;
	s28 =	simm.s32 $0x3;
	s29 =	simm.s32 $0x4  }
0x7: {  	s30 =	simm.s32 $0x0;
	[smem:$0x7FF] =	sst s4;
	s5 =	sand.u32 $0x1, s5  }
0x8: {  	s9 =	smul.u32 $0x4E000, s12;
	s6 =	sadd.s32 $0xA400, s0;
	s7 =	sadd.s32 $0x400, s0  }
0x9: {  	s0 =	sadd.s32 $0x14400, s0;
	s21 =	sshll.u32 s12, $0x1;
	s23 =	smul.u32 $0x13800, s12  }
0xa: {  	p0 =	sne.s32 s12, $0x0;
	_ =	strace $0x80000047;
	s8 =	ssub.s32 $0x2, s5  }
0xb: {  	s11 =	smul.u32 $0x138800, s5;
	s5 =	sor.u32 s5, s21;
	s21 =	simm.s32 $0x13C80  }
0xc: {  	s10 =	sshrl.u32 s8, $0x1;
	s20 =	sshrl.u32 s9, $0x2;
	s14 =	smul.u32 $0xA, s5  }
0xd: {  	s10 =	ssub.s32 s8, s10;
	s8 =	sadd.s32 s20, s3;
	s9 =	sadd.s32 s23, s11  }
0xe: {  	s11 =	sshrl.u32 s11, $0x3;
	s20 =	simm.s32 $0x13880;
	s22 =	sadd.s32 $0x4000, s8  }
0xf: {  	s23 =	simm.s32 $0x80;
	s13 =	sadd.s32 $0x8000, s8;
	[dreg:$0x5] =	wrdreg s22  }
0x10: {  	s24 =	sadd.s32 $0xC000, s8;
	s25 =	sadd.s32 $0x10000, s8;
	[dreg:$0x6] =	wrdreg s13  }
0x11: {  	s26 =	sshrl.u32 s9, $0x3;
	s31 =	sadd.s32 s0, s11;
	[dreg:$0x7] =	wrdreg s24  }
0x12: {  	s17 =	smax.u32 s10, $0x1;
	[dreg:$0x8] =	wrdreg s25;
	s13 =	sadd.s32 $0x138000, s3  }
0x13: {  	s15 =	sadd.s32 s0, s26;
	s16 =	sadd.s32 $0x27000, s31;
	s22 =	simm.s32 $0x14080  }
0x14: {  	v0 =	vimm.f32 $0.0e+00;
	s24 =	simm.s32 $0x18480;
	s25 =	simm.s32 $0x1;
	s26 =	simm.s32 $0x2  }
.LBB2_1:
0x15: {  	s0 =	simm.s32 $0x0;
	s5 =	simm.s32 $0x200  }
.LBB2_2:
0x16: {  	p1 =	sne.s32 s5, $0xFE00;
	[tilespmem:s0+$0x144F0] =	vst v0  }
0x17: {  	[tilespmem:s0+$0x14480] =	vst v0  }
0x18: {  	[tilespmem:s0+$0x14490] =	vst v0  }
.Ltmp0:
0x19: {  	[tilespmem:s0+$0x144A0] =	vst v0;
	(pc) =	sbr.rel @p1 .LBB2_2-.Ltmp0, $4  }
0x1a: {  	[tilespmem:s0+$0x144B0] =	vst v0  }
0x1b: {  	[tilespmem:s0+$0x144C0] =	vst v0  }
0x1c: {  	[tilespmem:s0+$0x144D0] =	vst v0  }
0x1d: {  	[tilespmem:s0+$0x144E0] =	vst v0;
	s0 =	sshra.s32 s5, $0x2;
	s5 =	sadd.s32 $0x200, s5  }
0x1e: {  	[tilespmem:s0+$0x144F0] =	vst v0  }
0x1f: {  	[tilespmem:s0+$0x14480] =	vst v0  }
0x20: {  	[tilespmem:s0+$0x14490] =	vst v0  }
0x21: {  	[tilespmem:s0+$0x144A0] =	vst v0  }
0x22: {  	[tilespmem:s0+$0x144B0] =	vst v0  }
0x23: {  	[tilespmem:s0+$0x144C0] =	vst v0  }
0x24: {  	[tilespmem:s0+$0x144D0] =	vst v0  }
0x25: {  	[tilespmem:s0+$0x144E0] =	vst v0  }
0x26: {  	[spmem:s8] =	stream.linear.scatter [tilespmem:s18], [sflag:$0x5], $0x4000, $0x38;
	[tilespmem:$0x1C480] =	vst v63  }
0x27: {  	_ =	swait.ge [sflag:s19], $0x4000  }
0x28: {  	[sflag:s19] =	ssyncset.done $0x0  }
0x29: {  	s9 =	rddreg [dreg:$0x5];
	[sflag:s19] =	ssyncadd.s32 $0xFFFFC000  }
0x2a: {  	[spmem:s9] =	stream.linear.scatter [tilespmem:s18], [sflag:$0x5], $0x4000, $0x38;
	[tilespmem:$0x1C480] =	vst v63  }
0x2b: {  	_ =	swait.ge [sflag:s19], $0x4000  }
0x2c: {  	[sflag:s19] =	ssyncset.done $0x0  }
0x2d: {  	s10 =	rddreg [dreg:$0x6];
	[sflag:s19] =	ssyncadd.s32 $0xFFFFC000  }
0x2e: {  	[spmem:s10] =	stream.linear.scatter [tilespmem:s18], [sflag:$0x5], $0x4000, $0x38;
	[tilespmem:$0x1C480] =	vst v63  }
0x2f: {  	_ =	swait.ge [sflag:s19], $0x4000  }
0x30: {  	[sflag:s19] =	ssyncset.done $0x0  }
0x31: {  	s11 =	rddreg [dreg:$0x7];
	[sflag:s19] =	ssyncadd.s32 $0xFFFFC000  }
0x32: {  	[spmem:s11] =	stream.linear.scatter [tilespmem:s18], [sflag:$0x5], $0x4000, $0x38;
	[tilespmem:$0x1C480] =	vst v63  }
0x33: {  	_ =	swait.ge [sflag:s19], $0x4000  }
0x34: {  	[sflag:s19] =	ssyncset.done $0x0  }
0x35: {  	s12 =	rddreg [dreg:$0x8];
	[sflag:s19] =	ssyncadd.s32 $0xFFFFC000  }
0x36: {  	[spmem:s12] =	stream.linear.scatter [tilespmem:s18], [sflag:$0x5], $0x3800, $0x38;
	[tilespmem:$0x1C480] =	vst v63  }
0x37: {  	_ =	swait.ge [sflag:s19], $0x3800  }
0x38: {  	[sflag:s19] =	ssyncset.done $0x0  }
0x39: {  	s0 =	simm.s32 @!p0 $0x14480;
	[sflag:s19] =	ssyncadd.s32 $0xFFFFC800  }
0x3a: {  	[spmem:s13] =	stream.linear.scatter @!p0 [tilespmem:s0], [sflag:$0x5], $0x800, $0x38;
	[tilespmem:$0x1C480] =	vst v63  }
0x3b: {  	s0 =	simm.s32 @!p0 $0x5  }
0x3c: {  	_ =	swait.ge @!p0 [sflag:s0], $0x800  }
0x3d: {  	[sflag:s0] =	ssyncset.done @!p0 $0x0  }
0x3e: {  	[sflag:s0] =	ssyncadd.s32 @!p0 $0xFFFFF800  }
0x3f: {  	s31 =	simm.s32 $0x0;
	[bflag:$0x0] =	sbarrier.arrive $0xFFFF  }
.LBB2_4:
0x40: {  	p1 =	seq.s32 s31, $0x0  }
0x41: {  	s0 =	simm.s32 @!p1 $0x4  }
0x42: {  	s5 =	sadd.s32 s14, s31;
	_ =	swait.ge @!p1 [sflag:s0], $0x4000  }
0x43: {  	s5 =	sshll.u32 s5, $0x7;
	[sflag:s0] =	ssyncset.done @!p1 $0x0  }
0x44: {  	s10 =	sadd.s32 s1, s5;
	[sflag:s0] =	ssyncadd.s32 @!p1 $0xFFFFC000  }
0x45: {  	[tilespmem:s20], [sflag:$0x5] =	stream.linear.gather [hbm4b:s10+s30], $0x400, $0x38;
	[tilespmem:$0x1C480] =	vst v63  }
0x46: {  	_ =	swait.ge [sflag:s19], $0x400  }
0x47: {  	[sflag:s19] =	ssyncset.done $0x0  }
0x48: {  	s11 =	sadd.s32 s6, s5;
	[sflag:s19] =	ssyncadd.s32 $0xFFFFFC00  }
0x49: {  	[tilespmem:s21], [sflag:$0x5] =	stream.linear.gather [hbm4b:s11+s30], $0x400, $0x38;
	[tilespmem:$0x1C480] =	vst v63  }
0x4a: {  	_ =	swait.ge [sflag:s19], $0x400  }
0x4b: {  	[sflag:s19] =	ssyncset.done $0x0  }
0x4c: {  	s12 =	sadd.s32 s7, s5;
	[sflag:s19] =	ssyncadd.s32 $0xFFFFFC00  }
0x4d: {  	[tilespmem:s22], [sflag:$0x5] =	stream.linear.gather [hbm4b:s12+s30], $0x400, $0x38;
	[tilespmem:$0x1C480] =	vst v63  }
0x4e: {  	_ =	swait.ge [sflag:s19], $0x400  }
0x4f: {  	[sflag:s19] =	ssyncset.done $0x0  }
0x50: {  	s0 =	simm.s32 $0x0;
	[sflag:s19] =	ssyncadd.s32 $0xFFFFFC00  }
.LBB2_5:
0x51: {  	p1 =	seq.s32 s0, $0x0  }
0x52: {  	s5 =	simm.s32 @!p1 $0x4  }
0x53: {  	_ =	swait.ge @!p1 [sflag:s5], $0x4000  }
0x54: {  	s9 =	sshll.u32 s0, $0x8;
	[sflag:s5] =	ssyncset.done @!p1 $0x0  }
0x55: {  	s10 =	sadd.s32 $0x13880, s9;
	[sflag:s5] =	ssyncadd.s32 @!p1 $0xFFFFC000  }
0x56: {  	[tilespmem:s18], [sflag:$0x1] =	stream.indirect.gather [hbm4b:s2+s23], $0x80, s10, s23, $0xb8;
	[tilespmem:$0x1C480] =	vst v63  }
0x57: {  	s5 =	sor.u32 $0x80, s9;
	s10 =	sadd.s32 $0x14080, s9  }
0x58: {  	s11 =	sadd.s32 $0x13880, s5;
	v1 =	vmov s10  }
0x59: {  	[tilespmem:s24], [sflag:$0x2] =	stream.indirect.gather [hbm4b:s2+s23], $0x80, s11, s23, $0xb8;
	[tilespmem:$0x1C480] =	vst v63  }
0x5a: {  	_ =	swait.ge [sflag:s25], $0x4000  }
0x5b: {  	s11 =	simm.s32 $0x0;
	[sflag:s25] =	ssyncset.done $0x0  }
0x5c: {  	s12 =	simm.s32 $0x0;
	s10 =	sand.u32 $0x3FFFFFF0, s11;
	[sflag:s25] =	ssyncadd.s32 $0xFFFFC000  }
0x5d: {  	v2 =	vld.idx.msk [tilespmem:v1+s10+$0x0 ss:$0x1], $0xffff;
	s10 =	sand.u32 $0x3FFFF800, s12  }
0x5e: {  	v8 =	vld [tilespmem:s10+$0x14540]  }
0x5f: {  	v4 =	vld [tilespmem:s10+$0x144A0]  }
0x60: {  	v5 =	vld [tilespmem:s10+$0x144B0]  }
0x61: {  	v11 =	vld [tilespmem:s10+$0x144E0]  }
0x62: {  	v12 =	vld [tilespmem:s10+$0x144F0];
	v3 =	vbroadcast v2, $0x0  }
0x63: {  	v13 =	vld [tilespmem:s10+$0x14500]  }
0x64: {  	v14 =	vld [tilespmem:s10+$0x14510];
	v4 =	vmul.f32 v4, v3  }
0x65: {  	v15 =	vld [tilespmem:s10+$0x14520];
	v5 =	vmul.f32 v5, v3  }
0x66: {  	v10 =	vld [tilespmem:s10+$0x14530];
	v21 =	vbroadcast v2, $0x1;
	v20 =	vmul.f32 v11, v3;
	[tilespmem:s10+$0x144A0] =	vst v4  }
0x67: {  	v9 =	vld [tilespmem:s10+$0x14550];
	v12 =	vmul.f32 v12, v3;
	[tilespmem:s10+$0x144B0] =	vst v5  }
0x68: {  	v7 =	vld [tilespmem:s10+$0x149F0];
	v13 =	vmul.f32 v13, v21;
	[tilespmem:s10+$0x144E0] =	vst v20  }
0x69: {  	v23 =	vld [tilespmem:s10+$0x14570];
	v14 =	vmul.f32 v14, v21;
	[tilespmem:s10+$0x144F0] =	vst v12  }
0x6a: {  	v24 =	vld [tilespmem:s10+$0x14580];
	v15 =	vmul.f32 v15, v21;
	[tilespmem:s10+$0x14500] =	vst v13  }
0x6b: {  	v25 =	vld [tilespmem:s10+$0x14590];
	v10 =	vmul.f32 v10, v21;
	[tilespmem:s10+$0x14510] =	vst v14  }
0x6c: {  	v22 =	vld [tilespmem:s10+$0x14560];
	v8 =	vmul.f32 v8, v21;
	[tilespmem:s10+$0x14520] =	vst v15  }
0x6d: {  	v26 =	vld [tilespmem:s10+$0x145A0];
	v16 =	vbroadcast v2, $0x2;
	v9 =	vmul.f32 v9, v21;
	[tilespmem:s10+$0x14530] =	vst v10  }
0x6e: {  	v27 =	vld [tilespmem:s10+$0x145B0];
	v11 =	vmul.f32 v23, v21;
	[tilespmem:s10+$0x14540] =	vst v8  }
0x6f: {  	v28 =	vld [tilespmem:s10+$0x145C0];
	v6 =	vbroadcast v2, $0xA;
	v30 =	vmul.f32 v24, v16;
	[tilespmem:s10+$0x14550] =	vst v9  }
0x70: {  	v29 =	vld [tilespmem:s10+$0x145D0];
	v32 =	vmul.f32 v25, v16;
	[tilespmem:s10+$0x14570] =	vst v11  }
0x71: {  	v31 =	vld [tilespmem:s10+$0x145E0];
	v4 =	vmul.f32 v7, v6;
	[tilespmem:s10+$0x14580] =	vst v30  }
0x72: {  	v33 =	vld [tilespmem:s10+$0x145F0];
	v12 =	vmul.f32 v22, v21;
	[tilespmem:s10+$0x14590] =	vst v32  }
0x73: {  	v34 =	vld [tilespmem:s10+$0x14600];
	v10 =	vmul.f32 v26, v16;
	[tilespmem:s10+$0x149F0] =	vst v4  }
0x74: {  	v35 =	vld [tilespmem:s10+$0x14610];
	v8 =	vmul.f32 v27, v16;
	[tilespmem:s10+$0x14560] =	vst v12  }
0x75: {  	v36 =	vld [tilespmem:s10+$0x14620];
	v9 =	vmul.f32 v28, v16;
	[tilespmem:s10+$0x145A0] =	vst v10  }
0x76: {  	v37 =	vld [tilespmem:s10+$0x14630];
	v39 =	vbroadcast v2, $0x3;
	v11 =	vmul.f32 v31, v16;
	[tilespmem:s10+$0x145B0] =	vst v8  }
0x77: {  	v38 =	vld [tilespmem:s10+$0x14640];
	v13 =	vmul.f32 v33, v16;
	[tilespmem:s10+$0x145C0] =	vst v9  }
0x78: {  	v40 =	vld [tilespmem:s10+$0x14650];
	v14 =	vmul.f32 v34, v39;
	[tilespmem:s10+$0x145E0] =	vst v11  }
0x79: {  	v41 =	vld [tilespmem:s10+$0x14660];
	v12 =	vmul.f32 v29, v16;
	[tilespmem:s10+$0x145F0] =	vst v13  }
0x7a: {  	v42 =	vld [tilespmem:s10+$0x14670];
	v10 =	vmul.f32 v35, v39;
	[tilespmem:s10+$0x14600] =	vst v14  }
0x7b: {  	v43 =	vld [tilespmem:s10+$0x14680];
	v8 =	vmul.f32 v36, v39;
	[tilespmem:s10+$0x145D0] =	vst v12  }
0x7c: {  	v44 =	vld [tilespmem:s10+$0x14690];
	v9 =	vmul.f32 v37, v39;
	[tilespmem:s10+$0x14610] =	vst v10  }
0x7d: {  	v45 =	vld [tilespmem:s10+$0x146A0];
	v11 =	vmul.f32 v40, v39;
	[tilespmem:s10+$0x14620] =	vst v8  }
0x7e: {  	v46 =	vld [tilespmem:s10+$0x146B0];
	v13 =	vmul.f32 v41, v39;
	[tilespmem:s10+$0x14630] =	vst v9  }
0x7f: {  	v47 =	vld [tilespmem:s10+$0x146C0];
	v48 =	vbroadcast v2, $0x4;
	v14 =	vmul.f32 v42, v39;
	[tilespmem:s10+$0x14650] =	vst v11  }
0x80: {  	v49 =	vld [tilespmem:s10+$0x146D0];
	v12 =	vmul.f32 v38, v39;
	[tilespmem:s10+$0x14660] =	vst v13  }
0x81: {  	v50 =	vld [tilespmem:s10+$0x146E0];
	v10 =	vmul.f32 v43, v48;
	[tilespmem:s10+$0x14670] =	vst v14  }
0x82: {  	v51 =	vld [tilespmem:s10+$0x146F0];
	v8 =	vmul.f32 v44, v48;
	[tilespmem:s10+$0x14640] =	vst v12  }
0x83: {  	v52 =	vld [tilespmem:s10+$0x14700];
	v9 =	vmul.f32 v45, v48;
	[tilespmem:s10+$0x14680] =	vst v10  }
0x84: {  	v53 =	vld [tilespmem:s10+$0x14710];
	v11 =	vmul.f32 v47, v48;
	[tilespmem:s10+$0x14690] =	vst v8  }
0x85: {  	v54 =	vld [tilespmem:s10+$0x14720];
	v13 =	vmul.f32 v49, v48;
	[tilespmem:s10+$0x146A0] =	vst v9  }
0x86: {  	v55 =	vld [tilespmem:s10+$0x14730];
	v14 =	vmul.f32 v50, v48;
	[tilespmem:s10+$0x146C0] =	vst v11  }
0x87: {  	v56 =	vld [tilespmem:s10+$0x14740];
	v57 =	vbroadcast v2, $0x5;
	v12 =	vmul.f32 v46, v48;
	[tilespmem:s10+$0x146D0] =	vst v13  }
0x88: {  	v58 =	vld [tilespmem:s10+$0x14750];
	v10 =	vmul.f32 v51, v48;
	[tilespmem:s10+$0x146E0] =	vst v14  }
0x89: {  	v59 =	vld [tilespmem:s10+$0x14760];
	v8 =	vmul.f32 v52, v57;
	[tilespmem:s10+$0x146B0] =	vst v12  }
0x8a: {  	v60 =	vld [tilespmem:s10+$0x14770];
	v9 =	vmul.f32 v53, v57;
	[tilespmem:s10+$0x146F0] =	vst v10  }
0x8b: {  	v61 =	vld [tilespmem:s10+$0x14780];
	v11 =	vmul.f32 v55, v57;
	[tilespmem:s10+$0x14700] =	vst v8  }
0x8c: {  	v62 =	vld [tilespmem:s10+$0x14790];
	v13 =	vmul.f32 v56, v57;
	[tilespmem:s10+$0x14710] =	vst v9  }
0x8d: {  	v63 =	vld [tilespmem:s10+$0x147A0];
	v14 =	vmul.f32 v58, v57;
	[tilespmem:s10+$0x14730] =	vst v11  }
0x8e: {  	v20 =	vld [tilespmem:s10+$0x147B0];
	v12 =	vmul.f32 v54, v57;
	[tilespmem:s10+$0x14740] =	vst v13  }
0x8f: {  	v21 =	vld [tilespmem:s10+$0x147C0];
	v22 =	vbroadcast v2, $0x6;
	v10 =	vmul.f32 v59, v57;
	[tilespmem:s10+$0x14750] =	vst v14  }
0x90: {  	v23 =	vld [tilespmem:s10+$0x147D0];
	v8 =	vmul.f32 v60, v57;
	[tilespmem:s10+$0x14720] =	vst v12  }
0x91: {  	v24 =	vld [tilespmem:s10+$0x147E0];
	v9 =	vmul.f32 v61, v22;
	[tilespmem:s10+$0x14760] =	vst v10  }
0x92: {  	v25 =	vld [tilespmem:s10+$0x147F0];
	v11 =	vmul.f32 v63, v22;
	[tilespmem:s10+$0x14770] =	vst v8  }
0x93: {  	v5 =	vld [tilespmem:s10+$0x14A00];
	v13 =	vmul.f32 v20, v22;
	[tilespmem:s10+$0x14780] =	vst v9  }
0x94: {  	v27 =	vld [tilespmem:s10+$0x14810];
	v14 =	vmul.f32 v21, v22;
	[tilespmem:s10+$0x147A0] =	vst v11  }
0x95: {  	v28 =	vld [tilespmem:s10+$0x14820];
	v12 =	vmul.f32 v62, v22;
	[tilespmem:s10+$0x147B0] =	vst v13  }
0x96: {  	v29 =	vld [tilespmem:s10+$0x14830];
	v10 =	vmul.f32 v23, v22;
	[tilespmem:s10+$0x147C0] =	vst v14  }
0x97: {  	v31 =	vbroadcast v2, $0x7;
	v53 =	vld [tilespmem:s10+$0x14980];
	v8 =	vmul.f32 v24, v22;
	[tilespmem:s10+$0x14790] =	vst v12  }
0x98: {  	v58 =	vld [tilespmem:s10+$0x149D0];
	v9 =	vmul.f32 v25, v22;
	[tilespmem:s10+$0x147D0] =	vst v10  }
0x99: {  	v26 =	vld [tilespmem:s10+$0x14800];
	v11 =	vmul.f32 v27, v31;
	[tilespmem:s10+$0x147E0] =	vst v8  }
0x9a: {  	v30 =	vld [tilespmem:s10+$0x14840];
	v13 =	vmul.f32 v28, v31;
	[tilespmem:s10+$0x147F0] =	vst v9  }
0x9b: {  	v32 =	vld [tilespmem:s10+$0x14850];
	v14 =	vmul.f32 v29, v31;
	[tilespmem:s10+$0x14810] =	vst v11  }
0x9c: {  	v33 =	vld [tilespmem:s10+$0x14860];
	v59 =	vmul.f32 v53, v6;
	[tilespmem:s10+$0x14820] =	vst v13  }
0x9d: {  	v35 =	vld [tilespmem:s10+$0x14880];
	v21 =	vmul.f32 v58, v6;
	[tilespmem:s10+$0x14830] =	vst v14  }
0x9e: {  	v36 =	vld [tilespmem:s10+$0x14890];
	v12 =	vmul.f32 v26, v31;
	[tilespmem:s10+$0x14980] =	vst v59  }
0x9f: {  	v37 =	vld [tilespmem:s10+$0x148A0];
	v10 =	vmul.f32 v30, v31;
	[tilespmem:s10+$0x149D0] =	vst v21  }
0xa0: {  	v7 =	vld [tilespmem:s10+$0x14A10];
	v40 =	vbroadcast v2, $0x8;
	v8 =	vmul.f32 v32, v31;
	[tilespmem:s10+$0x14800] =	vst v12  }
0xa1: {  	v34 =	vld [tilespmem:s10+$0x14870];
	v9 =	vmul.f32 v33, v31;
	[tilespmem:s10+$0x14840] =	vst v10  }
0xa2: {  	v57 =	vld [tilespmem:s10+$0x149C0];
	v11 =	vmul.f32 v35, v40;
	[tilespmem:s10+$0x14850] =	vst v8  }
0xa3: {  	v61 =	vld [tilespmem:s10+$0x14480];
	v24 =	vbroadcast v2, $0xB;
	v13 =	vmul.f32 v36, v40;
	[tilespmem:s10+$0x14860] =	vst v9  }
0xa4: {  	v4 =	vld [tilespmem:s10+$0x14C50];
	v14 =	vmul.f32 v37, v40;
	[tilespmem:s10+$0x14880] =	vst v11  }
0xa5: {  	v38 =	vld [tilespmem:s10+$0x148B0];
	v5 =	vmul.f32 v5, v24;
	[tilespmem:s10+$0x14890] =	vst v13  }
0xa6: {  	v39 =	vld [tilespmem:s10+$0x148C0];
	v7 =	vmul.f32 v7, v24;
	[tilespmem:s10+$0x148A0] =	vst v14  }
0xa7: {  	v41 =	vld [tilespmem:s10+$0x148D0];
	v19 =	vmul.f32 v57, v6;
	[tilespmem:s10+$0x14A00] =	vst v5  }
0xa8: {  	v43 =	vld [tilespmem:s10+$0x148F0];
	v25 =	vmul.f32 v3, v61;
	[tilespmem:s10+$0x14A10] =	vst v7  }
0xa9: {  	v44 =	vld [tilespmem:s10+$0x14900];
	v12 =	vmul.f32 v34, v31;
	[tilespmem:s10+$0x149C0] =	vst v19  }
0xaa: {  	v45 =	vld [tilespmem:s10+$0x14910];
	v10 =	vmul.f32 v38, v40;
	[tilespmem:s10+$0x14480] =	vst v25  }
0xab: {  	v27 =	vld [tilespmem:s10+$0x14A50];
	v8 =	vmul.f32 v39, v40;
	[tilespmem:s10+$0x14870] =	vst v12  }
0xac: {  	v49 =	vbroadcast v2, $0x9;
	v29 =	vld [tilespmem:s10+$0x14A70];
	v9 =	vmul.f32 v41, v40;
	[tilespmem:s10+$0x148B0] =	vst v10  }
0xad: {  	v42 =	vld [tilespmem:s10+$0x148E0];
	v11 =	vmul.f32 v43, v40;
	[tilespmem:s10+$0x148C0] =	vst v8  }
0xae: {  	v46 =	vld [tilespmem:s10+$0x14920];
	v13 =	vmul.f32 v44, v49;
	[tilespmem:s10+$0x148D0] =	vst v9  }
0xaf: {  	v47 =	vld [tilespmem:s10+$0x14930];
	v14 =	vmul.f32 v45, v49;
	[tilespmem:s10+$0x148F0] =	vst v11  }
0xb0: {  	v48 =	vld [tilespmem:s10+$0x14940];
	v32 =	vmul.f32 v27, v24;
	[tilespmem:s10+$0x14900] =	vst v13  }
0xb1: {  	v51 =	vld [tilespmem:s10+$0x14960];
	v7 =	vmul.f32 v29, v24;
	[tilespmem:s10+$0x14910] =	vst v14  }
0xb2: {  	v52 =	vld [tilespmem:s10+$0x14970];
	v12 =	vmul.f32 v42, v40;
	[tilespmem:s10+$0x14A50] =	vst v32  }
0xb3: {  	v10 =	vmul.f32 v46, v49;
	[tilespmem:s10+$0x14A70] =	vst v7  }
0xb4: {  	v28 =	vld [tilespmem:s10+$0x14A60];
	v8 =	vmul.f32 v47, v49;
	[tilespmem:s10+$0x148E0] =	vst v12  }
0xb5: {  	v30 =	vld [tilespmem:s10+$0x14A80];
	v9 =	vmul.f32 v48, v49;
	[tilespmem:s10+$0x14920] =	vst v10  }
0xb6: {  	v50 =	vld [tilespmem:s10+$0x14950];
	v5 =	vbroadcast v2, $0xF;
	v11 =	vmul.f32 v51, v49;
	[tilespmem:s10+$0x14930] =	vst v8  }
0xb7: {  	v54 =	vld [tilespmem:s10+$0x14990];
	v13 =	vmul.f32 v52, v49;
	[tilespmem:s10+$0x14940] =	vst v9  }
0xb8: {  	v55 =	vld [tilespmem:s10+$0x149A0];
	v35 =	vbroadcast v2, $0xC;
	v4 =	vmul.f32 v4, v5;
	[tilespmem:s10+$0x14960] =	vst v11  }
0xb9: {  	v56 =	vld [tilespmem:s10+$0x149B0];
	v40 =	vmul.f32 v28, v24;
	[tilespmem:s10+$0x14970] =	vst v13  }
0xba: {  	v60 =	vld [tilespmem:s10+$0x149E0];
	v16 =	vmul.f32 v30, v35;
	[tilespmem:s10+$0x14C50] =	vst v4  }
0xbb: {  	v62 =	vld [tilespmem:s10+$0x14490];
	v12 =	vmul.f32 v50, v49;
	[tilespmem:s10+$0x14A60] =	vst v40  }
0xbc: {  	v63 =	vld [tilespmem:s10+$0x144C0];
	v10 =	vmul.f32 v54, v6;
	[tilespmem:s10+$0x14A80] =	vst v16  }
0xbd: {  	v20 =	vld [tilespmem:s10+$0x144D0];
	v8 =	vmul.f32 v55, v6;
	[tilespmem:s10+$0x14950] =	vst v12  }
0xbe: {  	v33 =	vld [tilespmem:s10+$0x14AB0];
	v9 =	vmul.f32 v56, v6;
	[tilespmem:s10+$0x14990] =	vst v10  }
0xbf: {  	v61 =	vld [tilespmem:s10+$0x14C70];
	v6 =	vmul.f32 v60, v6;
	[tilespmem:s10+$0x149A0] =	vst v8  }
0xc0: {  	v38 =	vld [tilespmem:s10+$0x14AF0];
	v13 =	vmul.f32 v62, v3;
	[tilespmem:s10+$0x149B0] =	vst v9  }
0xc1: {  	v22 =	vld [tilespmem:s10+$0x14A20];
	v4 =	vmul.f32 v63, v3;
	[tilespmem:s10+$0x149E0] =	vst v6  }
0xc2: {  	v23 =	vld [tilespmem:s10+$0x14A30];
	v3 =	vmul.f32 v20, v3;
	[tilespmem:s10+$0x14490] =	vst v13  }
0xc3: {  	v26 =	vld [tilespmem:s10+$0x14A40];
	v62 =	vmul.f32 v33, v35;
	[tilespmem:s10+$0x144C0] =	vst v4  }
0xc4: {  	v31 =	vld [tilespmem:s10+$0x14A90];
	v63 =	vmul.f32 v61, v5;
	[tilespmem:s10+$0x144D0] =	vst v3  }
0xc5: {  	v34 =	vld [tilespmem:s10+$0x14AC0];
	v16 =	vmul.f32 v38, v35;
	[tilespmem:s10+$0x14AB0] =	vst v62  }
0xc6: {  	v41 =	vld [tilespmem:s10+$0x14B20];
	v8 =	vmul.f32 v22, v24;
	[tilespmem:s10+$0x14C70] =	vst v63  }
0xc7: {  	v46 =	vld [tilespmem:s10+$0x14B60];
	v9 =	vmul.f32 v23, v24;
	[tilespmem:s10+$0x14AF0] =	vst v16  }
0xc8: {  	v6 =	vmul.f32 v26, v24;
	v3 =	vld [tilespmem:s10+$0x14B10];
	[tilespmem:s10+$0x14A20] =	vst v8  }
0xc9: {  	v36 =	vld [tilespmem:s10+$0x14AD0];
	v44 =	vbroadcast v2, $0xD;
	v10 =	vmul.f32 v31, v35;
	[tilespmem:s10+$0x14A30] =	vst v9  }
0xca: {  	v37 =	vld [tilespmem:s10+$0x14AE0];
	v13 =	vmul.f32 v34, v35;
	[tilespmem:s10+$0x14A40] =	vst v6  }
0xcb: {  	v39 =	vld [tilespmem:s10+$0x14B00];
	v12 =	vmul.f32 v41, v44;
	[tilespmem:s10+$0x14A90] =	vst v10  }
0xcc: {  	v42 =	vld [tilespmem:s10+$0x14B30];
	v51 =	vmul.f32 v46, v44;
	[tilespmem:s10+$0x14AC0] =	vst v13  }
0xcd: {  	v48 =	vld [tilespmem:s10+$0x14B90];
	[tilespmem:s10+$0x14B20] =	vst v12;
	v3 =	vmul.f32 v3, v44  }
0xce: {  	v49 =	vld [tilespmem:s10+$0x14BA0];
	v9 =	vmul.f32 v36, v35;
	[tilespmem:s10+$0x14B60] =	vst v51  }
0xcf: {  	v6 =	vmul.f32 v37, v35;
	[tilespmem:s10+$0x14B10] =	vst v3;
	v3 =	vld [tilespmem:s10+$0x14B80]  }
0xd0: {  	v2 =	vbroadcast v2, $0xE;
	v50 =	vld [tilespmem:s10+$0x14BB0];
	v10 =	vmul.f32 v39, v44;
	[tilespmem:s10+$0x14AD0] =	vst v9  }
0xd1: {  	v45 =	vld [tilespmem:s10+$0x14B50];
	v13 =	vmul.f32 v42, v44;
	[tilespmem:s10+$0x14AE0] =	vst v6  }
0xd2: {  	v47 =	vld [tilespmem:s10+$0x14B70];
	v12 =	vmul.f32 v48, v2;
	[tilespmem:s10+$0x14B00] =	vst v10  }
0xd3: {  	v43 =	vld [tilespmem:s10+$0x14B40];
	v11 =	vmul.f32 v49, v2;
	[tilespmem:s10+$0x14B30] =	vst v13  }
0xd4: {  	v55 =	vld [tilespmem:s10+$0x14C00];
	[tilespmem:s10+$0x14B90] =	vst v12;
	v3 =	vmul.f32 v3, v2  }
0xd5: {  	v57 =	vld [tilespmem:s10+$0x14C20];
	v7 =	vmul.f32 v50, v2;
	[tilespmem:s10+$0x14BA0] =	vst v11  }
0xd6: {  	v6 =	vmul.f32 v45, v44;
	[tilespmem:s10+$0x14B80] =	vst v3;
	v3 =	vld [tilespmem:s10+$0x14BF0]  }
0xd7: {  	v52 =	vld [tilespmem:s10+$0x14BC0];
	v10 =	vmul.f32 v47, v44;
	[tilespmem:s10+$0x14BB0] =	vst v7  }
0xd8: {  	v56 =	vld [tilespmem:s10+$0x14C10];
	v9 =	vmul.f32 v43, v44;
	[tilespmem:s10+$0x14B50] =	vst v6  }
0xd9: {  	v54 =	vld [tilespmem:s10+$0x14BE0];
	v12 =	vmul.f32 v55, v5;
	[tilespmem:s10+$0x14B70] =	vst v10  }
0xda: {  	v58 =	vld [tilespmem:s10+$0x14C30];
	v7 =	vmul.f32 v57, v5;
	[tilespmem:s10+$0x14B40] =	vst v9  }
0xdb: {  	v53 =	vld [tilespmem:s10+$0x14BD0];
	[tilespmem:s10+$0x14C00] =	vst v12;
	v3 =	vmul.f32 v3, v2  }
0xdc: {  	v59 =	vld [tilespmem:s10+$0x14C40];
	v6 =	vmul.f32 v52, v2;
	[tilespmem:s10+$0x14C20] =	vst v7  }
0xdd: {  	v60 =	vld [tilespmem:s10+$0x14C60];
	[tilespmem:s10+$0x14BF0] =	vst v3;
	v3 =	vmul.f32 v56, v5  }
0xde: {  	v10 =	vmul.f32 v54, v2;
	[tilespmem:s10+$0x14BC0] =	vst v6  }
0xdf: {  	v4 =	vld [tilespmem:s10+$0x14AA0];
	[tilespmem:s10+$0x14C10] =	vst v3;
	v3 =	vmul.f32 v58, v5  }
0xe0: {  	[tilespmem:s10+$0x14BE0] =	vst v10;
	v2 =	vmul.f32 v53, v2  }
0xe1: {  	[tilespmem:s10+$0x14C30] =	vst v3;
	v3 =	vmul.f32 v59, v5  }
0xe2: {  	[tilespmem:s10+$0x14BD0] =	vst v2;
	v5 =	vmul.f32 v60, v5  }
0xe3: {  	[tilespmem:s10+$0x14C40] =	vst v3  }
0xe4: {  	s11 =	simm.s32 $0x1;
	v3 =	vmul.f32 v4, v35;
	[tilespmem:s10+$0x14C60] =	vst v5  }
.LBB2_6:
0xe5: {  	s12 =	sshll.u32 s11, $0x4  }
0xe6: {  	p1 =	sne.s32 s11, $0x7;
	[tilespmem:s10+$0x14AA0] =	vst v3;
	s10 =	smov.u32 s11;
	s11 =	sadd.s32 $0x1, s11  }
0xe7: {  	s12 =	sand.u32 $0x3FFFFFF0, s12  }
0xe8: {  	v2 =	vld.idx.msk [tilespmem:v1+s12+$0x0 ss:$0x1], $0xffff  }
0xe9: {  	s10 =	sshll.u32 s10, $0xB  }
0xea: {  	s10 =	sand.u32 $0x3FFFF800, s10  }
0xeb: {  	v9 =	vld [tilespmem:s10+$0x14540]  }
0xec: {  	v10 =	vld [tilespmem:s10+$0x14550]  }
0xed: {  	v11 =	vld [tilespmem:s10+$0x14530]  }
0xee: {  	v3 =	vbroadcast v2, $0x0;
	v8 =	vbroadcast v2, $0x4;
	v4 =	vld [tilespmem:s10+$0x144A0]  }
0xef: {  	v6 =	vld [tilespmem:s10+$0x144B0]  }
0xf0: {  	v7 =	vld [tilespmem:s10+$0x149F0]  }
0xf1: {  	v12 =	vld [tilespmem:s10+$0x144E0]  }
0xf2: {  	v13 =	vld [tilespmem:s10+$0x144F0]  }
0xf3: {  	v5 =	vbroadcast v2, $0xA;
	v4 =	vmul.f32 v4, v3;
	v14 =	vld [tilespmem:s10+$0x14500]  }
0xf4: {  	v6 =	vmul.f32 v6, v3;
	v15 =	vld [tilespmem:s10+$0x14510]  }
0xf5: {  	[tilespmem:s10+$0x144A0] =	vst v4;
	v16 =	vld [tilespmem:s10+$0x14520];
	v4 =	vmul.f32 v7, v5  }
0xf6: {  	[tilespmem:s10+$0x144B0] =	vst v6;
	v7 =	vmul.f32 v12, v3;
	v12 =	vbroadcast v2, $0x1;
	v6 =	vld [tilespmem:s10+$0x14A00]  }
0xf7: {  	v13 =	vmul.f32 v13, v3;
	[tilespmem:s10+$0x149F0] =	vst v4;
	v4 =	vld [tilespmem:s10+$0x14C50]  }
0xf8: {  	[tilespmem:s10+$0x144E0] =	vst v7;
	v14 =	vmul.f32 v14, v12;
	v7 =	vld [tilespmem:s10+$0x14A10]  }
0xf9: {  	[tilespmem:s10+$0x144F0] =	vst v13;
	v13 =	vmul.f32 v15, v12;
	v15 =	vld [tilespmem:s10+$0x14560]  }
0xfa: {  	[tilespmem:s10+$0x14500] =	vst v14;
	v14 =	vmul.f32 v16, v12;
	v16 =	vld [tilespmem:s10+$0x14570]  }
0xfb: {  	v11 =	vmul.f32 v11, v12;
	[tilespmem:s10+$0x14510] =	vst v13;
	v13 =	vld [tilespmem:s10+$0x14580]  }
0xfc: {  	v9 =	vmul.f32 v9, v12;
	[tilespmem:s10+$0x14520] =	vst v14;
	v14 =	vld [tilespmem:s10+$0x14590]  }
0xfd: {  	v10 =	vmul.f32 v10, v12;
	[tilespmem:s10+$0x14530] =	vst v11;
	v11 =	vld [tilespmem:s10+$0x145A0]  }
0xfe: {  	[tilespmem:s10+$0x14540] =	vst v9;
	v9 =	vmul.f32 v15, v12;
	v15 =	vbroadcast v2, $0x2;
	v17 =	vld [tilespmem:s10+$0x145B0]  }
0xff: {  	[tilespmem:s10+$0x14550] =	vst v10;
	v10 =	vmul.f32 v16, v12;
	v12 =	vld [tilespmem:s10+$0x145C0]  }
0x100: {  	[tilespmem:s10+$0x14560] =	vst v9;
	v9 =	vmul.f32 v13, v15;
	v13 =	vld [tilespmem:s10+$0x145D0]  }
0x101: {  	[tilespmem:s10+$0x14570] =	vst v10;
	v10 =	vmul.f32 v14, v15;
	v14 =	vld [tilespmem:s10+$0x145E0]  }
0x102: {  	[tilespmem:s10+$0x14580] =	vst v9;
	v9 =	vmul.f32 v11, v15;
	v11 =	vld [tilespmem:s10+$0x145F0]  }
0x103: {  	[tilespmem:s10+$0x14590] =	vst v10;
	v10 =	vmul.f32 v17, v15;
	v16 =	vld [tilespmem:s10+$0x14600]  }
0x104: {  	[tilespmem:s10+$0x145A0] =	vst v9;
	v9 =	vmul.f32 v12, v15;
	v12 =	vld [tilespmem:s10+$0x14610]  }
0x105: {  	[tilespmem:s10+$0x145B0] =	vst v10;
	v10 =	vmul.f32 v13, v15;
	v13 =	vld [tilespmem:s10+$0x14620]  }
0x106: {  	[tilespmem:s10+$0x145C0] =	vst v9;
	v9 =	vmul.f32 v14, v15;
	v14 =	vbroadcast v2, $0x3;
	v17 =	vld [tilespmem:s10+$0x14630]  }
0x107: {  	[tilespmem:s10+$0x145D0] =	vst v10;
	v10 =	vmul.f32 v11, v15;
	v11 =	vld [tilespmem:s10+$0x14640]  }
0x108: {  	[tilespmem:s10+$0x145E0] =	vst v9;
	v9 =	vmul.f32 v16, v14;
	v15 =	vld [tilespmem:s10+$0x14650]  }
0x109: {  	[tilespmem:s10+$0x145F0] =	vst v10;
	v10 =	vmul.f32 v12, v14;
	v12 =	vld [tilespmem:s10+$0x14660]  }
0x10a: {  	[tilespmem:s10+$0x14600] =	vst v9;
	v9 =	vmul.f32 v13, v14;
	v13 =	vld [tilespmem:s10+$0x14670]  }
0x10b: {  	[tilespmem:s10+$0x14610] =	vst v10;
	v10 =	vmul.f32 v17, v14;
	v16 =	vld [tilespmem:s10+$0x14680]  }
0x10c: {  	[tilespmem:s10+$0x14620] =	vst v9;
	v9 =	vmul.f32 v11, v14;
	v11 =	vld [tilespmem:s10+$0x14690]  }
0x10d: {  	[tilespmem:s10+$0x14630] =	vst v10;
	v10 =	vmul.f32 v15, v14;
	v15 =	vld [tilespmem:s10+$0x146A0]  }
0x10e: {  	[tilespmem:s10+$0x14640] =	vst v9;
	v9 =	vmul.f32 v12, v14;
	v12 =	vld [tilespmem:s10+$0x146B0]  }
0x10f: {  	[tilespmem:s10+$0x14650] =	vst v10;
	v10 =	vmul.f32 v13, v14;
	v13 =	vld [tilespmem:s10+$0x146C0]  }
0x110: {  	[tilespmem:s10+$0x14660] =	vst v9;
	v9 =	vmul.f32 v16, v8;
	v14 =	vld [tilespmem:s10+$0x146D0]  }
0x111: {  	[tilespmem:s10+$0x14670] =	vst v10;
	v10 =	vmul.f32 v11, v8;
	v11 =	vld [tilespmem:s10+$0x146E0]  }
0x112: {  	[tilespmem:s10+$0x14680] =	vst v9;
	v9 =	vmul.f32 v15, v8;
	v15 =	vld [tilespmem:s10+$0x146F0]  }
0x113: {  	[tilespmem:s10+$0x14690] =	vst v10;
	v10 =	vmul.f32 v12, v8;
	v12 =	vld [tilespmem:s10+$0x14700]  }
0x114: {  	[tilespmem:s10+$0x146A0] =	vst v9;
	v9 =	vmul.f32 v13, v8;
	v13 =	vld [tilespmem:s10+$0x14710]  }
0x115: {  	[tilespmem:s10+$0x146B0] =	vst v10;
	v10 =	vmul.f32 v14, v8;
	v14 =	vld [tilespmem:s10+$0x14720]  }
0x116: {  	[tilespmem:s10+$0x146C0] =	vst v9;
	v9 =	vmul.f32 v11, v8;
	v11 =	vbroadcast v2, $0x5;
	v16 =	vld [tilespmem:s10+$0x14730]  }
0x117: {  	[tilespmem:s10+$0x146D0] =	vst v10;
	v8 =	vmul.f32 v15, v8;
	v10 =	vld [tilespmem:s10+$0x14740]  }
0x118: {  	[tilespmem:s10+$0x146E0] =	vst v9;
	v9 =	vmul.f32 v12, v11;
	v12 =	vld [tilespmem:s10+$0x14750]  }
0x119: {  	[tilespmem:s10+$0x146F0] =	vst v8;
	v8 =	vmul.f32 v13, v11;
	v13 =	vld [tilespmem:s10+$0x14760]  }
0x11a: {  	[tilespmem:s10+$0x14700] =	vst v9;
	v9 =	vmul.f32 v14, v11;
	v14 =	vld [tilespmem:s10+$0x14770]  }
0x11b: {  	[tilespmem:s10+$0x14710] =	vst v8;
	v8 =	vmul.f32 v16, v11;
	v15 =	vld [tilespmem:s10+$0x14780]  }
0x11c: {  	[tilespmem:s10+$0x14720] =	vst v9;
	v9 =	vmul.f32 v10, v11;
	v10 =	vld [tilespmem:s10+$0x14790]  }
0x11d: {  	[tilespmem:s10+$0x14730] =	vst v8;
	v8 =	vmul.f32 v12, v11;
	v12 =	vld [tilespmem:s10+$0x147A0]  }
0x11e: {  	[tilespmem:s10+$0x14740] =	vst v9;
	v9 =	vmul.f32 v13, v11;
	v13 =	vbroadcast v2, $0x6;
	v16 =	vld [tilespmem:s10+$0x147B0]  }
0x11f: {  	[tilespmem:s10+$0x14750] =	vst v8;
	v8 =	vmul.f32 v14, v11;
	v11 =	vld [tilespmem:s10+$0x147C0]  }
0x120: {  	[tilespmem:s10+$0x14760] =	vst v9;
	v9 =	vmul.f32 v15, v13;
	v14 =	vld [tilespmem:s10+$0x147D0]  }
0x121: {  	[tilespmem:s10+$0x14770] =	vst v8;
	v8 =	vmul.f32 v10, v13;
	v10 =	vld [tilespmem:s10+$0x147E0]  }
0x122: {  	[tilespmem:s10+$0x14780] =	vst v9;
	v9 =	vmul.f32 v12, v13;
	v12 =	vld [tilespmem:s10+$0x147F0]  }
0x123: {  	[tilespmem:s10+$0x14790] =	vst v8;
	v8 =	vmul.f32 v16, v13;
	v15 =	vld [tilespmem:s10+$0x14800]  }
0x124: {  	[tilespmem:s10+$0x147A0] =	vst v9;
	v9 =	vmul.f32 v11, v13;
	v11 =	vld [tilespmem:s10+$0x14810]  }
0x125: {  	[tilespmem:s10+$0x147B0] =	vst v8;
	v8 =	vmul.f32 v14, v13;
	v14 =	vld [tilespmem:s10+$0x14820]  }
0x126: {  	[tilespmem:s10+$0x147C0] =	vst v9;
	v9 =	vmul.f32 v10, v13;
	v10 =	vbroadcast v2, $0x7;
	v16 =	vld [tilespmem:s10+$0x14830]  }
0x127: {  	[tilespmem:s10+$0x147D0] =	vst v8;
	v8 =	vmul.f32 v12, v13;
	v12 =	vld [tilespmem:s10+$0x14840]  }
0x128: {  	[tilespmem:s10+$0x147E0] =	vst v9;
	v9 =	vmul.f32 v15, v10;
	v13 =	vld [tilespmem:s10+$0x14850]  }
0x129: {  	[tilespmem:s10+$0x147F0] =	vst v8;
	v8 =	vmul.f32 v11, v10;
	v11 =	vld [tilespmem:s10+$0x14860]  }
0x12a: {  	[tilespmem:s10+$0x14800] =	vst v9;
	v9 =	vmul.f32 v14, v10;
	v14 =	vld [tilespmem:s10+$0x14870]  }
0x12b: {  	[tilespmem:s10+$0x14810] =	vst v8;
	v8 =	vmul.f32 v16, v10;
	v15 =	vld [tilespmem:s10+$0x14880]  }
0x12c: {  	[tilespmem:s10+$0x14820] =	vst v9;
	v9 =	vmul.f32 v12, v10;
	v12 =	vld [tilespmem:s10+$0x14890]  }
0x12d: {  	[tilespmem:s10+$0x14830] =	vst v8;
	v8 =	vmul.f32 v13, v10;
	v13 =	vld [tilespmem:s10+$0x148A0]  }
0x12e: {  	[tilespmem:s10+$0x14840] =	vst v9;
	v9 =	vmul.f32 v11, v10;
	v11 =	vbroadcast v2, $0x8;
	v16 =	vld [tilespmem:s10+$0x148B0]  }
0x12f: {  	[tilespmem:s10+$0x14850] =	vst v8;
	v8 =	vmul.f32 v14, v10;
	v10 =	vld [tilespmem:s10+$0x148C0]  }
0x130: {  	[tilespmem:s10+$0x14860] =	vst v9;
	v9 =	vmul.f32 v15, v11;
	v14 =	vld [tilespmem:s10+$0x148D0]  }
0x131: {  	[tilespmem:s10+$0x14870] =	vst v8;
	v8 =	vmul.f32 v12, v11;
	v12 =	vld [tilespmem:s10+$0x148E0]  }
0x132: {  	[tilespmem:s10+$0x14880] =	vst v9;
	v9 =	vmul.f32 v13, v11;
	v13 =	vld [tilespmem:s10+$0x148F0]  }
0x133: {  	[tilespmem:s10+$0x14890] =	vst v8;
	v8 =	vmul.f32 v16, v11;
	v15 =	vld [tilespmem:s10+$0x14900]  }
0x134: {  	[tilespmem:s10+$0x148A0] =	vst v9;
	v9 =	vmul.f32 v10, v11;
	v10 =	vld [tilespmem:s10+$0x14910]  }
0x135: {  	[tilespmem:s10+$0x148B0] =	vst v8;
	v8 =	vmul.f32 v14, v11;
	v14 =	vld [tilespmem:s10+$0x14920]  }
0x136: {  	[tilespmem:s10+$0x148C0] =	vst v9;
	v9 =	vmul.f32 v12, v11;
	v12 =	vbroadcast v2, $0x9;
	v16 =	vld [tilespmem:s10+$0x14930]  }
0x137: {  	[tilespmem:s10+$0x148D0] =	vst v8;
	v8 =	vmul.f32 v13, v11;
	v11 =	vld [tilespmem:s10+$0x14940]  }
0x138: {  	[tilespmem:s10+$0x148E0] =	vst v9;
	v9 =	vmul.f32 v15, v12;
	v13 =	vld [tilespmem:s10+$0x14950]  }
0x139: {  	[tilespmem:s10+$0x148F0] =	vst v8;
	v8 =	vmul.f32 v10, v12;
	v10 =	vld [tilespmem:s10+$0x14960]  }
0x13a: {  	[tilespmem:s10+$0x14900] =	vst v9;
	v9 =	vmul.f32 v14, v12;
	v14 =	vld [tilespmem:s10+$0x14970]  }
0x13b: {  	[tilespmem:s10+$0x14910] =	vst v8;
	v8 =	vmul.f32 v16, v12;
	v15 =	vld [tilespmem:s10+$0x14980]  }
0x13c: {  	[tilespmem:s10+$0x14920] =	vst v9;
	v9 =	vmul.f32 v11, v12;
	v11 =	vld [tilespmem:s10+$0x14990]  }
0x13d: {  	[tilespmem:s10+$0x14930] =	vst v8;
	v8 =	vmul.f32 v13, v12;
	v13 =	vld [tilespmem:s10+$0x149A0]  }
0x13e: {  	[tilespmem:s10+$0x14940] =	vst v9;
	v9 =	vmul.f32 v10, v12;
	v10 =	vld [tilespmem:s10+$0x149B0]  }
0x13f: {  	[tilespmem:s10+$0x14950] =	vst v8;
	v8 =	vmul.f32 v14, v12;
	v12 =	vld [tilespmem:s10+$0x149C0]  }
0x140: {  	[tilespmem:s10+$0x14960] =	vst v9;
	v9 =	vmul.f32 v15, v5;
	v14 =	vld [tilespmem:s10+$0x149D0]  }
0x141: {  	[tilespmem:s10+$0x14970] =	vst v8;
	v8 =	vmul.f32 v11, v5;
	v11 =	vld [tilespmem:s10+$0x149E0]  }
0x142: {  	v15 =	vld [tilespmem:s10+$0x14480];
	[tilespmem:s10+$0x14980] =	vst v9;
	v9 =	vmul.f32 v13, v5  }
0x143: {  	v13 =	vld [tilespmem:s10+$0x14490];
	[tilespmem:s10+$0x14990] =	vst v8;
	v8 =	vmul.f32 v10, v5  }
0x144: {  	v10 =	vld [tilespmem:s10+$0x144C0];
	[tilespmem:s10+$0x149A0] =	vst v9;
	v9 =	vmul.f32 v12, v5  }
0x145: {  	v12 =	vld [tilespmem:s10+$0x144D0];
	[tilespmem:s10+$0x149B0] =	vst v8;
	v8 =	vmul.f32 v14, v5  }
0x146: {  	[tilespmem:s10+$0x149C0] =	vst v9;
	v9 =	vmul.f32 v11, v5;
	v11 =	vbroadcast v2, $0xB;
	v14 =	vld [tilespmem:s10+$0x14A20]  }
0x147: {  	v5 =	vbroadcast v2, $0xF;
	v15 =	vmul.f32 v3, v15;
	[tilespmem:s10+$0x149D0] =	vst v8;
	v8 =	vld [tilespmem:s10+$0x14A30]  }
0x148: {  	v13 =	vmul.f32 v13, v3;
	[tilespmem:s10+$0x149E0] =	vst v9;
	v6 =	vmul.f32 v6, v11;
	v9 =	vld [tilespmem:s10+$0x14A40]  }
0x149: {  	v7 =	vmul.f32 v7, v11;
	[tilespmem:s10+$0x14480] =	vst v15;
	v10 =	vmul.f32 v10, v3;
	v15 =	vld [tilespmem:s10+$0x14A50]  }
0x14a: {  	v4 =	vmul.f32 v4, v5;
	v12 =	vmul.f32 v12, v3;
	[tilespmem:s10+$0x14A00] =	vst v6;
	v3 =	vld [tilespmem:s10+$0x14A60]  }
0x14b: {  	[tilespmem:s10+$0x14A10] =	vst v7;
	v6 =	vmul.f32 v14, v11;
	v7 =	vld [tilespmem:s10+$0x14A70]  }
0x14c: {  	v8 =	vmul.f32 v8, v11;
	v14 =	vld [tilespmem:s10+$0x14A80];
	[tilespmem:s10+$0x14C50] =	vst v4  }
0x14d: {  	[tilespmem:s10+$0x14490] =	vst v13;
	v4 =	vmul.f32 v9, v11;
	v9 =	vld [tilespmem:s10+$0x14A90]  }
0x14e: {  	[tilespmem:s10+$0x144C0] =	vst v10;
	v10 =	vmul.f32 v15, v11;
	v13 =	vld [tilespmem:s10+$0x14AA0]  }
0x14f: {  	v15 =	vbroadcast v2, $0xC;
	[tilespmem:s10+$0x14A20] =	vst v6;
	v6 =	vmul.f32 v3, v11;
	v16 =	vld [tilespmem:s10+$0x14AB0]  }
0x150: {  	[tilespmem:s10+$0x14A50] =	vst v10;
	v7 =	vmul.f32 v7, v11;
	v10 =	vld [tilespmem:s10+$0x14AC0]  }
0x151: {  	[tilespmem:s10+$0x14A30] =	vst v8;
	v3 =	vmul.f32 v14, v15;
	v8 =	vld [tilespmem:s10+$0x14AD0]  }
0x152: {  	[tilespmem:s10+$0x14A40] =	vst v4;
	v4 =	vmul.f32 v9, v15;
	v9 =	vld [tilespmem:s10+$0x14AE0]  }
0x153: {  	[tilespmem:s10+$0x14A80] =	vst v3;
	v3 =	vmul.f32 v13, v15;
	v11 =	vld [tilespmem:s10+$0x14AF0]  }
0x154: {  	[tilespmem:s10+$0x14A90] =	vst v4;
	v4 =	vld [tilespmem:s10+$0x14B00]  }
0x155: {  	[tilespmem:s10+$0x144D0] =	vst v12;
	v10 =	vmul.f32 v10, v15;
	v12 =	vld [tilespmem:s10+$0x14B10]  }
0x156: {  	[tilespmem:s10+$0x14A60] =	vst v6;
	v6 =	vmul.f32 v8, v15;
	v8 =	vld [tilespmem:s10+$0x14B20]  }
0x157: {  	[tilespmem:s10+$0x14AC0] =	vst v10;
	v9 =	vmul.f32 v9, v15;
	v10 =	vbroadcast v2, $0xD;
	v13 =	vld [tilespmem:s10+$0x14B30]  }
0x158: {  	[tilespmem:s10+$0x14AD0] =	vst v6;
	v6 =	vmul.f32 v11, v15;
	v11 =	vld [tilespmem:s10+$0x14B40]  }
0x159: {  	[tilespmem:s10+$0x14AE0] =	vst v9;
	v4 =	vmul.f32 v4, v10;
	v9 =	vld [tilespmem:s10+$0x14B50]  }
0x15a: {  	[tilespmem:s10+$0x14AF0] =	vst v6;
	v6 =	vmul.f32 v12, v10;
	v12 =	vld [tilespmem:s10+$0x14B60]  }
0x15b: {  	[tilespmem:s10+$0x14B00] =	vst v4;
	v4 =	vmul.f32 v8, v10;
	v8 =	vld [tilespmem:s10+$0x14B70]  }
0x15c: {  	[tilespmem:s10+$0x14B10] =	vst v6;
	v6 =	vmul.f32 v13, v10;
	v13 =	vld [tilespmem:s10+$0x14B80]  }
0x15d: {  	[tilespmem:s10+$0x14B20] =	vst v4;
	v4 =	vmul.f32 v11, v10;
	v11 =	vld [tilespmem:s10+$0x14B90]  }
0x15e: {  	[tilespmem:s10+$0x14B30] =	vst v6;
	v6 =	vmul.f32 v9, v10;
	v9 =	vld [tilespmem:s10+$0x14BA0]  }
0x15f: {  	v2 =	vbroadcast v2, $0xE;
	[tilespmem:s10+$0x14A70] =	vst v7;
	v7 =	vmul.f32 v12, v10;
	v12 =	vld [tilespmem:s10+$0x14BB0]  }
0x160: {  	[tilespmem:s10+$0x14B50] =	vst v6;
	v6 =	vmul.f32 v8, v10;
	v8 =	vld [tilespmem:s10+$0x14BC0]  }
0x161: {  	[tilespmem:s10+$0x14B60] =	vst v7;
	v7 =	vmul.f32 v13, v2;
	v10 =	vld [tilespmem:s10+$0x14BD0]  }
0x162: {  	[tilespmem:s10+$0x14B70] =	vst v6;
	v6 =	vmul.f32 v11, v2;
	v11 =	vld [tilespmem:s10+$0x14BE0]  }
0x163: {  	[tilespmem:s10+$0x14B80] =	vst v7;
	v7 =	vmul.f32 v9, v2;
	v9 =	vld [tilespmem:s10+$0x14BF0]  }
0x164: {  	[tilespmem:s10+$0x14B90] =	vst v6;
	v6 =	vmul.f32 v12, v2;
	v12 =	vld [tilespmem:s10+$0x14C00]  }
0x165: {  	[tilespmem:s10+$0x14BA0] =	vst v7;
	v7 =	vmul.f32 v8, v2;
	v8 =	vld [tilespmem:s10+$0x14C10]  }
0x166: {  	[tilespmem:s10+$0x14BB0] =	vst v6;
	v6 =	vmul.f32 v10, v2;
	v10 =	vld [tilespmem:s10+$0x14C20]  }
0x167: {  	[tilespmem:s10+$0x14BC0] =	vst v7;
	v7 =	vmul.f32 v11, v2;
	v11 =	vld [tilespmem:s10+$0x14C30]  }
0x168: {  	[tilespmem:s10+$0x14B40] =	vst v4;
	v2 =	vmul.f32 v9, v2;
	v4 =	vld [tilespmem:s10+$0x14C40]  }
0x169: {  	[tilespmem:s10+$0x14BE0] =	vst v7;
	v7 =	vmul.f32 v12, v5;
	v9 =	vld [tilespmem:s10+$0x14C60]  }
0x16a: {  	[tilespmem:s10+$0x14BF0] =	vst v2;
	v2 =	vmul.f32 v8, v5;
	v8 =	vld [tilespmem:s10+$0x14C70]  }
0x16b: {  	[tilespmem:s10+$0x14C00] =	vst v7;
	v7 =	vmul.f32 v10, v5  }
0x16c: {  	[tilespmem:s10+$0x14C10] =	vst v2;
	v2 =	vmul.f32 v11, v5  }
0x16d: {  	v10 =	vmul.f32 v16, v15;
	[tilespmem:s10+$0x14C20] =	vst v7  }
0x16e: {  	[tilespmem:s10+$0x14C30] =	vst v2;
	v2 =	vmul.f32 v4, v5  }
.Ltmp1:
0x16f: {  	[tilespmem:s10+$0x14AB0] =	vst v10;
	v4 =	vmul.f32 v8, v5;
	(pc) =	sbr.rel @p1 .LBB2_6-.Ltmp1, $4  }
0x170: {  	[tilespmem:s10+$0x14C40] =	vst v2  }
0x171: {  	v2 =	vmul.f32 v9, v5;
	[tilespmem:s10+$0x14C70] =	vst v4  }
0x172: {  	[tilespmem:s10+$0x14BD0] =	vst v6  }
0x173: {  	[tilespmem:s10+$0x14C60] =	vst v2  }
0x174: {  	s11 =	sadd.s32 $0x14080, s5  }
0x175: {  	[tilespmem:s10+$0x14AA0] =	vst v3;
	s9 =	sadd.s32 $0x13C80, s9;
	v1 =	vmov s11  }
0x176: {  	[spmem:s3] =	stream.indirect.scatter.add.f32 [tilespmem:s18], [sflag:$0x3], $0x80, s9, s23, $0xb8;
	[tilespmem:$0x1C480] =	vst v63  }
0x177: {  	_ =	swait.ge [sflag:s26], $0x4000  }
0x178: {  	s11 =	simm.s32 $0x0;
	[sflag:s26] =	ssyncset.done $0x0  }
0x179: {  	s12 =	simm.s32 $0x0;
	s9 =	sand.u32 $0x3FFFFFF0, s11;
	[sflag:s26] =	ssyncadd.s32 $0xFFFFC000  }
0x17a: {  	v2 =	vld.idx.msk [tilespmem:v1+s9+$0x0 ss:$0x1], $0xffff;
	s9 =	sand.u32 $0x3FFFF800, s12  }
0x17b: {  	v8 =	vld [tilespmem:s9+$0x18540]  }
0x17c: {  	v4 =	vld [tilespmem:s9+$0x184A0]  }
0x17d: {  	v5 =	vld [tilespmem:s9+$0x184B0]  }
0x17e: {  	v11 =	vld [tilespmem:s9+$0x184E0]  }
0x17f: {  	v12 =	vld [tilespmem:s9+$0x184F0];
	v3 =	vbroadcast v2, $0x0  }
0x180: {  	v13 =	vld [tilespmem:s9+$0x18500]  }
0x181: {  	v14 =	vld [tilespmem:s9+$0x18510];
	v4 =	vmul.f32 v4, v3  }
0x182: {  	v15 =	vld [tilespmem:s9+$0x18520];
	v5 =	vmul.f32 v5, v3  }
0x183: {  	v10 =	vld [tilespmem:s9+$0x18530];
	v21 =	vbroadcast v2, $0x1;
	v20 =	vmul.f32 v11, v3;
	[tilespmem:s9+$0x184A0] =	vst v4  }
0x184: {  	v9 =	vld [tilespmem:s9+$0x18550];
	v12 =	vmul.f32 v12, v3;
	[tilespmem:s9+$0x184B0] =	vst v5  }
0x185: {  	v7 =	vld [tilespmem:s9+$0x189F0];
	v13 =	vmul.f32 v13, v21;
	[tilespmem:s9+$0x184E0] =	vst v20  }
0x186: {  	v23 =	vld [tilespmem:s9+$0x18570];
	v14 =	vmul.f32 v14, v21;
	[tilespmem:s9+$0x184F0] =	vst v12  }
0x187: {  	v24 =	vld [tilespmem:s9+$0x18580];
	v15 =	vmul.f32 v15, v21;
	[tilespmem:s9+$0x18500] =	vst v13  }
0x188: {  	v25 =	vld [tilespmem:s9+$0x18590];
	v10 =	vmul.f32 v10, v21;
	[tilespmem:s9+$0x18510] =	vst v14  }
0x189: {  	v22 =	vld [tilespmem:s9+$0x18560];
	v8 =	vmul.f32 v8, v21;
	[tilespmem:s9+$0x18520] =	vst v15  }
0x18a: {  	v26 =	vld [tilespmem:s9+$0x185A0];
	v16 =	vbroadcast v2, $0x2;
	v9 =	vmul.f32 v9, v21;
	[tilespmem:s9+$0x18530] =	vst v10  }
0x18b: {  	v27 =	vld [tilespmem:s9+$0x185B0];
	v11 =	vmul.f32 v23, v21;
	[tilespmem:s9+$0x18540] =	vst v8  }
0x18c: {  	v28 =	vld [tilespmem:s9+$0x185C0];
	v6 =	vbroadcast v2, $0xA;
	v30 =	vmul.f32 v24, v16;
	[tilespmem:s9+$0x18550] =	vst v9  }
0x18d: {  	v29 =	vld [tilespmem:s9+$0x185D0];
	v32 =	vmul.f32 v25, v16;
	[tilespmem:s9+$0x18570] =	vst v11  }
0x18e: {  	v31 =	vld [tilespmem:s9+$0x185E0];
	v4 =	vmul.f32 v7, v6;
	[tilespmem:s9+$0x18580] =	vst v30  }
0x18f: {  	v33 =	vld [tilespmem:s9+$0x185F0];
	v12 =	vmul.f32 v22, v21;
	[tilespmem:s9+$0x18590] =	vst v32  }
0x190: {  	v34 =	vld [tilespmem:s9+$0x18600];
	v10 =	vmul.f32 v26, v16;
	[tilespmem:s9+$0x189F0] =	vst v4  }
0x191: {  	v35 =	vld [tilespmem:s9+$0x18610];
	v8 =	vmul.f32 v27, v16;
	[tilespmem:s9+$0x18560] =	vst v12  }
0x192: {  	v36 =	vld [tilespmem:s9+$0x18620];
	v9 =	vmul.f32 v28, v16;
	[tilespmem:s9+$0x185A0] =	vst v10  }
0x193: {  	v37 =	vld [tilespmem:s9+$0x18630];
	v39 =	vbroadcast v2, $0x3;
	v11 =	vmul.f32 v31, v16;
	[tilespmem:s9+$0x185B0] =	vst v8  }
0x194: {  	v38 =	vld [tilespmem:s9+$0x18640];
	v13 =	vmul.f32 v33, v16;
	[tilespmem:s9+$0x185C0] =	vst v9  }
0x195: {  	v40 =	vld [tilespmem:s9+$0x18650];
	v14 =	vmul.f32 v34, v39;
	[tilespmem:s9+$0x185E0] =	vst v11  }
0x196: {  	v41 =	vld [tilespmem:s9+$0x18660];
	v12 =	vmul.f32 v29, v16;
	[tilespmem:s9+$0x185F0] =	vst v13  }
0x197: {  	v42 =	vld [tilespmem:s9+$0x18670];
	v10 =	vmul.f32 v35, v39;
	[tilespmem:s9+$0x18600] =	vst v14  }
0x198: {  	v43 =	vld [tilespmem:s9+$0x18680];
	v8 =	vmul.f32 v36, v39;
	[tilespmem:s9+$0x185D0] =	vst v12  }
0x199: {  	v44 =	vld [tilespmem:s9+$0x18690];
	v9 =	vmul.f32 v37, v39;
	[tilespmem:s9+$0x18610] =	vst v10  }
0x19a: {  	v45 =	vld [tilespmem:s9+$0x186A0];
	v11 =	vmul.f32 v40, v39;
	[tilespmem:s9+$0x18620] =	vst v8  }
0x19b: {  	v46 =	vld [tilespmem:s9+$0x186B0];
	v13 =	vmul.f32 v41, v39;
	[tilespmem:s9+$0x18630] =	vst v9  }
0x19c: {  	v47 =	vld [tilespmem:s9+$0x186C0];
	v48 =	vbroadcast v2, $0x4;
	v14 =	vmul.f32 v42, v39;
	[tilespmem:s9+$0x18650] =	vst v11  }
0x19d: {  	v49 =	vld [tilespmem:s9+$0x186D0];
	v12 =	vmul.f32 v38, v39;
	[tilespmem:s9+$0x18660] =	vst v13  }
0x19e: {  	v50 =	vld [tilespmem:s9+$0x186E0];
	v10 =	vmul.f32 v43, v48;
	[tilespmem:s9+$0x18670] =	vst v14  }
0x19f: {  	v51 =	vld [tilespmem:s9+$0x186F0];
	v8 =	vmul.f32 v44, v48;
	[tilespmem:s9+$0x18640] =	vst v12  }
0x1a0: {  	v52 =	vld [tilespmem:s9+$0x18700];
	v9 =	vmul.f32 v45, v48;
	[tilespmem:s9+$0x18680] =	vst v10  }
0x1a1: {  	v53 =	vld [tilespmem:s9+$0x18710];
	v11 =	vmul.f32 v47, v48;
	[tilespmem:s9+$0x18690] =	vst v8  }
0x1a2: {  	v54 =	vld [tilespmem:s9+$0x18720];
	v13 =	vmul.f32 v49, v48;
	[tilespmem:s9+$0x186A0] =	vst v9  }
0x1a3: {  	v55 =	vld [tilespmem:s9+$0x18730];
	v14 =	vmul.f32 v50, v48;
	[tilespmem:s9+$0x186C0] =	vst v11  }
0x1a4: {  	v56 =	vld [tilespmem:s9+$0x18740];
	v57 =	vbroadcast v2, $0x5;
	v12 =	vmul.f32 v46, v48;
	[tilespmem:s9+$0x186D0] =	vst v13  }
0x1a5: {  	v58 =	vld [tilespmem:s9+$0x18750];
	v10 =	vmul.f32 v51, v48;
	[tilespmem:s9+$0x186E0] =	vst v14  }
0x1a6: {  	v59 =	vld [tilespmem:s9+$0x18760];
	v8 =	vmul.f32 v52, v57;
	[tilespmem:s9+$0x186B0] =	vst v12  }
0x1a7: {  	v60 =	vld [tilespmem:s9+$0x18770];
	v9 =	vmul.f32 v53, v57;
	[tilespmem:s9+$0x186F0] =	vst v10  }
0x1a8: {  	v61 =	vld [tilespmem:s9+$0x18780];
	v11 =	vmul.f32 v55, v57;
	[tilespmem:s9+$0x18700] =	vst v8  }
0x1a9: {  	v62 =	vld [tilespmem:s9+$0x18790];
	v13 =	vmul.f32 v56, v57;
	[tilespmem:s9+$0x18710] =	vst v9  }
0x1aa: {  	v63 =	vld [tilespmem:s9+$0x187A0];
	v14 =	vmul.f32 v58, v57;
	[tilespmem:s9+$0x18730] =	vst v11  }
0x1ab: {  	v20 =	vld [tilespmem:s9+$0x187B0];
	v12 =	vmul.f32 v54, v57;
	[tilespmem:s9+$0x18740] =	vst v13  }
0x1ac: {  	v21 =	vld [tilespmem:s9+$0x187C0];
	v22 =	vbroadcast v2, $0x6;
	v10 =	vmul.f32 v59, v57;
	[tilespmem:s9+$0x18750] =	vst v14  }
0x1ad: {  	v23 =	vld [tilespmem:s9+$0x187D0];
	v8 =	vmul.f32 v60, v57;
	[tilespmem:s9+$0x18720] =	vst v12  }
0x1ae: {  	v24 =	vld [tilespmem:s9+$0x187E0];
	v9 =	vmul.f32 v61, v22;
	[tilespmem:s9+$0x18760] =	vst v10  }
0x1af: {  	v25 =	vld [tilespmem:s9+$0x187F0];
	v11 =	vmul.f32 v63, v22;
	[tilespmem:s9+$0x18770] =	vst v8  }
0x1b0: {  	v5 =	vld [tilespmem:s9+$0x18A00];
	v13 =	vmul.f32 v20, v22;
	[tilespmem:s9+$0x18780] =	vst v9  }
0x1b1: {  	v27 =	vld [tilespmem:s9+$0x18810];
	v14 =	vmul.f32 v21, v22;
	[tilespmem:s9+$0x187A0] =	vst v11  }
0x1b2: {  	v28 =	vld [tilespmem:s9+$0x18820];
	v12 =	vmul.f32 v62, v22;
	[tilespmem:s9+$0x187B0] =	vst v13  }
0x1b3: {  	v29 =	vld [tilespmem:s9+$0x18830];
	v10 =	vmul.f32 v23, v22;
	[tilespmem:s9+$0x187C0] =	vst v14  }
0x1b4: {  	v31 =	vbroadcast v2, $0x7;
	v53 =	vld [tilespmem:s9+$0x18980];
	v8 =	vmul.f32 v24, v22;
	[tilespmem:s9+$0x18790] =	vst v12  }
0x1b5: {  	v58 =	vld [tilespmem:s9+$0x189D0];
	v9 =	vmul.f32 v25, v22;
	[tilespmem:s9+$0x187D0] =	vst v10  }
0x1b6: {  	v26 =	vld [tilespmem:s9+$0x18800];
	v11 =	vmul.f32 v27, v31;
	[tilespmem:s9+$0x187E0] =	vst v8  }
0x1b7: {  	v30 =	vld [tilespmem:s9+$0x18840];
	v13 =	vmul.f32 v28, v31;
	[tilespmem:s9+$0x187F0] =	vst v9  }
0x1b8: {  	v32 =	vld [tilespmem:s9+$0x18850];
	v14 =	vmul.f32 v29, v31;
	[tilespmem:s9+$0x18810] =	vst v11  }
0x1b9: {  	v33 =	vld [tilespmem:s9+$0x18860];
	v59 =	vmul.f32 v53, v6;
	[tilespmem:s9+$0x18820] =	vst v13  }
0x1ba: {  	v35 =	vld [tilespmem:s9+$0x18880];
	v21 =	vmul.f32 v58, v6;
	[tilespmem:s9+$0x18830] =	vst v14  }
0x1bb: {  	v36 =	vld [tilespmem:s9+$0x18890];
	v12 =	vmul.f32 v26, v31;
	[tilespmem:s9+$0x18980] =	vst v59  }
0x1bc: {  	v37 =	vld [tilespmem:s9+$0x188A0];
	v10 =	vmul.f32 v30, v31;
	[tilespmem:s9+$0x189D0] =	vst v21  }
0x1bd: {  	v7 =	vld [tilespmem:s9+$0x18A10];
	v40 =	vbroadcast v2, $0x8;
	v8 =	vmul.f32 v32, v31;
	[tilespmem:s9+$0x18800] =	vst v12  }
0x1be: {  	v34 =	vld [tilespmem:s9+$0x18870];
	v9 =	vmul.f32 v33, v31;
	[tilespmem:s9+$0x18840] =	vst v10  }
0x1bf: {  	v57 =	vld [tilespmem:s9+$0x189C0];
	v11 =	vmul.f32 v35, v40;
	[tilespmem:s9+$0x18850] =	vst v8  }
0x1c0: {  	v61 =	vld [tilespmem:s9+$0x18480];
	v24 =	vbroadcast v2, $0xB;
	v13 =	vmul.f32 v36, v40;
	[tilespmem:s9+$0x18860] =	vst v9  }
0x1c1: {  	v4 =	vld [tilespmem:s9+$0x18C50];
	v14 =	vmul.f32 v37, v40;
	[tilespmem:s9+$0x18880] =	vst v11  }
0x1c2: {  	v38 =	vld [tilespmem:s9+$0x188B0];
	v5 =	vmul.f32 v5, v24;
	[tilespmem:s9+$0x18890] =	vst v13  }
0x1c3: {  	v39 =	vld [tilespmem:s9+$0x188C0];
	v7 =	vmul.f32 v7, v24;
	[tilespmem:s9+$0x188A0] =	vst v14  }
0x1c4: {  	v41 =	vld [tilespmem:s9+$0x188D0];
	v19 =	vmul.f32 v57, v6;
	[tilespmem:s9+$0x18A00] =	vst v5  }
0x1c5: {  	v43 =	vld [tilespmem:s9+$0x188F0];
	v25 =	vmul.f32 v3, v61;
	[tilespmem:s9+$0x18A10] =	vst v7  }
0x1c6: {  	v44 =	vld [tilespmem:s9+$0x18900];
	v12 =	vmul.f32 v34, v31;
	[tilespmem:s9+$0x189C0] =	vst v19  }
0x1c7: {  	v45 =	vld [tilespmem:s9+$0x18910];
	v10 =	vmul.f32 v38, v40;
	[tilespmem:s9+$0x18480] =	vst v25  }
0x1c8: {  	v27 =	vld [tilespmem:s9+$0x18A50];
	v8 =	vmul.f32 v39, v40;
	[tilespmem:s9+$0x18870] =	vst v12  }
0x1c9: {  	v49 =	vbroadcast v2, $0x9;
	v29 =	vld [tilespmem:s9+$0x18A70];
	v9 =	vmul.f32 v41, v40;
	[tilespmem:s9+$0x188B0] =	vst v10  }
0x1ca: {  	v42 =	vld [tilespmem:s9+$0x188E0];
	v11 =	vmul.f32 v43, v40;
	[tilespmem:s9+$0x188C0] =	vst v8  }
0x1cb: {  	v46 =	vld [tilespmem:s9+$0x18920];
	v13 =	vmul.f32 v44, v49;
	[tilespmem:s9+$0x188D0] =	vst v9  }
0x1cc: {  	v47 =	vld [tilespmem:s9+$0x18930];
	v14 =	vmul.f32 v45, v49;
	[tilespmem:s9+$0x188F0] =	vst v11  }
0x1cd: {  	v48 =	vld [tilespmem:s9+$0x18940];
	v32 =	vmul.f32 v27, v24;
	[tilespmem:s9+$0x18900] =	vst v13  }
0x1ce: {  	v51 =	vld [tilespmem:s9+$0x18960];
	v7 =	vmul.f32 v29, v24;
	[tilespmem:s9+$0x18910] =	vst v14  }
0x1cf: {  	v52 =	vld [tilespmem:s9+$0x18970];
	v12 =	vmul.f32 v42, v40;
	[tilespmem:s9+$0x18A50] =	vst v32  }
0x1d0: {  	v10 =	vmul.f32 v46, v49;
	[tilespmem:s9+$0x18A70] =	vst v7  }
0x1d1: {  	v28 =	vld [tilespmem:s9+$0x18A60];
	v8 =	vmul.f32 v47, v49;
	[tilespmem:s9+$0x188E0] =	vst v12  }
0x1d2: {  	v30 =	vld [tilespmem:s9+$0x18A80];
	v9 =	vmul.f32 v48, v49;
	[tilespmem:s9+$0x18920] =	vst v10  }
0x1d3: {  	v50 =	vld [tilespmem:s9+$0x18950];
	v5 =	vbroadcast v2, $0xF;
	v11 =	vmul.f32 v51, v49;
	[tilespmem:s9+$0x18930] =	vst v8  }
0x1d4: {  	v54 =	vld [tilespmem:s9+$0x18990];
	v13 =	vmul.f32 v52, v49;
	[tilespmem:s9+$0x18940] =	vst v9  }
0x1d5: {  	v55 =	vld [tilespmem:s9+$0x189A0];
	v35 =	vbroadcast v2, $0xC;
	v4 =	vmul.f32 v4, v5;
	[tilespmem:s9+$0x18960] =	vst v11  }
0x1d6: {  	v56 =	vld [tilespmem:s9+$0x189B0];
	v40 =	vmul.f32 v28, v24;
	[tilespmem:s9+$0x18970] =	vst v13  }
0x1d7: {  	v60 =	vld [tilespmem:s9+$0x189E0];
	v16 =	vmul.f32 v30, v35;
	[tilespmem:s9+$0x18C50] =	vst v4  }
0x1d8: {  	v62 =	vld [tilespmem:s9+$0x18490];
	v12 =	vmul.f32 v50, v49;
	[tilespmem:s9+$0x18A60] =	vst v40  }
0x1d9: {  	v63 =	vld [tilespmem:s9+$0x184C0];
	v10 =	vmul.f32 v54, v6;
	[tilespmem:s9+$0x18A80] =	vst v16  }
0x1da: {  	v20 =	vld [tilespmem:s9+$0x184D0];
	v8 =	vmul.f32 v55, v6;
	[tilespmem:s9+$0x18950] =	vst v12  }
0x1db: {  	v33 =	vld [tilespmem:s9+$0x18AB0];
	v9 =	vmul.f32 v56, v6;
	[tilespmem:s9+$0x18990] =	vst v10  }
0x1dc: {  	v61 =	vld [tilespmem:s9+$0x18C70];
	v6 =	vmul.f32 v60, v6;
	[tilespmem:s9+$0x189A0] =	vst v8  }
0x1dd: {  	v38 =	vld [tilespmem:s9+$0x18AF0];
	v13 =	vmul.f32 v62, v3;
	[tilespmem:s9+$0x189B0] =	vst v9  }
0x1de: {  	v22 =	vld [tilespmem:s9+$0x18A20];
	v4 =	vmul.f32 v63, v3;
	[tilespmem:s9+$0x189E0] =	vst v6  }
0x1df: {  	v23 =	vld [tilespmem:s9+$0x18A30];
	v3 =	vmul.f32 v20, v3;
	[tilespmem:s9+$0x18490] =	vst v13  }
0x1e0: {  	v26 =	vld [tilespmem:s9+$0x18A40];
	v62 =	vmul.f32 v33, v35;
	[tilespmem:s9+$0x184C0] =	vst v4  }
0x1e1: {  	v31 =	vld [tilespmem:s9+$0x18A90];
	v63 =	vmul.f32 v61, v5;
	[tilespmem:s9+$0x184D0] =	vst v3  }
0x1e2: {  	v34 =	vld [tilespmem:s9+$0x18AC0];
	v16 =	vmul.f32 v38, v35;
	[tilespmem:s9+$0x18AB0] =	vst v62  }
0x1e3: {  	v41 =	vld [tilespmem:s9+$0x18B20];
	v8 =	vmul.f32 v22, v24;
	[tilespmem:s9+$0x18C70] =	vst v63  }
0x1e4: {  	v46 =	vld [tilespmem:s9+$0x18B60];
	v9 =	vmul.f32 v23, v24;
	[tilespmem:s9+$0x18AF0] =	vst v16  }
0x1e5: {  	v6 =	vmul.f32 v26, v24;
	v3 =	vld [tilespmem:s9+$0x18B10];
	[tilespmem:s9+$0x18A20] =	vst v8  }
0x1e6: {  	v36 =	vld [tilespmem:s9+$0x18AD0];
	v44 =	vbroadcast v2, $0xD;
	v10 =	vmul.f32 v31, v35;
	[tilespmem:s9+$0x18A30] =	vst v9  }
0x1e7: {  	v37 =	vld [tilespmem:s9+$0x18AE0];
	v13 =	vmul.f32 v34, v35;
	[tilespmem:s9+$0x18A40] =	vst v6  }
0x1e8: {  	v39 =	vld [tilespmem:s9+$0x18B00];
	v12 =	vmul.f32 v41, v44;
	[tilespmem:s9+$0x18A90] =	vst v10  }
0x1e9: {  	v42 =	vld [tilespmem:s9+$0x18B30];
	v51 =	vmul.f32 v46, v44;
	[tilespmem:s9+$0x18AC0] =	vst v13  }
0x1ea: {  	v48 =	vld [tilespmem:s9+$0x18B90];
	[tilespmem:s9+$0x18B20] =	vst v12;
	v3 =	vmul.f32 v3, v44  }
0x1eb: {  	v49 =	vld [tilespmem:s9+$0x18BA0];
	v9 =	vmul.f32 v36, v35;
	[tilespmem:s9+$0x18B60] =	vst v51  }
0x1ec: {  	v6 =	vmul.f32 v37, v35;
	[tilespmem:s9+$0x18B10] =	vst v3;
	v3 =	vld [tilespmem:s9+$0x18B80]  }
0x1ed: {  	v2 =	vbroadcast v2, $0xE;
	v50 =	vld [tilespmem:s9+$0x18BB0];
	v10 =	vmul.f32 v39, v44;
	[tilespmem:s9+$0x18AD0] =	vst v9  }
0x1ee: {  	v45 =	vld [tilespmem:s9+$0x18B50];
	v13 =	vmul.f32 v42, v44;
	[tilespmem:s9+$0x18AE0] =	vst v6  }
0x1ef: {  	v47 =	vld [tilespmem:s9+$0x18B70];
	v12 =	vmul.f32 v48, v2;
	[tilespmem:s9+$0x18B00] =	vst v10  }
0x1f0: {  	v43 =	vld [tilespmem:s9+$0x18B40];
	v11 =	vmul.f32 v49, v2;
	[tilespmem:s9+$0x18B30] =	vst v13  }
0x1f1: {  	v55 =	vld [tilespmem:s9+$0x18C00];
	[tilespmem:s9+$0x18B90] =	vst v12;
	v3 =	vmul.f32 v3, v2  }
0x1f2: {  	v57 =	vld [tilespmem:s9+$0x18C20];
	v7 =	vmul.f32 v50, v2;
	[tilespmem:s9+$0x18BA0] =	vst v11  }
0x1f3: {  	v6 =	vmul.f32 v45, v44;
	[tilespmem:s9+$0x18B80] =	vst v3;
	v3 =	vld [tilespmem:s9+$0x18BF0]  }
0x1f4: {  	v52 =	vld [tilespmem:s9+$0x18BC0];
	v10 =	vmul.f32 v47, v44;
	[tilespmem:s9+$0x18BB0] =	vst v7  }
0x1f5: {  	v56 =	vld [tilespmem:s9+$0x18C10];
	v9 =	vmul.f32 v43, v44;
	[tilespmem:s9+$0x18B50] =	vst v6  }
0x1f6: {  	v54 =	vld [tilespmem:s9+$0x18BE0];
	v12 =	vmul.f32 v55, v5;
	[tilespmem:s9+$0x18B70] =	vst v10  }
0x1f7: {  	v58 =	vld [tilespmem:s9+$0x18C30];
	v7 =	vmul.f32 v57, v5;
	[tilespmem:s9+$0x18B40] =	vst v9  }
0x1f8: {  	v53 =	vld [tilespmem:s9+$0x18BD0];
	[tilespmem:s9+$0x18C00] =	vst v12;
	v3 =	vmul.f32 v3, v2  }
0x1f9: {  	v59 =	vld [tilespmem:s9+$0x18C40];
	v6 =	vmul.f32 v52, v2;
	[tilespmem:s9+$0x18C20] =	vst v7  }
0x1fa: {  	v60 =	vld [tilespmem:s9+$0x18C60];
	[tilespmem:s9+$0x18BF0] =	vst v3;
	v3 =	vmul.f32 v56, v5  }
0x1fb: {  	v10 =	vmul.f32 v54, v2;
	[tilespmem:s9+$0x18BC0] =	vst v6  }
0x1fc: {  	v4 =	vld [tilespmem:s9+$0x18AA0];
	[tilespmem:s9+$0x18C10] =	vst v3;
	v3 =	vmul.f32 v58, v5  }
0x1fd: {  	[tilespmem:s9+$0x18BE0] =	vst v10;
	v2 =	vmul.f32 v53, v2  }
0x1fe: {  	[tilespmem:s9+$0x18C30] =	vst v3;
	v3 =	vmul.f32 v59, v5  }
0x1ff: {  	[tilespmem:s9+$0x18BD0] =	vst v2;
	v5 =	vmul.f32 v60, v5  }
0x200: {  	[tilespmem:s9+$0x18C40] =	vst v3  }
0x201: {  	s10 =	simm.s32 $0x1;
	v3 =	vmul.f32 v4, v35;
	[tilespmem:s9+$0x18C60] =	vst v5  }
.LBB2_8:
0x202: {  	s11 =	sshll.u32 s10, $0x4  }
0x203: {  	p1 =	sne.s32 s10, $0x7;
	[tilespmem:s9+$0x18AA0] =	vst v3;
	s9 =	smov.u32 s10;
	s10 =	sadd.s32 $0x1, s10  }
0x204: {  	s11 =	sand.u32 $0x3FFFFFF0, s11  }
0x205: {  	v2 =	vld.idx.msk [tilespmem:v1+s11+$0x0 ss:$0x1], $0xffff  }
0x206: {  	s9 =	sshll.u32 s9, $0xB  }
0x207: {  	s9 =	sand.u32 $0x3FFFF800, s9  }
0x208: {  	v9 =	vld [tilespmem:s9+$0x18540]  }
0x209: {  	v10 =	vld [tilespmem:s9+$0x18550]  }
0x20a: {  	v11 =	vld [tilespmem:s9+$0x18530]  }
0x20b: {  	v3 =	vbroadcast v2, $0x0;
	v8 =	vbroadcast v2, $0x4;
	v4 =	vld [tilespmem:s9+$0x184A0]  }
0x20c: {  	v6 =	vld [tilespmem:s9+$0x184B0]  }
0x20d: {  	v7 =	vld [tilespmem:s9+$0x189F0]  }
0x20e: {  	v12 =	vld [tilespmem:s9+$0x184E0]  }
0x20f: {  	v13 =	vld [tilespmem:s9+$0x184F0]  }
0x210: {  	v5 =	vbroadcast v2, $0xA;
	v4 =	vmul.f32 v4, v3;
	v14 =	vld [tilespmem:s9+$0x18500]  }
0x211: {  	v6 =	vmul.f32 v6, v3;
	v15 =	vld [tilespmem:s9+$0x18510]  }
0x212: {  	[tilespmem:s9+$0x184A0] =	vst v4;
	v16 =	vld [tilespmem:s9+$0x18520];
	v4 =	vmul.f32 v7, v5  }
0x213: {  	[tilespmem:s9+$0x184B0] =	vst v6;
	v7 =	vmul.f32 v12, v3;
	v12 =	vbroadcast v2, $0x1;
	v6 =	vld [tilespmem:s9+$0x18A00]  }
0x214: {  	v13 =	vmul.f32 v13, v3;
	[tilespmem:s9+$0x189F0] =	vst v4;
	v4 =	vld [tilespmem:s9+$0x18C50]  }
0x215: {  	[tilespmem:s9+$0x184E0] =	vst v7;
	v14 =	vmul.f32 v14, v12;
	v7 =	vld [tilespmem:s9+$0x18A10]  }
0x216: {  	[tilespmem:s9+$0x184F0] =	vst v13;
	v13 =	vmul.f32 v15, v12;
	v15 =	vld [tilespmem:s9+$0x18560]  }
0x217: {  	[tilespmem:s9+$0x18500] =	vst v14;
	v14 =	vmul.f32 v16, v12;
	v16 =	vld [tilespmem:s9+$0x18570]  }
0x218: {  	v11 =	vmul.f32 v11, v12;
	[tilespmem:s9+$0x18510] =	vst v13;
	v13 =	vld [tilespmem:s9+$0x18580]  }
0x219: {  	v9 =	vmul.f32 v9, v12;
	[tilespmem:s9+$0x18520] =	vst v14;
	v14 =	vld [tilespmem:s9+$0x18590]  }
0x21a: {  	v10 =	vmul.f32 v10, v12;
	[tilespmem:s9+$0x18530] =	vst v11;
	v11 =	vld [tilespmem:s9+$0x185A0]  }
0x21b: {  	[tilespmem:s9+$0x18540] =	vst v9;
	v9 =	vmul.f32 v15, v12;
	v15 =	vbroadcast v2, $0x2;
	v17 =	vld [tilespmem:s9+$0x185B0]  }
0x21c: {  	[tilespmem:s9+$0x18550] =	vst v10;
	v10 =	vmul.f32 v16, v12;
	v12 =	vld [tilespmem:s9+$0x185C0]  }
0x21d: {  	[tilespmem:s9+$0x18560] =	vst v9;
	v9 =	vmul.f32 v13, v15;
	v13 =	vld [tilespmem:s9+$0x185D0]  }
0x21e: {  	[tilespmem:s9+$0x18570] =	vst v10;
	v10 =	vmul.f32 v14, v15;
	v14 =	vld [tilespmem:s9+$0x185E0]  }
0x21f: {  	[tilespmem:s9+$0x18580] =	vst v9;
	v9 =	vmul.f32 v11, v15;
	v11 =	vld [tilespmem:s9+$0x185F0]  }
0x220: {  	[tilespmem:s9+$0x18590] =	vst v10;
	v10 =	vmul.f32 v17, v15;
	v16 =	vld [tilespmem:s9+$0x18600]  }
0x221: {  	[tilespmem:s9+$0x185A0] =	vst v9;
	v9 =	vmul.f32 v12, v15;
	v12 =	vld [tilespmem:s9+$0x18610]  }
0x222: {  	[tilespmem:s9+$0x185B0] =	vst v10;
	v10 =	vmul.f32 v13, v15;
	v13 =	vld [tilespmem:s9+$0x18620]  }
0x223: {  	[tilespmem:s9+$0x185C0] =	vst v9;
	v9 =	vmul.f32 v14, v15;
	v14 =	vbroadcast v2, $0x3;
	v17 =	vld [tilespmem:s9+$0x18630]  }
0x224: {  	[tilespmem:s9+$0x185D0] =	vst v10;
	v10 =	vmul.f32 v11, v15;
	v11 =	vld [tilespmem:s9+$0x18640]  }
0x225: {  	[tilespmem:s9+$0x185E0] =	vst v9;
	v9 =	vmul.f32 v16, v14;
	v15 =	vld [tilespmem:s9+$0x18650]  }
0x226: {  	[tilespmem:s9+$0x185F0] =	vst v10;
	v10 =	vmul.f32 v12, v14;
	v12 =	vld [tilespmem:s9+$0x18660]  }
0x227: {  	[tilespmem:s9+$0x18600] =	vst v9;
	v9 =	vmul.f32 v13, v14;
	v13 =	vld [tilespmem:s9+$0x18670]  }
0x228: {  	[tilespmem:s9+$0x18610] =	vst v10;
	v10 =	vmul.f32 v17, v14;
	v16 =	vld [tilespmem:s9+$0x18680]  }
0x229: {  	[tilespmem:s9+$0x18620] =	vst v9;
	v9 =	vmul.f32 v11, v14;
	v11 =	vld [tilespmem:s9+$0x18690]  }
0x22a: {  	[tilespmem:s9+$0x18630] =	vst v10;
	v10 =	vmul.f32 v15, v14;
	v15 =	vld [tilespmem:s9+$0x186A0]  }
0x22b: {  	[tilespmem:s9+$0x18640] =	vst v9;
	v9 =	vmul.f32 v12, v14;
	v12 =	vld [tilespmem:s9+$0x186B0]  }
0x22c: {  	[tilespmem:s9+$0x18650] =	vst v10;
	v10 =	vmul.f32 v13, v14;
	v13 =	vld [tilespmem:s9+$0x186C0]  }
0x22d: {  	[tilespmem:s9+$0x18660] =	vst v9;
	v9 =	vmul.f32 v16, v8;
	v14 =	vld [tilespmem:s9+$0x186D0]  }
0x22e: {  	[tilespmem:s9+$0x18670] =	vst v10;
	v10 =	vmul.f32 v11, v8;
	v11 =	vld [tilespmem:s9+$0x186E0]  }
0x22f: {  	[tilespmem:s9+$0x18680] =	vst v9;
	v9 =	vmul.f32 v15, v8;
	v15 =	vld [tilespmem:s9+$0x186F0]  }
0x230: {  	[tilespmem:s9+$0x18690] =	vst v10;
	v10 =	vmul.f32 v12, v8;
	v12 =	vld [tilespmem:s9+$0x18700]  }
0x231: {  	[tilespmem:s9+$0x186A0] =	vst v9;
	v9 =	vmul.f32 v13, v8;
	v13 =	vld [tilespmem:s9+$0x18710]  }
0x232: {  	[tilespmem:s9+$0x186B0] =	vst v10;
	v10 =	vmul.f32 v14, v8;
	v14 =	vld [tilespmem:s9+$0x18720]  }
0x233: {  	[tilespmem:s9+$0x186C0] =	vst v9;
	v9 =	vmul.f32 v11, v8;
	v11 =	vbroadcast v2, $0x5;
	v16 =	vld [tilespmem:s9+$0x18730]  }
0x234: {  	[tilespmem:s9+$0x186D0] =	vst v10;
	v8 =	vmul.f32 v15, v8;
	v10 =	vld [tilespmem:s9+$0x18740]  }
0x235: {  	[tilespmem:s9+$0x186E0] =	vst v9;
	v9 =	vmul.f32 v12, v11;
	v12 =	vld [tilespmem:s9+$0x18750]  }
0x236: {  	[tilespmem:s9+$0x186F0] =	vst v8;
	v8 =	vmul.f32 v13, v11;
	v13 =	vld [tilespmem:s9+$0x18760]  }
0x237: {  	[tilespmem:s9+$0x18700] =	vst v9;
	v9 =	vmul.f32 v14, v11;
	v14 =	vld [tilespmem:s9+$0x18770]  }
0x238: {  	[tilespmem:s9+$0x18710] =	vst v8;
	v8 =	vmul.f32 v16, v11;
	v15 =	vld [tilespmem:s9+$0x18780]  }
0x239: {  	[tilespmem:s9+$0x18720] =	vst v9;
	v9 =	vmul.f32 v10, v11;
	v10 =	vld [tilespmem:s9+$0x18790]  }
0x23a: {  	[tilespmem:s9+$0x18730] =	vst v8;
	v8 =	vmul.f32 v12, v11;
	v12 =	vld [tilespmem:s9+$0x187A0]  }
0x23b: {  	[tilespmem:s9+$0x18740] =	vst v9;
	v9 =	vmul.f32 v13, v11;
	v13 =	vbroadcast v2, $0x6;
	v16 =	vld [tilespmem:s9+$0x187B0]  }
0x23c: {  	[tilespmem:s9+$0x18750] =	vst v8;
	v8 =	vmul.f32 v14, v11;
	v11 =	vld [tilespmem:s9+$0x187C0]  }
0x23d: {  	[tilespmem:s9+$0x18760] =	vst v9;
	v9 =	vmul.f32 v15, v13;
	v14 =	vld [tilespmem:s9+$0x187D0]  }
0x23e: {  	[tilespmem:s9+$0x18770] =	vst v8;
	v8 =	vmul.f32 v10, v13;
	v10 =	vld [tilespmem:s9+$0x187E0]  }
0x23f: {  	[tilespmem:s9+$0x18780] =	vst v9;
	v9 =	vmul.f32 v12, v13;
	v12 =	vld [tilespmem:s9+$0x187F0]  }
0x240: {  	[tilespmem:s9+$0x18790] =	vst v8;
	v8 =	vmul.f32 v16, v13;
	v15 =	vld [tilespmem:s9+$0x18800]  }
0x241: {  	[tilespmem:s9+$0x187A0] =	vst v9;
	v9 =	vmul.f32 v11, v13;
	v11 =	vld [tilespmem:s9+$0x18810]  }
0x242: {  	[tilespmem:s9+$0x187B0] =	vst v8;
	v8 =	vmul.f32 v14, v13;
	v14 =	vld [tilespmem:s9+$0x18820]  }
0x243: {  	[tilespmem:s9+$0x187C0] =	vst v9;
	v9 =	vmul.f32 v10, v13;
	v10 =	vbroadcast v2, $0x7;
	v16 =	vld [tilespmem:s9+$0x18830]  }
0x244: {  	[tilespmem:s9+$0x187D0] =	vst v8;
	v8 =	vmul.f32 v12, v13;
	v12 =	vld [tilespmem:s9+$0x18840]  }
0x245: {  	[tilespmem:s9+$0x187E0] =	vst v9;
	v9 =	vmul.f32 v15, v10;
	v13 =	vld [tilespmem:s9+$0x18850]  }
0x246: {  	[tilespmem:s9+$0x187F0] =	vst v8;
	v8 =	vmul.f32 v11, v10;
	v11 =	vld [tilespmem:s9+$0x18860]  }
0x247: {  	[tilespmem:s9+$0x18800] =	vst v9;
	v9 =	vmul.f32 v14, v10;
	v14 =	vld [tilespmem:s9+$0x18870]  }
0x248: {  	[tilespmem:s9+$0x18810] =	vst v8;
	v8 =	vmul.f32 v16, v10;
	v15 =	vld [tilespmem:s9+$0x18880]  }
0x249: {  	[tilespmem:s9+$0x18820] =	vst v9;
	v9 =	vmul.f32 v12, v10;
	v12 =	vld [tilespmem:s9+$0x18890]  }
0x24a: {  	[tilespmem:s9+$0x18830] =	vst v8;
	v8 =	vmul.f32 v13, v10;
	v13 =	vld [tilespmem:s9+$0x188A0]  }
0x24b: {  	[tilespmem:s9+$0x18840] =	vst v9;
	v9 =	vmul.f32 v11, v10;
	v11 =	vbroadcast v2, $0x8;
	v16 =	vld [tilespmem:s9+$0x188B0]  }
0x24c: {  	[tilespmem:s9+$0x18850] =	vst v8;
	v8 =	vmul.f32 v14, v10;
	v10 =	vld [tilespmem:s9+$0x188C0]  }
0x24d: {  	[tilespmem:s9+$0x18860] =	vst v9;
	v9 =	vmul.f32 v15, v11;
	v14 =	vld [tilespmem:s9+$0x188D0]  }
0x24e: {  	[tilespmem:s9+$0x18870] =	vst v8;
	v8 =	vmul.f32 v12, v11;
	v12 =	vld [tilespmem:s9+$0x188E0]  }
0x24f: {  	[tilespmem:s9+$0x18880] =	vst v9;
	v9 =	vmul.f32 v13, v11;
	v13 =	vld [tilespmem:s9+$0x188F0]  }
0x250: {  	[tilespmem:s9+$0x18890] =	vst v8;
	v8 =	vmul.f32 v16, v11;
	v15 =	vld [tilespmem:s9+$0x18900]  }
0x251: {  	[tilespmem:s9+$0x188A0] =	vst v9;
	v9 =	vmul.f32 v10, v11;
	v10 =	vld [tilespmem:s9+$0x18910]  }
0x252: {  	[tilespmem:s9+$0x188B0] =	vst v8;
	v8 =	vmul.f32 v14, v11;
	v14 =	vld [tilespmem:s9+$0x18920]  }
0x253: {  	[tilespmem:s9+$0x188C0] =	vst v9;
	v9 =	vmul.f32 v12, v11;
	v12 =	vbroadcast v2, $0x9;
	v16 =	vld [tilespmem:s9+$0x18930]  }
0x254: {  	[tilespmem:s9+$0x188D0] =	vst v8;
	v8 =	vmul.f32 v13, v11;
	v11 =	vld [tilespmem:s9+$0x18940]  }
0x255: {  	[tilespmem:s9+$0x188E0] =	vst v9;
	v9 =	vmul.f32 v15, v12;
	v13 =	vld [tilespmem:s9+$0x18950]  }
0x256: {  	[tilespmem:s9+$0x188F0] =	vst v8;
	v8 =	vmul.f32 v10, v12;
	v10 =	vld [tilespmem:s9+$0x18960]  }
0x257: {  	[tilespmem:s9+$0x18900] =	vst v9;
	v9 =	vmul.f32 v14, v12;
	v14 =	vld [tilespmem:s9+$0x18970]  }
0x258: {  	[tilespmem:s9+$0x18910] =	vst v8;
	v8 =	vmul.f32 v16, v12;
	v15 =	vld [tilespmem:s9+$0x18980]  }
0x259: {  	[tilespmem:s9+$0x18920] =	vst v9;
	v9 =	vmul.f32 v11, v12;
	v11 =	vld [tilespmem:s9+$0x18990]  }
0x25a: {  	[tilespmem:s9+$0x18930] =	vst v8;
	v8 =	vmul.f32 v13, v12;
	v13 =	vld [tilespmem:s9+$0x189A0]  }
0x25b: {  	[tilespmem:s9+$0x18940] =	vst v9;
	v9 =	vmul.f32 v10, v12;
	v10 =	vld [tilespmem:s9+$0x189B0]  }
0x25c: {  	[tilespmem:s9+$0x18950] =	vst v8;
	v8 =	vmul.f32 v14, v12;
	v12 =	vld [tilespmem:s9+$0x189C0]  }
0x25d: {  	[tilespmem:s9+$0x18960] =	vst v9;
	v9 =	vmul.f32 v15, v5;
	v14 =	vld [tilespmem:s9+$0x189D0]  }
0x25e: {  	[tilespmem:s9+$0x18970] =	vst v8;
	v8 =	vmul.f32 v11, v5;
	v11 =	vld [tilespmem:s9+$0x189E0]  }
0x25f: {  	v15 =	vld [tilespmem:s9+$0x18480];
	[tilespmem:s9+$0x18980] =	vst v9;
	v9 =	vmul.f32 v13, v5  }
0x260: {  	v13 =	vld [tilespmem:s9+$0x18490];
	[tilespmem:s9+$0x18990] =	vst v8;
	v8 =	vmul.f32 v10, v5  }
0x261: {  	v10 =	vld [tilespmem:s9+$0x184C0];
	[tilespmem:s9+$0x189A0] =	vst v9;
	v9 =	vmul.f32 v12, v5  }
0x262: {  	v12 =	vld [tilespmem:s9+$0x184D0];
	[tilespmem:s9+$0x189B0] =	vst v8;
	v8 =	vmul.f32 v14, v5  }
0x263: {  	[tilespmem:s9+$0x189C0] =	vst v9;
	v9 =	vmul.f32 v11, v5;
	v11 =	vbroadcast v2, $0xB;
	v14 =	vld [tilespmem:s9+$0x18A20]  }
0x264: {  	v5 =	vbroadcast v2, $0xF;
	v15 =	vmul.f32 v3, v15;
	[tilespmem:s9+$0x189D0] =	vst v8;
	v8 =	vld [tilespmem:s9+$0x18A30]  }
0x265: {  	v13 =	vmul.f32 v13, v3;
	[tilespmem:s9+$0x189E0] =	vst v9;
	v6 =	vmul.f32 v6, v11;
	v9 =	vld [tilespmem:s9+$0x18A40]  }
0x266: {  	v7 =	vmul.f32 v7, v11;
	[tilespmem:s9+$0x18480] =	vst v15;
	v10 =	vmul.f32 v10, v3;
	v15 =	vld [tilespmem:s9+$0x18A50]  }
0x267: {  	v4 =	vmul.f32 v4, v5;
	v12 =	vmul.f32 v12, v3;
	[tilespmem:s9+$0x18A00] =	vst v6;
	v3 =	vld [tilespmem:s9+$0x18A60]  }
0x268: {  	[tilespmem:s9+$0x18A10] =	vst v7;
	v6 =	vmul.f32 v14, v11;
	v7 =	vld [tilespmem:s9+$0x18A70]  }
0x269: {  	v8 =	vmul.f32 v8, v11;
	v14 =	vld [tilespmem:s9+$0x18A80];
	[tilespmem:s9+$0x18C50] =	vst v4  }
0x26a: {  	[tilespmem:s9+$0x18490] =	vst v13;
	v4 =	vmul.f32 v9, v11;
	v9 =	vld [tilespmem:s9+$0x18A90]  }
0x26b: {  	[tilespmem:s9+$0x184C0] =	vst v10;
	v10 =	vmul.f32 v15, v11;
	v13 =	vld [tilespmem:s9+$0x18AA0]  }
0x26c: {  	v15 =	vbroadcast v2, $0xC;
	[tilespmem:s9+$0x18A20] =	vst v6;
	v6 =	vmul.f32 v3, v11;
	v16 =	vld [tilespmem:s9+$0x18AB0]  }
0x26d: {  	[tilespmem:s9+$0x18A50] =	vst v10;
	v7 =	vmul.f32 v7, v11;
	v10 =	vld [tilespmem:s9+$0x18AC0]  }
0x26e: {  	[tilespmem:s9+$0x18A30] =	vst v8;
	v3 =	vmul.f32 v14, v15;
	v8 =	vld [tilespmem:s9+$0x18AD0]  }
0x26f: {  	[tilespmem:s9+$0x18A40] =	vst v4;
	v4 =	vmul.f32 v9, v15;
	v9 =	vld [tilespmem:s9+$0x18AE0]  }
0x270: {  	[tilespmem:s9+$0x18A80] =	vst v3;
	v3 =	vmul.f32 v13, v15;
	v11 =	vld [tilespmem:s9+$0x18AF0]  }
0x271: {  	[tilespmem:s9+$0x18A90] =	vst v4;
	v4 =	vld [tilespmem:s9+$0x18B00]  }
0x272: {  	[tilespmem:s9+$0x184D0] =	vst v12;
	v10 =	vmul.f32 v10, v15;
	v12 =	vld [tilespmem:s9+$0x18B10]  }
0x273: {  	[tilespmem:s9+$0x18A60] =	vst v6;
	v6 =	vmul.f32 v8, v15;
	v8 =	vld [tilespmem:s9+$0x18B20]  }
0x274: {  	[tilespmem:s9+$0x18AC0] =	vst v10;
	v9 =	vmul.f32 v9, v15;
	v10 =	vbroadcast v2, $0xD;
	v13 =	vld [tilespmem:s9+$0x18B30]  }
0x275: {  	[tilespmem:s9+$0x18AD0] =	vst v6;
	v6 =	vmul.f32 v11, v15;
	v11 =	vld [tilespmem:s9+$0x18B40]  }
0x276: {  	[tilespmem:s9+$0x18AE0] =	vst v9;
	v4 =	vmul.f32 v4, v10;
	v9 =	vld [tilespmem:s9+$0x18B50]  }
0x277: {  	[tilespmem:s9+$0x18AF0] =	vst v6;
	v6 =	vmul.f32 v12, v10;
	v12 =	vld [tilespmem:s9+$0x18B60]  }
0x278: {  	[tilespmem:s9+$0x18B00] =	vst v4;
	v4 =	vmul.f32 v8, v10;
	v8 =	vld [tilespmem:s9+$0x18B70]  }
0x279: {  	[tilespmem:s9+$0x18B10] =	vst v6;
	v6 =	vmul.f32 v13, v10;
	v13 =	vld [tilespmem:s9+$0x18B80]  }
0x27a: {  	[tilespmem:s9+$0x18B20] =	vst v4;
	v4 =	vmul.f32 v11, v10;
	v11 =	vld [tilespmem:s9+$0x18B90]  }
0x27b: {  	[tilespmem:s9+$0x18B30] =	vst v6;
	v6 =	vmul.f32 v9, v10;
	v9 =	vld [tilespmem:s9+$0x18BA0]  }
0x27c: {  	v2 =	vbroadcast v2, $0xE;
	[tilespmem:s9+$0x18A70] =	vst v7;
	v7 =	vmul.f32 v12, v10;
	v12 =	vld [tilespmem:s9+$0x18BB0]  }
0x27d: {  	[tilespmem:s9+$0x18B50] =	vst v6;
	v6 =	vmul.f32 v8, v10;
	v8 =	vld [tilespmem:s9+$0x18BC0]  }
0x27e: {  	[tilespmem:s9+$0x18B60] =	vst v7;
	v7 =	vmul.f32 v13, v2;
	v10 =	vld [tilespmem:s9+$0x18BD0]  }
0x27f: {  	[tilespmem:s9+$0x18B70] =	vst v6;
	v6 =	vmul.f32 v11, v2;
	v11 =	vld [tilespmem:s9+$0x18BE0]  }
0x280: {  	[tilespmem:s9+$0x18B80] =	vst v7;
	v7 =	vmul.f32 v9, v2;
	v9 =	vld [tilespmem:s9+$0x18BF0]  }
0x281: {  	[tilespmem:s9+$0x18B90] =	vst v6;
	v6 =	vmul.f32 v12, v2;
	v12 =	vld [tilespmem:s9+$0x18C00]  }
0x282: {  	[tilespmem:s9+$0x18BA0] =	vst v7;
	v7 =	vmul.f32 v8, v2;
	v8 =	vld [tilespmem:s9+$0x18C10]  }
0x283: {  	[tilespmem:s9+$0x18BB0] =	vst v6;
	v6 =	vmul.f32 v10, v2;
	v10 =	vld [tilespmem:s9+$0x18C20]  }
0x284: {  	[tilespmem:s9+$0x18BC0] =	vst v7;
	v7 =	vmul.f32 v11, v2;
	v11 =	vld [tilespmem:s9+$0x18C30]  }
0x285: {  	[tilespmem:s9+$0x18B40] =	vst v4;
	v2 =	vmul.f32 v9, v2;
	v4 =	vld [tilespmem:s9+$0x18C40]  }
0x286: {  	[tilespmem:s9+$0x18BE0] =	vst v7;
	v7 =	vmul.f32 v12, v5;
	v9 =	vld [tilespmem:s9+$0x18C60]  }
0x287: {  	[tilespmem:s9+$0x18BF0] =	vst v2;
	v2 =	vmul.f32 v8, v5;
	v8 =	vld [tilespmem:s9+$0x18C70]  }
0x288: {  	[tilespmem:s9+$0x18C00] =	vst v7;
	v7 =	vmul.f32 v10, v5  }
0x289: {  	[tilespmem:s9+$0x18C10] =	vst v2;
	v2 =	vmul.f32 v11, v5  }
0x28a: {  	v10 =	vmul.f32 v16, v15;
	[tilespmem:s9+$0x18C20] =	vst v7  }
0x28b: {  	[tilespmem:s9+$0x18C30] =	vst v2;
	v2 =	vmul.f32 v4, v5  }
.Ltmp2:
0x28c: {  	[tilespmem:s9+$0x18AB0] =	vst v10;
	v4 =	vmul.f32 v8, v5;
	(pc) =	sbr.rel @p1 .LBB2_8-.Ltmp2, $4  }
0x28d: {  	[tilespmem:s9+$0x18C40] =	vst v2  }
0x28e: {  	v2 =	vmul.f32 v9, v5;
	[tilespmem:s9+$0x18C70] =	vst v4  }
0x28f: {  	[tilespmem:s9+$0x18BD0] =	vst v6  }
0x290: {  	[tilespmem:s9+$0x18C60] =	vst v2  }
0x291: {  	s0 =	sadd.s32 $0x1, s0  }
0x292: {  	p1 =	sne.s32 s0, $0x4  }
.Ltmp3:
0x293: {  	[tilespmem:s9+$0x18AA0] =	vst v3;
	s5 =	sadd.s32 $0x13C80, s5;
	(pc) =	sbr.rel @p1 .LBB2_5-.Ltmp3, $4  }
0x294: {  	[spmem:s3] =	stream.indirect.scatter.add.f32 [tilespmem:s24], [sflag:$0x4], $0x80, s5, s23, $0xb8;
	[tilespmem:$0x1C480] =	vst v63  }
0x295: {  	_ =	swait.ge [sflag:s28], $0x4000  }
0x296: {  	[sflag:s28] =	ssyncset.done $0x0  }
0x297: {  	[sflag:s28] =	ssyncadd.s32 $0xFFFFC000  }
0x298: {  	s31 =	sadd.s32 $0x1, s31  }
0x299: {  	p1 =	sne.s32 s31, $0xA  }
.Ltmp4:
0x29a: {  	_ = 	snop;
	(pc) =	sbr.rel @p1 .LBB2_4-.Ltmp4, $1  }
0x29b: {  	_ =	sdelay $0x3  }
0x29c: {  	_ =	swait.ge [sflag:s29], $0x4000  }
0x29d: {  	s0 =	stileid.u32;
	[sflag:s29] =	ssyncset.done $0x0  }
0x29e: {  	s0 =	sshll.u32 s0, $0x6;
	[sflag:s29] =	ssyncadd.s32 $0xFFFFC000  }
0x29f: {  	s5 =	sshrl.u32 s8, $0x3;
	s0 =	sor.u32 $0x1C05, s0;
	[bflag:$0x0] =	sbarrier.arrive $0xFFFF  }
0x2a0: {  	[hbm:s15], [sflag:s0] =	dma.local [spmem:s5], $0x2700  }
0x2a1: {  	_ =	swait.ge [sflag:s19], $0x2700  }
0x2a2: {  	s4 =	sadd.s32 $0x1, s4;
	[sflag:s19] =	ssyncset.done $0x0  }
0x2a3: {  	p1 =	sne.s32 s4, s17;
	s5 =	sshrl.u32 @!p0 s13, $0x3;
	[sflag:s19] =	ssyncadd.s32 $0xFFFFD900  }
0x2a4: {  	[hbm:s16], [sflag:s0] =	dma.local @!p0 [spmem:s5], $0x100  }
.Ltmp5:
0x2a5: {  	_ = 	snop;
	(pc) =	sbr.rel @p1 .LBB2_1-.Ltmp5, $4  }
0x2a6: {  	s0 =	simm.s32 @!p0 $0x5  }
0x2a7: {  	_ =	swait.ge @!p0 [sflag:s0], $0x100  }
0x2a8: {  	[sflag:s0] =	ssyncset.done @!p0 $0x0  }
0x2a9: {  	[sflag:s0] =	ssyncadd.s32 @!p0 $0xFFFFFF00  }
0x2aa: {  	_ =	sfence.sel $0x180000  }
0x2ab: {  	[bflag:$0x0] =	sbarrier.arrive $0xFFFF  }
0x2ac: {  	_ =	strace $0x90000047  }
0x2ad: {  	[bflag:$0x2] =	sbarrier.arrive $0xFFFF  }
0x2ae: {  	s0 =	rddreg [dreg:$0x4]  }
0x2af: {  	s0 =	sadd.s32 @!p0 $0x100000, s0  }
0x2b0: {  	[sflag:s0] =	ssyncadd.tile.s32 @!p0 $0x1;
	_ =	shalt  }
.Lfunc_end2:
_tile_overlayer_lowered:
.L_overlay_start_2:
0x2b1: {  	(tag) =	ssettag $0x2  }
0x2b2: {  	s0 =	rddreg [dreg:$0x0];
	s2 =	stileid.u32  }
0x2b3: {  	s1 =	rddreg [dreg:$0x1];
	p0 =	sne.s32 s2, $0x0  }
0x2b4: {  	s3 =	rddreg [dreg:$0x2];
	[bflag:$0x3] =	sbarrier.arrive $0xFFFF;
	s2 =	simm.s32 @!p0 $0x1C05  }
0x2b5: {  	[timem:s3], [sflag:s2] =	dma.local @!p0 [hbm:s0], s1  }
0x2b6: {  	s0 =	simm.s32 @!p0 $0x5  }
0x2b7: {  	_ =	swait.ge @!p0 [sflag:s0], s1  }
0x2b8: {  	s1 =	ssub.s32 @!p0 $0x0, s1;
	[sflag:s0] =	ssyncset.done @!p0 $0x0  }
0x2b9: {  	[sflag:s0] =	ssyncadd.s32 @!p0 s1  }
0x2ba: {  	[bflag:$0x3] =	sbarrier.arrive $0xFFFF  }
0x2bb: {  	_ =	shalt  }

</sc_bundles>
